<compile_context>
chip_gen: v7x
topology: tpu7x:2x2x1
jax: 0.10.2.dev20260603
libtpu: 0.0.44.dev20260713+nightly
codegen_flags: <defaults>
</compile_context>

<pallas_src>
import functools

import jax
import jax.numpy as jnp
from jax import lax
from jax.experimental import pallas as pl
from jax.experimental.pallas import tpu as pltpu
from jax.experimental.pallas import tpu_sc as plsc

_N = 10000
_E = 320000
_IN_C = 128
_HID_C = 64
_OUT_C = 40
_K = 10
_ALPHA = 0.1

_NT = 16
_NS = 640
_N_PAD = _NT * _NS
_C = 48
_BB = 128
_NB = 159
_EPT = _NB * _BB
_E_PAD = _NT * _EPT
_NSELF = 5
_NBE = _NB + _NSELF
_NCHUNK = _NS // _BB

_DEG_W = 16

_mesh = plsc.VectorSubcoreMesh(
    core_axis_name="c", subcore_axis_name="s", num_cores=1)
_sc_params = pltpu.CompilerParams(
    use_tc_tiling_on_sc=False, needs_layout_passes=False)


def _deg_body(dst_hbm, deg_out, dst_l, ones_b, deg_sh):
  tid = lax.axis_index("s")
  base = tid * _NS
  pltpu.sync_copy(dst_hbm.at[tid], dst_l)

  @pl.loop(0, _BB)
  def _(r):
    ones_b[r, pl.ds(0, 16)] = jnp.zeros((16,), jnp.float32)

  @pl.loop(0, _NCHUNK)
  def _(i):
    pltpu.sync_copy(ones_b, deg_sh.at[pl.ds(base + i * _BB, _BB)])

  @pl.loop(0, _BB)
  def _(r):
    ones_b[r, pl.ds(0, 16)] = jnp.ones((16,), jnp.float32)

  plsc.subcore_barrier()

  @pl.loop(0, _NB)
  def _(j):
    pltpu.sync_copy(ones_b, deg_sh.at[dst_l.at[j]], add=True)

  plsc.subcore_barrier()
  pltpu.sync_copy(deg_sh.at[pl.ds(base, _NS)], deg_out.at[pl.ds(base, _NS)])


_deg_kernel = functools.partial(
    pl.kernel,
    out_type=jax.ShapeDtypeStruct((_N_PAD, _DEG_W), jnp.float32),
    mesh=_mesh,
    compiler_params=_sc_params,
    scratch_types=[
        pltpu.VMEM((_NB, _BB), jnp.int32),
        pltpu.VMEM((_BB, _DEG_W), jnp.float32),
        pltpu.VMEM_SHARED((_N_PAD, _DEG_W), jnp.float32),
    ],
)(_deg_body)


def _prop_body(src_hbm, dst_hbm, v0_hbm, q_hbm, p_hbm, out_hbm,
               src_l, dst_l, q_l, b0, b1, vA, vB, gs0, gs1, ss0, ss1):
  tid = lax.axis_index("s")
  base = tid * _NS
  pltpu.sync_copy(src_hbm.at[tid], src_l)
  pltpu.sync_copy(dst_hbm.at[tid], dst_l)
  pltpu.sync_copy(q_hbm.at[pl.ds(base, _NS)], q_l)
  pltpu.sync_copy(v0_hbm.at[pl.ds(base, _NS)], vA.at[pl.ds(base, _NS)])

  def drain_g(buf, sem):
    pltpu.make_async_copy(vA.at[pl.ds(0, _BB)], buf, sem).wait()

  def drain_s(buf, sem):
    pltpu.make_async_copy(buf, vA.at[pl.ds(0, _BB)], sem).wait()

  for t in range(_K):
    rd, wr = (vA, vB) if t % 2 == 0 else (vB, vA)

    @pl.loop(0, _BB)
    def _(r):
      for c in range(_C // 16):
        b0[r, pl.ds(c * 16, 16)] = jnp.zeros((16,), jnp.float32)

    @pl.loop(0, _NCHUNK)
    def _(i):
      pltpu.sync_copy(b0, wr.at[pl.ds(base + i * _BB, _BB)])

    plsc.subcore_barrier()

    pltpu.async_copy(rd.at[src_l.at[0]], b0, gs0)

    @pl.loop(0, _NBE // 2)
    def _(i):
      j = 2 * i
      drain_g(b0, gs0)
      pltpu.async_copy(b0, wr.at[dst_l.at[j]], ss0, add=True)

      @pl.when(i > 0)
      def _():
        drain_s(b1, ss1)

      pltpu.async_copy(rd.at[src_l.at[j + 1]], b1, gs1)
      drain_g(b1, gs1)
      pltpu.async_copy(b1, wr.at[dst_l.at[j + 1]], ss1, add=True)
      drain_s(b0, ss0)
      pltpu.async_copy(rd.at[src_l.at[j + 2]], b0, gs0)

    drain_g(b0, gs0)
    drain_s(b1, ss1)

    plsc.subcore_barrier()

    @pl.loop(0, _NCHUNK)
    def _(i):
      sl = pl.ds(base + i * _BB, _BB)
      d0 = pltpu.async_copy(wr.at[sl], b0, gs0)
      d1 = pltpu.async_copy(p_hbm.at[sl], b1, gs1)
      d0.wait()
      d1.wait()

      @pl.loop(0, _BB)
      def _(r):
        q16 = plsc.load_gather(q_l, [jnp.full((16,), i * _BB + r, jnp.int32)])
        for c in range(_C // 16):
          cs = pl.ds(c * 16, 16)
          b0[r, cs] = q16 * b0[r, cs] + b1[r, cs]

      pltpu.sync_copy(b0, wr.at[sl])

  final = vA if _K % 2 == 0 else vB
  pltpu.sync_copy(final.at[pl.ds(base, _NS)], out_hbm.at[pl.ds(base, _NS)])


_prop_kernel = functools.partial(
    pl.kernel,
    out_type=jax.ShapeDtypeStruct((_N_PAD, _C), jnp.float32),
    mesh=_mesh,
    compiler_params=_sc_params,
    scratch_types=[
        pltpu.VMEM((_NBE + 4, _BB), jnp.int32),
        pltpu.VMEM((_NBE, _BB), jnp.int32),
        pltpu.VMEM((_NS,), jnp.float32),
        pltpu.VMEM((_BB, _C), jnp.float32),
        pltpu.VMEM((_BB, _C), jnp.float32),
        pltpu.VMEM_SHARED((_N_PAD, _C), jnp.float32),
        pltpu.VMEM_SHARED((_N_PAD, _C), jnp.float32),
        pltpu.SemaphoreType.DMA,
        pltpu.SemaphoreType.DMA,
        pltpu.SemaphoreType.DMA,
        pltpu.SemaphoreType.DMA,
    ],
)(_prop_body)


_RB = 1024


def _mlp_body(x_ref, w1_ref, b1_ref, w2_ref, b2_ref, deg_ref,
              v0_ref, q_ref, p_ref):
  h = jnp.maximum(jnp.dot(x_ref[...], w1_ref[...],
                          preferred_element_type=jnp.float32)
                  + b1_ref[...], 0.0)
  o = jnp.dot(h, w2_ref[...], preferred_element_type=jnp.float32) + b2_ref[...]
  o48 = jnp.concatenate([o, jnp.zeros((_RB, _C - _OUT_C), jnp.float32)],
                        axis=1)
  row = (pl.program_id(0) * _RB
         + lax.broadcasted_iota(jnp.int32, (_RB, 1), 0))
  deg = deg_ref[:, 0:1] + 1.0
  dinv = jnp.where(row < _N, lax.rsqrt(deg), 0.0)
  v0 = dinv * o48
  v0_ref[...] = v0
  q_ref[...] = (1.0 - _ALPHA) * dinv * dinv
  p_ref[...] = _ALPHA * v0


def _mlp_kernel(x_pad, W1, b1, W2, b2, deg16):
  grid = (_N_PAD // _RB,)
  sds = jax.ShapeDtypeStruct((_N_PAD, _C), jnp.float32)
  return pl.pallas_call(
      _mlp_body,
      grid=grid,
      in_specs=[
          pl.BlockSpec((_RB, _IN_C), lambda i: (i, 0)),
          pl.BlockSpec((_IN_C, _HID_C), lambda i: (0, 0)),
          pl.BlockSpec((1, _HID_C), lambda i: (0, 0)),
          pl.BlockSpec((_HID_C, _OUT_C), lambda i: (0, 0)),
          pl.BlockSpec((1, _OUT_C), lambda i: (0, 0)),
          pl.BlockSpec((_RB, _DEG_W), lambda i: (i, 0)),
      ],
      out_specs=[
          pl.BlockSpec((_RB, _C), lambda i: (i, 0)),
          pl.BlockSpec((_RB, 1), lambda i: (i, 0)),
          pl.BlockSpec((_RB, _C), lambda i: (i, 0)),
      ],
      out_shape=[sds, jax.ShapeDtypeStruct((_N_PAD, 1), jnp.float32), sds],
  )(x_pad, W1, b1, W2, b2, deg16)


def _lsm_body(v_ref, deg_ref, o_ref):
  s = jnp.sqrt(deg_ref[:, 0:1] + 1.0)
  z = v_ref[:, :_OUT_C] * s
  m = jnp.max(z, axis=1, keepdims=True)
  e = jnp.exp(z - m)
  lse = jnp.log(jnp.sum(e, axis=1, keepdims=True))
  o_ref[...] = z - m - lse


def _lsm_kernel(vK, deg16):
  grid = (_N_PAD // _RB,)
  return pl.pallas_call(
      _lsm_body,
      grid=grid,
      in_specs=[
          pl.BlockSpec((_RB, _C), lambda i: (i, 0)),
          pl.BlockSpec((_RB, _DEG_W), lambda i: (i, 0)),
      ],
      out_specs=pl.BlockSpec((_RB, _OUT_C), lambda i: (i, 0)),
      out_shape=jax.ShapeDtypeStruct((_N_PAD, _OUT_C), jnp.float32),
  )(vK, deg16)


def kernel(x, edge_index, W1, b1, W2, b2):
  src = edge_index[0].astype(jnp.int32)
  dst = edge_index[1].astype(jnp.int32)
  pad = jnp.full((_E_PAD - _E,), _N_PAD - 1, jnp.int32)
  src_e = jnp.concatenate([src, pad]).reshape(_NT, _NB, _BB)
  dst_e = jnp.concatenate([dst, pad]).reshape(_NT, _NB, _BB)
  self_ids = jnp.arange(_N_PAD, dtype=jnp.int32).reshape(_NT, _NSELF, _BB)
  dummy = jnp.full((_NT, 4, _BB), _N_PAD - 1, jnp.int32)
  srcp = jnp.concatenate([src_e, self_ids, dummy], axis=1)
  dstp = jnp.concatenate([dst_e, self_ids], axis=1)
  x_pad = jnp.pad(x, ((0, _N_PAD - _N), (0, 0)))

  deg16 = _deg_kernel(dst_e)
  v0, q, p = _mlp_kernel(x_pad, W1, b1.reshape(1, -1), W2,
                         b2.reshape(1, -1), deg16)
  vK = _prop_kernel(srcp, dstp, v0, q.reshape(_N_PAD), p)
  out = _lsm_kernel(vK, deg16)
  return out[:_N]

# --- scband reference (transcript-rebuilt; emitter-appended) ---
"""Pipeline reference for scband-appnp-concat-26225070309445 (READ-ONLY COPY).

The authoritative reference and input builder live on the scoring server;
editing this copy changes nothing except your own understanding.
"""

import jax, jax.numpy as jnp
import numpy as np

N = 10000
E = 320000
IN_C = 128
HID_C = 64
OUT_C = 40
K = 10
ALPHA = 0.1


def setup_inputs(seed: int = 0) -> dict:
    key = jax.random.key(seed)
    k1, k2, k3, k4, k5, k6 = jax.random.split(key, 6)
    x = jax.random.normal(k1, (N, IN_C), dtype=jnp.float32)
    edge_index = jax.random.randint(k2, (2, E), 0, N, dtype=jnp.int32)
    W1 = jax.random.normal(k3, (IN_C, HID_C), dtype=jnp.float32) * (1.0 / np.sqrt(IN_C))
    b1 = jnp.zeros((HID_C,), dtype=jnp.float32)
    W2 = jax.random.normal(k4, (HID_C, OUT_C), dtype=jnp.float32) * (1.0 / np.sqrt(HID_C))
    b2 = jnp.zeros((OUT_C,), dtype=jnp.float32)
    return {"x": x, "edge_index": edge_index, "W1": W1, "b1": b1, "W2": W2, "b2": b2}


def _gcn_norm(edge_index, num_nodes, dtype):
    # symmetric GCN normalization with self-loops: D^-1/2 (A+I) D^-1/2
    src = edge_index[0]
    dst = edge_index[1]
    loop = jnp.arange(num_nodes, dtype=src.dtype)
    src = jnp.concatenate([src, loop])
    dst = jnp.concatenate([dst, loop])
    deg = jnp.zeros((num_nodes,), dtype=dtype).at[dst].add(1.0)
    deg_inv_sqrt = jnp.where(deg > 0, 1.0 / jnp.sqrt(deg), 0.0)
    w = deg_inv_sqrt[src] * deg_inv_sqrt[dst]
    return src, dst, w


def reference(x, edge_index, W1, b1, W2, b2):
    # dropout is identity in eval mode
    h = jax.nn.relu(x @ W1 + b1)
    out0 = h @ W2 + b2
    src, dst, w = _gcn_norm(edge_index, N, x.dtype)
    # APPNP propagation: z_{t+1} = (1-alpha) * A_hat z_t + alpha * z_0
    z = out0
    for _ in range(K):
        msg = z[src] * w[:, None]
        agg = jnp.zeros_like(z).at[dst].add(msg)
        z = (1.0 - ALPHA) * agg + ALPHA * out0
    return jax.nn.log_softmax(z, axis=1)

if __name__ == "__main__":
    import jax
    _d = setup_inputs()
    print(jax.jit(kernel)(*tuple(_d.values())))

</pallas_src>

<mosaic_0001>
#map = affine_map<(d0, d1) -> (0, 0, 0)>
#map1 = affine_map<(d0, d1) -> (0, 0)>
module attributes {stable_mosaic.version = 14 : i64} {
  func.func @_deg_body(%arg0: i32, %arg1: i32, %arg2: memref<16x159x128xi32, #tpu.memory_space<hbm>>, %arg3: memref<10240x16xf32, #tpu.memory_space<hbm>>, %arg4: memref<159x128xi32, #tpu.memory_space<vmem>>, %arg5: memref<128x16xf32, #tpu.memory_space<vmem>>, %arg6: memref<10240x16xf32, #tpu.memory_space<vmem_shared>>) attributes {dimension_semantics = [#tpu.dimension_semantics<core_parallel>, #tpu.dimension_semantics<subcore_parallel>], iteration_bounds = array<i64: 1, 16>, scalar_prefetch = 0 : i64, scratch_operands = 3 : i64, tpu.core_type = #tpu.core_type<sc_vector_subcore>, window_params = [{transform_indices = #map}, {transform_indices = #map1}]} {
    %mul3A = arith.constant 640 : i32
    %mul3A_0 = arith.muli %arg1, %mul3A : i32
    "tpu.region"() ({
      %run_scoped3A = tpu.sem_alloc : memref<!tpu.dma_semaphore, #tpu.memory_space<semaphore_mem>>
      %dma_start3A = arith.constant 0 : i32
      %dma_start3A_21 = arith.constant 0 : i32
      %dma_start3A_22 = tpu.memref_slice %arg2[%arg1, %dma_start3A, %dma_start3A_21] : memref<16x159x128xi32, #tpu.memory_space<hbm>> -> memref<1x159x128xi32, #tpu.memory_space<hbm>>
      %dma_start3A_23 = tpu.memref_squeeze %dma_start3A_22 : memref<1x159x128xi32, #tpu.memory_space<hbm>> -> memref<159x128xi32, #tpu.memory_space<hbm>>
      %dma_start3A_24 = arith.constant 0 : i32
      %dma_start3A_25 = arith.constant 0 : i32
      %dma_start3A_26 = tpu.memref_slice %arg2[%arg1, %dma_start3A_24, %dma_start3A_25] : memref<16x159x128xi32, #tpu.memory_space<hbm>> -> memref<1x159x128xi32, #tpu.memory_space<hbm>>
      %dma_start3A_27 = tpu.memref_squeeze %dma_start3A_26 : memref<1x159x128xi32, #tpu.memory_space<hbm>> -> memref<159x128xi32, #tpu.memory_space<hbm>>
      tpu.enqueue_dma source(%dma_start3A_27 : memref<159x128xi32, #tpu.memory_space<hbm>>) target(%arg4 : memref<159x128xi32, #tpu.memory_space<vmem>>) target_semaphore(%run_scoped3A : memref<!tpu.dma_semaphore, #tpu.memory_space<semaphore_mem>>)
      %dma_wait3A = arith.constant 0 : i32
      %dma_wait3A_28 = arith.constant 0 : i32
      %dma_wait3A_29 = tpu.memref_slice %arg2[%arg1, %dma_wait3A, %dma_wait3A_28] : memref<16x159x128xi32, #tpu.memory_space<hbm>> -> memref<1x159x128xi32, #tpu.memory_space<hbm>>
      %dma_wait3A_30 = tpu.memref_squeeze %dma_wait3A_29 : memref<1x159x128xi32, #tpu.memory_space<hbm>> -> memref<159x128xi32, #tpu.memory_space<hbm>>
      %dma_wait3A_31 = arith.constant 0 : i32
      %dma_wait3A_32 = arith.constant 0 : i32
      %dma_wait3A_33 = tpu.memref_slice %arg2[%arg1, %dma_wait3A_31, %dma_wait3A_32] : memref<16x159x128xi32, #tpu.memory_space<hbm>> -> memref<1x159x128xi32, #tpu.memory_space<hbm>>
      %dma_wait3A_34 = tpu.memref_squeeze %dma_wait3A_33 : memref<1x159x128xi32, #tpu.memory_space<hbm>> -> memref<159x128xi32, #tpu.memory_space<hbm>>
      tpu.wait_dma2 semaphore(%run_scoped3A : memref<!tpu.dma_semaphore, #tpu.memory_space<semaphore_mem>>) src(%dma_wait3A_34 : memref<159x128xi32, #tpu.memory_space<hbm>>) dst(%arg4 : memref<159x128xi32, #tpu.memory_space<vmem>>)
      tpu.yield
    }) : () -> ()
    %scan3A = arith.constant 0 : i32
    %scan3A_1 = arith.constant 128 : i32
    %scan3A_2 = arith.addi %scan3A, %scan3A_1 : i32
    %scan3A_3 = arith.constant 1 : i32
    scf.for %scan3A_21 = %scan3A to %scan3A_2 step %scan3A_3  : i32 {
      %mul3A_22 = arith.constant 1 : i32
      %mul3A_23 = arith.muli %scan3A_21, %mul3A_22 : i32
      %add3A = arith.constant 0 : i32
      %add3A_24 = arith.addi %add3A, %mul3A_23 : i32
      %broadcast_in_dim3A = arith.constant 0.000000e+00 : f32
      %broadcast_in_dim3A_25 = vector.broadcast %broadcast_in_dim3A : f32 to vector<16xf32>
      %swap3A = arith.index_cast %add3A_24 : i32 to index
      %swap3A_26 = arith.constant 0 : index
      %swap3A_27 = tpu.vector_load %arg5[%swap3A, %swap3A_26] {strides = array<i32>} : memref<128x16xf32, #tpu.memory_space<vmem>>, vector<16xf32>,
      tpu.vector_store %arg5[%swap3A, %swap3A_26], %broadcast_in_dim3A_25 {strides = array<i32>} : memref<128x16xf32, #tpu.memory_space<vmem>>, vector<16xf32>,
    }
    %scan3A_4 = arith.constant 128 : i32
    %scan3A_5 = arith.constant 0 : i32
    %scan3A_6 = arith.constant 5 : i32
    %scan3A_7 = arith.addi %scan3A_5, %scan3A_6 : i32
    %scan3A_8 = arith.constant 1 : i32
    scf.for %scan3A_21 = %scan3A_5 to %scan3A_7 step %scan3A_8  : i32 {
      %mul3A_22 = arith.constant 1 : i32
      %mul3A_23 = arith.muli %scan3A_21, %mul3A_22 : i32
      %add3A = arith.constant 0 : i32
      %add3A_24 = arith.addi %add3A, %mul3A_23 : i32
      %mul3A_25 = arith.constant 128 : i32
      %mul3A_26 = arith.muli %add3A_24, %mul3A_25 : i32
      %add3A_27 = arith.addi %mul3A_0, %mul3A_26 : i32
      "tpu.region"() ({
        %run_scoped3A = tpu.sem_alloc : memref<!tpu.dma_semaphore, #tpu.memory_space<semaphore_mem>>
        %dma_start3A = arith.constant 0 : i32
        %dma_start3A_28 = tpu.memref_slice %arg6[%add3A_27, %dma_start3A] : memref<10240x16xf32, #tpu.memory_space<vmem_shared>> -> memref<128x16xf32, #tpu.memory_space<vmem_shared>>
        %dma_start3A_29 = arith.constant 0 : i32
        %dma_start3A_30 = tpu.memref_slice %arg6[%add3A_27, %dma_start3A_29] : memref<10240x16xf32, #tpu.memory_space<vmem_shared>> -> memref<128x16xf32, #tpu.memory_space<vmem_shared>>
        tpu.enqueue_dma source(%arg5 : memref<128x16xf32, #tpu.memory_space<vmem>>) target(%dma_start3A_30 : memref<128x16xf32, #tpu.memory_space<vmem_shared>>) target_semaphore(%run_scoped3A : memref<!tpu.dma_semaphore, #tpu.memory_space<semaphore_mem>>)
        %dma_wait3A = arith.constant 0 : i32
        %dma_wait3A_31 = tpu.memref_slice %arg6[%add3A_27, %dma_wait3A] : memref<10240x16xf32, #tpu.memory_space<vmem_shared>> -> memref<128x16xf32, #tpu.memory_space<vmem_shared>>
        %dma_wait3A_32 = arith.constant 0 : i32
        %dma_wait3A_33 = tpu.memref_slice %arg6[%add3A_27, %dma_wait3A_32] : memref<10240x16xf32, #tpu.memory_space<vmem_shared>> -> memref<128x16xf32, #tpu.memory_space<vmem_shared>>
        tpu.wait_dma2 semaphore(%run_scoped3A : memref<!tpu.dma_semaphore, #tpu.memory_space<semaphore_mem>>) src(%arg5 : memref<128x16xf32, #tpu.memory_space<vmem>>) dst(%dma_wait3A_33 : memref<128x16xf32, #tpu.memory_space<vmem_shared>>)
        tpu.yield
      }) : () -> ()
    }
    %scan3A_9 = arith.constant 5 : i32
    %scan3A_10 = arith.constant 0 : i32
    %scan3A_11 = arith.constant 128 : i32
    %scan3A_12 = arith.addi %scan3A_10, %scan3A_11 : i32
    %scan3A_13 = arith.constant 1 : i32
    scf.for %scan3A_21 = %scan3A_10 to %scan3A_12 step %scan3A_13  : i32 {
      %mul3A_22 = arith.constant 1 : i32
      %mul3A_23 = arith.muli %scan3A_21, %mul3A_22 : i32
      %add3A = arith.constant 0 : i32
      %add3A_24 = arith.addi %add3A, %mul3A_23 : i32
      %broadcast_in_dim3A = arith.constant 1.000000e+00 : f32
      %broadcast_in_dim3A_25 = vector.broadcast %broadcast_in_dim3A : f32 to vector<16xf32>
      %swap3A = arith.index_cast %add3A_24 : i32 to index
      %swap3A_26 = arith.constant 0 : index
      %swap3A_27 = tpu.vector_load %arg5[%swap3A, %swap3A_26] {strides = array<i32>} : memref<128x16xf32, #tpu.memory_space<vmem>>, vector<16xf32>,
      tpu.vector_store %arg5[%swap3A, %swap3A_26], %broadcast_in_dim3A_25 {strides = array<i32>} : memref<128x16xf32, #tpu.memory_space<vmem>>, vector<16xf32>,
    }
    %scan3A_14 = arith.constant 128 : i32
    %barrier3A = arith.constant 0 : index
    tpu.barrier barrier_id(%barrier3A)
    %scan3A_15 = arith.constant 0 : i32
    %scan3A_16 = arith.constant 159 : i32
    %scan3A_17 = arith.addi %scan3A_15, %scan3A_16 : i32
    %scan3A_18 = arith.constant 1 : i32
    scf.for %scan3A_21 = %scan3A_15 to %scan3A_17 step %scan3A_18  : i32 {
      %mul3A_22 = arith.constant 1 : i32
      %mul3A_23 = arith.muli %scan3A_21, %mul3A_22 : i32
      %add3A = arith.constant 0 : i32
      %add3A_24 = arith.addi %add3A, %mul3A_23 : i32
      "tpu.region"() ({
        %run_scoped3A = tpu.sem_alloc : memref<!tpu.dma_semaphore, #tpu.memory_space<semaphore_mem>>
        %dma_start3A = arith.constant 0 : i32
        %dma_start3A_25 = tpu.memref_slice %arg4[%add3A_24, %dma_start3A] : memref<159x128xi32, #tpu.memory_space<vmem>> -> memref<1x128xi32, #tpu.memory_space<vmem>>
        %dma_start3A_26 = tpu.memref_squeeze %dma_start3A_25 : memref<1x128xi32, #tpu.memory_space<vmem>> -> memref<128xi32, #tpu.memory_space<vmem>>
        %dma_start3A_27 = arith.constant 0 : i32
        %dma_start3A_28 = arith.constant 0 : i32
        %dma_start3A_29 = tpu.memref_slice %arg6[%dma_start3A_27, %dma_start3A_28] : memref<10240x16xf32, #tpu.memory_space<vmem_shared>> -> memref<10240x16xf32, #tpu.memory_space<vmem_shared>>
        tpu.enqueue_indirect_dma source(%arg5 : memref<128x16xf32, #tpu.memory_space<vmem>>) target(%dma_start3A_29 : memref<10240x16xf32, #tpu.memory_space<vmem_shared>>) offsets(%dma_start3A_26 : memref<128xi32, #tpu.memory_space<vmem>>) semaphore(%run_scoped3A : memref<!tpu.dma_semaphore, #tpu.memory_space<semaphore_mem>>) {add = true}
        %dma_wait3A = arith.constant 0 : i32
        %dma_wait3A_30 = tpu.memref_slice %arg4[%add3A_24, %dma_wait3A] : memref<159x128xi32, #tpu.memory_space<vmem>> -> memref<1x128xi32, #tpu.memory_space<vmem>>
        %dma_wait3A_31 = tpu.memref_squeeze %dma_wait3A_30 : memref<1x128xi32, #tpu.memory_space<vmem>> -> memref<128xi32, #tpu.memory_space<vmem>>
        %dma_wait3A_32 = arith.constant 0 : i32
        %dma_wait3A_33 = arith.constant 0 : i32
        %dma_wait3A_34 = tpu.memref_slice %arg6[%dma_wait3A_32, %dma_wait3A_33] : memref<10240x16xf32, #tpu.memory_space<vmem_shared>> -> memref<10240x16xf32, #tpu.memory_space<vmem_shared>>
        tpu.wait_indirect_dma semaphore(%run_scoped3A : memref<!tpu.dma_semaphore, #tpu.memory_space<semaphore_mem>>) src(%arg5 : memref<128x16xf32, #tpu.memory_space<vmem>>) dst(%dma_wait3A_34 : memref<10240x16xf32, #tpu.memory_space<vmem_shared>>)
        tpu.yield
      }) : () -> ()
    }
    %scan3A_19 = arith.constant 159 : i32
    %barrier3A_20 = arith.constant 0 : index
    tpu.barrier barrier_id(%barrier3A_20)
    "tpu.region"() ({
      %run_scoped3A = tpu.sem_alloc : memref<!tpu.dma_semaphore, #tpu.memory_space<semaphore_mem>>
      %dma_start3A = arith.constant 0 : i32
      %dma_start3A_21 = tpu.memref_slice %arg3[%mul3A_0, %dma_start3A] : memref<10240x16xf32, #tpu.memory_space<hbm>> -> memref<640x16xf32, #tpu.memory_space<hbm>>
      %dma_start3A_22 = arith.constant 0 : i32
      %dma_start3A_23 = tpu.memref_slice %arg6[%mul3A_0, %dma_start3A_22] : memref<10240x16xf32, #tpu.memory_space<vmem_shared>> -> memref<640x16xf32, #tpu.memory_space<vmem_shared>>
      tpu.enqueue_dma source(%dma_start3A_23 : memref<640x16xf32, #tpu.memory_space<vmem_shared>>) target(%dma_start3A_21 : memref<640x16xf32, #tpu.memory_space<hbm>>) target_semaphore(%run_scoped3A : memref<!tpu.dma_semaphore, #tpu.memory_space<semaphore_mem>>)
      %dma_wait3A = arith.constant 0 : i32
      %dma_wait3A_24 = tpu.memref_slice %arg3[%mul3A_0, %dma_wait3A] : memref<10240x16xf32, #tpu.memory_space<hbm>> -> memref<640x16xf32, #tpu.memory_space<hbm>>
      %dma_wait3A_25 = arith.constant 0 : i32
      %dma_wait3A_26 = tpu.memref_slice %arg6[%mul3A_0, %dma_wait3A_25] : memref<10240x16xf32, #tpu.memory_space<vmem_shared>> -> memref<640x16xf32, #tpu.memory_space<vmem_shared>>
      tpu.wait_dma2 semaphore(%run_scoped3A : memref<!tpu.dma_semaphore, #tpu.memory_space<semaphore_mem>>) src(%dma_wait3A_26 : memref<640x16xf32, #tpu.memory_space<vmem_shared>>) dst(%dma_wait3A_24 : memref<640x16xf32, #tpu.memory_space<hbm>>)
      tpu.yield
    }) : () -> ()
    return
  }
}

#map = affine_map<(d0, d1) -> (0, 0, 0)>
#map1 = affine_map<(d0, d1) -> (0, 0)>
#map2 = affine_map<(d0, d1) -> (0)>
module attributes {stable_mosaic.version = 14 : i64} {
  func.func @_prop_body(%arg0: i32, %arg1: i32, %arg2: memref<16x168x128xi32, #tpu.memory_space<hbm>>, %arg3: memref<16x164x128xi32, #tpu.memory_space<hbm>>, %arg4: memref<10240x48xf32, #tpu.memory_space<hbm>>, %arg5: memref<10240xf32, #tpu.memory_space<hbm>>, %arg6: memref<10240x48xf32, #tpu.memory_space<hbm>>, %arg7: memref<10240x48xf32, #tpu.memory_space<hbm>>, %arg8: memref<168x128xi32, #tpu.memory_space<vmem>>, %arg9: memref<164x128xi32, #tpu.memory_space<vmem>>, %arg10: memref<640xf32, #tpu.memory_space<vmem>>, %arg11: memref<128x48xf32, #tpu.memory_space<vmem>>, %arg12: memref<128x48xf32, #tpu.memory_space<vmem>>, %arg13: memref<10240x48xf32, #tpu.memory_space<vmem_shared>>, %arg14: memref<10240x48xf32, #tpu.memory_space<vmem_shared>>, %arg15: memref<!tpu.dma_semaphore, #tpu.memory_space<semaphore_mem>>, %arg16: memref<!tpu.dma_semaphore, #tpu.memory_space<semaphore_mem>>, %arg17: memref<!tpu.dma_semaphore, #tpu.memory_space<semaphore_mem>>, %arg18: memref<!tpu.dma_semaphore, #tpu.memory_space<semaphore_mem>>) attributes {dimension_semantics = [#tpu.dimension_semantics<core_parallel>, #tpu.dimension_semantics<subcore_parallel>], iteration_bounds = array<i64: 1, 16>, scalar_prefetch = 0 : i64, scratch_operands = 11 : i64, tpu.core_type = #tpu.core_type<sc_vector_subcore>, window_params = [{transform_indices = #map}, {transform_indices = #map}, {transform_indices = #map1}, {transform_indices = #map2}, {transform_indices = #map1}, {transform_indices = #map1}]} {
    %mul3A = arith.constant 640 : i32
    %mul3A_0 = arith.muli %arg1, %mul3A : i32
    "tpu.region"() ({
      %run_scoped3A = tpu.sem_alloc : memref<!tpu.dma_semaphore, #tpu.memory_space<semaphore_mem>>
      %dma_start3A_407 = arith.constant 0 : i32
      %dma_start3A_408 = arith.constant 0 : i32
      %dma_start3A_409 = tpu.memref_slice %arg2[%arg1, %dma_start3A_407, %dma_start3A_408] : memref<16x168x128xi32, #tpu.memory_space<hbm>> -> memref<1x168x128xi32, #tpu.memory_space<hbm>>
      %dma_start3A_410 = tpu.memref_squeeze %dma_start3A_409 : memref<1x168x128xi32, #tpu.memory_space<hbm>> -> memref<168x128xi32, #tpu.memory_space<hbm>>
      %dma_start3A_411 = arith.constant 0 : i32
      %dma_start3A_412 = arith.constant 0 : i32
      %dma_start3A_413 = tpu.memref_slice %arg2[%arg1, %dma_start3A_411, %dma_start3A_412] : memref<16x168x128xi32, #tpu.memory_space<hbm>> -> memref<1x168x128xi32, #tpu.memory_space<hbm>>
      %dma_start3A_414 = tpu.memref_squeeze %dma_start3A_413 : memref<1x168x128xi32, #tpu.memory_space<hbm>> -> memref<168x128xi32, #tpu.memory_space<hbm>>
      tpu.enqueue_dma source(%dma_start3A_414 : memref<168x128xi32, #tpu.memory_space<hbm>>) target(%arg8 : memref<168x128xi32, #tpu.memory_space<vmem>>) target_semaphore(%run_scoped3A : memref<!tpu.dma_semaphore, #tpu.memory_space<semaphore_mem>>)
      %dma_wait3A_415 = arith.constant 0 : i32
      %dma_wait3A_416 = arith.constant 0 : i32
      %dma_wait3A_417 = tpu.memref_slice %arg2[%arg1, %dma_wait3A_415, %dma_wait3A_416] : memref<16x168x128xi32, #tpu.memory_space<hbm>> -> memref<1x168x128xi32, #tpu.memory_space<hbm>>
      %dma_wait3A_418 = tpu.memref_squeeze %dma_wait3A_417 : memref<1x168x128xi32, #tpu.memory_space<hbm>> -> memref<168x128xi32, #tpu.memory_space<hbm>>
      %dma_wait3A_419 = arith.constant 0 : i32
      %dma_wait3A_420 = arith.constant 0 : i32
      %dma_wait3A_421 = tpu.memref_slice %arg2[%arg1, %dma_wait3A_419, %dma_wait3A_420] : memref<16x168x128xi32, #tpu.memory_space<hbm>> -> memref<1x168x128xi32, #tpu.memory_space<hbm>>
      %dma_wait3A_422 = tpu.memref_squeeze %dma_wait3A_421 : memref<1x168x128xi32, #tpu.memory_space<hbm>> -> memref<168x128xi32, #tpu.memory_space<hbm>>
      tpu.wait_dma2 semaphore(%run_scoped3A : memref<!tpu.dma_semaphore, #tpu.memory_space<semaphore_mem>>) src(%dma_wait3A_422 : memref<168x128xi32, #tpu.memory_space<hbm>>) dst(%arg8 : memref<168x128xi32, #tpu.memory_space<vmem>>)
      tpu.yield
    }) : () -> ()
    "tpu.region"() ({
      %run_scoped3A = tpu.sem_alloc : memref<!tpu.dma_semaphore, #tpu.memory_space<semaphore_mem>>
      %dma_start3A_407 = arith.constant 0 : i32
      %dma_start3A_408 = arith.constant 0 : i32
      %dma_start3A_409 = tpu.memref_slice %arg3[%arg1, %dma_start3A_407, %dma_start3A_408] : memref<16x164x128xi32, #tpu.memory_space<hbm>> -> memref<1x164x128xi32, #tpu.memory_space<hbm>>
      %dma_start3A_410 = tpu.memref_squeeze %dma_start3A_409 : memref<1x164x128xi32, #tpu.memory_space<hbm>> -> memref<164x128xi32, #tpu.memory_space<hbm>>
      %dma_start3A_411 = arith.constant 0 : i32
      %dma_start3A_412 = arith.constant 0 : i32
      %dma_start3A_413 = tpu.memref_slice %arg3[%arg1, %dma_start3A_411, %dma_start3A_412] : memref<16x164x128xi32, #tpu.memory_space<hbm>> -> memref<1x164x128xi32, #tpu.memory_space<hbm>>
      %dma_start3A_414 = tpu.memref_squeeze %dma_start3A_413 : memref<1x164x128xi32, #tpu.memory_space<hbm>> -> memref<164x128xi32, #tpu.memory_space<hbm>>
      tpu.enqueue_dma source(%dma_start3A_414 : memref<164x128xi32, #tpu.memory_space<hbm>>) target(%arg9 : memref<164x128xi32, #tpu.memory_space<vmem>>) target_semaphore(%run_scoped3A : memref<!tpu.dma_semaphore, #tpu.memory_space<semaphore_mem>>)
      %dma_wait3A_415 = arith.constant 0 : i32
      %dma_wait3A_416 = arith.constant 0 : i32
      %dma_wait3A_417 = tpu.memref_slice %arg3[%arg1, %dma_wait3A_415, %dma_wait3A_416] : memref<16x164x128xi32, #tpu.memory_space<hbm>> -> memref<1x164x128xi32, #tpu.memory_space<hbm>>
      %dma_wait3A_418 = tpu.memref_squeeze %dma_wait3A_417 : memref<1x164x128xi32, #tpu.memory_space<hbm>> -> memref<164x128xi32, #tpu.memory_space<hbm>>
      %dma_wait3A_419 = arith.constant 0 : i32
      %dma_wait3A_420 = arith.constant 0 : i32
      %dma_wait3A_421 = tpu.memref_slice %arg3[%arg1, %dma_wait3A_419, %dma_wait3A_420] : memref<16x164x128xi32, #tpu.memory_space<hbm>> -> memref<1x164x128xi32, #tpu.memory_space<hbm>>
      %dma_wait3A_422 = tpu.memref_squeeze %dma_wait3A_421 : memref<1x164x128xi32, #tpu.memory_space<hbm>> -> memref<164x128xi32, #tpu.memory_space<hbm>>
      tpu.wait_dma2 semaphore(%run_scoped3A : memref<!tpu.dma_semaphore, #tpu.memory_space<semaphore_mem>>) src(%dma_wait3A_422 : memref<164x128xi32, #tpu.memory_space<hbm>>) dst(%arg9 : memref<164x128xi32, #tpu.memory_space<vmem>>)
      tpu.yield
    }) : () -> ()
    "tpu.region"() ({
      %run_scoped3A = tpu.sem_alloc : memref<!tpu.dma_semaphore, #tpu.memory_space<semaphore_mem>>
      %dma_start3A_407 = tpu.memref_slice %arg5[%mul3A_0] : memref<10240xf32, #tpu.memory_space<hbm>> -> memref<640xf32, #tpu.memory_space<hbm>>
      %dma_start3A_408 = tpu.memref_slice %arg5[%mul3A_0] : memref<10240xf32, #tpu.memory_space<hbm>> -> memref<640xf32, #tpu.memory_space<hbm>>
      tpu.enqueue_dma source(%dma_start3A_408 : memref<640xf32, #tpu.memory_space<hbm>>) target(%arg10 : memref<640xf32, #tpu.memory_space<vmem>>) target_semaphore(%run_scoped3A : memref<!tpu.dma_semaphore, #tpu.memory_space<semaphore_mem>>)
      %dma_wait3A_409 = tpu.memref_slice %arg5[%mul3A_0] : memref<10240xf32, #tpu.memory_space<hbm>> -> memref<640xf32, #tpu.memory_space<hbm>>
      %dma_wait3A_410 = tpu.memref_slice %arg5[%mul3A_0] : memref<10240xf32, #tpu.memory_space<hbm>> -> memref<640xf32, #tpu.memory_space<hbm>>
      tpu.wait_dma2 semaphore(%run_scoped3A : memref<!tpu.dma_semaphore, #tpu.memory_space<semaphore_mem>>) src(%dma_wait3A_410 : memref<640xf32, #tpu.memory_space<hbm>>) dst(%arg10 : memref<640xf32, #tpu.memory_space<vmem>>)
      tpu.yield
    }) : () -> ()
    "tpu.region"() ({
      %run_scoped3A = tpu.sem_alloc : memref<!tpu.dma_semaphore, #tpu.memory_space<semaphore_mem>>
      %dma_start3A_407 = arith.constant 0 : i32
      %dma_start3A_408 = tpu.memref_slice %arg13[%mul3A_0, %dma_start3A_407] : memref<10240x48xf32, #tpu.memory_space<vmem_shared>> -> memref<640x48xf32, #tpu.memory_space<vmem_shared>>
      %dma_start3A_409 = arith.constant 0 : i32
      %dma_start3A_410 = tpu.memref_slice %arg4[%mul3A_0, %dma_start3A_409] : memref<10240x48xf32, #tpu.memory_space<hbm>> -> memref<640x48xf32, #tpu.memory_space<hbm>>
      tpu.enqueue_dma source(%dma_start3A_410 : memref<640x48xf32, #tpu.memory_space<hbm>>) target(%dma_start3A_408 : memref<640x48xf32, #tpu.memory_space<vmem_shared>>) target_semaphore(%run_scoped3A : memref<!tpu.dma_semaphore, #tpu.memory_space<semaphore_mem>>)
      %dma_wait3A_411 = arith.constant 0 : i32
      %dma_wait3A_412 = tpu.memref_slice %arg13[%mul3A_0, %dma_wait3A_411] : memref<10240x48xf32, #tpu.memory_space<vmem_shared>> -> memref<640x48xf32, #tpu.memory_space<vmem_shared>>
      %dma_wait3A_413 = arith.constant 0 : i32
      %dma_wait3A_414 = tpu.memref_slice %arg4[%mul3A_0, %dma_wait3A_413] : memref<10240x48xf32, #tpu.memory_space<hbm>> -> memref<640x48xf32, #tpu.memory_space<hbm>>
      tpu.wait_dma2 semaphore(%run_scoped3A : memref<!tpu.dma_semaphore, #tpu.memory_space<semaphore_mem>>) src(%dma_wait3A_414 : memref<640x48xf32, #tpu.memory_space<hbm>>) dst(%dma_wait3A_412 : memref<640x48xf32, #tpu.memory_space<vmem_shared>>)
      tpu.yield
    }) : () -> ()
    %scan3A = arith.constant 0 : i32
    %scan3A_1 = arith.constant 128 : i32
    %scan3A_2 = arith.addi %scan3A, %scan3A_1 : i32
    %scan3A_3 = arith.constant 1 : i32
    scf.for %scan3A_407 = %scan3A to %scan3A_2 step %scan3A_3  : i32 {
      %mul3A_408 = arith.constant 1 : i32
      %mul3A_409 = arith.muli %scan3A_407, %mul3A_408 : i32
      %add3A = arith.constant 0 : i32
      %add3A_410 = arith.addi %add3A, %mul3A_409 : i32
      %broadcast_in_dim3A = arith.constant 0.000000e+00 : f32
      %broadcast_in_dim3A_411 = vector.broadcast %broadcast_in_dim3A : f32 to vector<16xf32>
      %swap3A = arith.index_cast %add3A_410 : i32 to index
      %swap3A_412 = arith.constant 0 : index
      %swap3A_413 = tpu.vector_load %arg11[%swap3A, %swap3A_412] {strides = array<i32>} : memref<128x48xf32, #tpu.memory_space<vmem>>, vector<16xf32>,
      tpu.vector_store %arg11[%swap3A, %swap3A_412], %broadcast_in_dim3A_411 {strides = array<i32>} : memref<128x48xf32, #tpu.memory_space<vmem>>, vector<16xf32>,
      %broadcast_in_dim3A_414 = arith.constant 0.000000e+00 : f32
      %broadcast_in_dim3A_415 = vector.broadcast %broadcast_in_dim3A_414 : f32 to vector<16xf32>
      %swap3A_416 = arith.index_cast %add3A_410 : i32 to index
      %swap3A_417 = arith.constant 16 : index
      %swap3A_418 = tpu.vector_load %arg11[%swap3A_416, %swap3A_417] {strides = array<i32>} : memref<128x48xf32, #tpu.memory_space<vmem>>, vector<16xf32>,
      tpu.vector_store %arg11[%swap3A_416, %swap3A_417], %broadcast_in_dim3A_415 {strides = array<i32>} : memref<128x48xf32, #tpu.memory_space<vmem>>, vector<16xf32>,
      %broadcast_in_dim3A_419 = arith.constant 0.000000e+00 : f32
      %broadcast_in_dim3A_420 = vector.broadcast %broadcast_in_dim3A_419 : f32 to vector<16xf32>
      %swap3A_421 = arith.index_cast %add3A_410 : i32 to index
      %swap3A_422 = arith.constant 32 : index
      %swap3A_423 = tpu.vector_load %arg11[%swap3A_421, %swap3A_422] {strides = array<i32>} : memref<128x48xf32, #tpu.memory_space<vmem>>, vector<16xf32>,
      tpu.vector_store %arg11[%swap3A_421, %swap3A_422], %broadcast_in_dim3A_420 {strides = array<i32>} : memref<128x48xf32, #tpu.memory_space<vmem>>, vector<16xf32>,
    }
    %scan3A_4 = arith.constant 128 : i32
    %scan3A_5 = arith.constant 0 : i32
    %scan3A_6 = arith.constant 5 : i32
    %scan3A_7 = arith.addi %scan3A_5, %scan3A_6 : i32
    %scan3A_8 = arith.constant 1 : i32
    scf.for %scan3A_407 = %scan3A_5 to %scan3A_7 step %scan3A_8  : i32 {
      %mul3A_408 = arith.constant 1 : i32
      %mul3A_409 = arith.muli %scan3A_407, %mul3A_408 : i32
      %add3A = arith.constant 0 : i32
      %add3A_410 = arith.addi %add3A, %mul3A_409 : i32
      %mul3A_411 = arith.constant 128 : i32
      %mul3A_412 = arith.muli %add3A_410, %mul3A_411 : i32
      %add3A_413 = arith.addi %mul3A_0, %mul3A_412 : i32
      "tpu.region"() ({
        %run_scoped3A = tpu.sem_alloc : memref<!tpu.dma_semaphore, #tpu.memory_space<semaphore_mem>>
        %dma_start3A_414 = arith.constant 0 : i32
        %dma_start3A_415 = tpu.memref_slice %arg14[%add3A_413, %dma_start3A_414] : memref<10240x48xf32, #tpu.memory_space<vmem_shared>> -> memref<128x48xf32, #tpu.memory_space<vmem_shared>>
        %dma_start3A_416 = arith.constant 0 : i32
        %dma_start3A_417 = tpu.memref_slice %arg14[%add3A_413, %dma_start3A_416] : memref<10240x48xf32, #tpu.memory_space<vmem_shared>> -> memref<128x48xf32, #tpu.memory_space<vmem_shared>>
        tpu.enqueue_dma source(%arg11 : memref<128x48xf32, #tpu.memory_space<vmem>>) target(%dma_start3A_417 : memref<128x48xf32, #tpu.memory_space<vmem_shared>>) target_semaphore(%run_scoped3A : memref<!tpu.dma_semaphore, #tpu.memory_space<semaphore_mem>>)
        %dma_wait3A_418 = arith.constant 0 : i32
        %dma_wait3A_419 = tpu.memref_slice %arg14[%add3A_413, %dma_wait3A_418] : memref<10240x48xf32, #tpu.memory_space<vmem_shared>> -> memref<128x48xf32, #tpu.memory_space<vmem_shared>>
        %dma_wait3A_420 = arith.constant 0 : i32
        %dma_wait3A_421 = tpu.memref_slice %arg14[%add3A_413, %dma_wait3A_420] : memref<10240x48xf32, #tpu.memory_space<vmem_shared>> -> memref<128x48xf32, #tpu.memory_space<vmem_shared>>
        tpu.wait_dma2 semaphore(%run_scoped3A : memref<!tpu.dma_semaphore, #tpu.memory_space<semaphore_mem>>) src(%arg11 : memref<128x48xf32, #tpu.memory_space<vmem>>) dst(%dma_wait3A_421 : memref<128x48xf32, #tpu.memory_space<vmem_shared>>)
        tpu.yield
      }) : () -> ()
    }
    %scan3A_9 = arith.constant 5 : i32
    %barrier3A = arith.constant 0 : index
    tpu.barrier barrier_id(%barrier3A)
    %dma_start3A = arith.constant 0 : i32
    %dma_start3A_10 = arith.constant 0 : i32
    %dma_start3A_11 = tpu.memref_slice %arg8[%dma_start3A, %dma_start3A_10] : memref<168x128xi32, #tpu.memory_space<vmem>> -> memref<1x128xi32, #tpu.memory_space<vmem>>
    %dma_start3A_12 = tpu.memref_squeeze %dma_start3A_11 : memref<1x128xi32, #tpu.memory_space<vmem>> -> memref<128xi32, #tpu.memory_space<vmem>>
    %dma_start3A_13 = arith.constant 0 : i32
    %dma_start3A_14 = arith.constant 0 : i32
    %dma_start3A_15 = tpu.memref_slice %arg13[%dma_start3A_13, %dma_start3A_14] : memref<10240x48xf32, #tpu.memory_space<vmem_shared>> -> memref<10240x48xf32, #tpu.memory_space<vmem_shared>>
    tpu.enqueue_indirect_dma source(%dma_start3A_15 : memref<10240x48xf32, #tpu.memory_space<vmem_shared>>) target(%arg11 : memref<128x48xf32, #tpu.memory_space<vmem>>) offsets(%dma_start3A_12 : memref<128xi32, #tpu.memory_space<vmem>>) semaphore(%arg15 : memref<!tpu.dma_semaphore, #tpu.memory_space<semaphore_mem>>)
    %scan3A_16 = arith.constant 0 : i32
    %scan3A_17 = arith.constant 82 : i32
    %scan3A_18 = arith.addi %scan3A_16, %scan3A_17 : i32
    %scan3A_19 = arith.constant 1 : i32
    scf.for %scan3A_407 = %scan3A_16 to %scan3A_18 step %scan3A_19  : i32 {
      %mul3A_408 = arith.constant 1 : i32
      %mul3A_409 = arith.muli %scan3A_407, %mul3A_408 : i32
      %add3A = arith.constant 0 : i32
      %add3A_410 = arith.addi %add3A, %mul3A_409 : i32
      %mul3A_411 = arith.constant 2 : i32
      %mul3A_412 = arith.muli %mul3A_411, %add3A_410 : i32
      %dma_wait3A_413 = arith.constant 0 : i32
      %dma_wait3A_414 = arith.constant 0 : i32
      %dma_wait3A_415 = tpu.memref_slice %arg13[%dma_wait3A_413, %dma_wait3A_414] : memref<10240x48xf32, #tpu.memory_space<vmem_shared>> -> memref<128x48xf32, #tpu.memory_space<vmem_shared>>
      %dma_wait3A_416 = arith.constant 0 : i32
      %dma_wait3A_417 = arith.constant 0 : i32
      %dma_wait3A_418 = tpu.memref_slice %arg13[%dma_wait3A_416, %dma_wait3A_417] : memref<10240x48xf32, #tpu.memory_space<vmem_shared>> -> memref<128x48xf32, #tpu.memory_space<vmem_shared>>
      tpu.wait_dma2 semaphore(%arg15 : memref<!tpu.dma_semaphore, #tpu.memory_space<semaphore_mem>>) src(%dma_wait3A_418 : memref<128x48xf32, #tpu.memory_space<vmem_shared>>) dst(%arg11 : memref<128x48xf32, #tpu.memory_space<vmem>>)
      %dma_start3A_419 = arith.constant 0 : i32
      %dma_start3A_420 = tpu.memref_slice %arg9[%mul3A_412, %dma_start3A_419] : memref<164x128xi32, #tpu.memory_space<vmem>> -> memref<1x128xi32, #tpu.memory_space<vmem>>
      %dma_start3A_421 = tpu.memref_squeeze %dma_start3A_420 : memref<1x128xi32, #tpu.memory_space<vmem>> -> memref<128xi32, #tpu.memory_space<vmem>>
      %dma_start3A_422 = arith.constant 0 : i32
      %dma_start3A_423 = arith.constant 0 : i32
      %dma_start3A_424 = tpu.memref_slice %arg14[%dma_start3A_422, %dma_start3A_423] : memref<10240x48xf32, #tpu.memory_space<vmem_shared>> -> memref<10240x48xf32, #tpu.memory_space<vmem_shared>>
      tpu.enqueue_indirect_dma source(%arg11 : memref<128x48xf32, #tpu.memory_space<vmem>>) target(%dma_start3A_424 : memref<10240x48xf32, #tpu.memory_space<vmem_shared>>) offsets(%dma_start3A_421 : memref<128xi32, #tpu.memory_space<vmem>>) semaphore(%arg17 : memref<!tpu.dma_semaphore, #tpu.memory_space<semaphore_mem>>) {add = true}
      %gt3A = arith.constant 0 : i32
      %gt3A_425 = arith.cmpi sgt, %add3A_410, %gt3A : i32
      %convert_element_type3A = arith.extui %gt3A_425 : i1 to i32
      %cond3A = arith.constant 0 : i32
      %cond3A_426 = arith.cmpi ne, %convert_element_type3A, %cond3A : i32
      scf.if %cond3A_426 {
        %dma_wait3A_463 = arith.constant 0 : i32
        %dma_wait3A_464 = arith.constant 0 : i32
        %dma_wait3A_465 = tpu.memref_slice %arg13[%dma_wait3A_463, %dma_wait3A_464] : memref<10240x48xf32, #tpu.memory_space<vmem_shared>> -> memref<128x48xf32, #tpu.memory_space<vmem_shared>>
        %dma_wait3A_466 = arith.constant 0 : i32
        %dma_wait3A_467 = arith.constant 0 : i32
        %dma_wait3A_468 = tpu.memref_slice %arg13[%dma_wait3A_466, %dma_wait3A_467] : memref<10240x48xf32, #tpu.memory_space<vmem_shared>> -> memref<128x48xf32, #tpu.memory_space<vmem_shared>>
        tpu.wait_dma2 semaphore(%arg18 : memref<!tpu.dma_semaphore, #tpu.memory_space<semaphore_mem>>) src(%arg12 : memref<128x48xf32, #tpu.memory_space<vmem>>) dst(%dma_wait3A_468 : memref<128x48xf32, #tpu.memory_space<vmem_shared>>)
      } else {
      }
      %add3A_427 = arith.constant 1 : i32
      %add3A_428 = arith.addi %mul3A_412, %add3A_427 : i32
      %dma_start3A_429 = arith.constant 0 : i32
      %dma_start3A_430 = tpu.memref_slice %arg8[%add3A_428, %dma_start3A_429] : memref<168x128xi32, #tpu.memory_space<vmem>> -> memref<1x128xi32, #tpu.memory_space<vmem>>
      %dma_start3A_431 = tpu.memref_squeeze %dma_start3A_430 : memref<1x128xi32, #tpu.memory_space<vmem>> -> memref<128xi32, #tpu.memory_space<vmem>>
      %dma_start3A_432 = arith.constant 0 : i32
      %dma_start3A_433 = arith.constant 0 : i32
      %dma_start3A_434 = tpu.memref_slice %arg13[%dma_start3A_432, %dma_start3A_433] : memref<10240x48xf32, #tpu.memory_space<vmem_shared>> -> memref<10240x48xf32, #tpu.memory_space<vmem_shared>>
      tpu.enqueue_indirect_dma source(%dma_start3A_434 : memref<10240x48xf32, #tpu.memory_space<vmem_shared>>) target(%arg12 : memref<128x48xf32, #tpu.memory_space<vmem>>) offsets(%dma_start3A_431 : memref<128xi32, #tpu.memory_space<vmem>>) semaphore(%arg16 : memref<!tpu.dma_semaphore, #tpu.memory_space<semaphore_mem>>)
      %dma_wait3A_435 = arith.constant 0 : i32
      %dma_wait3A_436 = arith.constant 0 : i32
      %dma_wait3A_437 = tpu.memref_slice %arg13[%dma_wait3A_435, %dma_wait3A_436] : memref<10240x48xf32, #tpu.memory_space<vmem_shared>> -> memref<128x48xf32, #tpu.memory_space<vmem_shared>>
      %dma_wait3A_438 = arith.constant 0 : i32
      %dma_wait3A_439 = arith.constant 0 : i32
      %dma_wait3A_440 = tpu.memref_slice %arg13[%dma_wait3A_438, %dma_wait3A_439] : memref<10240x48xf32, #tpu.memory_space<vmem_shared>> -> memref<128x48xf32, #tpu.memory_space<vmem_shared>>
      tpu.wait_dma2 semaphore(%arg16 : memref<!tpu.dma_semaphore, #tpu.memory_space<semaphore_mem>>) src(%dma_wait3A_440 : memref<128x48xf32, #tpu.memory_space<vmem_shared>>) dst(%arg12 : memref<128x48xf32, #tpu.memory_space<vmem>>)
      %add3A_441 = arith.constant 1 : i32
      %add3A_442 = arith.addi %mul3A_412, %add3A_441 : i32
      %dma_start3A_443 = arith.constant 0 : i32
      %dma_start3A_444 = tpu.memref_slice %arg9[%add3A_442, %dma_start3A_443] : memref<164x128xi32, #tpu.memory_space<vmem>> -> memref<1x128xi32, #tpu.memory_space<vmem>>
      %dma_start3A_445 = tpu.memref_squeeze %dma_start3A_444 : memref<1x128xi32, #tpu.memory_space<vmem>> -> memref<128xi32, #tpu.memory_space<vmem>>
      %dma_start3A_446 = arith.constant 0 : i32
      %dma_start3A_447 = arith.constant 0 : i32
      %dma_start3A_448 = tpu.memref_slice %arg14[%dma_start3A_446, %dma_start3A_447] : memref<10240x48xf32, #tpu.memory_space<vmem_shared>> -> memref<10240x48xf32, #tpu.memory_space<vmem_shared>>
      tpu.enqueue_indirect_dma source(%arg12 : memref<128x48xf32, #tpu.memory_space<vmem>>) target(%dma_start3A_448 : memref<10240x48xf32, #tpu.memory_space<vmem_shared>>) offsets(%dma_start3A_445 : memref<128xi32, #tpu.memory_space<vmem>>) semaphore(%arg18 : memref<!tpu.dma_semaphore, #tpu.memory_space<semaphore_mem>>) {add = true}
      %dma_wait3A_449 = arith.constant 0 : i32
      %dma_wait3A_450 = arith.constant 0 : i32
      %dma_wait3A_451 = tpu.memref_slice %arg13[%dma_wait3A_449, %dma_wait3A_450] : memref<10240x48xf32, #tpu.memory_space<vmem_shared>> -> memref<128x48xf32, #tpu.memory_space<vmem_shared>>
      %dma_wait3A_452 = arith.constant 0 : i32
      %dma_wait3A_453 = arith.constant 0 : i32
      %dma_wait3A_454 = tpu.memref_slice %arg13[%dma_wait3A_452, %dma_wait3A_453] : memref<10240x48xf32, #tpu.memory_space<vmem_shared>> -> memref<128x48xf32, #tpu.memory_space<vmem_shared>>
      tpu.wait_dma2 semaphore(%arg17 : memref<!tpu.dma_semaphore, #tpu.memory_space<semaphore_mem>>) src(%arg11 : memref<128x48xf32, #tpu.memory_space<vmem>>) dst(%dma_wait3A_454 : memref<128x48xf32, #tpu.memory_space<vmem_shared>>)
      %add3A_455 = arith.constant 2 : i32
      %add3A_456 = arith.addi %mul3A_412, %add3A_455 : i32
      %dma_start3A_457 = arith.constant 0 : i32
      %dma_start3A_458 = tpu.memref_slice %arg8[%add3A_456, %dma_start3A_457] : memref<168x128xi32, #tpu.memory_space<vmem>> -> memref<1x128xi32, #tpu.memory_space<vmem>>
      %dma_start3A_459 = tpu.memref_squeeze %dma_start3A_458 : memref<1x128xi32, #tpu.memory_space<vmem>> -> memref<128xi32, #tpu.memory_space<vmem>>
      %dma_start3A_460 = arith.constant 0 : i32
      %dma_start3A_461 = arith.constant 0 : i32
      %dma_start3A_462 = tpu.memref_slice %arg13[%dma_start3A_460, %dma_start3A_461] : memref<10240x48xf32, #tpu.memory_space<vmem_shared>> -> memref<10240x48xf32, #tpu.memory_space<vmem_shared>>
      tpu.enqueue_indirect_dma source(%dma_start3A_462 : memref<10240x48xf32, #tpu.memory_space<vmem_shared>>) target(%arg11 : memref<128x48xf32, #tpu.memory_space<vmem>>) offsets(%dma_start3A_459 : memref<128xi32, #tpu.memory_space<vmem>>) semaphore(%arg15 : memref<!tpu.dma_semaphore, #tpu.memory_space<semaphore_mem>>)
    }
    %scan3A_20 = arith.constant 82 : i32
    %dma_wait3A = arith.constant 0 : i32
    %dma_wait3A_21 = arith.constant 0 : i32
    %dma_wait3A_22 = tpu.memref_slice %arg13[%dma_wait3A, %dma_wait3A_21] : memref<10240x48xf32, #tpu.memory_space<vmem_shared>> -> memref<128x48xf32, #tpu.memory_space<vmem_shared>>
    %dma_wait3A_23 = arith.constant 0 : i32
    %dma_wait3A_24 = arith.constant 0 : i32
    %dma_wait3A_25 = tpu.memref_slice %arg13[%dma_wait3A_23, %dma_wait3A_24] : memref<10240x48xf32, #tpu.memory_space<vmem_shared>> -> memref<128x48xf32, #tpu.memory_space<vmem_shared>>
    tpu.wait_dma2 semaphore(%arg15 : memref<!tpu.dma_semaphore, #tpu.memory_space<semaphore_mem>>) src(%dma_wait3A_25 : memref<128x48xf32, #tpu.memory_space<vmem_shared>>) dst(%arg11 : memref<128x48xf32, #tpu.memory_space<vmem>>)
    %dma_wait3A_26 = arith.constant 0 : i32
    %dma_wait3A_27 = arith.constant 0 : i32
    %dma_wait3A_28 = tpu.memref_slice %arg13[%dma_wait3A_26, %dma_wait3A_27] : memref<10240x48xf32, #tpu.memory_space<vmem_shared>> -> memref<128x48xf32, #tpu.memory_space<vmem_shared>>
    %dma_wait3A_29 = arith.constant 0 : i32
    %dma_wait3A_30 = arith.constant 0 : i32
    %dma_wait3A_31 = tpu.memref_slice %arg13[%dma_wait3A_29, %dma_wait3A_30] : memref<10240x48xf32, #tpu.memory_space<vmem_shared>> -> memref<128x48xf32, #tpu.memory_space<vmem_shared>>
    tpu.wait_dma2 semaphore(%arg18 : memref<!tpu.dma_semaphore, #tpu.memory_space<semaphore_mem>>) src(%arg12 : memref<128x48xf32, #tpu.memory_space<vmem>>) dst(%dma_wait3A_31 : memref<128x48xf32, #tpu.memory_space<vmem_shared>>)
    %barrier3A_32 = arith.constant 0 : index
    tpu.barrier barrier_id(%barrier3A_32)
    %scan3A_33 = arith.constant 0 : i32
    %scan3A_34 = arith.constant 5 : i32
    %scan3A_35 = arith.addi %scan3A_33, %scan3A_34 : i32
    %scan3A_36 = arith.constant 1 : i32
    scf.for %scan3A_407 = %scan3A_33 to %scan3A_35 step %scan3A_36  : i32 {
      %mul3A_408 = arith.constant 1 : i32
      %mul3A_409 = arith.muli %scan3A_407, %mul3A_408 : i32
      %add3A = arith.constant 0 : i32
      %add3A_410 = arith.addi %add3A, %mul3A_409 : i32
      %mul3A_411 = arith.constant 128 : i32
      %mul3A_412 = arith.muli %add3A_410, %mul3A_411 : i32
      %add3A_413 = arith.addi %mul3A_0, %mul3A_412 : i32
      %dma_start3A_414 = arith.constant 0 : i32
      %dma_start3A_415 = tpu.memref_slice %arg14[%add3A_413, %dma_start3A_414] : memref<10240x48xf32, #tpu.memory_space<vmem_shared>> -> memref<128x48xf32, #tpu.memory_space<vmem_shared>>
      %dma_start3A_416 = arith.constant 0 : i32
      %dma_start3A_417 = tpu.memref_slice %arg14[%add3A_413, %dma_start3A_416] : memref<10240x48xf32, #tpu.memory_space<vmem_shared>> -> memref<128x48xf32, #tpu.memory_space<vmem_shared>>
      tpu.enqueue_dma source(%dma_start3A_417 : memref<128x48xf32, #tpu.memory_space<vmem_shared>>) target(%arg11 : memref<128x48xf32, #tpu.memory_space<vmem>>) target_semaphore(%arg15 : memref<!tpu.dma_semaphore, #tpu.memory_space<semaphore_mem>>)
      %dma_start3A_418 = arith.constant 0 : i32
      %dma_start3A_419 = tpu.memref_slice %arg6[%add3A_413, %dma_start3A_418] : memref<10240x48xf32, #tpu.memory_space<hbm>> -> memref<128x48xf32, #tpu.memory_space<hbm>>
      %dma_start3A_420 = arith.constant 0 : i32
      %dma_start3A_421 = tpu.memref_slice %arg6[%add3A_413, %dma_start3A_420] : memref<10240x48xf32, #tpu.memory_space<hbm>> -> memref<128x48xf32, #tpu.memory_space<hbm>>
      tpu.enqueue_dma source(%dma_start3A_421 : memref<128x48xf32, #tpu.memory_space<hbm>>) target(%arg12 : memref<128x48xf32, #tpu.memory_space<vmem>>) target_semaphore(%arg16 : memref<!tpu.dma_semaphore, #tpu.memory_space<semaphore_mem>>)
      %dma_wait3A_422 = arith.constant 0 : i32
      %dma_wait3A_423 = tpu.memref_slice %arg14[%add3A_413, %dma_wait3A_422] : memref<10240x48xf32, #tpu.memory_space<vmem_shared>> -> memref<128x48xf32, #tpu.memory_space<vmem_shared>>
      %dma_wait3A_424 = arith.constant 0 : i32
      %dma_wait3A_425 = tpu.memref_slice %arg14[%add3A_413, %dma_wait3A_424] : memref<10240x48xf32, #tpu.memory_space<vmem_shared>> -> memref<128x48xf32, #tpu.memory_space<vmem_shared>>
      tpu.wait_dma2 semaphore(%arg15 : memref<!tpu.dma_semaphore, #tpu.memory_space<semaphore_mem>>) src(%dma_wait3A_425 : memref<128x48xf32, #tpu.memory_space<vmem_shared>>) dst(%arg11 : memref<128x48xf32, #tpu.memory_space<vmem>>)
      %dma_wait3A_426 = arith.constant 0 : i32
      %dma_wait3A_427 = tpu.memref_slice %arg6[%add3A_413, %dma_wait3A_426] : memref<10240x48xf32, #tpu.memory_space<hbm>> -> memref<128x48xf32, #tpu.memory_space<hbm>>
      %dma_wait3A_428 = arith.constant 0 : i32
      %dma_wait3A_429 = tpu.memref_slice %arg6[%add3A_413, %dma_wait3A_428] : memref<10240x48xf32, #tpu.memory_space<hbm>> -> memref<128x48xf32, #tpu.memory_space<hbm>>
      tpu.wait_dma2 semaphore(%arg16 : memref<!tpu.dma_semaphore, #tpu.memory_space<semaphore_mem>>) src(%dma_wait3A_429 : memref<128x48xf32, #tpu.memory_space<hbm>>) dst(%arg12 : memref<128x48xf32, #tpu.memory_space<vmem>>)
      %scan3A_430 = arith.constant 0 : i32
      %scan3A_431 = arith.constant 128 : i32
      %scan3A_432 = arith.addi %scan3A_430, %scan3A_431 : i32
      %scan3A_433 = arith.constant 1 : i32
      scf.for %scan3A_435 = %scan3A_430 to %scan3A_432 step %scan3A_433  : i32 {
        %mul3A_436 = arith.constant 1 : i32
        %mul3A_437 = arith.muli %scan3A_435, %mul3A_436 : i32
        %add3A_438 = arith.constant 0 : i32
        %add3A_439 = arith.addi %add3A_438, %mul3A_437 : i32
        %mul3A_440 = arith.constant 128 : i32
        %mul3A_441 = arith.muli %add3A_410, %mul3A_440 : i32
        %add3A_442 = arith.addi %mul3A_441, %add3A_439 : i32
        %broadcast_in_dim3A = vector.broadcast %add3A_442 : i32 to vector<16xi32>
        %gather3A = tpu.vector_load_idx %arg10[%broadcast_in_dim3A] : memref<640xf32, #tpu.memory_space<vmem>>[vector<16xi32>], vector<16xf32>,
        %get3A = arith.index_cast %add3A_439 : i32 to index
        %get3A_443 = arith.constant 0 : index
        %get3A_444 = tpu.vector_load %arg11[%get3A, %get3A_443] {strides = array<i32>} : memref<128x48xf32, #tpu.memory_space<vmem>>, vector<16xf32>,
        %mul3A_445 = arith.mulf %gather3A, %get3A_444 : vector<16xf32>
        %get3A_446 = arith.index_cast %add3A_439 : i32 to index
        %get3A_447 = arith.constant 0 : index
        %get3A_448 = tpu.vector_load %arg12[%get3A_446, %get3A_447] {strides = array<i32>} : memref<128x48xf32, #tpu.memory_space<vmem>>, vector<16xf32>,
        %add3A_449 = arith.addf %mul3A_445, %get3A_448 : vector<16xf32>
        %swap3A = arith.index_cast %add3A_439 : i32 to index
        %swap3A_450 = arith.constant 0 : index
        %swap3A_451 = tpu.vector_load %arg11[%swap3A, %swap3A_450] {strides = array<i32>} : memref<128x48xf32, #tpu.memory_space<vmem>>, vector<16xf32>,
        tpu.vector_store %arg11[%swap3A, %swap3A_450], %add3A_449 {strides = array<i32>} : memref<128x48xf32, #tpu.memory_space<vmem>>, vector<16xf32>,
        %get3A_452 = arith.index_cast %add3A_439 : i32 to index
        %get3A_453 = arith.constant 16 : index
        %get3A_454 = tpu.vector_load %arg11[%get3A_452, %get3A_453] {strides = array<i32>} : memref<128x48xf32, #tpu.memory_space<vmem>>, vector<16xf32>,
        %mul3A_455 = arith.mulf %gather3A, %get3A_454 : vector<16xf32>
        %get3A_456 = arith.index_cast %add3A_439 : i32 to index
        %get3A_457 = arith.constant 16 : index
        %get3A_458 = tpu.vector_load %arg12[%get3A_456, %get3A_457] {strides = array<i32>} : memref<128x48xf32, #tpu.memory_space<vmem>>, vector<16xf32>,
        %add3A_459 = arith.addf %mul3A_455, %get3A_458 : vector<16xf32>
        %swap3A_460 = arith.index_cast %add3A_439 : i32 to index
        %swap3A_461 = arith.constant 16 : index
        %swap3A_462 = tpu.vector_load %arg11[%swap3A_460, %swap3A_461] {strides = array<i32>} : memref<128x48xf32, #tpu.memory_space<vmem>>, vector<16xf32>,
        tpu.vector_store %arg11[%swap3A_460, %swap3A_461], %add3A_459 {strides = array<i32>} : memref<128x48xf32, #tpu.memory_space<vmem>>, vector<16xf32>,
        %get3A_463 = arith.index_cast %add3A_439 : i32 to index
        %get3A_464 = arith.constant 32 : index
        %get3A_465 = tpu.vector_load %arg11[%get3A_463, %get3A_464] {strides = array<i32>} : memref<128x48xf32, #tpu.memory_space<vmem>>, vector<16xf32>,
        %mul3A_466 = arith.mulf %gather3A, %get3A_465 : vector<16xf32>
        %get3A_467 = arith.index_cast %add3A_439 : i32 to index
        %get3A_468 = arith.constant 32 : index
        %get3A_469 = tpu.vector_load %arg12[%get3A_467, %get3A_468] {strides = array<i32>} : memref<128x48xf32, #tpu.memory_space<vmem>>, vector<16xf32>,
        %add3A_470 = arith.addf %mul3A_466, %get3A_469 : vector<16xf32>
        %swap3A_471 = arith.index_cast %add3A_439 : i32 to index
        %swap3A_472 = arith.constant 32 : index
        %swap3A_473 = tpu.vector_load %arg11[%swap3A_471, %swap3A_472] {strides = array<i32>} : memref<128x48xf32, #tpu.memory_space<vmem>>, vector<16xf32>,
        tpu.vector_store %arg11[%swap3A_471, %swap3A_472], %add3A_470 {strides = array<i32>} : memref<128x48xf32, #tpu.memory_space<vmem>>, vector<16xf32>,
      }
      %scan3A_434 = arith.constant 128 : i32
      "tpu.region"() ({
        %run_scoped3A = tpu.sem_alloc : memref<!tpu.dma_semaphore, #tpu.memory_space<semaphore_mem>>
        %dma_start3A_435 = arith.constant 0 : i32
        %dma_start3A_436 = tpu.memref_slice %arg14[%add3A_413, %dma_start3A_435] : memref<10240x48xf32, #tpu.memory_space<vmem_shared>> -> memref<128x48xf32, #tpu.memory_space<vmem_shared>>
        %dma_start3A_437 = arith.constant 0 : i32
        %dma_start3A_438 = tpu.memref_slice %arg14[%add3A_413, %dma_start3A_437] : memref<10240x48xf32, #tpu.memory_space<vmem_shared>> -> memref<128x48xf32, #tpu.memory_space<vmem_shared>>
        tpu.enqueue_dma source(%arg11 : memref<128x48xf32, #tpu.memory_space<vmem>>) target(%dma_start3A_438 : memref<128x48xf32, #tpu.memory_space<vmem_shared>>) target_semaphore(%run_scoped3A : memref<!tpu.dma_semaphore, #tpu.memory_space<semaphore_mem>>)
        %dma_wait3A_439 = arith.constant 0 : i32
        %dma_wait3A_440 = tpu.memref_slice %arg14[%add3A_413, %dma_wait3A_439] : memref<10240x48xf32, #tpu.memory_space<vmem_shared>> -> memref<128x48xf32, #tpu.memory_space<vmem_shared>>
        %dma_wait3A_441 = arith.constant 0 : i32
        %dma_wait3A_442 = tpu.memref_slice %arg14[%add3A_413, %dma_wait3A_441] : memref<10240x48xf32, #tpu.memory_space<vmem_shared>> -> memref<128x48xf32, #tpu.memory_space<vmem_shared>>
        tpu.wait_dma2 semaphore(%run_scoped3A : memref<!tpu.dma_semaphore, #tpu.memory_space<semaphore_mem>>) src(%arg11 : memref<128x48xf32, #tpu.memory_space<vmem>>) dst(%dma_wait3A_442 : memref<128x48xf32, #tpu.memory_space<vmem_shared>>)
        tpu.yield
      }) : () -> ()
    }
    %scan3A_37 = arith.constant 5 : i32
    %scan3A_38 = arith.constant 0 : i32
    %scan3A_39 = arith.constant 128 : i32
    %scan3A_40 = arith.addi %scan3A_38, %scan3A_39 : i32
    %scan3A_41 = arith.constant 1 : i32
    scf.for %scan3A_407 = %scan3A_38 to %scan3A_40 step %scan3A_41  : i32 {
      %mul3A_408 = arith.constant 1 : i32
      %mul3A_409 = arith.muli %scan3A_407, %mul3A_408 : i32
      %add3A = arith.constant 0 : i32
      %add3A_410 = arith.addi %add3A, %mul3A_409 : i32
      %broadcast_in_dim3A = arith.constant 0.000000e+00 : f32
      %broadcast_in_dim3A_411 = vector.broadcast %broadcast_in_dim3A : f32 to vector<16xf32>
      %swap3A = arith.index_cast %add3A_410 : i32 to index
      %swap3A_412 = arith.constant 0 : index
      %swap3A_413 = tpu.vector_load %arg11[%swap3A, %swap3A_412] {strides = array<i32>} : memref<128x48xf32, #tpu.memory_space<vmem>>, vector<16xf32>,
      tpu.vector_store %arg11[%swap3A, %swap3A_412], %broadcast_in_dim3A_411 {strides = array<i32>} : memref<128x48xf32, #tpu.memory_space<vmem>>, vector<16xf32>,
      %broadcast_in_dim3A_414 = arith.constant 0.000000e+00 : f32
      %broadcast_in_dim3A_415 = vector.broadcast %broadcast_in_dim3A_414 : f32 to vector<16xf32>
      %swap3A_416 = arith.index_cast %add3A_410 : i32 to index
      %swap3A_417 = arith.constant 16 : index
      %swap3A_418 = tpu.vector_load %arg11[%swap3A_416, %swap3A_417] {strides = array<i32>} : memref<128x48xf32, #tpu.memory_space<vmem>>, vector<16xf32>,
      tpu.vector_store %arg11[%swap3A_416, %swap3A_417], %broadcast_in_dim3A_415 {strides = array<i32>} : memref<128x48xf32, #tpu.memory_space<vmem>>, vector<16xf32>,
      %broadcast_in_dim3A_419 = arith.constant 0.000000e+00 : f32
      %broadcast_in_dim3A_420 = vector.broadcast %broadcast_in_dim3A_419 : f32 to vector<16xf32>
      %swap3A_421 = arith.index_cast %add3A_410 : i32 to index
      %swap3A_422 = arith.constant 32 : index
      %swap3A_423 = tpu.vector_load %arg11[%swap3A_421, %swap3A_422] {strides = array<i32>} : memref<128x48xf32, #tpu.memory_space<vmem>>, vector<16xf32>,
      tpu.vector_store %arg11[%swap3A_421, %swap3A_422], %broadcast_in_dim3A_420 {strides = array<i32>} : memref<128x48xf32, #tpu.memory_space<vmem>>, vector<16xf32>,
    }
    %scan3A_42 = arith.constant 128 : i32
    %scan3A_43 = arith.constant 0 : i32
    %scan3A_44 = arith.constant 5 : i32
    %scan3A_45 = arith.addi %scan3A_43, %scan3A_44 : i32
    %scan3A_46 = arith.constant 1 : i32
    scf.for %scan3A_407 = %scan3A_43 to %scan3A_45 step %scan3A_46  : i32 {
      %mul3A_408 = arith.constant 1 : i32
      %mul3A_409 = arith.muli %scan3A_407, %mul3A_408 : i32
      %add3A = arith.constant 0 : i32
      %add3A_410 = arith.addi %add3A, %mul3A_409 : i32
      %mul3A_411 = arith.constant 128 : i32
      %mul3A_412 = arith.muli %add3A_410, %mul3A_411 : i32
      %add3A_413 = arith.addi %mul3A_0, %mul3A_412 : i32
      "tpu.region"() ({
        %run_scoped3A = tpu.sem_alloc : memref<!tpu.dma_semaphore, #tpu.memory_space<semaphore_mem>>
        %dma_start3A_414 = arith.constant 0 : i32
        %dma_start3A_415 = tpu.memref_slice %arg13[%add3A_413, %dma_start3A_414] : memref<10240x48xf32, #tpu.memory_space<vmem_shared>> -> memref<128x48xf32, #tpu.memory_space<vmem_shared>>
        %dma_start3A_416 = arith.constant 0 : i32
        %dma_start3A_417 = tpu.memref_slice %arg13[%add3A_413, %dma_start3A_416] : memref<10240x48xf32, #tpu.memory_space<vmem_shared>> -> memref<128x48xf32, #tpu.memory_space<vmem_shared>>
        tpu.enqueue_dma source(%arg11 : memref<128x48xf32, #tpu.memory_space<vmem>>) target(%dma_start3A_417 : memref<128x48xf32, #tpu.memory_space<vmem_shared>>) target_semaphore(%run_scoped3A : memref<!tpu.dma_semaphore, #tpu.memory_space<semaphore_mem>>)
        %dma_wait3A_418 = arith.constant 0 : i32
        %dma_wait3A_419 = tpu.memref_slice %arg13[%add3A_413, %dma_wait3A_418] : memref<10240x48xf32, #tpu.memory_space<vmem_shared>> -> memref<128x48xf32, #tpu.memory_space<vmem_shared>>
        %dma_wait3A_420 = arith.constant 0 : i32
        %dma_wait3A_421 = tpu.memref_slice %arg13[%add3A_413, %dma_wait3A_420] : memref<10240x48xf32, #tpu.memory_space<vmem_shared>> -> memref<128x48xf32, #tpu.memory_space<vmem_shared>>
        tpu.wait_dma2 semaphore(%run_scoped3A : memref<!tpu.dma_semaphore, #tpu.memory_space<semaphore_mem>>) src(%arg11 : memref<128x48xf32, #tpu.memory_space<vmem>>) dst(%dma_wait3A_421 : memref<128x48xf32, #tpu.memory_space<vmem_shared>>)
        tpu.yield
      }) : () -> ()
    }
    %scan3A_47 = arith.constant 5 : i32
    %barrier3A_48 = arith.constant 0 : index
    tpu.barrier barrier_id(%barrier3A_48)
    %dma_start3A_49 = arith.constant 0 : i32
    %dma_start3A_50 = arith.constant 0 : i32
    %dma_start3A_51 = tpu.memref_slice %arg8[%dma_start3A_49, %dma_start3A_50] : memref<168x128xi32, #tpu.memory_space<vmem>> -> memref<1x128xi32, #tpu.memory_space<vmem>>
    %dma_start3A_52 = tpu.memref_squeeze %dma_start3A_51 : memref<1x128xi32, #tpu.memory_space<vmem>> -> memref<128xi32, #tpu.memory_space<vmem>>
    %dma_start3A_53 = arith.constant 0 : i32
    %dma_start3A_54 = arith.constant 0 : i32
    %dma_start3A_55 = tpu.memref_slice %arg14[%dma_start3A_53, %dma_start3A_54] : memref<10240x48xf32, #tpu.memory_space<vmem_shared>> -> memref<10240x48xf32, #tpu.memory_space<vmem_shared>>
    tpu.enqueue_indirect_dma source(%dma_start3A_55 : memref<10240x48xf32, #tpu.memory_space<vmem_shared>>) target(%arg11 : memref<128x48xf32, #tpu.memory_space<vmem>>) offsets(%dma_start3A_52 : memref<128xi32, #tpu.memory_space<vmem>>) semaphore(%arg15 : memref<!tpu.dma_semaphore, #tpu.memory_space<semaphore_mem>>)
    %scan3A_56 = arith.constant 0 : i32
    %scan3A_57 = arith.constant 82 : i32
    %scan3A_58 = arith.addi %scan3A_56, %scan3A_57 : i32
    %scan3A_59 = arith.constant 1 : i32
    scf.for %scan3A_407 = %scan3A_56 to %scan3A_58 step %scan3A_59  : i32 {
      %mul3A_408 = arith.constant 1 : i32
      %mul3A_409 = arith.muli %scan3A_407, %mul3A_408 : i32
      %add3A = arith.constant 0 : i32
      %add3A_410 = arith.addi %add3A, %mul3A_409 : i32
      %mul3A_411 = arith.constant 2 : i32
      %mul3A_412 = arith.muli %mul3A_411, %add3A_410 : i32
      %dma_wait3A_413 = arith.constant 0 : i32
      %dma_wait3A_414 = arith.constant 0 : i32
      %dma_wait3A_415 = tpu.memref_slice %arg13[%dma_wait3A_413, %dma_wait3A_414] : memref<10240x48xf32, #tpu.memory_space<vmem_shared>> -> memref<128x48xf32, #tpu.memory_space<vmem_shared>>
      %dma_wait3A_416 = arith.constant 0 : i32
      %dma_wait3A_417 = arith.constant 0 : i32
      %dma_wait3A_418 = tpu.memref_slice %arg13[%dma_wait3A_416, %dma_wait3A_417] : memref<10240x48xf32, #tpu.memory_space<vmem_shared>> -> memref<128x48xf32, #tpu.memory_space<vmem_shared>>
      tpu.wait_dma2 semaphore(%arg15 : memref<!tpu.dma_semaphore, #tpu.memory_space<semaphore_mem>>) src(%dma_wait3A_418 : memref<128x48xf32, #tpu.memory_space<vmem_shared>>) dst(%arg11 : memref<128x48xf32, #tpu.memory_space<vmem>>)
      %dma_start3A_419 = arith.constant 0 : i32
      %dma_start3A_420 = tpu.memref_slice %arg9[%mul3A_412, %dma_start3A_419] : memref<164x128xi32, #tpu.memory_space<vmem>> -> memref<1x128xi32, #tpu.memory_space<vmem>>
      %dma_start3A_421 = tpu.memref_squeeze %dma_start3A_420 : memref<1x128xi32, #tpu.memory_space<vmem>> -> memref<128xi32, #tpu.memory_space<vmem>>
      %dma_start3A_422 = arith.constant 0 : i32
      %dma_start3A_423 = arith.constant 0 : i32
      %dma_start3A_424 = tpu.memref_slice %arg13[%dma_start3A_422, %dma_start3A_423] : memref<10240x48xf32, #tpu.memory_space<vmem_shared>> -> memref<10240x48xf32, #tpu.memory_space<vmem_shared>>
      tpu.enqueue_indirect_dma source(%arg11 : memref<128x48xf32, #tpu.memory_space<vmem>>) target(%dma_start3A_424 : memref<10240x48xf32, #tpu.memory_space<vmem_shared>>) offsets(%dma_start3A_421 : memref<128xi32, #tpu.memory_space<vmem>>) semaphore(%arg17 : memref<!tpu.dma_semaphore, #tpu.memory_space<semaphore_mem>>) {add = true}
      %gt3A = arith.constant 0 : i32
      %gt3A_425 = arith.cmpi sgt, %add3A_410, %gt3A : i32
      %convert_element_type3A = arith.extui %gt3A_425 : i1 to i32
      %cond3A = arith.constant 0 : i32
      %cond3A_426 = arith.cmpi ne, %convert_element_type3A, %cond3A : i32
      scf.if %cond3A_426 {
        %dma_wait3A_463 = arith.constant 0 : i32
        %dma_wait3A_464 = arith.constant 0 : i32
        %dma_wait3A_465 = tpu.memref_slice %arg13[%dma_wait3A_463, %dma_wait3A_464] : memref<10240x48xf32, #tpu.memory_space<vmem_shared>> -> memref<128x48xf32, #tpu.memory_space<vmem_shared>>
        %dma_wait3A_466 = arith.constant 0 : i32
        %dma_wait3A_467 = arith.constant 0 : i32
        %dma_wait3A_468 = tpu.memref_slice %arg13[%dma_wait3A_466, %dma_wait3A_467] : memref<10240x48xf32, #tpu.memory_space<vmem_shared>> -> memref<128x48xf32, #tpu.memory_space<vmem_shared>>
        tpu.wait_dma2 semaphore(%arg18 : memref<!tpu.dma_semaphore, #tpu.memory_space<semaphore_mem>>) src(%arg12 : memref<128x48xf32, #tpu.memory_space<vmem>>) dst(%dma_wait3A_468 : memref<128x48xf32, #tpu.memory_space<vmem_shared>>)
      } else {
      }
      %add3A_427 = arith.constant 1 : i32
      %add3A_428 = arith.addi %mul3A_412, %add3A_427 : i32
      %dma_start3A_429 = arith.constant 0 : i32
      %dma_start3A_430 = tpu.memref_slice %arg8[%add3A_428, %dma_start3A_429] : memref<168x128xi32, #tpu.memory_space<vmem>> -> memref<1x128xi32, #tpu.memory_space<vmem>>
      %dma_start3A_431 = tpu.memref_squeeze %dma_start3A_430 : memref<1x128xi32, #tpu.memory_space<vmem>> -> memref<128xi32, #tpu.memory_space<vmem>>
      %dma_start3A_432 = arith.constant 0 : i32
      %dma_start3A_433 = arith.constant 0 : i32
      %dma_start3A_434 = tpu.memref_slice %arg14[%dma_start3A_432, %dma_start3A_433] : memref<10240x48xf32, #tpu.memory_space<vmem_shared>> -> memref<10240x48xf32, #tpu.memory_space<vmem_shared>>
      tpu.enqueue_indirect_dma source(%dma_start3A_434 : memref<10240x48xf32, #tpu.memory_space<vmem_shared>>) target(%arg12 : memref<128x48xf32, #tpu.memory_space<vmem>>) offsets(%dma_start3A_431 : memref<128xi32, #tpu.memory_space<vmem>>) semaphore(%arg16 : memref<!tpu.dma_semaphore, #tpu.memory_space<semaphore_mem>>)
      %dma_wait3A_435 = arith.constant 0 : i32
      %dma_wait3A_436 = arith.constant 0 : i32
      %dma_wait3A_437 = tpu.memref_slice %arg13[%dma_wait3A_435, %dma_wait3A_436] : memref<10240x48xf32, #tpu.memory_space<vmem_shared>> -> memref<128x48xf32, #tpu.memory_space<vmem_shared>>
      %dma_wait3A_438 = arith.constant 0 : i32
      %dma_wait3A_439 = arith.constant 0 : i32
      %dma_wait3A_440 = tpu.memref_slice %arg13[%dma_wait3A_438, %dma_wait3A_439] : memref<10240x48xf32, #tpu.memory_space<vmem_shared>> -> memref<128x48xf32, #tpu.memory_space<vmem_shared>>
      tpu.wait_dma2 semaphore(%arg16 : memref<!tpu.dma_semaphore, #tpu.memory_space<semaphore_mem>>) src(%dma_wait3A_440 : memref<128x48xf32, #tpu.memory_space<vmem_shared>>) dst(%arg12 : memref<128x48xf32, #tpu.memory_space<vmem>>)
      %add3A_441 = arith.constant 1 : i32
      %add3A_442 = arith.addi %mul3A_412, %add3A_441 : i32
      %dma_start3A_443 = arith.constant 0 : i32
      %dma_start3A_444 = tpu.memref_slice %arg9[%add3A_442, %dma_start3A_443] : memref<164x128xi32, #tpu.memory_space<vmem>> -> memref<1x128xi32, #tpu.memory_space<vmem>>
      %dma_start3A_445 = tpu.memref_squeeze %dma_start3A_444 : memref<1x128xi32, #tpu.memory_space<vmem>> -> memref<128xi32, #tpu.memory_space<vmem>>
      %dma_start3A_446 = arith.constant 0 : i32
      %dma_start3A_447 = arith.constant 0 : i32
      %dma_start3A_448 = tpu.memref_slice %arg13[%dma_start3A_446, %dma_start3A_447] : memref<10240x48xf32, #tpu.memory_space<vmem_shared>> -> memref<10240x48xf32, #tpu.memory_space<vmem_shared>>
      tpu.enqueue_indirect_dma source(%arg12 : memref<128x48xf32, #tpu.memory_space<vmem>>) target(%dma_start3A_448 : memref<10240x48xf32, #tpu.memory_space<vmem_shared>>) offsets(%dma_start3A_445 : memref<128xi32, #tpu.memory_space<vmem>>) semaphore(%arg18 : memref<!tpu.dma_semaphore, #tpu.memory_space<semaphore_mem>>) {add = true}
      %dma_wait3A_449 = arith.constant 0 : i32
      %dma_wait3A_450 = arith.constant 0 : i32
      %dma_wait3A_451 = tpu.memref_slice %arg13[%dma_wait3A_449, %dma_wait3A_450] : memref<10240x48xf32, #tpu.memory_space<vmem_shared>> -> memref<128x48xf32, #tpu.memory_space<vmem_shared>>
      %dma_wait3A_452 = arith.constant 0 : i32
      %dma_wait3A_453 = arith.constant 0 : i32
      %dma_wait3A_454 = tpu.memref_slice %arg13[%dma_wait3A_452, %dma_wait3A_453] : memref<10240x48xf32, #tpu.memory_space<vmem_shared>> -> memref<128x48xf32, #tpu.memory_space<vmem_shared>>
      tpu.wait_dma2 semaphore(%arg17 : memref<!tpu.dma_semaphore, #tpu.memory_space<semaphore_mem>>) src(%arg11 : memref<128x48xf32, #tpu.memory_space<vmem>>) dst(%dma_wait3A_454 : memref<128x48xf32, #tpu.memory_space<vmem_shared>>)
      %add3A_455 = arith.constant 2 : i32
      %add3A_456 = arith.addi %mul3A_412, %add3A_455 : i32
      %dma_start3A_457 = arith.constant 0 : i32
      %dma_start3A_458 = tpu.memref_slice %arg8[%add3A_456, %dma_start3A_457] : memref<168x128xi32, #tpu.memory_space<vmem>> -> memref<1x128xi32, #tpu.memory_space<vmem>>
      %dma_start3A_459 = tpu.memref_squeeze %dma_start3A_458 : memref<1x128xi32, #tpu.memory_space<vmem>> -> memref<128xi32, #tpu.memory_space<vmem>>
      %dma_start3A_460 = arith.constant 0 : i32
      %dma_start3A_461 = arith.constant 0 : i32
      %dma_start3A_462 = tpu.memref_slice %arg14[%dma_start3A_460, %dma_start3A_461] : memref<10240x48xf32, #tpu.memory_space<vmem_shared>> -> memref<10240x48xf32, #tpu.memory_space<vmem_shared>>
      tpu.enqueue_indirect_dma source(%dma_start3A_462 : memref<10240x48xf32, #tpu.memory_space<vmem_shared>>) target(%arg11 : memref<128x48xf32, #tpu.memory_space<vmem>>) offsets(%dma_start3A_459 : memref<128xi32, #tpu.memory_space<vmem>>) semaphore(%arg15 : memref<!tpu.dma_semaphore, #tpu.memory_space<semaphore_mem>>)
    }
    %scan3A_60 = arith.constant 82 : i32
    %dma_wait3A_61 = arith.constant 0 : i32
    %dma_wait3A_62 = arith.constant 0 : i32
    %dma_wait3A_63 = tpu.memref_slice %arg13[%dma_wait3A_61, %dma_wait3A_62] : memref<10240x48xf32, #tpu.memory_space<vmem_shared>> -> memref<128x48xf32, #tpu.memory_space<vmem_shared>>
    %dma_wait3A_64 = arith.constant 0 : i32
    %dma_wait3A_65 = arith.constant 0 : i32
    %dma_wait3A_66 = tpu.memref_slice %arg13[%dma_wait3A_64, %dma_wait3A_65] : memref<10240x48xf32, #tpu.memory_space<vmem_shared>> -> memref<128x48xf32, #tpu.memory_space<vmem_shared>>
    tpu.wait_dma2 semaphore(%arg15 : memref<!tpu.dma_semaphore, #tpu.memory_space<semaphore_mem>>) src(%dma_wait3A_66 : memref<128x48xf32, #tpu.memory_space<vmem_shared>>) dst(%arg11 : memref<128x48xf32, #tpu.memory_space<vmem>>)
    %dma_wait3A_67 = arith.constant 0 : i32
    %dma_wait3A_68 = arith.constant 0 : i32
    %dma_wait3A_69 = tpu.memref_slice %arg13[%dma_wait3A_67, %dma_wait3A_68] : memref<10240x48xf32, #tpu.memory_space<vmem_shared>> -> memref<128x48xf32, #tpu.memory_space<vmem_shared>>
    %dma_wait3A_70 = arith.constant 0 : i32
    %dma_wait3A_71 = arith.constant 0 : i32
    %dma_wait3A_72 = tpu.memref_slice %arg13[%dma_wait3A_70, %dma_wait3A_71] : memref<10240x48xf32, #tpu.memory_space<vmem_shared>> -> memref<128x48xf32, #tpu.memory_space<vmem_shared>>
    tpu.wait_dma2 semaphore(%arg18 : memref<!tpu.dma_semaphore, #tpu.memory_space<semaphore_mem>>) src(%arg12 : memref<128x48xf32, #tpu.memory_space<vmem>>) dst(%dma_wait3A_72 : memref<128x48xf32, #tpu.memory_space<vmem_shared>>)
    %barrier3A_73 = arith.constant 0 : index
    tpu.barrier barrier_id(%barrier3A_73)
    %scan3A_74 = arith.constant 0 : i32
    %scan3A_75 = arith.constant 5 : i32
    %scan3A_76 = arith.addi %scan3A_74, %scan3A_75 : i32
    %scan3A_77 = arith.constant 1 : i32
    scf.for %scan3A_407 = %scan3A_74 to %scan3A_76 step %scan3A_77  : i32 {
      %mul3A_408 = arith.constant 1 : i32
      %mul3A_409 = arith.muli %scan3A_407, %mul3A_408 : i32
      %add3A = arith.constant 0 : i32
      %add3A_410 = arith.addi %add3A, %mul3A_409 : i32
      %mul3A_411 = arith.constant 128 : i32
      %mul3A_412 = arith.muli %add3A_410, %mul3A_411 : i32
      %add3A_413 = arith.addi %mul3A_0, %mul3A_412 : i32
      %dma_start3A_414 = arith.constant 0 : i32
      %dma_start3A_415 = tpu.memref_slice %arg13[%add3A_413, %dma_start3A_414] : memref<10240x48xf32, #tpu.memory_space<vmem_shared>> -> memref<128x48xf32, #tpu.memory_space<vmem_shared>>
      %dma_start3A_416 = arith.constant 0 : i32
      %dma_start3A_417 = tpu.memref_slice %arg13[%add3A_413, %dma_start3A_416] : memref<10240x48xf32, #tpu.memory_space<vmem_shared>> -> memref<128x48xf32, #tpu.memory_space<vmem_shared>>
      tpu.enqueue_dma source(%dma_start3A_417 : memref<128x48xf32, #tpu.memory_space<vmem_shared>>) target(%arg11 : memref<128x48xf32, #tpu.memory_space<vmem>>) target_semaphore(%arg15 : memref<!tpu.dma_semaphore, #tpu.memory_space<semaphore_mem>>)
      %dma_start3A_418 = arith.constant 0 : i32
      %dma_start3A_419 = tpu.memref_slice %arg6[%add3A_413, %dma_start3A_418] : memref<10240x48xf32, #tpu.memory_space<hbm>> -> memref<128x48xf32, #tpu.memory_space<hbm>>
      %dma_start3A_420 = arith.constant 0 : i32
      %dma_start3A_421 = tpu.memref_slice %arg6[%add3A_413, %dma_start3A_420] : memref<10240x48xf32, #tpu.memory_space<hbm>> -> memref<128x48xf32, #tpu.memory_space<hbm>>
      tpu.enqueue_dma source(%dma_start3A_421 : memref<128x48xf32, #tpu.memory_space<hbm>>) target(%arg12 : memref<128x48xf32, #tpu.memory_space<vmem>>) target_semaphore(%arg16 : memref<!tpu.dma_semaphore, #tpu.memory_space<semaphore_mem>>)
      %dma_wait3A_422 = arith.constant 0 : i32
      %dma_wait3A_423 = tpu.memref_slice %arg13[%add3A_413, %dma_wait3A_422] : memref<10240x48xf32, #tpu.memory_space<vmem_shared>> -> memref<128x48xf32, #tpu.memory_space<vmem_shared>>
      %dma_wait3A_424 = arith.constant 0 : i32
      %dma_wait3A_425 = tpu.memref_slice %arg13[%add3A_413, %dma_wait3A_424] : memref<10240x48xf32, #tpu.memory_space<vmem_shared>> -> memref<128x48xf32, #tpu.memory_space<vmem_shared>>
      tpu.wait_dma2 semaphore(%arg15 : memref<!tpu.dma_semaphore, #tpu.memory_space<semaphore_mem>>) src(%dma_wait3A_425 : memref<128x48xf32, #tpu.memory_space<vmem_shared>>) dst(%arg11 : memref<128x48xf32, #tpu.memory_space<vmem>>)
      %dma_wait3A_426 = arith.constant 0 : i32
      %dma_wait3A_427 = tpu.memref_slice %arg6[%add3A_413, %dma_wait3A_426] : memref<10240x48xf32, #tpu.memory_space<hbm>> -> memref<128x48xf32, #tpu.memory_space<hbm>>
      %dma_wait3A_428 = arith.constant 0 : i32
      %dma_wait3A_429 = tpu.memref_slice %arg6[%add3A_413, %dma_wait3A_428] : memref<10240x48xf32, #tpu.memory_space<hbm>> -> memref<128x48xf32, #tpu.memory_space<hbm>>
      tpu.wait_dma2 semaphore(%arg16 : memref<!tpu.dma_semaphore, #tpu.memory_space<semaphore_mem>>) src(%dma_wait3A_429 : memref<128x48xf32, #tpu.memory_space<hbm>>) dst(%arg12 : memref<128x48xf32, #tpu.memory_space<vmem>>)
      %scan3A_430 = arith.constant 0 : i32
      %scan3A_431 = arith.constant 128 : i32
      %scan3A_432 = arith.addi %scan3A_430, %scan3A_431 : i32
      %scan3A_433 = arith.constant 1 : i32
      scf.for %scan3A_435 = %scan3A_430 to %scan3A_432 step %scan3A_433  : i32 {
        %mul3A_436 = arith.constant 1 : i32
        %mul3A_437 = arith.muli %scan3A_435, %mul3A_436 : i32
        %add3A_438 = arith.constant 0 : i32
        %add3A_439 = arith.addi %add3A_438, %mul3A_437 : i32
        %mul3A_440 = arith.constant 128 : i32
        %mul3A_441 = arith.muli %add3A_410, %mul3A_440 : i32
        %add3A_442 = arith.addi %mul3A_441, %add3A_439 : i32
        %broadcast_in_dim3A = vector.broadcast %add3A_442 : i32 to vector<16xi32>
        %gather3A = tpu.vector_load_idx %arg10[%broadcast_in_dim3A] : memref<640xf32, #tpu.memory_space<vmem>>[vector<16xi32>], vector<16xf32>,
        %get3A = arith.index_cast %add3A_439 : i32 to index
        %get3A_443 = arith.constant 0 : index
        %get3A_444 = tpu.vector_load %arg11[%get3A, %get3A_443] {strides = array<i32>} : memref<128x48xf32, #tpu.memory_space<vmem>>, vector<16xf32>,
        %mul3A_445 = arith.mulf %gather3A, %get3A_444 : vector<16xf32>
        %get3A_446 = arith.index_cast %add3A_439 : i32 to index
        %get3A_447 = arith.constant 0 : index
        %get3A_448 = tpu.vector_load %arg12[%get3A_446, %get3A_447] {strides = array<i32>} : memref<128x48xf32, #tpu.memory_space<vmem>>, vector<16xf32>,
        %add3A_449 = arith.addf %mul3A_445, %get3A_448 : vector<16xf32>
        %swap3A = arith.index_cast %add3A_439 : i32 to index
        %swap3A_450 = arith.constant 0 : index
        %swap3A_451 = tpu.vector_load %arg11[%swap3A, %swap3A_450] {strides = array<i32>} : memref<128x48xf32, #tpu.memory_space<vmem>>, vector<16xf32>,
        tpu.vector_store %arg11[%swap3A, %swap3A_450], %add3A_449 {strides = array<i32>} : memref<128x48xf32, #tpu.memory_space<vmem>>, vector<16xf32>,
        %get3A_452 = arith.index_cast %add3A_439 : i32 to index
        %get3A_453 = arith.constant 16 : index
        %get3A_454 = tpu.vector_load %arg11[%get3A_452, %get3A_453] {strides = array<i32>} : memref<128x48xf32, #tpu.memory_space<vmem>>, vector<16xf32>,
        %mul3A_455 = arith.mulf %gather3A, %get3A_454 : vector<16xf32>
        %get3A_456 = arith.index_cast %add3A_439 : i32 to index
        %get3A_457 = arith.constant 16 : index
        %get3A_458 = tpu.vector_load %arg12[%get3A_456, %get3A_457] {strides = array<i32>} : memref<128x48xf32, #tpu.memory_space<vmem>>, vector<16xf32>,
        %add3A_459 = arith.addf %mul3A_455, %get3A_458 : vector<16xf32>
        %swap3A_460 = arith.index_cast %add3A_439 : i32 to index
        %swap3A_461 = arith.constant 16 : index
        %swap3A_462 = tpu.vector_load %arg11[%swap3A_460, %swap3A_461] {strides = array<i32>} : memref<128x48xf32, #tpu.memory_space<vmem>>, vector<16xf32>,
        tpu.vector_store %arg11[%swap3A_460, %swap3A_461], %add3A_459 {strides = array<i32>} : memref<128x48xf32, #tpu.memory_space<vmem>>, vector<16xf32>,
        %get3A_463 = arith.index_cast %add3A_439 : i32 to index
        %get3A_464 = arith.constant 32 : index
        %get3A_465 = tpu.vector_load %arg11[%get3A_463, %get3A_464] {strides = array<i32>} : memref<128x48xf32, #tpu.memory_space<vmem>>, vector<16xf32>,
        %mul3A_466 = arith.mulf %gather3A, %get3A_465 : vector<16xf32>
        %get3A_467 = arith.index_cast %add3A_439 : i32 to index
        %get3A_468 = arith.constant 32 : index
        %get3A_469 = tpu.vector_load %arg12[%get3A_467, %get3A_468] {strides = array<i32>} : memref<128x48xf32, #tpu.memory_space<vmem>>, vector<16xf32>,
        %add3A_470 = arith.addf %mul3A_466, %get3A_469 : vector<16xf32>
        %swap3A_471 = arith.index_cast %add3A_439 : i32 to index
        %swap3A_472 = arith.constant 32 : index
        %swap3A_473 = tpu.vector_load %arg11[%swap3A_471, %swap3A_472] {strides = array<i32>} : memref<128x48xf32, #tpu.memory_space<vmem>>, vector<16xf32>,
        tpu.vector_store %arg11[%swap3A_471, %swap3A_472], %add3A_470 {strides = array<i32>} : memref<128x48xf32, #tpu.memory_space<vmem>>, vector<16xf32>,
      }
      %scan3A_434 = arith.constant 128 : i32
      "tpu.region"() ({
        %run_scoped3A = tpu.sem_alloc : memref<!tpu.dma_semaphore, #tpu.memory_space<semaphore_mem>>
        %dma_start3A_435 = arith.constant 0 : i32
        %dma_start3A_436 = tpu.memref_slice %arg13[%add3A_413, %dma_start3A_435] : memref<10240x48xf32, #tpu.memory_space<vmem_shared>> -> memref<128x48xf32, #tpu.memory_space<vmem_shared>>
        %dma_start3A_437 = arith.constant 0 : i32
        %dma_start3A_438 = tpu.memref_slice %arg13[%add3A_413, %dma_start3A_437] : memref<10240x48xf32, #tpu.memory_space<vmem_shared>> -> memref<128x48xf32, #tpu.memory_space<vmem_shared>>
        tpu.enqueue_dma source(%arg11 : memref<128x48xf32, #tpu.memory_space<vmem>>) target(%dma_start3A_438 : memref<128x48xf32, #tpu.memory_space<vmem_shared>>) target_semaphore(%run_scoped3A : memref<!tpu.dma_semaphore, #tpu.memory_space<semaphore_mem>>)
        %dma_wait3A_439 = arith.constant 0 : i32
        %dma_wait3A_440 = tpu.memref_slice %arg13[%add3A_413, %dma_wait3A_439] : memref<10240x48xf32, #tpu.memory_space<vmem_shared>> -> memref<128x48xf32, #tpu.memory_space<vmem_shared>>
        %dma_wait3A_441 = arith.constant 0 : i32
        %dma_wait3A_442 = tpu.memref_slice %arg13[%add3A_413, %dma_wait3A_441] : memref<10240x48xf32, #tpu.memory_space<vmem_shared>> -> memref<128x48xf32, #tpu.memory_space<vmem_shared>>
        tpu.wait_dma2 semaphore(%run_scoped3A : memref<!tpu.dma_semaphore, #tpu.memory_space<semaphore_mem>>) src(%arg11 : memref<128x48xf32, #tpu.memory_space<vmem>>) dst(%dma_wait3A_442 : memref<128x48xf32, #tpu.memory_space<vmem_shared>>)
        tpu.yield
      }) : () -> ()
    }
    %scan3A_78 = arith.constant 5 : i32
    %scan3A_79 = arith.constant 0 : i32
    %scan3A_80 = arith.constant 128 : i32
    %scan3A_81 = arith.addi %scan3A_79, %scan3A_80 : i32
    %scan3A_82 = arith.constant 1 : i32
    scf.for %scan3A_407 = %scan3A_79 to %scan3A_81 step %scan3A_82  : i32 {
      %mul3A_408 = arith.constant 1 : i32
      %mul3A_409 = arith.muli %scan3A_407, %mul3A_408 : i32
      %add3A = arith.constant 0 : i32
      %add3A_410 = arith.addi %add3A, %mul3A_409 : i32
      %broadcast_in_dim3A = arith.constant 0.000000e+00 : f32
      %broadcast_in_dim3A_411 = vector.broadcast %broadcast_in_dim3A : f32 to vector<16xf32>
      %swap3A = arith.index_cast %add3A_410 : i32 to index
      %swap3A_412 = arith.constant 0 : index
      %swap3A_413 = tpu.vector_load %arg11[%swap3A, %swap3A_412] {strides = array<i32>} : memref<128x48xf32, #tpu.memory_space<vmem>>, vector<16xf32>,
      tpu.vector_store %arg11[%swap3A, %swap3A_412], %broadcast_in_dim3A_411 {strides = array<i32>} : memref<128x48xf32, #tpu.memory_space<vmem>>, vector<16xf32>,
      %broadcast_in_dim3A_414 = arith.constant 0.000000e+00 : f32
      %broadcast_in_dim3A_415 = vector.broadcast %broadcast_in_dim3A_414 : f32 to vector<16xf32>
      %swap3A_416 = arith.index_cast %add3A_410 : i32 to index
      %swap3A_417 = arith.constant 16 : index
      %swap3A_418 = tpu.vector_load %arg11[%swap3A_416, %swap3A_417] {strides = array<i32>} : memref<128x48xf32, #tpu.memory_space<vmem>>, vector<16xf32>,
      tpu.vector_store %arg11[%swap3A_416, %swap3A_417], %broadcast_in_dim3A_415 {strides = array<i32>} : memref<128x48xf32, #tpu.memory_space<vmem>>, vector<16xf32>,
      %broadcast_in_dim3A_419 = arith.constant 0.000000e+00 : f32
      %broadcast_in_dim3A_420 = vector.broadcast %broadcast_in_dim3A_419 : f32 to vector<16xf32>
      %swap3A_421 = arith.index_cast %add3A_410 : i32 to index
      %swap3A_422 = arith.constant 32 : index
      %swap3A_423 = tpu.vector_load %arg11[%swap3A_421, %swap3A_422] {strides = array<i32>} : memref<128x48xf32, #tpu.memory_space<vmem>>, vector<16xf32>,
      tpu.vector_store %arg11[%swap3A_421, %swap3A_422], %broadcast_in_dim3A_420 {strides = array<i32>} : memref<128x48xf32, #tpu.memory_space<vmem>>, vector<16xf32>,
    }
    %scan3A_83 = arith.constant 128 : i32
    %scan3A_84 = arith.constant 0 : i32
    %scan3A_85 = arith.constant 5 : i32
    %scan3A_86 = arith.addi %scan3A_84, %scan3A_85 : i32
    %scan3A_87 = arith.constant 1 : i32
    scf.for %scan3A_407 = %scan3A_84 to %scan3A_86 step %scan3A_87  : i32 {
      %mul3A_408 = arith.constant 1 : i32
      %mul3A_409 = arith.muli %scan3A_407, %mul3A_408 : i32
      %add3A = arith.constant 0 : i32
      %add3A_410 = arith.addi %add3A, %mul3A_409 : i32
      %mul3A_411 = arith.constant 128 : i32
      %mul3A_412 = arith.muli %add3A_410, %mul3A_411 : i32
      %add3A_413 = arith.addi %mul3A_0, %mul3A_412 : i32
      "tpu.region"() ({
        %run_scoped3A = tpu.sem_alloc : memref<!tpu.dma_semaphore, #tpu.memory_space<semaphore_mem>>
        %dma_start3A_414 = arith.constant 0 : i32
        %dma_start3A_415 = tpu.memref_slice %arg14[%add3A_413, %dma_start3A_414] : memref<10240x48xf32, #tpu.memory_space<vmem_shared>> -> memref<128x48xf32, #tpu.memory_space<vmem_shared>>
        %dma_start3A_416 = arith.constant 0 : i32
        %dma_start3A_417 = tpu.memref_slice %arg14[%add3A_413, %dma_start3A_416] : memref<10240x48xf32, #tpu.memory_space<vmem_shared>> -> memref<128x48xf32, #tpu.memory_space<vmem_shared>>
        tpu.enqueue_dma source(%arg11 : memref<128x48xf32, #tpu.memory_space<vmem>>) target(%dma_start3A_417 : memref<128x48xf32, #tpu.memory_space<vmem_shared>>) target_semaphore(%run_scoped3A : memref<!tpu.dma_semaphore, #tpu.memory_space<semaphore_mem>>)
        %dma_wait3A_418 = arith.constant 0 : i32
        %dma_wait3A_419 = tpu.memref_slice %arg14[%add3A_413, %dma_wait3A_418] : memref<10240x48xf32, #tpu.memory_space<vmem_shared>> -> memref<128x48xf32, #tpu.memory_space<vmem_shared>>
        %dma_wait3A_420 = arith.constant 0 : i32
        %dma_wait3A_421 = tpu.memref_slice %arg14[%add3A_413, %dma_wait3A_420] : memref<10240x48xf32, #tpu.memory_space<vmem_shared>> -> memref<128x48xf32, #tpu.memory_space<vmem_shared>>
        tpu.wait_dma2 semaphore(%run_scoped3A : memref<!tpu.dma_semaphore, #tpu.memory_space<semaphore_mem>>) src(%arg11 : memref<128x48xf32, #tpu.memory_space<vmem>>) dst(%dma_wait3A_421 : memref<128x48xf32, #tpu.memory_space<vmem_shared>>)
        tpu.yield
      }) : () -> ()
    }
    %scan3A_88 = arith.constant 5 : i32
    %barrier3A_89 = arith.constant 0 : index
    tpu.barrier barrier_id(%barrier3A_89)
    %dma_start3A_90 = arith.constant 0 : i32
    %dma_start3A_91 = arith.constant 0 : i32
    %dma_start3A_92 = tpu.memref_slice %arg8[%dma_start3A_90, %dma_start3A_91] : memref<168x128xi32, #tpu.memory_space<vmem>> -> memref<1x128xi32, #tpu.memory_space<vmem>>
    %dma_start3A_93 = tpu.memref_squeeze %dma_start3A_92 : memref<1x128xi32, #tpu.memory_space<vmem>> -> memref<128xi32, #tpu.memory_space<vmem>>
    %dma_start3A_94 = arith.constant 0 : i32
    %dma_start3A_95 = arith.constant 0 : i32
    %dma_start3A_96 = tpu.memref_slice %arg13[%dma_start3A_94, %dma_start3A_95] : memref<10240x48xf32, #tpu.memory_space<vmem_shared>> -> memref<10240x48xf32, #tpu.memory_space<vmem_shared>>
    tpu.enqueue_indirect_dma source(%dma_start3A_96 : memref<10240x48xf32, #tpu.memory_space<vmem_shared>>) target(%arg11 : memref<128x48xf32, #tpu.memory_space<vmem>>) offsets(%dma_start3A_93 : memref<128xi32, #tpu.memory_space<vmem>>) semaphore(%arg15 : memref<!tpu.dma_semaphore, #tpu.memory_space<semaphore_mem>>)
    %scan3A_97 = arith.constant 0 : i32
    %scan3A_98 = arith.constant 82 : i32
    %scan3A_99 = arith.addi %scan3A_97, %scan3A_98 : i32
    %scan3A_100 = arith.constant 1 : i32
    scf.for %scan3A_407 = %scan3A_97 to %scan3A_99 step %scan3A_100  : i32 {
      %mul3A_408 = arith.constant 1 : i32
      %mul3A_409 = arith.muli %scan3A_407, %mul3A_408 : i32
      %add3A = arith.constant 0 : i32
      %add3A_410 = arith.addi %add3A, %mul3A_409 : i32
      %mul3A_411 = arith.constant 2 : i32
      %mul3A_412 = arith.muli %mul3A_411, %add3A_410 : i32
      %dma_wait3A_413 = arith.constant 0 : i32
      %dma_wait3A_414 = arith.constant 0 : i32
      %dma_wait3A_415 = tpu.memref_slice %arg13[%dma_wait3A_413, %dma_wait3A_414] : memref<10240x48xf32, #tpu.memory_space<vmem_shared>> -> memref<128x48xf32, #tpu.memory_space<vmem_shared>>
      %dma_wait3A_416 = arith.constant 0 : i32
      %dma_wait3A_417 = arith.constant 0 : i32
      %dma_wait3A_418 = tpu.memref_slice %arg13[%dma_wait3A_416, %dma_wait3A_417] : memref<10240x48xf32, #tpu.memory_space<vmem_shared>> -> memref<128x48xf32, #tpu.memory_space<vmem_shared>>
      tpu.wait_dma2 semaphore(%arg15 : memref<!tpu.dma_semaphore, #tpu.memory_space<semaphore_mem>>) src(%dma_wait3A_418 : memref<128x48xf32, #tpu.memory_space<vmem_shared>>) dst(%arg11 : memref<128x48xf32, #tpu.memory_space<vmem>>)
      %dma_start3A_419 = arith.constant 0 : i32
      %dma_start3A_420 = tpu.memref_slice %arg9[%mul3A_412, %dma_start3A_419] : memref<164x128xi32, #tpu.memory_space<vmem>> -> memref<1x128xi32, #tpu.memory_space<vmem>>
      %dma_start3A_421 = tpu.memref_squeeze %dma_start3A_420 : memref<1x128xi32, #tpu.memory_space<vmem>> -> memref<128xi32, #tpu.memory_space<vmem>>
      %dma_start3A_422 = arith.constant 0 : i32
      %dma_start3A_423 = arith.constant 0 : i32
      %dma_start3A_424 = tpu.memref_slice %arg14[%dma_start3A_422, %dma_start3A_423] : memref<10240x48xf32, #tpu.memory_space<vmem_shared>> -> memref<10240x48xf32, #tpu.memory_space<vmem_shared>>
      tpu.enqueue_indirect_dma source(%arg11 : memref<128x48xf32, #tpu.memory_space<vmem>>) target(%dma_start3A_424 : memref<10240x48xf32, #tpu.memory_space<vmem_shared>>) offsets(%dma_start3A_421 : memref<128xi32, #tpu.memory_space<vmem>>) semaphore(%arg17 : memref<!tpu.dma_semaphore, #tpu.memory_space<semaphore_mem>>) {add = true}
      %gt3A = arith.constant 0 : i32
      %gt3A_425 = arith.cmpi sgt, %add3A_410, %gt3A : i32
      %convert_element_type3A = arith.extui %gt3A_425 : i1 to i32
      %cond3A = arith.constant 0 : i32
      %cond3A_426 = arith.cmpi ne, %convert_element_type3A, %cond3A : i32
      scf.if %cond3A_426 {
        %dma_wait3A_463 = arith.constant 0 : i32
        %dma_wait3A_464 = arith.constant 0 : i32
        %dma_wait3A_465 = tpu.memref_slice %arg13[%dma_wait3A_463, %dma_wait3A_464] : memref<10240x48xf32, #tpu.memory_space<vmem_shared>> -> memref<128x48xf32, #tpu.memory_space<vmem_shared>>
        %dma_wait3A_466 = arith.constant 0 : i32
        %dma_wait3A_467 = arith.constant 0 : i32
        %dma_wait3A_468 = tpu.memref_slice %arg13[%dma_wait3A_466, %dma_wait3A_467] : memref<10240x48xf32, #tpu.memory_space<vmem_shared>> -> memref<128x48xf32, #tpu.memory_space<vmem_shared>>
        tpu.wait_dma2 semaphore(%arg18 : memref<!tpu.dma_semaphore, #tpu.memory_space<semaphore_mem>>) src(%arg12 : memref<128x48xf32, #tpu.memory_space<vmem>>) dst(%dma_wait3A_468 : memref<128x48xf32, #tpu.memory_space<vmem_shared>>)
      } else {
      }
      %add3A_427 = arith.constant 1 : i32
      %add3A_428 = arith.addi %mul3A_412, %add3A_427 : i32
      %dma_start3A_429 = arith.constant 0 : i32
      %dma_start3A_430 = tpu.memref_slice %arg8[%add3A_428, %dma_start3A_429] : memref<168x128xi32, #tpu.memory_space<vmem>> -> memref<1x128xi32, #tpu.memory_space<vmem>>
      %dma_start3A_431 = tpu.memref_squeeze %dma_start3A_430 : memref<1x128xi32, #tpu.memory_space<vmem>> -> memref<128xi32, #tpu.memory_space<vmem>>
      %dma_start3A_432 = arith.constant 0 : i32
      %dma_start3A_433 = arith.constant 0 : i32
      %dma_start3A_434 = tpu.memref_slice %arg13[%dma_start3A_432, %dma_start3A_433] : memref<10240x48xf32, #tpu.memory_space<vmem_shared>> -> memref<10240x48xf32, #tpu.memory_space<vmem_shared>>
      tpu.enqueue_indirect_dma source(%dma_start3A_434 : memref<10240x48xf32, #tpu.memory_space<vmem_shared>>) target(%arg12 : memref<128x48xf32, #tpu.memory_space<vmem>>) offsets(%dma_start3A_431 : memref<128xi32, #tpu.memory_space<vmem>>) semaphore(%arg16 : memref<!tpu.dma_semaphore, #tpu.memory_space<semaphore_mem>>)
      %dma_wait3A_435 = arith.constant 0 : i32
      %dma_wait3A_436 = arith.constant 0 : i32
      %dma_wait3A_437 = tpu.memref_slice %arg13[%dma_wait3A_435, %dma_wait3A_436] : memref<10240x48xf32, #tpu.memory_space<vmem_shared>> -> memref<128x48xf32, #tpu.memory_space<vmem_shared>>
      %dma_wait3A_438 = arith.constant 0 : i32
      %dma_wait3A_439 = arith.constant 0 : i32
      %dma_wait3A_440 = tpu.memref_slice %arg13[%dma_wait3A_438, %dma_wait3A_439] : memref<10240x48xf32, #tpu.memory_space<vmem_shared>> -> memref<128x48xf32, #tpu.memory_space<vmem_shared>>
      tpu.wait_dma2 semaphore(%arg16 : memref<!tpu.dma_semaphore, #tpu.memory_space<semaphore_mem>>) src(%dma_wait3A_440 : memref<128x48xf32, #tpu.memory_space<vmem_shared>>) dst(%arg12 : memref<128x48xf32, #tpu.memory_space<vmem>>)
      %add3A_441 = arith.constant 1 : i32
      %add3A_442 = arith.addi %mul3A_412, %add3A_441 : i32
      %dma_start3A_443 = arith.constant 0 : i32
      %dma_start3A_444 = tpu.memref_slice %arg9[%add3A_442, %dma_start3A_443] : memref<164x128xi32, #tpu.memory_space<vmem>> -> memref<1x128xi32, #tpu.memory_space<vmem>>
      %dma_start3A_445 = tpu.memref_squeeze %dma_start3A_444 : memref<1x128xi32, #tpu.memory_space<vmem>> -> memref<128xi32, #tpu.memory_space<vmem>>
      %dma_start3A_446 = arith.constant 0 : i32
      %dma_start3A_447 = arith.constant 0 : i32
      %dma_start3A_448 = tpu.memref_slice %arg14[%dma_start3A_446, %dma_start3A_447] : memref<10240x48xf32, #tpu.memory_space<vmem_shared>> -> memref<10240x48xf32, #tpu.memory_space<vmem_shared>>
      tpu.enqueue_indirect_dma source(%arg12 : memref<128x48xf32, #tpu.memory_space<vmem>>) target(%dma_start3A_448 : memref<10240x48xf32, #tpu.memory_space<vmem_shared>>) offsets(%dma_start3A_445 : memref<128xi32, #tpu.memory_space<vmem>>) semaphore(%arg18 : memref<!tpu.dma_semaphore, #tpu.memory_space<semaphore_mem>>) {add = true}
      %dma_wait3A_449 = arith.constant 0 : i32
      %dma_wait3A_450 = arith.constant 0 : i32
      %dma_wait3A_451 = tpu.memref_slice %arg13[%dma_wait3A_449, %dma_wait3A_450] : memref<10240x48xf32, #tpu.memory_space<vmem_shared>> -> memref<128x48xf32, #tpu.memory_space<vmem_shared>>
      %dma_wait3A_452 = arith.constant 0 : i32
      %dma_wait3A_453 = arith.constant 0 : i32
      %dma_wait3A_454 = tpu.memref_slice %arg13[%dma_wait3A_452, %dma_wait3A_453] : memref<10240x48xf32, #tpu.memory_space<vmem_shared>> -> memref<128x48xf32, #tpu.memory_space<vmem_shared>>
      tpu.wait_dma2 semaphore(%arg17 : memref<!tpu.dma_semaphore, #tpu.memory_space<semaphore_mem>>) src(%arg11 : memref<128x48xf32, #tpu.memory_space<vmem>>) dst(%dma_wait3A_454 : memref<128x48xf32, #tpu.memory_space<vmem_shared>>)
      %add3A_455 = arith.constant 2 : i32
      %add3A_456 = arith.addi %mul3A_412, %add3A_455 : i32
      %dma_start3A_457 = arith.constant 0 : i32
      %dma_start3A_458 = tpu.memref_slice %arg8[%add3A_456, %dma_start3A_457] : memref<168x128xi32, #tpu.memory_space<vmem>> -> memref<1x128xi32, #tpu.memory_space<vmem>>
      %dma_start3A_459 = tpu.memref_squeeze %dma_start3A_458 : memref<1x128xi32, #tpu.memory_space<vmem>> -> memref<128xi32, #tpu.memory_space<vmem>>
      %dma_start3A_460 = arith.constant 0 : i32
      %dma_start3A_461 = arith.constant 0 : i32
      %dma_start3A_462 = tpu.memref_slice %arg13[%dma_start3A_460, %dma_start3A_461] : memref<10240x48xf32, #tpu.memory_space<vmem_shared>> -> memref<10240x48xf32, #tpu.memory_space<vmem_shared>>
      tpu.enqueue_indirect_dma source(%dma_start3A_462 : memref<10240x48xf32, #tpu.memory_space<vmem_shared>>) target(%arg11 : memref<128x48xf32, #tpu.memory_space<vmem>>) offsets(%dma_start3A_459 : memref<128xi32, #tpu.memory_space<vmem>>) semaphore(%arg15 : memref<!tpu.dma_semaphore, #tpu.memory_space<semaphore_mem>>)
    }
    %scan3A_101 = arith.constant 82 : i32
    %dma_wait3A_102 = arith.constant 0 : i32
    %dma_wait3A_103 = arith.constant 0 : i32
    %dma_wait3A_104 = tpu.memref_slice %arg13[%dma_wait3A_102, %dma_wait3A_103] : memref<10240x48xf32, #tpu.memory_space<vmem_shared>> -> memref<128x48xf32, #tpu.memory_space<vmem_shared>>
    %dma_wait3A_105 = arith.constant 0 : i32
    %dma_wait3A_106 = arith.constant 0 : i32
    %dma_wait3A_107 = tpu.memref_slice %arg13[%dma_wait3A_105, %dma_wait3A_106] : memref<10240x48xf32, #tpu.memory_space<vmem_shared>> -> memref<128x48xf32, #tpu.memory_space<vmem_shared>>
    tpu.wait_dma2 semaphore(%arg15 : memref<!tpu.dma_semaphore, #tpu.memory_space<semaphore_mem>>) src(%dma_wait3A_107 : memref<128x48xf32, #tpu.memory_space<vmem_shared>>) dst(%arg11 : memref<128x48xf32, #tpu.memory_space<vmem>>)
    %dma_wait3A_108 = arith.constant 0 : i32
    %dma_wait3A_109 = arith.constant 0 : i32
    %dma_wait3A_110 = tpu.memref_slice %arg13[%dma_wait3A_108, %dma_wait3A_109] : memref<10240x48xf32, #tpu.memory_space<vmem_shared>> -> memref<128x48xf32, #tpu.memory_space<vmem_shared>>
    %dma_wait3A_111 = arith.constant 0 : i32
    %dma_wait3A_112 = arith.constant 0 : i32
    %dma_wait3A_113 = tpu.memref_slice %arg13[%dma_wait3A_111, %dma_wait3A_112] : memref<10240x48xf32, #tpu.memory_space<vmem_shared>> -> memref<128x48xf32, #tpu.memory_space<vmem_shared>>
    tpu.wait_dma2 semaphore(%arg18 : memref<!tpu.dma_semaphore, #tpu.memory_space<semaphore_mem>>) src(%arg12 : memref<128x48xf32, #tpu.memory_space<vmem>>) dst(%dma_wait3A_113 : memref<128x48xf32, #tpu.memory_space<vmem_shared>>)
    %barrier3A_114 = arith.constant 0 : index
    tpu.barrier barrier_id(%barrier3A_114)
    %scan3A_115 = arith.constant 0 : i32
    %scan3A_116 = arith.constant 5 : i32
    %scan3A_117 = arith.addi %scan3A_115, %scan3A_116 : i32
    %scan3A_118 = arith.constant 1 : i32
    scf.for %scan3A_407 = %scan3A_115 to %scan3A_117 step %scan3A_118  : i32 {
      %mul3A_408 = arith.constant 1 : i32
      %mul3A_409 = arith.muli %scan3A_407, %mul3A_408 : i32
      %add3A = arith.constant 0 : i32
      %add3A_410 = arith.addi %add3A, %mul3A_409 : i32
      %mul3A_411 = arith.constant 128 : i32
      %mul3A_412 = arith.muli %add3A_410, %mul3A_411 : i32
      %add3A_413 = arith.addi %mul3A_0, %mul3A_412 : i32
      %dma_start3A_414 = arith.constant 0 : i32
      %dma_start3A_415 = tpu.memref_slice %arg14[%add3A_413, %dma_start3A_414] : memref<10240x48xf32, #tpu.memory_space<vmem_shared>> -> memref<128x48xf32, #tpu.memory_space<vmem_shared>>
      %dma_start3A_416 = arith.constant 0 : i32
      %dma_start3A_417 = tpu.memref_slice %arg14[%add3A_413, %dma_start3A_416] : memref<10240x48xf32, #tpu.memory_space<vmem_shared>> -> memref<128x48xf32, #tpu.memory_space<vmem_shared>>
      tpu.enqueue_dma source(%dma_start3A_417 : memref<128x48xf32, #tpu.memory_space<vmem_shared>>) target(%arg11 : memref<128x48xf32, #tpu.memory_space<vmem>>) target_semaphore(%arg15 : memref<!tpu.dma_semaphore, #tpu.memory_space<semaphore_mem>>)
      %dma_start3A_418 = arith.constant 0 : i32
      %dma_start3A_419 = tpu.memref_slice %arg6[%add3A_413, %dma_start3A_418] : memref<10240x48xf32, #tpu.memory_space<hbm>> -> memref<128x48xf32, #tpu.memory_space<hbm>>
      %dma_start3A_420 = arith.constant 0 : i32
      %dma_start3A_421 = tpu.memref_slice %arg6[%add3A_413, %dma_start3A_420] : memref<10240x48xf32, #tpu.memory_space<hbm>> -> memref<128x48xf32, #tpu.memory_space<hbm>>
      tpu.enqueue_dma source(%dma_start3A_421 : memref<128x48xf32, #tpu.memory_space<hbm>>) target(%arg12 : memref<128x48xf32, #tpu.memory_space<vmem>>) target_semaphore(%arg16 : memref<!tpu.dma_semaphore, #tpu.memory_space<semaphore_mem>>)
      %dma_wait3A_422 = arith.constant 0 : i32
      %dma_wait3A_423 = tpu.memref_slice %arg14[%add3A_413, %dma_wait3A_422] : memref<10240x48xf32, #tpu.memory_space<vmem_shared>> -> memref<128x48xf32, #tpu.memory_space<vmem_shared>>
      %dma_wait3A_424 = arith.constant 0 : i32
      %dma_wait3A_425 = tpu.memref_slice %arg14[%add3A_413, %dma_wait3A_424] : memref<10240x48xf32, #tpu.memory_space<vmem_shared>> -> memref<128x48xf32, #tpu.memory_space<vmem_shared>>
      tpu.wait_dma2 semaphore(%arg15 : memref<!tpu.dma_semaphore, #tpu.memory_space<semaphore_mem>>) src(%dma_wait3A_425 : memref<128x48xf32, #tpu.memory_space<vmem_shared>>) dst(%arg11 : memref<128x48xf32, #tpu.memory_space<vmem>>)
      %dma_wait3A_426 = arith.constant 0 : i32
      %dma_wait3A_427 = tpu.memref_slice %arg6[%add3A_413, %dma_wait3A_426] : memref<10240x48xf32, #tpu.memory_space<hbm>> -> memref<128x48xf32, #tpu.memory_space<hbm>>
      %dma_wait3A_428 = arith.constant 0 : i32
      %dma_wait3A_429 = tpu.memref_slice %arg6[%add3A_413, %dma_wait3A_428] : memref<10240x48xf32, #tpu.memory_space<hbm>> -> memref<128x48xf32, #tpu.memory_space<hbm>>
      tpu.wait_dma2 semaphore(%arg16 : memref<!tpu.dma_semaphore, #tpu.memory_space<semaphore_mem>>) src(%dma_wait3A_429 : memref<128x48xf32, #tpu.memory_space<hbm>>) dst(%arg12 : memref<128x48xf32, #tpu.memory_space<vmem>>)
      %scan3A_430 = arith.constant 0 : i32
      %scan3A_431 = arith.constant 128 : i32
      %scan3A_432 = arith.addi %scan3A_430, %scan3A_431 : i32
      %scan3A_433 = arith.constant 1 : i32
      scf.for %scan3A_435 = %scan3A_430 to %scan3A_432 step %scan3A_433  : i32 {
        %mul3A_436 = arith.constant 1 : i32
        %mul3A_437 = arith.muli %scan3A_435, %mul3A_436 : i32
        %add3A_438 = arith.constant 0 : i32
        %add3A_439 = arith.addi %add3A_438, %mul3A_437 : i32
        %mul3A_440 = arith.constant 128 : i32
        %mul3A_441 = arith.muli %add3A_410, %mul3A_440 : i32
        %add3A_442 = arith.addi %mul3A_441, %add3A_439 : i32
        %broadcast_in_dim3A = vector.broadcast %add3A_442 : i32 to vector<16xi32>
        %gather3A = tpu.vector_load_idx %arg10[%broadcast_in_dim3A] : memref<640xf32, #tpu.memory_space<vmem>>[vector<16xi32>], vector<16xf32>,
        %get3A = arith.index_cast %add3A_439 : i32 to index
        %get3A_443 = arith.constant 0 : index
        %get3A_444 = tpu.vector_load %arg11[%get3A, %get3A_443] {strides = array<i32>} : memref<128x48xf32, #tpu.memory_space<vmem>>, vector<16xf32>,
        %mul3A_445 = arith.mulf %gather3A, %get3A_444 : vector<16xf32>
        %get3A_446 = arith.index_cast %add3A_439 : i32 to index
        %get3A_447 = arith.constant 0 : index
        %get3A_448 = tpu.vector_load %arg12[%get3A_446, %get3A_447] {strides = array<i32>} : memref<128x48xf32, #tpu.memory_space<vmem>>, vector<16xf32>,
        %add3A_449 = arith.addf %mul3A_445, %get3A_448 : vector<16xf32>
        %swap3A = arith.index_cast %add3A_439 : i32 to index
        %swap3A_450 = arith.constant 0 : index
        %swap3A_451 = tpu.vector_load %arg11[%swap3A, %swap3A_450] {strides = array<i32>} : memref<128x48xf32, #tpu.memory_space<vmem>>, vector<16xf32>,
        tpu.vector_store %arg11[%swap3A, %swap3A_450], %add3A_449 {strides = array<i32>} : memref<128x48xf32, #tpu.memory_space<vmem>>, vector<16xf32>,
        %get3A_452 = arith.index_cast %add3A_439 : i32 to index
        %get3A_453 = arith.constant 16 : index
        %get3A_454 = tpu.vector_load %arg11[%get3A_452, %get3A_453] {strides = array<i32>} : memref<128x48xf32, #tpu.memory_space<vmem>>, vector<16xf32>,
        %mul3A_455 = arith.mulf %gather3A, %get3A_454 : vector<16xf32>
        %get3A_456 = arith.index_cast %add3A_439 : i32 to index
        %get3A_457 = arith.constant 16 : index
        %get3A_458 = tpu.vector_load %arg12[%get3A_456, %get3A_457] {strides = array<i32>} : memref<128x48xf32, #tpu.memory_space<vmem>>, vector<16xf32>,
        %add3A_459 = arith.addf %mul3A_455, %get3A_458 : vector<16xf32>
        %swap3A_460 = arith.index_cast %add3A_439 : i32 to index
        %swap3A_461 = arith.constant 16 : index
        %swap3A_462 = tpu.vector_load %arg11[%swap3A_460, %swap3A_461] {strides = array<i32>} : memref<128x48xf32, #tpu.memory_space<vmem>>, vector<16xf32>,
        tpu.vector_store %arg11[%swap3A_460, %swap3A_461], %add3A_459 {strides = array<i32>} : memref<128x48xf32, #tpu.memory_space<vmem>>, vector<16xf32>,
        %get3A_463 = arith.index_cast %add3A_439 : i32 to index
        %get3A_464 = arith.constant 32 : index
        %get3A_465 = tpu.vector_load %arg11[%get3A_463, %get3A_464] {strides = array<i32>} : memref<128x48xf32, #tpu.memory_space<vmem>>, vector<16xf32>,
        %mul3A_466 = arith.mulf %gather3A, %get3A_465 : vector<16xf32>
        %get3A_467 = arith.index_cast %add3A_439 : i32 to index
        %get3A_468 = arith.constant 32 : index
        %get3A_469 = tpu.vector_load %arg12[%get3A_467, %get3A_468] {strides = array<i32>} : memref<128x48xf32, #tpu.memory_space<vmem>>, vector<16xf32>,
        %add3A_470 = arith.addf %mul3A_466, %get3A_469 : vector<16xf32>
        %swap3A_471 = arith.index_cast %add3A_439 : i32 to index
        %swap3A_472 = arith.constant 32 : index
        %swap3A_473 = tpu.vector_load %arg11[%swap3A_471, %swap3A_472] {strides = array<i32>} : memref<128x48xf32, #tpu.memory_space<vmem>>, vector<16xf32>,
        tpu.vector_store %arg11[%swap3A_471, %swap3A_472], %add3A_470 {strides = array<i32>} : memref<128x48xf32, #tpu.memory_space<vmem>>, vector<16xf32>,
      }
      %scan3A_434 = arith.constant 128 : i32
      "tpu.region"() ({
        %run_scoped3A = tpu.sem_alloc : memref<!tpu.dma_semaphore, #tpu.memory_space<semaphore_mem>>
        %dma_start3A_435 = arith.constant 0 : i32
        %dma_start3A_436 = tpu.memref_slice %arg14[%add3A_413, %dma_start3A_435] : memref<10240x48xf32, #tpu.memory_space<vmem_shared>> -> memref<128x48xf32, #tpu.memory_space<vmem_shared>>
        %dma_start3A_437 = arith.constant 0 : i32
        %dma_start3A_438 = tpu.memref_slice %arg14[%add3A_413, %dma_start3A_437] : memref<10240x48xf32, #tpu.memory_space<vmem_shared>> -> memref<128x48xf32, #tpu.memory_space<vmem_shared>>
        tpu.enqueue_dma source(%arg11 : memref<128x48xf32, #tpu.memory_space<vmem>>) target(%dma_start3A_438 : memref<128x48xf32, #tpu.memory_space<vmem_shared>>) target_semaphore(%run_scoped3A : memref<!tpu.dma_semaphore, #tpu.memory_space<semaphore_mem>>)
        %dma_wait3A_439 = arith.constant 0 : i32
        %dma_wait3A_440 = tpu.memref_slice %arg14[%add3A_413, %dma_wait3A_439] : memref<10240x48xf32, #tpu.memory_space<vmem_shared>> -> memref<128x48xf32, #tpu.memory_space<vmem_shared>>
        %dma_wait3A_441 = arith.constant 0 : i32
        %dma_wait3A_442 = tpu.memref_slice %arg14[%add3A_413, %dma_wait3A_441] : memref<10240x48xf32, #tpu.memory_space<vmem_shared>> -> memref<128x48xf32, #tpu.memory_space<vmem_shared>>
        tpu.wait_dma2 semaphore(%run_scoped3A : memref<!tpu.dma_semaphore, #tpu.memory_space<semaphore_mem>>) src(%arg11 : memref<128x48xf32, #tpu.memory_space<vmem>>) dst(%dma_wait3A_442 : memref<128x48xf32, #tpu.memory_space<vmem_shared>>)
        tpu.yield
      }) : () -> ()
    }
    %scan3A_119 = arith.constant 5 : i32
    %scan3A_120 = arith.constant 0 : i32
    %scan3A_121 = arith.constant 128 : i32
    %scan3A_122 = arith.addi %scan3A_120, %scan3A_121 : i32
    %scan3A_123 = arith.constant 1 : i32
    scf.for %scan3A_407 = %scan3A_120 to %scan3A_122 step %scan3A_123  : i32 {
      %mul3A_408 = arith.constant 1 : i32
      %mul3A_409 = arith.muli %scan3A_407, %mul3A_408 : i32
      %add3A = arith.constant 0 : i32
      %add3A_410 = arith.addi %add3A, %mul3A_409 : i32
      %broadcast_in_dim3A = arith.constant 0.000000e+00 : f32
      %broadcast_in_dim3A_411 = vector.broadcast %broadcast_in_dim3A : f32 to vector<16xf32>
      %swap3A = arith.index_cast %add3A_410 : i32 to index
      %swap3A_412 = arith.constant 0 : index
      %swap3A_413 = tpu.vector_load %arg11[%swap3A, %swap3A_412] {strides = array<i32>} : memref<128x48xf32, #tpu.memory_space<vmem>>, vector<16xf32>,
      tpu.vector_store %arg11[%swap3A, %swap3A_412], %broadcast_in_dim3A_411 {strides = array<i32>} : memref<128x48xf32, #tpu.memory_space<vmem>>, vector<16xf32>,
      %broadcast_in_dim3A_414 = arith.constant 0.000000e+00 : f32
      %broadcast_in_dim3A_415 = vector.broadcast %broadcast_in_dim3A_414 : f32 to vector<16xf32>
      %swap3A_416 = arith.index_cast %add3A_410 : i32 to index
      %swap3A_417 = arith.constant 16 : index
      %swap3A_418 = tpu.vector_load %arg11[%swap3A_416, %swap3A_417] {strides = array<i32>} : memref<128x48xf32, #tpu.memory_space<vmem>>, vector<16xf32>,
      tpu.vector_store %arg11[%swap3A_416, %swap3A_417], %broadcast_in_dim3A_415 {strides = array<i32>} : memref<128x48xf32, #tpu.memory_space<vmem>>, vector<16xf32>,
      %broadcast_in_dim3A_419 = arith.constant 0.000000e+00 : f32
      %broadcast_in_dim3A_420 = vector.broadcast %broadcast_in_dim3A_419 : f32 to vector<16xf32>
      %swap3A_421 = arith.index_cast %add3A_410 : i32 to index
      %swap3A_422 = arith.constant 32 : index
      %swap3A_423 = tpu.vector_load %arg11[%swap3A_421, %swap3A_422] {strides = array<i32>} : memref<128x48xf32, #tpu.memory_space<vmem>>, vector<16xf32>,
      tpu.vector_store %arg11[%swap3A_421, %swap3A_422], %broadcast_in_dim3A_420 {strides = array<i32>} : memref<128x48xf32, #tpu.memory_space<vmem>>, vector<16xf32>,
    }
    %scan3A_124 = arith.constant 128 : i32
    %scan3A_125 = arith.constant 0 : i32
    %scan3A_126 = arith.constant 5 : i32
    %scan3A_127 = arith.addi %scan3A_125, %scan3A_126 : i32
    %scan3A_128 = arith.constant 1 : i32
    scf.for %scan3A_407 = %scan3A_125 to %scan3A_127 step %scan3A_128  : i32 {
      %mul3A_408 = arith.constant 1 : i32
      %mul3A_409 = arith.muli %scan3A_407, %mul3A_408 : i32
      %add3A = arith.constant 0 : i32
      %add3A_410 = arith.addi %add3A, %mul3A_409 : i32
      %mul3A_411 = arith.constant 128 : i32
      %mul3A_412 = arith.muli %add3A_410, %mul3A_411 : i32
      %add3A_413 = arith.addi %mul3A_0, %mul3A_412 : i32
      "tpu.region"() ({
        %run_scoped3A = tpu.sem_alloc : memref<!tpu.dma_semaphore, #tpu.memory_space<semaphore_mem>>
        %dma_start3A_414 = arith.constant 0 : i32
        %dma_start3A_415 = tpu.memref_slice %arg13[%add3A_413, %dma_start3A_414] : memref<10240x48xf32, #tpu.memory_space<vmem_shared>> -> memref<128x48xf32, #tpu.memory_space<vmem_shared>>
        %dma_start3A_416 = arith.constant 0 : i32
        %dma_start3A_417 = tpu.memref_slice %arg13[%add3A_413, %dma_start3A_416] : memref<10240x48xf32, #tpu.memory_space<vmem_shared>> -> memref<128x48xf32, #tpu.memory_space<vmem_shared>>
        tpu.enqueue_dma source(%arg11 : memref<128x48xf32, #tpu.memory_space<vmem>>) target(%dma_start3A_417 : memref<128x48xf32, #tpu.memory_space<vmem_shared>>) target_semaphore(%run_scoped3A : memref<!tpu.dma_semaphore, #tpu.memory_space<semaphore_mem>>)
        %dma_wait3A_418 = arith.constant 0 : i32
        %dma_wait3A_419 = tpu.memref_slice %arg13[%add3A_413, %dma_wait3A_418] : memref<10240x48xf32, #tpu.memory_space<vmem_shared>> -> memref<128x48xf32, #tpu.memory_space<vmem_shared>>
        %dma_wait3A_420 = arith.constant 0 : i32
        %dma_wait3A_421 = tpu.memref_slice %arg13[%add3A_413, %dma_wait3A_420] : memref<10240x48xf32, #tpu.memory_space<vmem_shared>> -> memref<128x48xf32, #tpu.memory_space<vmem_shared>>
        tpu.wait_dma2 semaphore(%run_scoped3A : memref<!tpu.dma_semaphore, #tpu.memory_space<semaphore_mem>>) src(%arg11 : memref<128x48xf32, #tpu.memory_space<vmem>>) dst(%dma_wait3A_421 : memref<128x48xf32, #tpu.memory_space<vmem_shared>>)
        tpu.yield
      }) : () -> ()
    }
    %scan3A_129 = arith.constant 5 : i32
    %barrier3A_130 = arith.constant 0 : index
    tpu.barrier barrier_id(%barrier3A_130)
    %dma_start3A_131 = arith.constant 0 : i32
    %dma_start3A_132 = arith.constant 0 : i32
    %dma_start3A_133 = tpu.memref_slice %arg8[%dma_start3A_131, %dma_start3A_132] : memref<168x128xi32, #tpu.memory_space<vmem>> -> memref<1x128xi32, #tpu.memory_space<vmem>>
    %dma_start3A_134 = tpu.memref_squeeze %dma_start3A_133 : memref<1x128xi32, #tpu.memory_space<vmem>> -> memref<128xi32, #tpu.memory_space<vmem>>
    %dma_start3A_135 = arith.constant 0 : i32
    %dma_start3A_136 = arith.constant 0 : i32
    %dma_start3A_137 = tpu.memref_slice %arg14[%dma_start3A_135, %dma_start3A_136] : memref<10240x48xf32, #tpu.memory_space<vmem_shared>> -> memref<10240x48xf32, #tpu.memory_space<vmem_shared>>
    tpu.enqueue_indirect_dma source(%dma_start3A_137 : memref<10240x48xf32, #tpu.memory_space<vmem_shared>>) target(%arg11 : memref<128x48xf32, #tpu.memory_space<vmem>>) offsets(%dma_start3A_134 : memref<128xi32, #tpu.memory_space<vmem>>) semaphore(%arg15 : memref<!tpu.dma_semaphore, #tpu.memory_space<semaphore_mem>>)
    %scan3A_138 = arith.constant 0 : i32
    %scan3A_139 = arith.constant 82 : i32
    %scan3A_140 = arith.addi %scan3A_138, %scan3A_139 : i32
    %scan3A_141 = arith.constant 1 : i32
    scf.for %scan3A_407 = %scan3A_138 to %scan3A_140 step %scan3A_141  : i32 {
      %mul3A_408 = arith.constant 1 : i32
      %mul3A_409 = arith.muli %scan3A_407, %mul3A_408 : i32
      %add3A = arith.constant 0 : i32
      %add3A_410 = arith.addi %add3A, %mul3A_409 : i32
      %mul3A_411 = arith.constant 2 : i32
      %mul3A_412 = arith.muli %mul3A_411, %add3A_410 : i32
      %dma_wait3A_413 = arith.constant 0 : i32
      %dma_wait3A_414 = arith.constant 0 : i32
      %dma_wait3A_415 = tpu.memref_slice %arg13[%dma_wait3A_413, %dma_wait3A_414] : memref<10240x48xf32, #tpu.memory_space<vmem_shared>> -> memref<128x48xf32, #tpu.memory_space<vmem_shared>>
      %dma_wait3A_416 = arith.constant 0 : i32
      %dma_wait3A_417 = arith.constant 0 : i32
      %dma_wait3A_418 = tpu.memref_slice %arg13[%dma_wait3A_416, %dma_wait3A_417] : memref<10240x48xf32, #tpu.memory_space<vmem_shared>> -> memref<128x48xf32, #tpu.memory_space<vmem_shared>>
      tpu.wait_dma2 semaphore(%arg15 : memref<!tpu.dma_semaphore, #tpu.memory_space<semaphore_mem>>) src(%dma_wait3A_418 : memref<128x48xf32, #tpu.memory_space<vmem_shared>>) dst(%arg11 : memref<128x48xf32, #tpu.memory_space<vmem>>)
      %dma_start3A_419 = arith.constant 0 : i32
      %dma_start3A_420 = tpu.memref_slice %arg9[%mul3A_412, %dma_start3A_419] : memref<164x128xi32, #tpu.memory_space<vmem>> -> memref<1x128xi32, #tpu.memory_space<vmem>>
      %dma_start3A_421 = tpu.memref_squeeze %dma_start3A_420 : memref<1x128xi32, #tpu.memory_space<vmem>> -> memref<128xi32, #tpu.memory_space<vmem>>
      %dma_start3A_422 = arith.constant 0 : i32
      %dma_start3A_423 = arith.constant 0 : i32
      %dma_start3A_424 = tpu.memref_slice %arg13[%dma_start3A_422, %dma_start3A_423] : memref<10240x48xf32, #tpu.memory_space<vmem_shared>> -> memref<10240x48xf32, #tpu.memory_space<vmem_shared>>
      tpu.enqueue_indirect_dma source(%arg11 : memref<128x48xf32, #tpu.memory_space<vmem>>) target(%dma_start3A_424 : memref<10240x48xf32, #tpu.memory_space<vmem_shared>>) offsets(%dma_start3A_421 : memref<128xi32, #tpu.memory_space<vmem>>) semaphore(%arg17 : memref<!tpu.dma_semaphore, #tpu.memory_space<semaphore_mem>>) {add = true}
      %gt3A = arith.constant 0 : i32
      %gt3A_425 = arith.cmpi sgt, %add3A_410, %gt3A : i32
      %convert_element_type3A = arith.extui %gt3A_425 : i1 to i32
      %cond3A = arith.constant 0 : i32
      %cond3A_426 = arith.cmpi ne, %convert_element_type3A, %cond3A : i32
      scf.if %cond3A_426 {
        %dma_wait3A_463 = arith.constant 0 : i32
        %dma_wait3A_464 = arith.constant 0 : i32
        %dma_wait3A_465 = tpu.memref_slice %arg13[%dma_wait3A_463, %dma_wait3A_464] : memref<10240x48xf32, #tpu.memory_space<vmem_shared>> -> memref<128x48xf32, #tpu.memory_space<vmem_shared>>
        %dma_wait3A_466 = arith.constant 0 : i32
        %dma_wait3A_467 = arith.constant 0 : i32
        %dma_wait3A_468 = tpu.memref_slice %arg13[%dma_wait3A_466, %dma_wait3A_467] : memref<10240x48xf32, #tpu.memory_space<vmem_shared>> -> memref<128x48xf32, #tpu.memory_space<vmem_shared>>
        tpu.wait_dma2 semaphore(%arg18 : memref<!tpu.dma_semaphore, #tpu.memory_space<semaphore_mem>>) src(%arg12 : memref<128x48xf32, #tpu.memory_space<vmem>>) dst(%dma_wait3A_468 : memref<128x48xf32, #tpu.memory_space<vmem_shared>>)
      } else {
      }
      %add3A_427 = arith.constant 1 : i32
      %add3A_428 = arith.addi %mul3A_412, %add3A_427 : i32
      %dma_start3A_429 = arith.constant 0 : i32
      %dma_start3A_430 = tpu.memref_slice %arg8[%add3A_428, %dma_start3A_429] : memref<168x128xi32, #tpu.memory_space<vmem>> -> memref<1x128xi32, #tpu.memory_space<vmem>>
      %dma_start3A_431 = tpu.memref_squeeze %dma_start3A_430 : memref<1x128xi32, #tpu.memory_space<vmem>> -> memref<128xi32, #tpu.memory_space<vmem>>
      %dma_start3A_432 = arith.constant 0 : i32
      %dma_start3A_433 = arith.constant 0 : i32
      %dma_start3A_434 = tpu.memref_slice %arg14[%dma_start3A_432, %dma_start3A_433] : memref<10240x48xf32, #tpu.memory_space<vmem_shared>> -> memref<10240x48xf32, #tpu.memory_space<vmem_shared>>
      tpu.enqueue_indirect_dma source(%dma_start3A_434 : memref<10240x48xf32, #tpu.memory_space<vmem_shared>>) target(%arg12 : memref<128x48xf32, #tpu.memory_space<vmem>>) offsets(%dma_start3A_431 : memref<128xi32, #tpu.memory_space<vmem>>) semaphore(%arg16 : memref<!tpu.dma_semaphore, #tpu.memory_space<semaphore_mem>>)
      %dma_wait3A_435 = arith.constant 0 : i32
      %dma_wait3A_436 = arith.constant 0 : i32
      %dma_wait3A_437 = tpu.memref_slice %arg13[%dma_wait3A_435, %dma_wait3A_436] : memref<10240x48xf32, #tpu.memory_space<vmem_shared>> -> memref<128x48xf32, #tpu.memory_space<vmem_shared>>
      %dma_wait3A_438 = arith.constant 0 : i32
      %dma_wait3A_439 = arith.constant 0 : i32
      %dma_wait3A_440 = tpu.memref_slice %arg13[%dma_wait3A_438, %dma_wait3A_439] : memref<10240x48xf32, #tpu.memory_space<vmem_shared>> -> memref<128x48xf32, #tpu.memory_space<vmem_shared>>
      tpu.wait_dma2 semaphore(%arg16 : memref<!tpu.dma_semaphore, #tpu.memory_space<semaphore_mem>>) src(%dma_wait3A_440 : memref<128x48xf32, #tpu.memory_space<vmem_shared>>) dst(%arg12 : memref<128x48xf32, #tpu.memory_space<vmem>>)
      %add3A_441 = arith.constant 1 : i32
      %add3A_442 = arith.addi %mul3A_412, %add3A_441 : i32
      %dma_start3A_443 = arith.constant 0 : i32
      %dma_start3A_444 = tpu.memref_slice %arg9[%add3A_442, %dma_start3A_443] : memref<164x128xi32, #tpu.memory_space<vmem>> -> memref<1x128xi32, #tpu.memory_space<vmem>>
      %dma_start3A_445 = tpu.memref_squeeze %dma_start3A_444 : memref<1x128xi32, #tpu.memory_space<vmem>> -> memref<128xi32, #tpu.memory_space<vmem>>
      %dma_start3A_446 = arith.constant 0 : i32
      %dma_start3A_447 = arith.constant 0 : i32
      %dma_start3A_448 = tpu.memref_slice %arg13[%dma_start3A_446, %dma_start3A_447] : memref<10240x48xf32, #tpu.memory_space<vmem_shared>> -> memref<10240x48xf32, #tpu.memory_space<vmem_shared>>
      tpu.enqueue_indirect_dma source(%arg12 : memref<128x48xf32, #tpu.memory_space<vmem>>) target(%dma_start3A_448 : memref<10240x48xf32, #tpu.memory_space<vmem_shared>>) offsets(%dma_start3A_445 : memref<128xi32, #tpu.memory_space<vmem>>) semaphore(%arg18 : memref<!tpu.dma_semaphore, #tpu.memory_space<semaphore_mem>>) {add = true}
      %dma_wait3A_449 = arith.constant 0 : i32
      %dma_wait3A_450 = arith.constant 0 : i32
      %dma_wait3A_451 = tpu.memref_slice %arg13[%dma_wait3A_449, %dma_wait3A_450] : memref<10240x48xf32, #tpu.memory_space<vmem_shared>> -> memref<128x48xf32, #tpu.memory_space<vmem_shared>>
      %dma_wait3A_452 = arith.constant 0 : i32
      %dma_wait3A_453 = arith.constant 0 : i32
      %dma_wait3A_454 = tpu.memref_slice %arg13[%dma_wait3A_452, %dma_wait3A_453] : memref<10240x48xf32, #tpu.memory_space<vmem_shared>> -> memref<128x48xf32, #tpu.memory_space<vmem_shared>>
      tpu.wait_dma2 semaphore(%arg17 : memref<!tpu.dma_semaphore, #tpu.memory_space<semaphore_mem>>) src(%arg11 : memref<128x48xf32, #tpu.memory_space<vmem>>) dst(%dma_wait3A_454 : memref<128x48xf32, #tpu.memory_space<vmem_shared>>)
      %add3A_455 = arith.constant 2 : i32
      %add3A_456 = arith.addi %mul3A_412, %add3A_455 : i32
      %dma_start3A_457 = arith.constant 0 : i32
      %dma_start3A_458 = tpu.memref_slice %arg8[%add3A_456, %dma_start3A_457] : memref<168x128xi32, #tpu.memory_space<vmem>> -> memref<1x128xi32, #tpu.memory_space<vmem>>
      %dma_start3A_459 = tpu.memref_squeeze %dma_start3A_458 : memref<1x128xi32, #tpu.memory_space<vmem>> -> memref<128xi32, #tpu.memory_space<vmem>>
      %dma_start3A_460 = arith.constant 0 : i32
      %dma_start3A_461 = arith.constant 0 : i32
      %dma_start3A_462 = tpu.memref_slice %arg14[%dma_start3A_460, %dma_start3A_461] : memref<10240x48xf32, #tpu.memory_space<vmem_shared>> -> memref<10240x48xf32, #tpu.memory_space<vmem_shared>>
      tpu.enqueue_indirect_dma source(%dma_start3A_462 : memref<10240x48xf32, #tpu.memory_space<vmem_shared>>) target(%arg11 : memref<128x48xf32, #tpu.memory_space<vmem>>) offsets(%dma_start3A_459 : memref<128xi32, #tpu.memory_space<vmem>>) semaphore(%arg15 : memref<!tpu.dma_semaphore, #tpu.memory_space<semaphore_mem>>)
    }
    %scan3A_142 = arith.constant 82 : i32
    %dma_wait3A_143 = arith.constant 0 : i32
    %dma_wait3A_144 = arith.constant 0 : i32
    %dma_wait3A_145 = tpu.memref_slice %arg13[%dma_wait3A_143, %dma_wait3A_144] : memref<10240x48xf32, #tpu.memory_space<vmem_shared>> -> memref<128x48xf32, #tpu.memory_space<vmem_shared>>
    %dma_wait3A_146 = arith.constant 0 : i32
    %dma_wait3A_147 = arith.constant 0 : i32
    %dma_wait3A_148 = tpu.memref_slice %arg13[%dma_wait3A_146, %dma_wait3A_147] : memref<10240x48xf32, #tpu.memory_space<vmem_shared>> -> memref<128x48xf32, #tpu.memory_space<vmem_shared>>
    tpu.wait_dma2 semaphore(%arg15 : memref<!tpu.dma_semaphore, #tpu.memory_space<semaphore_mem>>) src(%dma_wait3A_148 : memref<128x48xf32, #tpu.memory_space<vmem_shared>>) dst(%arg11 : memref<128x48xf32, #tpu.memory_space<vmem>>)
    %dma_wait3A_149 = arith.constant 0 : i32
    %dma_wait3A_150 = arith.constant 0 : i32
    %dma_wait3A_151 = tpu.memref_slice %arg13[%dma_wait3A_149, %dma_wait3A_150] : memref<10240x48xf32, #tpu.memory_space<vmem_shared>> -> memref<128x48xf32, #tpu.memory_space<vmem_shared>>
    %dma_wait3A_152 = arith.constant 0 : i32
    %dma_wait3A_153 = arith.constant 0 : i32
    %dma_wait3A_154 = tpu.memref_slice %arg13[%dma_wait3A_152, %dma_wait3A_153] : memref<10240x48xf32, #tpu.memory_space<vmem_shared>> -> memref<128x48xf32, #tpu.memory_space<vmem_shared>>
    tpu.wait_dma2 semaphore(%arg18 : memref<!tpu.dma_semaphore, #tpu.memory_space<semaphore_mem>>) src(%arg12 : memref<128x48xf32, #tpu.memory_space<vmem>>) dst(%dma_wait3A_154 : memref<128x48xf32, #tpu.memory_space<vmem_shared>>)
    %barrier3A_155 = arith.constant 0 : index
    tpu.barrier barrier_id(%barrier3A_155)
    %scan3A_156 = arith.constant 0 : i32
    %scan3A_157 = arith.constant 5 : i32
    %scan3A_158 = arith.addi %scan3A_156, %scan3A_157 : i32
    %scan3A_159 = arith.constant 1 : i32
    scf.for %scan3A_407 = %scan3A_156 to %scan3A_158 step %scan3A_159  : i32 {
      %mul3A_408 = arith.constant 1 : i32
      %mul3A_409 = arith.muli %scan3A_407, %mul3A_408 : i32
      %add3A = arith.constant 0 : i32
      %add3A_410 = arith.addi %add3A, %mul3A_409 : i32
      %mul3A_411 = arith.constant 128 : i32
      %mul3A_412 = arith.muli %add3A_410, %mul3A_411 : i32
      %add3A_413 = arith.addi %mul3A_0, %mul3A_412 : i32
      %dma_start3A_414 = arith.constant 0 : i32
      %dma_start3A_415 = tpu.memref_slice %arg13[%add3A_413, %dma_start3A_414] : memref<10240x48xf32, #tpu.memory_space<vmem_shared>> -> memref<128x48xf32, #tpu.memory_space<vmem_shared>>
      %dma_start3A_416 = arith.constant 0 : i32
      %dma_start3A_417 = tpu.memref_slice %arg13[%add3A_413, %dma_start3A_416] : memref<10240x48xf32, #tpu.memory_space<vmem_shared>> -> memref<128x48xf32, #tpu.memory_space<vmem_shared>>
      tpu.enqueue_dma source(%dma_start3A_417 : memref<128x48xf32, #tpu.memory_space<vmem_shared>>) target(%arg11 : memref<128x48xf32, #tpu.memory_space<vmem>>) target_semaphore(%arg15 : memref<!tpu.dma_semaphore, #tpu.memory_space<semaphore_mem>>)
      %dma_start3A_418 = arith.constant 0 : i32
      %dma_start3A_419 = tpu.memref_slice %arg6[%add3A_413, %dma_start3A_418] : memref<10240x48xf32, #tpu.memory_space<hbm>> -> memref<128x48xf32, #tpu.memory_space<hbm>>
      %dma_start3A_420 = arith.constant 0 : i32
      %dma_start3A_421 = tpu.memref_slice %arg6[%add3A_413, %dma_start3A_420] : memref<10240x48xf32, #tpu.memory_space<hbm>> -> memref<128x48xf32, #tpu.memory_space<hbm>>
      tpu.enqueue_dma source(%dma_start3A_421 : memref<128x48xf32, #tpu.memory_space<hbm>>) target(%arg12 : memref<128x48xf32, #tpu.memory_space<vmem>>) target_semaphore(%arg16 : memref<!tpu.dma_semaphore, #tpu.memory_space<semaphore_mem>>)
      %dma_wait3A_422 = arith.constant 0 : i32
      %dma_wait3A_423 = tpu.memref_slice %arg13[%add3A_413, %dma_wait3A_422] : memref<10240x48xf32, #tpu.memory_space<vmem_shared>> -> memref<128x48xf32, #tpu.memory_space<vmem_shared>>
      %dma_wait3A_424 = arith.constant 0 : i32
      %dma_wait3A_425 = tpu.memref_slice %arg13[%add3A_413, %dma_wait3A_424] : memref<10240x48xf32, #tpu.memory_space<vmem_shared>> -> memref<128x48xf32, #tpu.memory_space<vmem_shared>>
      tpu.wait_dma2 semaphore(%arg15 : memref<!tpu.dma_semaphore, #tpu.memory_space<semaphore_mem>>) src(%dma_wait3A_425 : memref<128x48xf32, #tpu.memory_space<vmem_shared>>) dst(%arg11 : memref<128x48xf32, #tpu.memory_space<vmem>>)
      %dma_wait3A_426 = arith.constant 0 : i32
      %dma_wait3A_427 = tpu.memref_slice %arg6[%add3A_413, %dma_wait3A_426] : memref<10240x48xf32, #tpu.memory_space<hbm>> -> memref<128x48xf32, #tpu.memory_space<hbm>>
      %dma_wait3A_428 = arith.constant 0 : i32
      %dma_wait3A_429 = tpu.memref_slice %arg6[%add3A_413, %dma_wait3A_428] : memref<10240x48xf32, #tpu.memory_space<hbm>> -> memref<128x48xf32, #tpu.memory_space<hbm>>
      tpu.wait_dma2 semaphore(%arg16 : memref<!tpu.dma_semaphore, #tpu.memory_space<semaphore_mem>>) src(%dma_wait3A_429 : memref<128x48xf32, #tpu.memory_space<hbm>>) dst(%arg12 : memref<128x48xf32, #tpu.memory_space<vmem>>)
      %scan3A_430 = arith.constant 0 : i32
      %scan3A_431 = arith.constant 128 : i32
      %scan3A_432 = arith.addi %scan3A_430, %scan3A_431 : i32
      %scan3A_433 = arith.constant 1 : i32
      scf.for %scan3A_435 = %scan3A_430 to %scan3A_432 step %scan3A_433  : i32 {
        %mul3A_436 = arith.constant 1 : i32
        %mul3A_437 = arith.muli %scan3A_435, %mul3A_436 : i32
        %add3A_438 = arith.constant 0 : i32
        %add3A_439 = arith.addi %add3A_438, %mul3A_437 : i32
        %mul3A_440 = arith.constant 128 : i32
        %mul3A_441 = arith.muli %add3A_410, %mul3A_440 : i32
        %add3A_442 = arith.addi %mul3A_441, %add3A_439 : i32
        %broadcast_in_dim3A = vector.broadcast %add3A_442 : i32 to vector<16xi32>
        %gather3A = tpu.vector_load_idx %arg10[%broadcast_in_dim3A] : memref<640xf32, #tpu.memory_space<vmem>>[vector<16xi32>], vector<16xf32>,
        %get3A = arith.index_cast %add3A_439 : i32 to index
        %get3A_443 = arith.constant 0 : index
        %get3A_444 = tpu.vector_load %arg11[%get3A, %get3A_443] {strides = array<i32>} : memref<128x48xf32, #tpu.memory_space<vmem>>, vector<16xf32>,
        %mul3A_445 = arith.mulf %gather3A, %get3A_444 : vector<16xf32>
        %get3A_446 = arith.index_cast %add3A_439 : i32 to index
        %get3A_447 = arith.constant 0 : index
        %get3A_448 = tpu.vector_load %arg12[%get3A_446, %get3A_447] {strides = array<i32>} : memref<128x48xf32, #tpu.memory_space<vmem>>, vector<16xf32>,
        %add3A_449 = arith.addf %mul3A_445, %get3A_448 : vector<16xf32>
        %swap3A = arith.index_cast %add3A_439 : i32 to index
        %swap3A_450 = arith.constant 0 : index
        %swap3A_451 = tpu.vector_load %arg11[%swap3A, %swap3A_450] {strides = array<i32>} : memref<128x48xf32, #tpu.memory_space<vmem>>, vector<16xf32>,
        tpu.vector_store %arg11[%swap3A, %swap3A_450], %add3A_449 {strides = array<i32>} : memref<128x48xf32, #tpu.memory_space<vmem>>, vector<16xf32>,
        %get3A_452 = arith.index_cast %add3A_439 : i32 to index
        %get3A_453 = arith.constant 16 : index
        %get3A_454 = tpu.vector_load %arg11[%get3A_452, %get3A_453] {strides = array<i32>} : memref<128x48xf32, #tpu.memory_space<vmem>>, vector<16xf32>,
        %mul3A_455 = arith.mulf %gather3A, %get3A_454 : vector<16xf32>
        %get3A_456 = arith.index_cast %add3A_439 : i32 to index
        %get3A_457 = arith.constant 16 : index
        %get3A_458 = tpu.vector_load %arg12[%get3A_456, %get3A_457] {strides = array<i32>} : memref<128x48xf32, #tpu.memory_space<vmem>>, vector<16xf32>,
        %add3A_459 = arith.addf %mul3A_455, %get3A_458 : vector<16xf32>
        %swap3A_460 = arith.index_cast %add3A_439 : i32 to index
        %swap3A_461 = arith.constant 16 : index
        %swap3A_462 = tpu.vector_load %arg11[%swap3A_460, %swap3A_461] {strides = array<i32>} : memref<128x48xf32, #tpu.memory_space<vmem>>, vector<16xf32>,
        tpu.vector_store %arg11[%swap3A_460, %swap3A_461], %add3A_459 {strides = array<i32>} : memref<128x48xf32, #tpu.memory_space<vmem>>, vector<16xf32>,
        %get3A_463 = arith.index_cast %add3A_439 : i32 to index
        %get3A_464 = arith.constant 32 : index
        %get3A_465 = tpu.vector_load %arg11[%get3A_463, %get3A_464] {strides = array<i32>} : memref<128x48xf32, #tpu.memory_space<vmem>>, vector<16xf32>,
        %mul3A_466 = arith.mulf %gather3A, %get3A_465 : vector<16xf32>
        %get3A_467 = arith.index_cast %add3A_439 : i32 to index
        %get3A_468 = arith.constant 32 : index
        %get3A_469 = tpu.vector_load %arg12[%get3A_467, %get3A_468] {strides = array<i32>} : memref<128x48xf32, #tpu.memory_space<vmem>>, vector<16xf32>,
        %add3A_470 = arith.addf %mul3A_466, %get3A_469 : vector<16xf32>
        %swap3A_471 = arith.index_cast %add3A_439 : i32 to index
        %swap3A_472 = arith.constant 32 : index
        %swap3A_473 = tpu.vector_load %arg11[%swap3A_471, %swap3A_472] {strides = array<i32>} : memref<128x48xf32, #tpu.memory_space<vmem>>, vector<16xf32>,
        tpu.vector_store %arg11[%swap3A_471, %swap3A_472], %add3A_470 {strides = array<i32>} : memref<128x48xf32, #tpu.memory_space<vmem>>, vector<16xf32>,
      }
      %scan3A_434 = arith.constant 128 : i32
      "tpu.region"() ({
        %run_scoped3A = tpu.sem_alloc : memref<!tpu.dma_semaphore, #tpu.memory_space<semaphore_mem>>
        %dma_start3A_435 = arith.constant 0 : i32
        %dma_start3A_436 = tpu.memref_slice %arg13[%add3A_413, %dma_start3A_435] : memref<10240x48xf32, #tpu.memory_space<vmem_shared>> -> memref<128x48xf32, #tpu.memory_space<vmem_shared>>
        %dma_start3A_437 = arith.constant 0 : i32
        %dma_start3A_438 = tpu.memref_slice %arg13[%add3A_413, %dma_start3A_437] : memref<10240x48xf32, #tpu.memory_space<vmem_shared>> -> memref<128x48xf32, #tpu.memory_space<vmem_shared>>
        tpu.enqueue_dma source(%arg11 : memref<128x48xf32, #tpu.memory_space<vmem>>) target(%dma_start3A_438 : memref<128x48xf32, #tpu.memory_space<vmem_shared>>) target_semaphore(%run_scoped3A : memref<!tpu.dma_semaphore, #tpu.memory_space<semaphore_mem>>)
        %dma_wait3A_439 = arith.constant 0 : i32
        %dma_wait3A_440 = tpu.memref_slice %arg13[%add3A_413, %dma_wait3A_439] : memref<10240x48xf32, #tpu.memory_space<vmem_shared>> -> memref<128x48xf32, #tpu.memory_space<vmem_shared>>
        %dma_wait3A_441 = arith.constant 0 : i32
        %dma_wait3A_442 = tpu.memref_slice %arg13[%add3A_413, %dma_wait3A_441] : memref<10240x48xf32, #tpu.memory_space<vmem_shared>> -> memref<128x48xf32, #tpu.memory_space<vmem_shared>>
        tpu.wait_dma2 semaphore(%run_scoped3A : memref<!tpu.dma_semaphore, #tpu.memory_space<semaphore_mem>>) src(%arg11 : memref<128x48xf32, #tpu.memory_space<vmem>>) dst(%dma_wait3A_442 : memref<128x48xf32, #tpu.memory_space<vmem_shared>>)
        tpu.yield
      }) : () -> ()
    }
    %scan3A_160 = arith.constant 5 : i32
    %scan3A_161 = arith.constant 0 : i32
    %scan3A_162 = arith.constant 128 : i32
    %scan3A_163 = arith.addi %scan3A_161, %scan3A_162 : i32
    %scan3A_164 = arith.constant 1 : i32
    scf.for %scan3A_407 = %scan3A_161 to %scan3A_163 step %scan3A_164  : i32 {
      %mul3A_408 = arith.constant 1 : i32
      %mul3A_409 = arith.muli %scan3A_407, %mul3A_408 : i32
      %add3A = arith.constant 0 : i32
      %add3A_410 = arith.addi %add3A, %mul3A_409 : i32
      %broadcast_in_dim3A = arith.constant 0.000000e+00 : f32
      %broadcast_in_dim3A_411 = vector.broadcast %broadcast_in_dim3A : f32 to vector<16xf32>
      %swap3A = arith.index_cast %add3A_410 : i32 to index
      %swap3A_412 = arith.constant 0 : index
      %swap3A_413 = tpu.vector_load %arg11[%swap3A, %swap3A_412] {strides = array<i32>} : memref<128x48xf32, #tpu.memory_space<vmem>>, vector<16xf32>,
      tpu.vector_store %arg11[%swap3A, %swap3A_412], %broadcast_in_dim3A_411 {strides = array<i32>} : memref<128x48xf32, #tpu.memory_space<vmem>>, vector<16xf32>,
      %broadcast_in_dim3A_414 = arith.constant 0.000000e+00 : f32
      %broadcast_in_dim3A_415 = vector.broadcast %broadcast_in_dim3A_414 : f32 to vector<16xf32>
      %swap3A_416 = arith.index_cast %add3A_410 : i32 to index
      %swap3A_417 = arith.constant 16 : index
      %swap3A_418 = tpu.vector_load %arg11[%swap3A_416, %swap3A_417] {strides = array<i32>} : memref<128x48xf32, #tpu.memory_space<vmem>>, vector<16xf32>,
      tpu.vector_store %arg11[%swap3A_416, %swap3A_417], %broadcast_in_dim3A_415 {strides = array<i32>} : memref<128x48xf32, #tpu.memory_space<vmem>>, vector<16xf32>,
      %broadcast_in_dim3A_419 = arith.constant 0.000000e+00 : f32
      %broadcast_in_dim3A_420 = vector.broadcast %broadcast_in_dim3A_419 : f32 to vector<16xf32>
      %swap3A_421 = arith.index_cast %add3A_410 : i32 to index
      %swap3A_422 = arith.constant 32 : index
      %swap3A_423 = tpu.vector_load %arg11[%swap3A_421, %swap3A_422] {strides = array<i32>} : memref<128x48xf32, #tpu.memory_space<vmem>>, vector<16xf32>,
      tpu.vector_store %arg11[%swap3A_421, %swap3A_422], %broadcast_in_dim3A_420 {strides = array<i32>} : memref<128x48xf32, #tpu.memory_space<vmem>>, vector<16xf32>,
    }
    %scan3A_165 = arith.constant 128 : i32
    %scan3A_166 = arith.constant 0 : i32
    %scan3A_167 = arith.constant 5 : i32
    %scan3A_168 = arith.addi %scan3A_166, %scan3A_167 : i32
    %scan3A_169 = arith.constant 1 : i32
    scf.for %scan3A_407 = %scan3A_166 to %scan3A_168 step %scan3A_169  : i32 {
      %mul3A_408 = arith.constant 1 : i32
      %mul3A_409 = arith.muli %scan3A_407, %mul3A_408 : i32
      %add3A = arith.constant 0 : i32
      %add3A_410 = arith.addi %add3A, %mul3A_409 : i32
      %mul3A_411 = arith.constant 128 : i32
      %mul3A_412 = arith.muli %add3A_410, %mul3A_411 : i32
      %add3A_413 = arith.addi %mul3A_0, %mul3A_412 : i32
      "tpu.region"() ({
        %run_scoped3A = tpu.sem_alloc : memref<!tpu.dma_semaphore, #tpu.memory_space<semaphore_mem>>
        %dma_start3A_414 = arith.constant 0 : i32
        %dma_start3A_415 = tpu.memref_slice %arg14[%add3A_413, %dma_start3A_414] : memref<10240x48xf32, #tpu.memory_space<vmem_shared>> -> memref<128x48xf32, #tpu.memory_space<vmem_shared>>
        %dma_start3A_416 = arith.constant 0 : i32
        %dma_start3A_417 = tpu.memref_slice %arg14[%add3A_413, %dma_start3A_416] : memref<10240x48xf32, #tpu.memory_space<vmem_shared>> -> memref<128x48xf32, #tpu.memory_space<vmem_shared>>
        tpu.enqueue_dma source(%arg11 : memref<128x48xf32, #tpu.memory_space<vmem>>) target(%dma_start3A_417 : memref<128x48xf32, #tpu.memory_space<vmem_shared>>) target_semaphore(%run_scoped3A : memref<!tpu.dma_semaphore, #tpu.memory_space<semaphore_mem>>)
        %dma_wait3A_418 = arith.constant 0 : i32
        %dma_wait3A_419 = tpu.memref_slice %arg14[%add3A_413, %dma_wait3A_418] : memref<10240x48xf32, #tpu.memory_space<vmem_shared>> -> memref<128x48xf32, #tpu.memory_space<vmem_shared>>
        %dma_wait3A_420 = arith.constant 0 : i32
        %dma_wait3A_421 = tpu.memref_slice %arg14[%add3A_413, %dma_wait3A_420] : memref<10240x48xf32, #tpu.memory_space<vmem_shared>> -> memref<128x48xf32, #tpu.memory_space<vmem_shared>>
        tpu.wait_dma2 semaphore(%run_scoped3A : memref<!tpu.dma_semaphore, #tpu.memory_space<semaphore_mem>>) src(%arg11 : memref<128x48xf32, #tpu.memory_space<vmem>>) dst(%dma_wait3A_421 : memref<128x48xf32, #tpu.memory_space<vmem_shared>>)
        tpu.yield
      }) : () -> ()
    }
    %scan3A_170 = arith.constant 5 : i32
    %barrier3A_171 = arith.constant 0 : index
    tpu.barrier barrier_id(%barrier3A_171)
    %dma_start3A_172 = arith.constant 0 : i32
    %dma_start3A_173 = arith.constant 0 : i32
    %dma_start3A_174 = tpu.memref_slice %arg8[%dma_start3A_172, %dma_start3A_173] : memref<168x128xi32, #tpu.memory_space<vmem>> -> memref<1x128xi32, #tpu.memory_space<vmem>>
    %dma_start3A_175 = tpu.memref_squeeze %dma_start3A_174 : memref<1x128xi32, #tpu.memory_space<vmem>> -> memref<128xi32, #tpu.memory_space<vmem>>
    %dma_start3A_176 = arith.constant 0 : i32
    %dma_start3A_177 = arith.constant 0 : i32
    %dma_start3A_178 = tpu.memref_slice %arg13[%dma_start3A_176, %dma_start3A_177] : memref<10240x48xf32, #tpu.memory_space<vmem_shared>> -> memref<10240x48xf32, #tpu.memory_space<vmem_shared>>
    tpu.enqueue_indirect_dma source(%dma_start3A_178 : memref<10240x48xf32, #tpu.memory_space<vmem_shared>>) target(%arg11 : memref<128x48xf32, #tpu.memory_space<vmem>>) offsets(%dma_start3A_175 : memref<128xi32, #tpu.memory_space<vmem>>) semaphore(%arg15 : memref<!tpu.dma_semaphore, #tpu.memory_space<semaphore_mem>>)
    %scan3A_179 = arith.constant 0 : i32
    %scan3A_180 = arith.constant 82 : i32
    %scan3A_181 = arith.addi %scan3A_179, %scan3A_180 : i32
    %scan3A_182 = arith.constant 1 : i32
    scf.for %scan3A_407 = %scan3A_179 to %scan3A_181 step %scan3A_182  : i32 {
      %mul3A_408 = arith.constant 1 : i32
      %mul3A_409 = arith.muli %scan3A_407, %mul3A_408 : i32
      %add3A = arith.constant 0 : i32
      %add3A_410 = arith.addi %add3A, %mul3A_409 : i32
      %mul3A_411 = arith.constant 2 : i32
      %mul3A_412 = arith.muli %mul3A_411, %add3A_410 : i32
      %dma_wait3A_413 = arith.constant 0 : i32
      %dma_wait3A_414 = arith.constant 0 : i32
      %dma_wait3A_415 = tpu.memref_slice %arg13[%dma_wait3A_413, %dma_wait3A_414] : memref<10240x48xf32, #tpu.memory_space<vmem_shared>> -> memref<128x48xf32, #tpu.memory_space<vmem_shared>>
      %dma_wait3A_416 = arith.constant 0 : i32
      %dma_wait3A_417 = arith.constant 0 : i32
      %dma_wait3A_418 = tpu.memref_slice %arg13[%dma_wait3A_416, %dma_wait3A_417] : memref<10240x48xf32, #tpu.memory_space<vmem_shared>> -> memref<128x48xf32, #tpu.memory_space<vmem_shared>>
      tpu.wait_dma2 semaphore(%arg15 : memref<!tpu.dma_semaphore, #tpu.memory_space<semaphore_mem>>) src(%dma_wait3A_418 : memref<128x48xf32, #tpu.memory_space<vmem_shared>>) dst(%arg11 : memref<128x48xf32, #tpu.memory_space<vmem>>)
      %dma_start3A_419 = arith.constant 0 : i32
      %dma_start3A_420 = tpu.memref_slice %arg9[%mul3A_412, %dma_start3A_419] : memref<164x128xi32, #tpu.memory_space<vmem>> -> memref<1x128xi32, #tpu.memory_space<vmem>>
      %dma_start3A_421 = tpu.memref_squeeze %dma_start3A_420 : memref<1x128xi32, #tpu.memory_space<vmem>> -> memref<128xi32, #tpu.memory_space<vmem>>
      %dma_start3A_422 = arith.constant 0 : i32
      %dma_start3A_423 = arith.constant 0 : i32
      %dma_start3A_424 = tpu.memref_slice %arg14[%dma_start3A_422, %dma_start3A_423] : memref<10240x48xf32, #tpu.memory_space<vmem_shared>> -> memref<10240x48xf32, #tpu.memory_space<vmem_shared>>
      tpu.enqueue_indirect_dma source(%arg11 : memref<128x48xf32, #tpu.memory_space<vmem>>) target(%dma_start3A_424 : memref<10240x48xf32, #tpu.memory_space<vmem_shared>>) offsets(%dma_start3A_421 : memref<128xi32, #tpu.memory_space<vmem>>) semaphore(%arg17 : memref<!tpu.dma_semaphore, #tpu.memory_space<semaphore_mem>>) {add = true}
      %gt3A = arith.constant 0 : i32
      %gt3A_425 = arith.cmpi sgt, %add3A_410, %gt3A : i32
      %convert_element_type3A = arith.extui %gt3A_425 : i1 to i32
      %cond3A = arith.constant 0 : i32
      %cond3A_426 = arith.cmpi ne, %convert_element_type3A, %cond3A : i32
      scf.if %cond3A_426 {
        %dma_wait3A_463 = arith.constant 0 : i32
        %dma_wait3A_464 = arith.constant 0 : i32
        %dma_wait3A_465 = tpu.memref_slice %arg13[%dma_wait3A_463, %dma_wait3A_464] : memref<10240x48xf32, #tpu.memory_space<vmem_shared>> -> memref<128x48xf32, #tpu.memory_space<vmem_shared>>
        %dma_wait3A_466 = arith.constant 0 : i32
        %dma_wait3A_467 = arith.constant 0 : i32
        %dma_wait3A_468 = tpu.memref_slice %arg13[%dma_wait3A_466, %dma_wait3A_467] : memref<10240x48xf32, #tpu.memory_space<vmem_shared>> -> memref<128x48xf32, #tpu.memory_space<vmem_shared>>
        tpu.wait_dma2 semaphore(%arg18 : memref<!tpu.dma_semaphore, #tpu.memory_space<semaphore_mem>>) src(%arg12 : memref<128x48xf32, #tpu.memory_space<vmem>>) dst(%dma_wait3A_468 : memref<128x48xf32, #tpu.memory_space<vmem_shared>>)
      } else {
      }
      %add3A_427 = arith.constant 1 : i32
      %add3A_428 = arith.addi %mul3A_412, %add3A_427 : i32
      %dma_start3A_429 = arith.constant 0 : i32
      %dma_start3A_430 = tpu.memref_slice %arg8[%add3A_428, %dma_start3A_429] : memref<168x128xi32, #tpu.memory_space<vmem>> -> memref<1x128xi32, #tpu.memory_space<vmem>>
      %dma_start3A_431 = tpu.memref_squeeze %dma_start3A_430 : memref<1x128xi32, #tpu.memory_space<vmem>> -> memref<128xi32, #tpu.memory_space<vmem>>
      %dma_start3A_432 = arith.constant 0 : i32
      %dma_start3A_433 = arith.constant 0 : i32
      %dma_start3A_434 = tpu.memref_slice %arg13[%dma_start3A_432, %dma_start3A_433] : memref<10240x48xf32, #tpu.memory_space<vmem_shared>> -> memref<10240x48xf32, #tpu.memory_space<vmem_shared>>
      tpu.enqueue_indirect_dma source(%dma_start3A_434 : memref<10240x48xf32, #tpu.memory_space<vmem_shared>>) target(%arg12 : memref<128x48xf32, #tpu.memory_space<vmem>>) offsets(%dma_start3A_431 : memref<128xi32, #tpu.memory_space<vmem>>) semaphore(%arg16 : memref<!tpu.dma_semaphore, #tpu.memory_space<semaphore_mem>>)
      %dma_wait3A_435 = arith.constant 0 : i32
      %dma_wait3A_436 = arith.constant 0 : i32
      %dma_wait3A_437 = tpu.memref_slice %arg13[%dma_wait3A_435, %dma_wait3A_436] : memref<10240x48xf32, #tpu.memory_space<vmem_shared>> -> memref<128x48xf32, #tpu.memory_space<vmem_shared>>
      %dma_wait3A_438 = arith.constant 0 : i32
      %dma_wait3A_439 = arith.constant 0 : i32
      %dma_wait3A_440 = tpu.memref_slice %arg13[%dma_wait3A_438, %dma_wait3A_439] : memref<10240x48xf32, #tpu.memory_space<vmem_shared>> -> memref<128x48xf32, #tpu.memory_space<vmem_shared>>
      tpu.wait_dma2 semaphore(%arg16 : memref<!tpu.dma_semaphore, #tpu.memory_space<semaphore_mem>>) src(%dma_wait3A_440 : memref<128x48xf32, #tpu.memory_space<vmem_shared>>) dst(%arg12 : memref<128x48xf32, #tpu.memory_space<vmem>>)
      %add3A_441 = arith.constant 1 : i32
      %add3A_442 = arith.addi %mul3A_412, %add3A_441 : i32
      %dma_start3A_443 = arith.constant 0 : i32
      %dma_start3A_444 = tpu.memref_slice %arg9[%add3A_442, %dma_start3A_443] : memref<164x128xi32, #tpu.memory_space<vmem>> -> memref<1x128xi32, #tpu.memory_space<vmem>>
      %dma_start3A_445 = tpu.memref_squeeze %dma_start3A_444 : memref<1x128xi32, #tpu.memory_space<vmem>> -> memref<128xi32, #tpu.memory_space<vmem>>
      %dma_start3A_446 = arith.constant 0 : i32
      %dma_start3A_447 = arith.constant 0 : i32
      %dma_start3A_448 = tpu.memref_slice %arg14[%dma_start3A_446, %dma_start3A_447] : memref<10240x48xf32, #tpu.memory_space<vmem_shared>> -> memref<10240x48xf32, #tpu.memory_space<vmem_shared>>
      tpu.enqueue_indirect_dma source(%arg12 : memref<128x48xf32, #tpu.memory_space<vmem>>) target(%dma_start3A_448 : memref<10240x48xf32, #tpu.memory_space<vmem_shared>>) offsets(%dma_start3A_445 : memref<128xi32, #tpu.memory_space<vmem>>) semaphore(%arg18 : memref<!tpu.dma_semaphore, #tpu.memory_space<semaphore_mem>>) {add = true}
      %dma_wait3A_449 = arith.constant 0 : i32
      %dma_wait3A_450 = arith.constant 0 : i32
      %dma_wait3A_451 = tpu.memref_slice %arg13[%dma_wait3A_449, %dma_wait3A_450] : memref<10240x48xf32, #tpu.memory_space<vmem_shared>> -> memref<128x48xf32, #tpu.memory_space<vmem_shared>>
      %dma_wait3A_452 = arith.constant 0 : i32
      %dma_wait3A_453 = arith.constant 0 : i32
      %dma_wait3A_454 = tpu.memref_slice %arg13[%dma_wait3A_452, %dma_wait3A_453] : memref<10240x48xf32, #tpu.memory_space<vmem_shared>> -> memref<128x48xf32, #tpu.memory_space<vmem_shared>>
      tpu.wait_dma2 semaphore(%arg17 : memref<!tpu.dma_semaphore, #tpu.memory_space<semaphore_mem>>) src(%arg11 : memref<128x48xf32, #tpu.memory_space<vmem>>) dst(%dma_wait3A_454 : memref<128x48xf32, #tpu.memory_space<vmem_shared>>)
      %add3A_455 = arith.constant 2 : i32
      %add3A_456 = arith.addi %mul3A_412, %add3A_455 : i32
      %dma_start3A_457 = arith.constant 0 : i32
      %dma_start3A_458 = tpu.memref_slice %arg8[%add3A_456, %dma_start3A_457] : memref<168x128xi32, #tpu.memory_space<vmem>> -> memref<1x128xi32, #tpu.memory_space<vmem>>
      %dma_start3A_459 = tpu.memref_squeeze %dma_start3A_458 : memref<1x128xi32, #tpu.memory_space<vmem>> -> memref<128xi32, #tpu.memory_space<vmem>>
      %dma_start3A_460 = arith.constant 0 : i32
      %dma_start3A_461 = arith.constant 0 : i32
      %dma_start3A_462 = tpu.memref_slice %arg13[%dma_start3A_460, %dma_start3A_461] : memref<10240x48xf32, #tpu.memory_space<vmem_shared>> -> memref<10240x48xf32, #tpu.memory_space<vmem_shared>>
      tpu.enqueue_indirect_dma source(%dma_start3A_462 : memref<10240x48xf32, #tpu.memory_space<vmem_shared>>) target(%arg11 : memref<128x48xf32, #tpu.memory_space<vmem>>) offsets(%dma_start3A_459 : memref<128xi32, #tpu.memory_space<vmem>>) semaphore(%arg15 : memref<!tpu.dma_semaphore, #tpu.memory_space<semaphore_mem>>)
    }
    %scan3A_183 = arith.constant 82 : i32
    %dma_wait3A_184 = arith.constant 0 : i32
    %dma_wait3A_185 = arith.constant 0 : i32
    %dma_wait3A_186 = tpu.memref_slice %arg13[%dma_wait3A_184, %dma_wait3A_185] : memref<10240x48xf32, #tpu.memory_space<vmem_shared>> -> memref<128x48xf32, #tpu.memory_space<vmem_shared>>
    %dma_wait3A_187 = arith.constant 0 : i32
    %dma_wait3A_188 = arith.constant 0 : i32
    %dma_wait3A_189 = tpu.memref_slice %arg13[%dma_wait3A_187, %dma_wait3A_188] : memref<10240x48xf32, #tpu.memory_space<vmem_shared>> -> memref<128x48xf32, #tpu.memory_space<vmem_shared>>
    tpu.wait_dma2 semaphore(%arg15 : memref<!tpu.dma_semaphore, #tpu.memory_space<semaphore_mem>>) src(%dma_wait3A_189 : memref<128x48xf32, #tpu.memory_space<vmem_shared>>) dst(%arg11 : memref<128x48xf32, #tpu.memory_space<vmem>>)
    %dma_wait3A_190 = arith.constant 0 : i32
    %dma_wait3A_191 = arith.constant 0 : i32
    %dma_wait3A_192 = tpu.memref_slice %arg13[%dma_wait3A_190, %dma_wait3A_191] : memref<10240x48xf32, #tpu.memory_space<vmem_shared>> -> memref<128x48xf32, #tpu.memory_space<vmem_shared>>
    %dma_wait3A_193 = arith.constant 0 : i32
    %dma_wait3A_194 = arith.constant 0 : i32
    %dma_wait3A_195 = tpu.memref_slice %arg13[%dma_wait3A_193, %dma_wait3A_194] : memref<10240x48xf32, #tpu.memory_space<vmem_shared>> -> memref<128x48xf32, #tpu.memory_space<vmem_shared>>
    tpu.wait_dma2 semaphore(%arg18 : memref<!tpu.dma_semaphore, #tpu.memory_space<semaphore_mem>>) src(%arg12 : memref<128x48xf32, #tpu.memory_space<vmem>>) dst(%dma_wait3A_195 : memref<128x48xf32, #tpu.memory_space<vmem_shared>>)
    %barrier3A_196 = arith.constant 0 : index
    tpu.barrier barrier_id(%barrier3A_196)
    %scan3A_197 = arith.constant 0 : i32
    %scan3A_198 = arith.constant 5 : i32
    %scan3A_199 = arith.addi %scan3A_197, %scan3A_198 : i32
    %scan3A_200 = arith.constant 1 : i32
    scf.for %scan3A_407 = %scan3A_197 to %scan3A_199 step %scan3A_200  : i32 {
      %mul3A_408 = arith.constant 1 : i32
      %mul3A_409 = arith.muli %scan3A_407, %mul3A_408 : i32
      %add3A = arith.constant 0 : i32
      %add3A_410 = arith.addi %add3A, %mul3A_409 : i32
      %mul3A_411 = arith.constant 128 : i32
      %mul3A_412 = arith.muli %add3A_410, %mul3A_411 : i32
      %add3A_413 = arith.addi %mul3A_0, %mul3A_412 : i32
      %dma_start3A_414 = arith.constant 0 : i32
      %dma_start3A_415 = tpu.memref_slice %arg14[%add3A_413, %dma_start3A_414] : memref<10240x48xf32, #tpu.memory_space<vmem_shared>> -> memref<128x48xf32, #tpu.memory_space<vmem_shared>>
      %dma_start3A_416 = arith.constant 0 : i32
      %dma_start3A_417 = tpu.memref_slice %arg14[%add3A_413, %dma_start3A_416] : memref<10240x48xf32, #tpu.memory_space<vmem_shared>> -> memref<128x48xf32, #tpu.memory_space<vmem_shared>>
      tpu.enqueue_dma source(%dma_start3A_417 : memref<128x48xf32, #tpu.memory_space<vmem_shared>>) target(%arg11 : memref<128x48xf32, #tpu.memory_space<vmem>>) target_semaphore(%arg15 : memref<!tpu.dma_semaphore, #tpu.memory_space<semaphore_mem>>)
      %dma_start3A_418 = arith.constant 0 : i32
      %dma_start3A_419 = tpu.memref_slice %arg6[%add3A_413, %dma_start3A_418] : memref<10240x48xf32, #tpu.memory_space<hbm>> -> memref<128x48xf32, #tpu.memory_space<hbm>>
      %dma_start3A_420 = arith.constant 0 : i32
      %dma_start3A_421 = tpu.memref_slice %arg6[%add3A_413, %dma_start3A_420] : memref<10240x48xf32, #tpu.memory_space<hbm>> -> memref<128x48xf32, #tpu.memory_space<hbm>>
      tpu.enqueue_dma source(%dma_start3A_421 : memref<128x48xf32, #tpu.memory_space<hbm>>) target(%arg12 : memref<128x48xf32, #tpu.memory_space<vmem>>) target_semaphore(%arg16 : memref<!tpu.dma_semaphore, #tpu.memory_space<semaphore_mem>>)
      %dma_wait3A_422 = arith.constant 0 : i32
      %dma_wait3A_423 = tpu.memref_slice %arg14[%add3A_413, %dma_wait3A_422] : memref<10240x48xf32, #tpu.memory_space<vmem_shared>> -> memref<128x48xf32, #tpu.memory_space<vmem_shared>>
      %dma_wait3A_424 = arith.constant 0 : i32
      %dma_wait3A_425 = tpu.memref_slice %arg14[%add3A_413, %dma_wait3A_424] : memref<10240x48xf32, #tpu.memory_space<vmem_shared>> -> memref<128x48xf32, #tpu.memory_space<vmem_shared>>
      tpu.wait_dma2 semaphore(%arg15 : memref<!tpu.dma_semaphore, #tpu.memory_space<semaphore_mem>>) src(%dma_wait3A_425 : memref<128x48xf32, #tpu.memory_space<vmem_shared>>) dst(%arg11 : memref<128x48xf32, #tpu.memory_space<vmem>>)
      %dma_wait3A_426 = arith.constant 0 : i32
      %dma_wait3A_427 = tpu.memref_slice %arg6[%add3A_413, %dma_wait3A_426] : memref<10240x48xf32, #tpu.memory_space<hbm>> -> memref<128x48xf32, #tpu.memory_space<hbm>>
      %dma_wait3A_428 = arith.constant 0 : i32
      %dma_wait3A_429 = tpu.memref_slice %arg6[%add3A_413, %dma_wait3A_428] : memref<10240x48xf32, #tpu.memory_space<hbm>> -> memref<128x48xf32, #tpu.memory_space<hbm>>
      tpu.wait_dma2 semaphore(%arg16 : memref<!tpu.dma_semaphore, #tpu.memory_space<semaphore_mem>>) src(%dma_wait3A_429 : memref<128x48xf32, #tpu.memory_space<hbm>>) dst(%arg12 : memref<128x48xf32, #tpu.memory_space<vmem>>)
      %scan3A_430 = arith.constant 0 : i32
      %scan3A_431 = arith.constant 128 : i32
      %scan3A_432 = arith.addi %scan3A_430, %scan3A_431 : i32
      %scan3A_433 = arith.constant 1 : i32
      scf.for %scan3A_435 = %scan3A_430 to %scan3A_432 step %scan3A_433  : i32 {
        %mul3A_436 = arith.constant 1 : i32
        %mul3A_437 = arith.muli %scan3A_435, %mul3A_436 : i32
        %add3A_438 = arith.constant 0 : i32
        %add3A_439 = arith.addi %add3A_438, %mul3A_437 : i32
        %mul3A_440 = arith.constant 128 : i32
        %mul3A_441 = arith.muli %add3A_410, %mul3A_440 : i32
        %add3A_442 = arith.addi %mul3A_441, %add3A_439 : i32
        %broadcast_in_dim3A = vector.broadcast %add3A_442 : i32 to vector<16xi32>
        %gather3A = tpu.vector_load_idx %arg10[%broadcast_in_dim3A] : memref<640xf32, #tpu.memory_space<vmem>>[vector<16xi32>], vector<16xf32>,
        %get3A = arith.index_cast %add3A_439 : i32 to index
        %get3A_443 = arith.constant 0 : index
        %get3A_444 = tpu.vector_load %arg11[%get3A, %get3A_443] {strides = array<i32>} : memref<128x48xf32, #tpu.memory_space<vmem>>, vector<16xf32>,
        %mul3A_445 = arith.mulf %gather3A, %get3A_444 : vector<16xf32>
        %get3A_446 = arith.index_cast %add3A_439 : i32 to index
        %get3A_447 = arith.constant 0 : index
        %get3A_448 = tpu.vector_load %arg12[%get3A_446, %get3A_447] {strides = array<i32>} : memref<128x48xf32, #tpu.memory_space<vmem>>, vector<16xf32>,
        %add3A_449 = arith.addf %mul3A_445, %get3A_448 : vector<16xf32>
        %swap3A = arith.index_cast %add3A_439 : i32 to index
        %swap3A_450 = arith.constant 0 : index
        %swap3A_451 = tpu.vector_load %arg11[%swap3A, %swap3A_450] {strides = array<i32>} : memref<128x48xf32, #tpu.memory_space<vmem>>, vector<16xf32>,
        tpu.vector_store %arg11[%swap3A, %swap3A_450], %add3A_449 {strides = array<i32>} : memref<128x48xf32, #tpu.memory_space<vmem>>, vector<16xf32>,
        %get3A_452 = arith.index_cast %add3A_439 : i32 to index
        %get3A_453 = arith.constant 16 : index
        %get3A_454 = tpu.vector_load %arg11[%get3A_452, %get3A_453] {strides = array<i32>} : memref<128x48xf32, #tpu.memory_space<vmem>>, vector<16xf32>,
        %mul3A_455 = arith.mulf %gather3A, %get3A_454 : vector<16xf32>
        %get3A_456 = arith.index_cast %add3A_439 : i32 to index
        %get3A_457 = arith.constant 16 : index
        %get3A_458 = tpu.vector_load %arg12[%get3A_456, %get3A_457] {strides = array<i32>} : memref<128x48xf32, #tpu.memory_space<vmem>>, vector<16xf32>,
        %add3A_459 = arith.addf %mul3A_455, %get3A_458 : vector<16xf32>
        %swap3A_460 = arith.index_cast %add3A_439 : i32 to index
        %swap3A_461 = arith.constant 16 : index
        %swap3A_462 = tpu.vector_load %arg11[%swap3A_460, %swap3A_461] {strides = array<i32>} : memref<128x48xf32, #tpu.memory_space<vmem>>, vector<16xf32>,
        tpu.vector_store %arg11[%swap3A_460, %swap3A_461], %add3A_459 {strides = array<i32>} : memref<128x48xf32, #tpu.memory_space<vmem>>, vector<16xf32>,
        %get3A_463 = arith.index_cast %add3A_439 : i32 to index
        %get3A_464 = arith.constant 32 : index
        %get3A_465 = tpu.vector_load %arg11[%get3A_463, %get3A_464] {strides = array<i32>} : memref<128x48xf32, #tpu.memory_space<vmem>>, vector<16xf32>,
        %mul3A_466 = arith.mulf %gather3A, %get3A_465 : vector<16xf32>
        %get3A_467 = arith.index_cast %add3A_439 : i32 to index
        %get3A_468 = arith.constant 32 : index
        %get3A_469 = tpu.vector_load %arg12[%get3A_467, %get3A_468] {strides = array<i32>} : memref<128x48xf32, #tpu.memory_space<vmem>>, vector<16xf32>,
        %add3A_470 = arith.addf %mul3A_466, %get3A_469 : vector<16xf32>
        %swap3A_471 = arith.index_cast %add3A_439 : i32 to index
        %swap3A_472 = arith.constant 32 : index
        %swap3A_473 = tpu.vector_load %arg11[%swap3A_471, %swap3A_472] {strides = array<i32>} : memref<128x48xf32, #tpu.memory_space<vmem>>, vector<16xf32>,
        tpu.vector_store %arg11[%swap3A_471, %swap3A_472], %add3A_470 {strides = array<i32>} : memref<128x48xf32, #tpu.memory_space<vmem>>, vector<16xf32>,
      }
      %scan3A_434 = arith.constant 128 : i32
      "tpu.region"() ({
        %run_scoped3A = tpu.sem_alloc : memref<!tpu.dma_semaphore, #tpu.memory_space<semaphore_mem>>
        %dma_start3A_435 = arith.constant 0 : i32
        %dma_start3A_436 = tpu.memref_slice %arg14[%add3A_413, %dma_start3A_435] : memref<10240x48xf32, #tpu.memory_space<vmem_shared>> -> memref<128x48xf32, #tpu.memory_space<vmem_shared>>
        %dma_start3A_437 = arith.constant 0 : i32
        %dma_start3A_438 = tpu.memref_slice %arg14[%add3A_413, %dma_start3A_437] : memref<10240x48xf32, #tpu.memory_space<vmem_shared>> -> memref<128x48xf32, #tpu.memory_space<vmem_shared>>
        tpu.enqueue_dma source(%arg11 : memref<128x48xf32, #tpu.memory_space<vmem>>) target(%dma_start3A_438 : memref<128x48xf32, #tpu.memory_space<vmem_shared>>) target_semaphore(%run_scoped3A : memref<!tpu.dma_semaphore, #tpu.memory_space<semaphore_mem>>)
        %dma_wait3A_439 = arith.constant 0 : i32
        %dma_wait3A_440 = tpu.memref_slice %arg14[%add3A_413, %dma_wait3A_439] : memref<10240x48xf32, #tpu.memory_space<vmem_shared>> -> memref<128x48xf32, #tpu.memory_space<vmem_shared>>
        %dma_wait3A_441 = arith.constant 0 : i32
        %dma_wait3A_442 = tpu.memref_slice %arg14[%add3A_413, %dma_wait3A_441] : memref<10240x48xf32, #tpu.memory_space<vmem_shared>> -> memref<128x48xf32, #tpu.memory_space<vmem_shared>>
        tpu.wait_dma2 semaphore(%run_scoped3A : memref<!tpu.dma_semaphore, #tpu.memory_space<semaphore_mem>>) src(%arg11 : memref<128x48xf32, #tpu.memory_space<vmem>>) dst(%dma_wait3A_442 : memref<128x48xf32, #tpu.memory_space<vmem_shared>>)
        tpu.yield
      }) : () -> ()
    }
    %scan3A_201 = arith.constant 5 : i32
    %scan3A_202 = arith.constant 0 : i32
    %scan3A_203 = arith.constant 128 : i32
    %scan3A_204 = arith.addi %scan3A_202, %scan3A_203 : i32
    %scan3A_205 = arith.constant 1 : i32
    scf.for %scan3A_407 = %scan3A_202 to %scan3A_204 step %scan3A_205  : i32 {
      %mul3A_408 = arith.constant 1 : i32
      %mul3A_409 = arith.muli %scan3A_407, %mul3A_408 : i32
      %add3A = arith.constant 0 : i32
      %add3A_410 = arith.addi %add3A, %mul3A_409 : i32
      %broadcast_in_dim3A = arith.constant 0.000000e+00 : f32
      %broadcast_in_dim3A_411 = vector.broadcast %broadcast_in_dim3A : f32 to vector<16xf32>
      %swap3A = arith.index_cast %add3A_410 : i32 to index
      %swap3A_412 = arith.constant 0 : index
      %swap3A_413 = tpu.vector_load %arg11[%swap3A, %swap3A_412] {strides = array<i32>} : memref<128x48xf32, #tpu.memory_space<vmem>>, vector<16xf32>,
      tpu.vector_store %arg11[%swap3A, %swap3A_412], %broadcast_in_dim3A_411 {strides = array<i32>} : memref<128x48xf32, #tpu.memory_space<vmem>>, vector<16xf32>,
      %broadcast_in_dim3A_414 = arith.constant 0.000000e+00 : f32
      %broadcast_in_dim3A_415 = vector.broadcast %broadcast_in_dim3A_414 : f32 to vector<16xf32>
      %swap3A_416 = arith.index_cast %add3A_410 : i32 to index
      %swap3A_417 = arith.constant 16 : index
      %swap3A_418 = tpu.vector_load %arg11[%swap3A_416, %swap3A_417] {strides = array<i32>} : memref<128x48xf32, #tpu.memory_space<vmem>>, vector<16xf32>,
      tpu.vector_store %arg11[%swap3A_416, %swap3A_417], %broadcast_in_dim3A_415 {strides = array<i32>} : memref<128x48xf32, #tpu.memory_space<vmem>>, vector<16xf32>,
      %broadcast_in_dim3A_419 = arith.constant 0.000000e+00 : f32
      %broadcast_in_dim3A_420 = vector.broadcast %broadcast_in_dim3A_419 : f32 to vector<16xf32>
      %swap3A_421 = arith.index_cast %add3A_410 : i32 to index
      %swap3A_422 = arith.constant 32 : index
      %swap3A_423 = tpu.vector_load %arg11[%swap3A_421, %swap3A_422] {strides = array<i32>} : memref<128x48xf32, #tpu.memory_space<vmem>>, vector<16xf32>,
      tpu.vector_store %arg11[%swap3A_421, %swap3A_422], %broadcast_in_dim3A_420 {strides = array<i32>} : memref<128x48xf32, #tpu.memory_space<vmem>>, vector<16xf32>,
    }
    %scan3A_206 = arith.constant 128 : i32
    %scan3A_207 = arith.constant 0 : i32
    %scan3A_208 = arith.constant 5 : i32
    %scan3A_209 = arith.addi %scan3A_207, %scan3A_208 : i32
    %scan3A_210 = arith.constant 1 : i32
    scf.for %scan3A_407 = %scan3A_207 to %scan3A_209 step %scan3A_210  : i32 {
      %mul3A_408 = arith.constant 1 : i32
      %mul3A_409 = arith.muli %scan3A_407, %mul3A_408 : i32
      %add3A = arith.constant 0 : i32
      %add3A_410 = arith.addi %add3A, %mul3A_409 : i32
      %mul3A_411 = arith.constant 128 : i32
      %mul3A_412 = arith.muli %add3A_410, %mul3A_411 : i32
      %add3A_413 = arith.addi %mul3A_0, %mul3A_412 : i32
      "tpu.region"() ({
        %run_scoped3A = tpu.sem_alloc : memref<!tpu.dma_semaphore, #tpu.memory_space<semaphore_mem>>
        %dma_start3A_414 = arith.constant 0 : i32
        %dma_start3A_415 = tpu.memref_slice %arg13[%add3A_413, %dma_start3A_414] : memref<10240x48xf32, #tpu.memory_space<vmem_shared>> -> memref<128x48xf32, #tpu.memory_space<vmem_shared>>
        %dma_start3A_416 = arith.constant 0 : i32
        %dma_start3A_417 = tpu.memref_slice %arg13[%add3A_413, %dma_start3A_416] : memref<10240x48xf32, #tpu.memory_space<vmem_shared>> -> memref<128x48xf32, #tpu.memory_space<vmem_shared>>
        tpu.enqueue_dma source(%arg11 : memref<128x48xf32, #tpu.memory_space<vmem>>) target(%dma_start3A_417 : memref<128x48xf32, #tpu.memory_space<vmem_shared>>) target_semaphore(%run_scoped3A : memref<!tpu.dma_semaphore, #tpu.memory_space<semaphore_mem>>)
        %dma_wait3A_418 = arith.constant 0 : i32
        %dma_wait3A_419 = tpu.memref_slice %arg13[%add3A_413, %dma_wait3A_418] : memref<10240x48xf32, #tpu.memory_space<vmem_shared>> -> memref<128x48xf32, #tpu.memory_space<vmem_shared>>
        %dma_wait3A_420 = arith.constant 0 : i32
        %dma_wait3A_421 = tpu.memref_slice %arg13[%add3A_413, %dma_wait3A_420] : memref<10240x48xf32, #tpu.memory_space<vmem_shared>> -> memref<128x48xf32, #tpu.memory_space<vmem_shared>>
        tpu.wait_dma2 semaphore(%run_scoped3A : memref<!tpu.dma_semaphore, #tpu.memory_space<semaphore_mem>>) src(%arg11 : memref<128x48xf32, #tpu.memory_space<vmem>>) dst(%dma_wait3A_421 : memref<128x48xf32, #tpu.memory_space<vmem_shared>>)
        tpu.yield
      }) : () -> ()
    }
    %scan3A_211 = arith.constant 5 : i32
    %barrier3A_212 = arith.constant 0 : index
    tpu.barrier barrier_id(%barrier3A_212)
    %dma_start3A_213 = arith.constant 0 : i32
    %dma_start3A_214 = arith.constant 0 : i32
    %dma_start3A_215 = tpu.memref_slice %arg8[%dma_start3A_213, %dma_start3A_214] : memref<168x128xi32, #tpu.memory_space<vmem>> -> memref<1x128xi32, #tpu.memory_space<vmem>>
    %dma_start3A_216 = tpu.memref_squeeze %dma_start3A_215 : memref<1x128xi32, #tpu.memory_space<vmem>> -> memref<128xi32, #tpu.memory_space<vmem>>
    %dma_start3A_217 = arith.constant 0 : i32
    %dma_start3A_218 = arith.constant 0 : i32
    %dma_start3A_219 = tpu.memref_slice %arg14[%dma_start3A_217, %dma_start3A_218] : memref<10240x48xf32, #tpu.memory_space<vmem_shared>> -> memref<10240x48xf32, #tpu.memory_space<vmem_shared>>
    tpu.enqueue_indirect_dma source(%dma_start3A_219 : memref<10240x48xf32, #tpu.memory_space<vmem_shared>>) target(%arg11 : memref<128x48xf32, #tpu.memory_space<vmem>>) offsets(%dma_start3A_216 : memref<128xi32, #tpu.memory_space<vmem>>) semaphore(%arg15 : memref<!tpu.dma_semaphore, #tpu.memory_space<semaphore_mem>>)
    %scan3A_220 = arith.constant 0 : i32
    %scan3A_221 = arith.constant 82 : i32
    %scan3A_222 = arith.addi %scan3A_220, %scan3A_221 : i32
    %scan3A_223 = arith.constant 1 : i32
    scf.for %scan3A_407 = %scan3A_220 to %scan3A_222 step %scan3A_223  : i32 {
      %mul3A_408 = arith.constant 1 : i32
      %mul3A_409 = arith.muli %scan3A_407, %mul3A_408 : i32
      %add3A = arith.constant 0 : i32
      %add3A_410 = arith.addi %add3A, %mul3A_409 : i32
      %mul3A_411 = arith.constant 2 : i32
      %mul3A_412 = arith.muli %mul3A_411, %add3A_410 : i32
      %dma_wait3A_413 = arith.constant 0 : i32
      %dma_wait3A_414 = arith.constant 0 : i32
      %dma_wait3A_415 = tpu.memref_slice %arg13[%dma_wait3A_413, %dma_wait3A_414] : memref<10240x48xf32, #tpu.memory_space<vmem_shared>> -> memref<128x48xf32, #tpu.memory_space<vmem_shared>>
      %dma_wait3A_416 = arith.constant 0 : i32
      %dma_wait3A_417 = arith.constant 0 : i32
      %dma_wait3A_418 = tpu.memref_slice %arg13[%dma_wait3A_416, %dma_wait3A_417] : memref<10240x48xf32, #tpu.memory_space<vmem_shared>> -> memref<128x48xf32, #tpu.memory_space<vmem_shared>>
      tpu.wait_dma2 semaphore(%arg15 : memref<!tpu.dma_semaphore, #tpu.memory_space<semaphore_mem>>) src(%dma_wait3A_418 : memref<128x48xf32, #tpu.memory_space<vmem_shared>>) dst(%arg11 : memref<128x48xf32, #tpu.memory_space<vmem>>)
      %dma_start3A_419 = arith.constant 0 : i32
      %dma_start3A_420 = tpu.memref_slice %arg9[%mul3A_412, %dma_start3A_419] : memref<164x128xi32, #tpu.memory_space<vmem>> -> memref<1x128xi32, #tpu.memory_space<vmem>>
      %dma_start3A_421 = tpu.memref_squeeze %dma_start3A_420 : memref<1x128xi32, #tpu.memory_space<vmem>> -> memref<128xi32, #tpu.memory_space<vmem>>
      %dma_start3A_422 = arith.constant 0 : i32
      %dma_start3A_423 = arith.constant 0 : i32
      %dma_start3A_424 = tpu.memref_slice %arg13[%dma_start3A_422, %dma_start3A_423] : memref<10240x48xf32, #tpu.memory_space<vmem_shared>> -> memref<10240x48xf32, #tpu.memory_space<vmem_shared>>
      tpu.enqueue_indirect_dma source(%arg11 : memref<128x48xf32, #tpu.memory_space<vmem>>) target(%dma_start3A_424 : memref<10240x48xf32, #tpu.memory_space<vmem_shared>>) offsets(%dma_start3A_421 : memref<128xi32, #tpu.memory_space<vmem>>) semaphore(%arg17 : memref<!tpu.dma_semaphore, #tpu.memory_space<semaphore_mem>>) {add = true}
      %gt3A = arith.constant 0 : i32
      %gt3A_425 = arith.cmpi sgt, %add3A_410, %gt3A : i32
      %convert_element_type3A = arith.extui %gt3A_425 : i1 to i32
      %cond3A = arith.constant 0 : i32
      %cond3A_426 = arith.cmpi ne, %convert_element_type3A, %cond3A : i32
      scf.if %cond3A_426 {
        %dma_wait3A_463 = arith.constant 0 : i32
        %dma_wait3A_464 = arith.constant 0 : i32
        %dma_wait3A_465 = tpu.memref_slice %arg13[%dma_wait3A_463, %dma_wait3A_464] : memref<10240x48xf32, #tpu.memory_space<vmem_shared>> -> memref<128x48xf32, #tpu.memory_space<vmem_shared>>
        %dma_wait3A_466 = arith.constant 0 : i32
        %dma_wait3A_467 = arith.constant 0 : i32
        %dma_wait3A_468 = tpu.memref_slice %arg13[%dma_wait3A_466, %dma_wait3A_467] : memref<10240x48xf32, #tpu.memory_space<vmem_shared>> -> memref<128x48xf32, #tpu.memory_space<vmem_shared>>
        tpu.wait_dma2 semaphore(%arg18 : memref<!tpu.dma_semaphore, #tpu.memory_space<semaphore_mem>>) src(%arg12 : memref<128x48xf32, #tpu.memory_space<vmem>>) dst(%dma_wait3A_468 : memref<128x48xf32, #tpu.memory_space<vmem_shared>>)
      } else {
      }
      %add3A_427 = arith.constant 1 : i32
      %add3A_428 = arith.addi %mul3A_412, %add3A_427 : i32
      %dma_start3A_429 = arith.constant 0 : i32
      %dma_start3A_430 = tpu.memref_slice %arg8[%add3A_428, %dma_start3A_429] : memref<168x128xi32, #tpu.memory_space<vmem>> -> memref<1x128xi32, #tpu.memory_space<vmem>>
      %dma_start3A_431 = tpu.memref_squeeze %dma_start3A_430 : memref<1x128xi32, #tpu.memory_space<vmem>> -> memref<128xi32, #tpu.memory_space<vmem>>
      %dma_start3A_432 = arith.constant 0 : i32
      %dma_start3A_433 = arith.constant 0 : i32
      %dma_start3A_434 = tpu.memref_slice %arg14[%dma_start3A_432, %dma_start3A_433] : memref<10240x48xf32, #tpu.memory_space<vmem_shared>> -> memref<10240x48xf32, #tpu.memory_space<vmem_shared>>
      tpu.enqueue_indirect_dma source(%dma_start3A_434 : memref<10240x48xf32, #tpu.memory_space<vmem_shared>>) target(%arg12 : memref<128x48xf32, #tpu.memory_space<vmem>>) offsets(%dma_start3A_431 : memref<128xi32, #tpu.memory_space<vmem>>) semaphore(%arg16 : memref<!tpu.dma_semaphore, #tpu.memory_space<semaphore_mem>>)
      %dma_wait3A_435 = arith.constant 0 : i32
      %dma_wait3A_436 = arith.constant 0 : i32
      %dma_wait3A_437 = tpu.memref_slice %arg13[%dma_wait3A_435, %dma_wait3A_436] : memref<10240x48xf32, #tpu.memory_space<vmem_shared>> -> memref<128x48xf32, #tpu.memory_space<vmem_shared>>
      %dma_wait3A_438 = arith.constant 0 : i32
      %dma_wait3A_439 = arith.constant 0 : i32
      %dma_wait3A_440 = tpu.memref_slice %arg13[%dma_wait3A_438, %dma_wait3A_439] : memref<10240x48xf32, #tpu.memory_space<vmem_shared>> -> memref<128x48xf32, #tpu.memory_space<vmem_shared>>
      tpu.wait_dma2 semaphore(%arg16 : memref<!tpu.dma_semaphore, #tpu.memory_space<semaphore_mem>>) src(%dma_wait3A_440 : memref<128x48xf32, #tpu.memory_space<vmem_shared>>) dst(%arg12 : memref<128x48xf32, #tpu.memory_space<vmem>>)
      %add3A_441 = arith.constant 1 : i32
      %add3A_442 = arith.addi %mul3A_412, %add3A_441 : i32
      %dma_start3A_443 = arith.constant 0 : i32
      %dma_start3A_444 = tpu.memref_slice %arg9[%add3A_442, %dma_start3A_443] : memref<164x128xi32, #tpu.memory_space<vmem>> -> memref<1x128xi32, #tpu.memory_space<vmem>>
      %dma_start3A_445 = tpu.memref_squeeze %dma_start3A_444 : memref<1x128xi32, #tpu.memory_space<vmem>> -> memref<128xi32, #tpu.memory_space<vmem>>
      %dma_start3A_446 = arith.constant 0 : i32
      %dma_start3A_447 = arith.constant 0 : i32
      %dma_start3A_448 = tpu.memref_slice %arg13[%dma_start3A_446, %dma_start3A_447] : memref<10240x48xf32, #tpu.memory_space<vmem_shared>> -> memref<10240x48xf32, #tpu.memory_space<vmem_shared>>
      tpu.enqueue_indirect_dma source(%arg12 : memref<128x48xf32, #tpu.memory_space<vmem>>) target(%dma_start3A_448 : memref<10240x48xf32, #tpu.memory_space<vmem_shared>>) offsets(%dma_start3A_445 : memref<128xi32, #tpu.memory_space<vmem>>) semaphore(%arg18 : memref<!tpu.dma_semaphore, #tpu.memory_space<semaphore_mem>>) {add = true}
      %dma_wait3A_449 = arith.constant 0 : i32
      %dma_wait3A_450 = arith.constant 0 : i32
      %dma_wait3A_451 = tpu.memref_slice %arg13[%dma_wait3A_449, %dma_wait3A_450] : memref<10240x48xf32, #tpu.memory_space<vmem_shared>> -> memref<128x48xf32, #tpu.memory_space<vmem_shared>>
      %dma_wait3A_452 = arith.constant 0 : i32
      %dma_wait3A_453 = arith.constant 0 : i32
      %dma_wait3A_454 = tpu.memref_slice %arg13[%dma_wait3A_452, %dma_wait3A_453] : memref<10240x48xf32, #tpu.memory_space<vmem_shared>> -> memref<128x48xf32, #tpu.memory_space<vmem_shared>>
      tpu.wait_dma2 semaphore(%arg17 : memref<!tpu.dma_semaphore, #tpu.memory_space<semaphore_mem>>) src(%arg11 : memref<128x48xf32, #tpu.memory_space<vmem>>) dst(%dma_wait3A_454 : memref<128x48xf32, #tpu.memory_space<vmem_shared>>)
      %add3A_455 = arith.constant 2 : i32
      %add3A_456 = arith.addi %mul3A_412, %add3A_455 : i32
      %dma_start3A_457 = arith.constant 0 : i32
      %dma_start3A_458 = tpu.memref_slice %arg8[%add3A_456, %dma_start3A_457] : memref<168x128xi32, #tpu.memory_space<vmem>> -> memref<1x128xi32, #tpu.memory_space<vmem>>
      %dma_start3A_459 = tpu.memref_squeeze %dma_start3A_458 : memref<1x128xi32, #tpu.memory_space<vmem>> -> memref<128xi32, #tpu.memory_space<vmem>>
      %dma_start3A_460 = arith.constant 0 : i32
      %dma_start3A_461 = arith.constant 0 : i32
      %dma_start3A_462 = tpu.memref_slice %arg14[%dma_start3A_460, %dma_start3A_461] : memref<10240x48xf32, #tpu.memory_space<vmem_shared>> -> memref<10240x48xf32, #tpu.memory_space<vmem_shared>>
      tpu.enqueue_indirect_dma source(%dma_start3A_462 : memref<10240x48xf32, #tpu.memory_space<vmem_shared>>) target(%arg11 : memref<128x48xf32, #tpu.memory_space<vmem>>) offsets(%dma_start3A_459 : memref<128xi32, #tpu.memory_space<vmem>>) semaphore(%arg15 : memref<!tpu.dma_semaphore, #tpu.memory_space<semaphore_mem>>)
    }
    %scan3A_224 = arith.constant 82 : i32
    %dma_wait3A_225 = arith.constant 0 : i32
    %dma_wait3A_226 = arith.constant 0 : i32
    %dma_wait3A_227 = tpu.memref_slice %arg13[%dma_wait3A_225, %dma_wait3A_226] : memref<10240x48xf32, #tpu.memory_space<vmem_shared>> -> memref<128x48xf32, #tpu.memory_space<vmem_shared>>
    %dma_wait3A_228 = arith.constant 0 : i32
    %dma_wait3A_229 = arith.constant 0 : i32
    %dma_wait3A_230 = tpu.memref_slice %arg13[%dma_wait3A_228, %dma_wait3A_229] : memref<10240x48xf32, #tpu.memory_space<vmem_shared>> -> memref<128x48xf32, #tpu.memory_space<vmem_shared>>
    tpu.wait_dma2 semaphore(%arg15 : memref<!tpu.dma_semaphore, #tpu.memory_space<semaphore_mem>>) src(%dma_wait3A_230 : memref<128x48xf32, #tpu.memory_space<vmem_shared>>) dst(%arg11 : memref<128x48xf32, #tpu.memory_space<vmem>>)
    %dma_wait3A_231 = arith.constant 0 : i32
    %dma_wait3A_232 = arith.constant 0 : i32
    %dma_wait3A_233 = tpu.memref_slice %arg13[%dma_wait3A_231, %dma_wait3A_232] : memref<10240x48xf32, #tpu.memory_space<vmem_shared>> -> memref<128x48xf32, #tpu.memory_space<vmem_shared>>
    %dma_wait3A_234 = arith.constant 0 : i32
    %dma_wait3A_235 = arith.constant 0 : i32
    %dma_wait3A_236 = tpu.memref_slice %arg13[%dma_wait3A_234, %dma_wait3A_235] : memref<10240x48xf32, #tpu.memory_space<vmem_shared>> -> memref<128x48xf32, #tpu.memory_space<vmem_shared>>
    tpu.wait_dma2 semaphore(%arg18 : memref<!tpu.dma_semaphore, #tpu.memory_space<semaphore_mem>>) src(%arg12 : memref<128x48xf32, #tpu.memory_space<vmem>>) dst(%dma_wait3A_236 : memref<128x48xf32, #tpu.memory_space<vmem_shared>>)
    %barrier3A_237 = arith.constant 0 : index
    tpu.barrier barrier_id(%barrier3A_237)
    %scan3A_238 = arith.constant 0 : i32
    %scan3A_239 = arith.constant 5 : i32
    %scan3A_240 = arith.addi %scan3A_238, %scan3A_239 : i32
    %scan3A_241 = arith.constant 1 : i32
    scf.for %scan3A_407 = %scan3A_238 to %scan3A_240 step %scan3A_241  : i32 {
      %mul3A_408 = arith.constant 1 : i32
      %mul3A_409 = arith.muli %scan3A_407, %mul3A_408 : i32
      %add3A = arith.constant 0 : i32
      %add3A_410 = arith.addi %add3A, %mul3A_409 : i32
      %mul3A_411 = arith.constant 128 : i32
      %mul3A_412 = arith.muli %add3A_410, %mul3A_411 : i32
      %add3A_413 = arith.addi %mul3A_0, %mul3A_412 : i32
      %dma_start3A_414 = arith.constant 0 : i32
      %dma_start3A_415 = tpu.memref_slice %arg13[%add3A_413, %dma_start3A_414] : memref<10240x48xf32, #tpu.memory_space<vmem_shared>> -> memref<128x48xf32, #tpu.memory_space<vmem_shared>>
      %dma_start3A_416 = arith.constant 0 : i32
      %dma_start3A_417 = tpu.memref_slice %arg13[%add3A_413, %dma_start3A_416] : memref<10240x48xf32, #tpu.memory_space<vmem_shared>> -> memref<128x48xf32, #tpu.memory_space<vmem_shared>>
      tpu.enqueue_dma source(%dma_start3A_417 : memref<128x48xf32, #tpu.memory_space<vmem_shared>>) target(%arg11 : memref<128x48xf32, #tpu.memory_space<vmem>>) target_semaphore(%arg15 : memref<!tpu.dma_semaphore, #tpu.memory_space<semaphore_mem>>)
      %dma_start3A_418 = arith.constant 0 : i32
      %dma_start3A_419 = tpu.memref_slice %arg6[%add3A_413, %dma_start3A_418] : memref<10240x48xf32, #tpu.memory_space<hbm>> -> memref<128x48xf32, #tpu.memory_space<hbm>>
      %dma_start3A_420 = arith.constant 0 : i32
      %dma_start3A_421 = tpu.memref_slice %arg6[%add3A_413, %dma_start3A_420] : memref<10240x48xf32, #tpu.memory_space<hbm>> -> memref<128x48xf32, #tpu.memory_space<hbm>>
      tpu.enqueue_dma source(%dma_start3A_421 : memref<128x48xf32, #tpu.memory_space<hbm>>) target(%arg12 : memref<128x48xf32, #tpu.memory_space<vmem>>) target_semaphore(%arg16 : memref<!tpu.dma_semaphore, #tpu.memory_space<semaphore_mem>>)
      %dma_wait3A_422 = arith.constant 0 : i32
      %dma_wait3A_423 = tpu.memref_slice %arg13[%add3A_413, %dma_wait3A_422] : memref<10240x48xf32, #tpu.memory_space<vmem_shared>> -> memref<128x48xf32, #tpu.memory_space<vmem_shared>>
      %dma_wait3A_424 = arith.constant 0 : i32
      %dma_wait3A_425 = tpu.memref_slice %arg13[%add3A_413, %dma_wait3A_424] : memref<10240x48xf32, #tpu.memory_space<vmem_shared>> -> memref<128x48xf32, #tpu.memory_space<vmem_shared>>
      tpu.wait_dma2 semaphore(%arg15 : memref<!tpu.dma_semaphore, #tpu.memory_space<semaphore_mem>>) src(%dma_wait3A_425 : memref<128x48xf32, #tpu.memory_space<vmem_shared>>) dst(%arg11 : memref<128x48xf32, #tpu.memory_space<vmem>>)
      %dma_wait3A_426 = arith.constant 0 : i32
      %dma_wait3A_427 = tpu.memref_slice %arg6[%add3A_413, %dma_wait3A_426] : memref<10240x48xf32, #tpu.memory_space<hbm>> -> memref<128x48xf32, #tpu.memory_space<hbm>>
      %dma_wait3A_428 = arith.constant 0 : i32
      %dma_wait3A_429 = tpu.memref_slice %arg6[%add3A_413, %dma_wait3A_428] : memref<10240x48xf32, #tpu.memory_space<hbm>> -> memref<128x48xf32, #tpu.memory_space<hbm>>
      tpu.wait_dma2 semaphore(%arg16 : memref<!tpu.dma_semaphore, #tpu.memory_space<semaphore_mem>>) src(%dma_wait3A_429 : memref<128x48xf32, #tpu.memory_space<hbm>>) dst(%arg12 : memref<128x48xf32, #tpu.memory_space<vmem>>)
      %scan3A_430 = arith.constant 0 : i32
      %scan3A_431 = arith.constant 128 : i32
      %scan3A_432 = arith.addi %scan3A_430, %scan3A_431 : i32
      %scan3A_433 = arith.constant 1 : i32
      scf.for %scan3A_435 = %scan3A_430 to %scan3A_432 step %scan3A_433  : i32 {
        %mul3A_436 = arith.constant 1 : i32
        %mul3A_437 = arith.muli %scan3A_435, %mul3A_436 : i32
        %add3A_438 = arith.constant 0 : i32
        %add3A_439 = arith.addi %add3A_438, %mul3A_437 : i32
        %mul3A_440 = arith.constant 128 : i32
        %mul3A_441 = arith.muli %add3A_410, %mul3A_440 : i32
        %add3A_442 = arith.addi %mul3A_441, %add3A_439 : i32
        %broadcast_in_dim3A = vector.broadcast %add3A_442 : i32 to vector<16xi32>
        %gather3A = tpu.vector_load_idx %arg10[%broadcast_in_dim3A] : memref<640xf32, #tpu.memory_space<vmem>>[vector<16xi32>], vector<16xf32>,
        %get3A = arith.index_cast %add3A_439 : i32 to index
        %get3A_443 = arith.constant 0 : index
        %get3A_444 = tpu.vector_load %arg11[%get3A, %get3A_443] {strides = array<i32>} : memref<128x48xf32, #tpu.memory_space<vmem>>, vector<16xf32>,
        %mul3A_445 = arith.mulf %gather3A, %get3A_444 : vector<16xf32>
        %get3A_446 = arith.index_cast %add3A_439 : i32 to index
        %get3A_447 = arith.constant 0 : index
        %get3A_448 = tpu.vector_load %arg12[%get3A_446, %get3A_447] {strides = array<i32>} : memref<128x48xf32, #tpu.memory_space<vmem>>, vector<16xf32>,
        %add3A_449 = arith.addf %mul3A_445, %get3A_448 : vector<16xf32>
        %swap3A = arith.index_cast %add3A_439 : i32 to index
        %swap3A_450 = arith.constant 0 : index
        %swap3A_451 = tpu.vector_load %arg11[%swap3A, %swap3A_450] {strides = array<i32>} : memref<128x48xf32, #tpu.memory_space<vmem>>, vector<16xf32>,
        tpu.vector_store %arg11[%swap3A, %swap3A_450], %add3A_449 {strides = array<i32>} : memref<128x48xf32, #tpu.memory_space<vmem>>, vector<16xf32>,
        %get3A_452 = arith.index_cast %add3A_439 : i32 to index
        %get3A_453 = arith.constant 16 : index
        %get3A_454 = tpu.vector_load %arg11[%get3A_452, %get3A_453] {strides = array<i32>} : memref<128x48xf32, #tpu.memory_space<vmem>>, vector<16xf32>,
        %mul3A_455 = arith.mulf %gather3A, %get3A_454 : vector<16xf32>
        %get3A_456 = arith.index_cast %add3A_439 : i32 to index
        %get3A_457 = arith.constant 16 : index
        %get3A_458 = tpu.vector_load %arg12[%get3A_456, %get3A_457] {strides = array<i32>} : memref<128x48xf32, #tpu.memory_space<vmem>>, vector<16xf32>,
        %add3A_459 = arith.addf %mul3A_455, %get3A_458 : vector<16xf32>
        %swap3A_460 = arith.index_cast %add3A_439 : i32 to index
        %swap3A_461 = arith.constant 16 : index
        %swap3A_462 = tpu.vector_load %arg11[%swap3A_460, %swap3A_461] {strides = array<i32>} : memref<128x48xf32, #tpu.memory_space<vmem>>, vector<16xf32>,
        tpu.vector_store %arg11[%swap3A_460, %swap3A_461], %add3A_459 {strides = array<i32>} : memref<128x48xf32, #tpu.memory_space<vmem>>, vector<16xf32>,
        %get3A_463 = arith.index_cast %add3A_439 : i32 to index
        %get3A_464 = arith.constant 32 : index
        %get3A_465 = tpu.vector_load %arg11[%get3A_463, %get3A_464] {strides = array<i32>} : memref<128x48xf32, #tpu.memory_space<vmem>>, vector<16xf32>,
        %mul3A_466 = arith.mulf %gather3A, %get3A_465 : vector<16xf32>
        %get3A_467 = arith.index_cast %add3A_439 : i32 to index
        %get3A_468 = arith.constant 32 : index
        %get3A_469 = tpu.vector_load %arg12[%get3A_467, %get3A_468] {strides = array<i32>} : memref<128x48xf32, #tpu.memory_space<vmem>>, vector<16xf32>,
        %add3A_470 = arith.addf %mul3A_466, %get3A_469 : vector<16xf32>
        %swap3A_471 = arith.index_cast %add3A_439 : i32 to index
        %swap3A_472 = arith.constant 32 : index
        %swap3A_473 = tpu.vector_load %arg11[%swap3A_471, %swap3A_472] {strides = array<i32>} : memref<128x48xf32, #tpu.memory_space<vmem>>, vector<16xf32>,
        tpu.vector_store %arg11[%swap3A_471, %swap3A_472], %add3A_470 {strides = array<i32>} : memref<128x48xf32, #tpu.memory_space<vmem>>, vector<16xf32>,
      }
      %scan3A_434 = arith.constant 128 : i32
      "tpu.region"() ({
        %run_scoped3A = tpu.sem_alloc : memref<!tpu.dma_semaphore, #tpu.memory_space<semaphore_mem>>
        %dma_start3A_435 = arith.constant 0 : i32
        %dma_start3A_436 = tpu.memref_slice %arg13[%add3A_413, %dma_start3A_435] : memref<10240x48xf32, #tpu.memory_space<vmem_shared>> -> memref<128x48xf32, #tpu.memory_space<vmem_shared>>
        %dma_start3A_437 = arith.constant 0 : i32
        %dma_start3A_438 = tpu.memref_slice %arg13[%add3A_413, %dma_start3A_437] : memref<10240x48xf32, #tpu.memory_space<vmem_shared>> -> memref<128x48xf32, #tpu.memory_space<vmem_shared>>
        tpu.enqueue_dma source(%arg11 : memref<128x48xf32, #tpu.memory_space<vmem>>) target(%dma_start3A_438 : memref<128x48xf32, #tpu.memory_space<vmem_shared>>) target_semaphore(%run_scoped3A : memref<!tpu.dma_semaphore, #tpu.memory_space<semaphore_mem>>)
        %dma_wait3A_439 = arith.constant 0 : i32
        %dma_wait3A_440 = tpu.memref_slice %arg13[%add3A_413, %dma_wait3A_439] : memref<10240x48xf32, #tpu.memory_space<vmem_shared>> -> memref<128x48xf32, #tpu.memory_space<vmem_shared>>
        %dma_wait3A_441 = arith.constant 0 : i32
        %dma_wait3A_442 = tpu.memref_slice %arg13[%add3A_413, %dma_wait3A_441] : memref<10240x48xf32, #tpu.memory_space<vmem_shared>> -> memref<128x48xf32, #tpu.memory_space<vmem_shared>>
        tpu.wait_dma2 semaphore(%run_scoped3A : memref<!tpu.dma_semaphore, #tpu.memory_space<semaphore_mem>>) src(%arg11 : memref<128x48xf32, #tpu.memory_space<vmem>>) dst(%dma_wait3A_442 : memref<128x48xf32, #tpu.memory_space<vmem_shared>>)
        tpu.yield
      }) : () -> ()
    }
    %scan3A_242 = arith.constant 5 : i32
    %scan3A_243 = arith.constant 0 : i32
    %scan3A_244 = arith.constant 128 : i32
    %scan3A_245 = arith.addi %scan3A_243, %scan3A_244 : i32
    %scan3A_246 = arith.constant 1 : i32
    scf.for %scan3A_407 = %scan3A_243 to %scan3A_245 step %scan3A_246  : i32 {
      %mul3A_408 = arith.constant 1 : i32
      %mul3A_409 = arith.muli %scan3A_407, %mul3A_408 : i32
      %add3A = arith.constant 0 : i32
      %add3A_410 = arith.addi %add3A, %mul3A_409 : i32
      %broadcast_in_dim3A = arith.constant 0.000000e+00 : f32
      %broadcast_in_dim3A_411 = vector.broadcast %broadcast_in_dim3A : f32 to vector<16xf32>
      %swap3A = arith.index_cast %add3A_410 : i32 to index
      %swap3A_412 = arith.constant 0 : index
      %swap3A_413 = tpu.vector_load %arg11[%swap3A, %swap3A_412] {strides = array<i32>} : memref<128x48xf32, #tpu.memory_space<vmem>>, vector<16xf32>,
      tpu.vector_store %arg11[%swap3A, %swap3A_412], %broadcast_in_dim3A_411 {strides = array<i32>} : memref<128x48xf32, #tpu.memory_space<vmem>>, vector<16xf32>,
      %broadcast_in_dim3A_414 = arith.constant 0.000000e+00 : f32
      %broadcast_in_dim3A_415 = vector.broadcast %broadcast_in_dim3A_414 : f32 to vector<16xf32>
      %swap3A_416 = arith.index_cast %add3A_410 : i32 to index
      %swap3A_417 = arith.constant 16 : index
      %swap3A_418 = tpu.vector_load %arg11[%swap3A_416, %swap3A_417] {strides = array<i32>} : memref<128x48xf32, #tpu.memory_space<vmem>>, vector<16xf32>,
      tpu.vector_store %arg11[%swap3A_416, %swap3A_417], %broadcast_in_dim3A_415 {strides = array<i32>} : memref<128x48xf32, #tpu.memory_space<vmem>>, vector<16xf32>,
      %broadcast_in_dim3A_419 = arith.constant 0.000000e+00 : f32
      %broadcast_in_dim3A_420 = vector.broadcast %broadcast_in_dim3A_419 : f32 to vector<16xf32>
      %swap3A_421 = arith.index_cast %add3A_410 : i32 to index
      %swap3A_422 = arith.constant 32 : index
      %swap3A_423 = tpu.vector_load %arg11[%swap3A_421, %swap3A_422] {strides = array<i32>} : memref<128x48xf32, #tpu.memory_space<vmem>>, vector<16xf32>,
      tpu.vector_store %arg11[%swap3A_421, %swap3A_422], %broadcast_in_dim3A_420 {strides = array<i32>} : memref<128x48xf32, #tpu.memory_space<vmem>>, vector<16xf32>,
    }
    %scan3A_247 = arith.constant 128 : i32
    %scan3A_248 = arith.constant 0 : i32
    %scan3A_249 = arith.constant 5 : i32
    %scan3A_250 = arith.addi %scan3A_248, %scan3A_249 : i32
    %scan3A_251 = arith.constant 1 : i32
    scf.for %scan3A_407 = %scan3A_248 to %scan3A_250 step %scan3A_251  : i32 {
      %mul3A_408 = arith.constant 1 : i32
      %mul3A_409 = arith.muli %scan3A_407, %mul3A_408 : i32
      %add3A = arith.constant 0 : i32
      %add3A_410 = arith.addi %add3A, %mul3A_409 : i32
      %mul3A_411 = arith.constant 128 : i32
      %mul3A_412 = arith.muli %add3A_410, %mul3A_411 : i32
      %add3A_413 = arith.addi %mul3A_0, %mul3A_412 : i32
      "tpu.region"() ({
        %run_scoped3A = tpu.sem_alloc : memref<!tpu.dma_semaphore, #tpu.memory_space<semaphore_mem>>
        %dma_start3A_414 = arith.constant 0 : i32
        %dma_start3A_415 = tpu.memref_slice %arg14[%add3A_413, %dma_start3A_414] : memref<10240x48xf32, #tpu.memory_space<vmem_shared>> -> memref<128x48xf32, #tpu.memory_space<vmem_shared>>
        %dma_start3A_416 = arith.constant 0 : i32
        %dma_start3A_417 = tpu.memref_slice %arg14[%add3A_413, %dma_start3A_416] : memref<10240x48xf32, #tpu.memory_space<vmem_shared>> -> memref<128x48xf32, #tpu.memory_space<vmem_shared>>
        tpu.enqueue_dma source(%arg11 : memref<128x48xf32, #tpu.memory_space<vmem>>) target(%dma_start3A_417 : memref<128x48xf32, #tpu.memory_space<vmem_shared>>) target_semaphore(%run_scoped3A : memref<!tpu.dma_semaphore, #tpu.memory_space<semaphore_mem>>)
        %dma_wait3A_418 = arith.constant 0 : i32
        %dma_wait3A_419 = tpu.memref_slice %arg14[%add3A_413, %dma_wait3A_418] : memref<10240x48xf32, #tpu.memory_space<vmem_shared>> -> memref<128x48xf32, #tpu.memory_space<vmem_shared>>
        %dma_wait3A_420 = arith.constant 0 : i32
        %dma_wait3A_421 = tpu.memref_slice %arg14[%add3A_413, %dma_wait3A_420] : memref<10240x48xf32, #tpu.memory_space<vmem_shared>> -> memref<128x48xf32, #tpu.memory_space<vmem_shared>>
        tpu.wait_dma2 semaphore(%run_scoped3A : memref<!tpu.dma_semaphore, #tpu.memory_space<semaphore_mem>>) src(%arg11 : memref<128x48xf32, #tpu.memory_space<vmem>>) dst(%dma_wait3A_421 : memref<128x48xf32, #tpu.memory_space<vmem_shared>>)
        tpu.yield
      }) : () -> ()
    }
    %scan3A_252 = arith.constant 5 : i32
    %barrier3A_253 = arith.constant 0 : index
    tpu.barrier barrier_id(%barrier3A_253)
    %dma_start3A_254 = arith.constant 0 : i32
    %dma_start3A_255 = arith.constant 0 : i32
    %dma_start3A_256 = tpu.memref_slice %arg8[%dma_start3A_254, %dma_start3A_255] : memref<168x128xi32, #tpu.memory_space<vmem>> -> memref<1x128xi32, #tpu.memory_space<vmem>>
    %dma_start3A_257 = tpu.memref_squeeze %dma_start3A_256 : memref<1x128xi32, #tpu.memory_space<vmem>> -> memref<128xi32, #tpu.memory_space<vmem>>
    %dma_start3A_258 = arith.constant 0 : i32
    %dma_start3A_259 = arith.constant 0 : i32
    %dma_start3A_260 = tpu.memref_slice %arg13[%dma_start3A_258, %dma_start3A_259] : memref<10240x48xf32, #tpu.memory_space<vmem_shared>> -> memref<10240x48xf32, #tpu.memory_space<vmem_shared>>
    tpu.enqueue_indirect_dma source(%dma_start3A_260 : memref<10240x48xf32, #tpu.memory_space<vmem_shared>>) target(%arg11 : memref<128x48xf32, #tpu.memory_space<vmem>>) offsets(%dma_start3A_257 : memref<128xi32, #tpu.memory_space<vmem>>) semaphore(%arg15 : memref<!tpu.dma_semaphore, #tpu.memory_space<semaphore_mem>>)
    %scan3A_261 = arith.constant 0 : i32
    %scan3A_262 = arith.constant 82 : i32
    %scan3A_263 = arith.addi %scan3A_261, %scan3A_262 : i32
    %scan3A_264 = arith.constant 1 : i32
    scf.for %scan3A_407 = %scan3A_261 to %scan3A_263 step %scan3A_264  : i32 {
      %mul3A_408 = arith.constant 1 : i32
      %mul3A_409 = arith.muli %scan3A_407, %mul3A_408 : i32
      %add3A = arith.constant 0 : i32
      %add3A_410 = arith.addi %add3A, %mul3A_409 : i32
      %mul3A_411 = arith.constant 2 : i32
      %mul3A_412 = arith.muli %mul3A_411, %add3A_410 : i32
      %dma_wait3A_413 = arith.constant 0 : i32
      %dma_wait3A_414 = arith.constant 0 : i32
      %dma_wait3A_415 = tpu.memref_slice %arg13[%dma_wait3A_413, %dma_wait3A_414] : memref<10240x48xf32, #tpu.memory_space<vmem_shared>> -> memref<128x48xf32, #tpu.memory_space<vmem_shared>>
      %dma_wait3A_416 = arith.constant 0 : i32
      %dma_wait3A_417 = arith.constant 0 : i32
      %dma_wait3A_418 = tpu.memref_slice %arg13[%dma_wait3A_416, %dma_wait3A_417] : memref<10240x48xf32, #tpu.memory_space<vmem_shared>> -> memref<128x48xf32, #tpu.memory_space<vmem_shared>>
      tpu.wait_dma2 semaphore(%arg15 : memref<!tpu.dma_semaphore, #tpu.memory_space<semaphore_mem>>) src(%dma_wait3A_418 : memref<128x48xf32, #tpu.memory_space<vmem_shared>>) dst(%arg11 : memref<128x48xf32, #tpu.memory_space<vmem>>)
      %dma_start3A_419 = arith.constant 0 : i32
      %dma_start3A_420 = tpu.memref_slice %arg9[%mul3A_412, %dma_start3A_419] : memref<164x128xi32, #tpu.memory_space<vmem>> -> memref<1x128xi32, #tpu.memory_space<vmem>>
      %dma_start3A_421 = tpu.memref_squeeze %dma_start3A_420 : memref<1x128xi32, #tpu.memory_space<vmem>> -> memref<128xi32, #tpu.memory_space<vmem>>
      %dma_start3A_422 = arith.constant 0 : i32
      %dma_start3A_423 = arith.constant 0 : i32
      %dma_start3A_424 = tpu.memref_slice %arg14[%dma_start3A_422, %dma_start3A_423] : memref<10240x48xf32, #tpu.memory_space<vmem_shared>> -> memref<10240x48xf32, #tpu.memory_space<vmem_shared>>
      tpu.enqueue_indirect_dma source(%arg11 : memref<128x48xf32, #tpu.memory_space<vmem>>) target(%dma_start3A_424 : memref<10240x48xf32, #tpu.memory_space<vmem_shared>>) offsets(%dma_start3A_421 : memref<128xi32, #tpu.memory_space<vmem>>) semaphore(%arg17 : memref<!tpu.dma_semaphore, #tpu.memory_space<semaphore_mem>>) {add = true}
      %gt3A = arith.constant 0 : i32
      %gt3A_425 = arith.cmpi sgt, %add3A_410, %gt3A : i32
      %convert_element_type3A = arith.extui %gt3A_425 : i1 to i32
      %cond3A = arith.constant 0 : i32
      %cond3A_426 = arith.cmpi ne, %convert_element_type3A, %cond3A : i32
      scf.if %cond3A_426 {
        %dma_wait3A_463 = arith.constant 0 : i32
        %dma_wait3A_464 = arith.constant 0 : i32
        %dma_wait3A_465 = tpu.memref_slice %arg13[%dma_wait3A_463, %dma_wait3A_464] : memref<10240x48xf32, #tpu.memory_space<vmem_shared>> -> memref<128x48xf32, #tpu.memory_space<vmem_shared>>
        %dma_wait3A_466 = arith.constant 0 : i32
        %dma_wait3A_467 = arith.constant 0 : i32
        %dma_wait3A_468 = tpu.memref_slice %arg13[%dma_wait3A_466, %dma_wait3A_467] : memref<10240x48xf32, #tpu.memory_space<vmem_shared>> -> memref<128x48xf32, #tpu.memory_space<vmem_shared>>
        tpu.wait_dma2 semaphore(%arg18 : memref<!tpu.dma_semaphore, #tpu.memory_space<semaphore_mem>>) src(%arg12 : memref<128x48xf32, #tpu.memory_space<vmem>>) dst(%dma_wait3A_468 : memref<128x48xf32, #tpu.memory_space<vmem_shared>>)
      } else {
      }
      %add3A_427 = arith.constant 1 : i32
      %add3A_428 = arith.addi %mul3A_412, %add3A_427 : i32
      %dma_start3A_429 = arith.constant 0 : i32
      %dma_start3A_430 = tpu.memref_slice %arg8[%add3A_428, %dma_start3A_429] : memref<168x128xi32, #tpu.memory_space<vmem>> -> memref<1x128xi32, #tpu.memory_space<vmem>>
      %dma_start3A_431 = tpu.memref_squeeze %dma_start3A_430 : memref<1x128xi32, #tpu.memory_space<vmem>> -> memref<128xi32, #tpu.memory_space<vmem>>
      %dma_start3A_432 = arith.constant 0 : i32
      %dma_start3A_433 = arith.constant 0 : i32
      %dma_start3A_434 = tpu.memref_slice %arg13[%dma_start3A_432, %dma_start3A_433] : memref<10240x48xf32, #tpu.memory_space<vmem_shared>> -> memref<10240x48xf32, #tpu.memory_space<vmem_shared>>
      tpu.enqueue_indirect_dma source(%dma_start3A_434 : memref<10240x48xf32, #tpu.memory_space<vmem_shared>>) target(%arg12 : memref<128x48xf32, #tpu.memory_space<vmem>>) offsets(%dma_start3A_431 : memref<128xi32, #tpu.memory_space<vmem>>) semaphore(%arg16 : memref<!tpu.dma_semaphore, #tpu.memory_space<semaphore_mem>>)
      %dma_wait3A_435 = arith.constant 0 : i32
      %dma_wait3A_436 = arith.constant 0 : i32
      %dma_wait3A_437 = tpu.memref_slice %arg13[%dma_wait3A_435, %dma_wait3A_436] : memref<10240x48xf32, #tpu.memory_space<vmem_shared>> -> memref<128x48xf32, #tpu.memory_space<vmem_shared>>
      %dma_wait3A_438 = arith.constant 0 : i32
      %dma_wait3A_439 = arith.constant 0 : i32
      %dma_wait3A_440 = tpu.memref_slice %arg13[%dma_wait3A_438, %dma_wait3A_439] : memref<10240x48xf32, #tpu.memory_space<vmem_shared>> -> memref<128x48xf32, #tpu.memory_space<vmem_shared>>
      tpu.wait_dma2 semaphore(%arg16 : memref<!tpu.dma_semaphore, #tpu.memory_space<semaphore_mem>>) src(%dma_wait3A_440 : memref<128x48xf32, #tpu.memory_space<vmem_shared>>) dst(%arg12 : memref<128x48xf32, #tpu.memory_space<vmem>>)
      %add3A_441 = arith.constant 1 : i32
      %add3A_442 = arith.addi %mul3A_412, %add3A_441 : i32
      %dma_start3A_443 = arith.constant 0 : i32
      %dma_start3A_444 = tpu.memref_slice %arg9[%add3A_442, %dma_start3A_443] : memref<164x128xi32, #tpu.memory_space<vmem>> -> memref<1x128xi32, #tpu.memory_space<vmem>>
      %dma_start3A_445 = tpu.memref_squeeze %dma_start3A_444 : memref<1x128xi32, #tpu.memory_space<vmem>> -> memref<128xi32, #tpu.memory_space<vmem>>
      %dma_start3A_446 = arith.constant 0 : i32
      %dma_start3A_447 = arith.constant 0 : i32
      %dma_start3A_448 = tpu.memref_slice %arg14[%dma_start3A_446, %dma_start3A_447] : memref<10240x48xf32, #tpu.memory_space<vmem_shared>> -> memref<10240x48xf32, #tpu.memory_space<vmem_shared>>
      tpu.enqueue_indirect_dma source(%arg12 : memref<128x48xf32, #tpu.memory_space<vmem>>) target(%dma_start3A_448 : memref<10240x48xf32, #tpu.memory_space<vmem_shared>>) offsets(%dma_start3A_445 : memref<128xi32, #tpu.memory_space<vmem>>) semaphore(%arg18 : memref<!tpu.dma_semaphore, #tpu.memory_space<semaphore_mem>>) {add = true}
      %dma_wait3A_449 = arith.constant 0 : i32
      %dma_wait3A_450 = arith.constant 0 : i32
      %dma_wait3A_451 = tpu.memref_slice %arg13[%dma_wait3A_449, %dma_wait3A_450] : memref<10240x48xf32, #tpu.memory_space<vmem_shared>> -> memref<128x48xf32, #tpu.memory_space<vmem_shared>>
      %dma_wait3A_452 = arith.constant 0 : i32
      %dma_wait3A_453 = arith.constant 0 : i32
      %dma_wait3A_454 = tpu.memref_slice %arg13[%dma_wait3A_452, %dma_wait3A_453] : memref<10240x48xf32, #tpu.memory_space<vmem_shared>> -> memref<128x48xf32, #tpu.memory_space<vmem_shared>>
      tpu.wait_dma2 semaphore(%arg17 : memref<!tpu.dma_semaphore, #tpu.memory_space<semaphore_mem>>) src(%arg11 : memref<128x48xf32, #tpu.memory_space<vmem>>) dst(%dma_wait3A_454 : memref<128x48xf32, #tpu.memory_space<vmem_shared>>)
      %add3A_455 = arith.constant 2 : i32
      %add3A_456 = arith.addi %mul3A_412, %add3A_455 : i32
      %dma_start3A_457 = arith.constant 0 : i32
      %dma_start3A_458 = tpu.memref_slice %arg8[%add3A_456, %dma_start3A_457] : memref<168x128xi32, #tpu.memory_space<vmem>> -> memref<1x128xi32, #tpu.memory_space<vmem>>
      %dma_start3A_459 = tpu.memref_squeeze %dma_start3A_458 : memref<1x128xi32, #tpu.memory_space<vmem>> -> memref<128xi32, #tpu.memory_space<vmem>>
      %dma_start3A_460 = arith.constant 0 : i32
      %dma_start3A_461 = arith.constant 0 : i32
      %dma_start3A_462 = tpu.memref_slice %arg13[%dma_start3A_460, %dma_start3A_461] : memref<10240x48xf32, #tpu.memory_space<vmem_shared>> -> memref<10240x48xf32, #tpu.memory_space<vmem_shared>>
      tpu.enqueue_indirect_dma source(%dma_start3A_462 : memref<10240x48xf32, #tpu.memory_space<vmem_shared>>) target(%arg11 : memref<128x48xf32, #tpu.memory_space<vmem>>) offsets(%dma_start3A_459 : memref<128xi32, #tpu.memory_space<vmem>>) semaphore(%arg15 : memref<!tpu.dma_semaphore, #tpu.memory_space<semaphore_mem>>)
    }
    %scan3A_265 = arith.constant 82 : i32
    %dma_wait3A_266 = arith.constant 0 : i32
    %dma_wait3A_267 = arith.constant 0 : i32
    %dma_wait3A_268 = tpu.memref_slice %arg13[%dma_wait3A_266, %dma_wait3A_267] : memref<10240x48xf32, #tpu.memory_space<vmem_shared>> -> memref<128x48xf32, #tpu.memory_space<vmem_shared>>
    %dma_wait3A_269 = arith.constant 0 : i32
    %dma_wait3A_270 = arith.constant 0 : i32
    %dma_wait3A_271 = tpu.memref_slice %arg13[%dma_wait3A_269, %dma_wait3A_270] : memref<10240x48xf32, #tpu.memory_space<vmem_shared>> -> memref<128x48xf32, #tpu.memory_space<vmem_shared>>
    tpu.wait_dma2 semaphore(%arg15 : memref<!tpu.dma_semaphore, #tpu.memory_space<semaphore_mem>>) src(%dma_wait3A_271 : memref<128x48xf32, #tpu.memory_space<vmem_shared>>) dst(%arg11 : memref<128x48xf32, #tpu.memory_space<vmem>>)
    %dma_wait3A_272 = arith.constant 0 : i32
    %dma_wait3A_273 = arith.constant 0 : i32
    %dma_wait3A_274 = tpu.memref_slice %arg13[%dma_wait3A_272, %dma_wait3A_273] : memref<10240x48xf32, #tpu.memory_space<vmem_shared>> -> memref<128x48xf32, #tpu.memory_space<vmem_shared>>
    %dma_wait3A_275 = arith.constant 0 : i32
    %dma_wait3A_276 = arith.constant 0 : i32
    %dma_wait3A_277 = tpu.memref_slice %arg13[%dma_wait3A_275, %dma_wait3A_276] : memref<10240x48xf32, #tpu.memory_space<vmem_shared>> -> memref<128x48xf32, #tpu.memory_space<vmem_shared>>
    tpu.wait_dma2 semaphore(%arg18 : memref<!tpu.dma_semaphore, #tpu.memory_space<semaphore_mem>>) src(%arg12 : memref<128x48xf32, #tpu.memory_space<vmem>>) dst(%dma_wait3A_277 : memref<128x48xf32, #tpu.memory_space<vmem_shared>>)
    %barrier3A_278 = arith.constant 0 : index
    tpu.barrier barrier_id(%barrier3A_278)
    %scan3A_279 = arith.constant 0 : i32
    %scan3A_280 = arith.constant 5 : i32
    %scan3A_281 = arith.addi %scan3A_279, %scan3A_280 : i32
    %scan3A_282 = arith.constant 1 : i32
    scf.for %scan3A_407 = %scan3A_279 to %scan3A_281 step %scan3A_282  : i32 {
      %mul3A_408 = arith.constant 1 : i32
      %mul3A_409 = arith.muli %scan3A_407, %mul3A_408 : i32
      %add3A = arith.constant 0 : i32
      %add3A_410 = arith.addi %add3A, %mul3A_409 : i32
      %mul3A_411 = arith.constant 128 : i32
      %mul3A_412 = arith.muli %add3A_410, %mul3A_411 : i32
      %add3A_413 = arith.addi %mul3A_0, %mul3A_412 : i32
      %dma_start3A_414 = arith.constant 0 : i32
      %dma_start3A_415 = tpu.memref_slice %arg14[%add3A_413, %dma_start3A_414] : memref<10240x48xf32, #tpu.memory_space<vmem_shared>> -> memref<128x48xf32, #tpu.memory_space<vmem_shared>>
      %dma_start3A_416 = arith.constant 0 : i32
      %dma_start3A_417 = tpu.memref_slice %arg14[%add3A_413, %dma_start3A_416] : memref<10240x48xf32, #tpu.memory_space<vmem_shared>> -> memref<128x48xf32, #tpu.memory_space<vmem_shared>>
      tpu.enqueue_dma source(%dma_start3A_417 : memref<128x48xf32, #tpu.memory_space<vmem_shared>>) target(%arg11 : memref<128x48xf32, #tpu.memory_space<vmem>>) target_semaphore(%arg15 : memref<!tpu.dma_semaphore, #tpu.memory_space<semaphore_mem>>)
      %dma_start3A_418 = arith.constant 0 : i32
      %dma_start3A_419 = tpu.memref_slice %arg6[%add3A_413, %dma_start3A_418] : memref<10240x48xf32, #tpu.memory_space<hbm>> -> memref<128x48xf32, #tpu.memory_space<hbm>>
      %dma_start3A_420 = arith.constant 0 : i32
      %dma_start3A_421 = tpu.memref_slice %arg6[%add3A_413, %dma_start3A_420] : memref<10240x48xf32, #tpu.memory_space<hbm>> -> memref<128x48xf32, #tpu.memory_space<hbm>>
      tpu.enqueue_dma source(%dma_start3A_421 : memref<128x48xf32, #tpu.memory_space<hbm>>) target(%arg12 : memref<128x48xf32, #tpu.memory_space<vmem>>) target_semaphore(%arg16 : memref<!tpu.dma_semaphore, #tpu.memory_space<semaphore_mem>>)
      %dma_wait3A_422 = arith.constant 0 : i32
      %dma_wait3A_423 = tpu.memref_slice %arg14[%add3A_413, %dma_wait3A_422] : memref<10240x48xf32, #tpu.memory_space<vmem_shared>> -> memref<128x48xf32, #tpu.memory_space<vmem_shared>>
      %dma_wait3A_424 = arith.constant 0 : i32
      %dma_wait3A_425 = tpu.memref_slice %arg14[%add3A_413, %dma_wait3A_424] : memref<10240x48xf32, #tpu.memory_space<vmem_shared>> -> memref<128x48xf32, #tpu.memory_space<vmem_shared>>
      tpu.wait_dma2 semaphore(%arg15 : memref<!tpu.dma_semaphore, #tpu.memory_space<semaphore_mem>>) src(%dma_wait3A_425 : memref<128x48xf32, #tpu.memory_space<vmem_shared>>) dst(%arg11 : memref<128x48xf32, #tpu.memory_space<vmem>>)
      %dma_wait3A_426 = arith.constant 0 : i32
      %dma_wait3A_427 = tpu.memref_slice %arg6[%add3A_413, %dma_wait3A_426] : memref<10240x48xf32, #tpu.memory_space<hbm>> -> memref<128x48xf32, #tpu.memory_space<hbm>>
      %dma_wait3A_428 = arith.constant 0 : i32
      %dma_wait3A_429 = tpu.memref_slice %arg6[%add3A_413, %dma_wait3A_428] : memref<10240x48xf32, #tpu.memory_space<hbm>> -> memref<128x48xf32, #tpu.memory_space<hbm>>
      tpu.wait_dma2 semaphore(%arg16 : memref<!tpu.dma_semaphore, #tpu.memory_space<semaphore_mem>>) src(%dma_wait3A_429 : memref<128x48xf32, #tpu.memory_space<hbm>>) dst(%arg12 : memref<128x48xf32, #tpu.memory_space<vmem>>)
      %scan3A_430 = arith.constant 0 : i32
      %scan3A_431 = arith.constant 128 : i32
      %scan3A_432 = arith.addi %scan3A_430, %scan3A_431 : i32
      %scan3A_433 = arith.constant 1 : i32
      scf.for %scan3A_435 = %scan3A_430 to %scan3A_432 step %scan3A_433  : i32 {
        %mul3A_436 = arith.constant 1 : i32
        %mul3A_437 = arith.muli %scan3A_435, %mul3A_436 : i32
        %add3A_438 = arith.constant 0 : i32
        %add3A_439 = arith.addi %add3A_438, %mul3A_437 : i32
        %mul3A_440 = arith.constant 128 : i32
        %mul3A_441 = arith.muli %add3A_410, %mul3A_440 : i32
        %add3A_442 = arith.addi %mul3A_441, %add3A_439 : i32
        %broadcast_in_dim3A = vector.broadcast %add3A_442 : i32 to vector<16xi32>
        %gather3A = tpu.vector_load_idx %arg10[%broadcast_in_dim3A] : memref<640xf32, #tpu.memory_space<vmem>>[vector<16xi32>], vector<16xf32>,
        %get3A = arith.index_cast %add3A_439 : i32 to index
        %get3A_443 = arith.constant 0 : index
        %get3A_444 = tpu.vector_load %arg11[%get3A, %get3A_443] {strides = array<i32>} : memref<128x48xf32, #tpu.memory_space<vmem>>, vector<16xf32>,
        %mul3A_445 = arith.mulf %gather3A, %get3A_444 : vector<16xf32>
        %get3A_446 = arith.index_cast %add3A_439 : i32 to index
        %get3A_447 = arith.constant 0 : index
        %get3A_448 = tpu.vector_load %arg12[%get3A_446, %get3A_447] {strides = array<i32>} : memref<128x48xf32, #tpu.memory_space<vmem>>, vector<16xf32>,
        %add3A_449 = arith.addf %mul3A_445, %get3A_448 : vector<16xf32>
        %swap3A = arith.index_cast %add3A_439 : i32 to index
        %swap3A_450 = arith.constant 0 : index
        %swap3A_451 = tpu.vector_load %arg11[%swap3A, %swap3A_450] {strides = array<i32>} : memref<128x48xf32, #tpu.memory_space<vmem>>, vector<16xf32>,
        tpu.vector_store %arg11[%swap3A, %swap3A_450], %add3A_449 {strides = array<i32>} : memref<128x48xf32, #tpu.memory_space<vmem>>, vector<16xf32>,
        %get3A_452 = arith.index_cast %add3A_439 : i32 to index
        %get3A_453 = arith.constant 16 : index
        %get3A_454 = tpu.vector_load %arg11[%get3A_452, %get3A_453] {strides = array<i32>} : memref<128x48xf32, #tpu.memory_space<vmem>>, vector<16xf32>,
        %mul3A_455 = arith.mulf %gather3A, %get3A_454 : vector<16xf32>
        %get3A_456 = arith.index_cast %add3A_439 : i32 to index
        %get3A_457 = arith.constant 16 : index
        %get3A_458 = tpu.vector_load %arg12[%get3A_456, %get3A_457] {strides = array<i32>} : memref<128x48xf32, #tpu.memory_space<vmem>>, vector<16xf32>,
        %add3A_459 = arith.addf %mul3A_455, %get3A_458 : vector<16xf32>
        %swap3A_460 = arith.index_cast %add3A_439 : i32 to index
        %swap3A_461 = arith.constant 16 : index
        %swap3A_462 = tpu.vector_load %arg11[%swap3A_460, %swap3A_461] {strides = array<i32>} : memref<128x48xf32, #tpu.memory_space<vmem>>, vector<16xf32>,
        tpu.vector_store %arg11[%swap3A_460, %swap3A_461], %add3A_459 {strides = array<i32>} : memref<128x48xf32, #tpu.memory_space<vmem>>, vector<16xf32>,
        %get3A_463 = arith.index_cast %add3A_439 : i32 to index
        %get3A_464 = arith.constant 32 : index
        %get3A_465 = tpu.vector_load %arg11[%get3A_463, %get3A_464] {strides = array<i32>} : memref<128x48xf32, #tpu.memory_space<vmem>>, vector<16xf32>,
        %mul3A_466 = arith.mulf %gather3A, %get3A_465 : vector<16xf32>
        %get3A_467 = arith.index_cast %add3A_439 : i32 to index
        %get3A_468 = arith.constant 32 : index
        %get3A_469 = tpu.vector_load %arg12[%get3A_467, %get3A_468] {strides = array<i32>} : memref<128x48xf32, #tpu.memory_space<vmem>>, vector<16xf32>,
        %add3A_470 = arith.addf %mul3A_466, %get3A_469 : vector<16xf32>
        %swap3A_471 = arith.index_cast %add3A_439 : i32 to index
        %swap3A_472 = arith.constant 32 : index
        %swap3A_473 = tpu.vector_load %arg11[%swap3A_471, %swap3A_472] {strides = array<i32>} : memref<128x48xf32, #tpu.memory_space<vmem>>, vector<16xf32>,
        tpu.vector_store %arg11[%swap3A_471, %swap3A_472], %add3A_470 {strides = array<i32>} : memref<128x48xf32, #tpu.memory_space<vmem>>, vector<16xf32>,
      }
      %scan3A_434 = arith.constant 128 : i32
      "tpu.region"() ({
        %run_scoped3A = tpu.sem_alloc : memref<!tpu.dma_semaphore, #tpu.memory_space<semaphore_mem>>
        %dma_start3A_435 = arith.constant 0 : i32
        %dma_start3A_436 = tpu.memref_slice %arg14[%add3A_413, %dma_start3A_435] : memref<10240x48xf32, #tpu.memory_space<vmem_shared>> -> memref<128x48xf32, #tpu.memory_space<vmem_shared>>
        %dma_start3A_437 = arith.constant 0 : i32
        %dma_start3A_438 = tpu.memref_slice %arg14[%add3A_413, %dma_start3A_437] : memref<10240x48xf32, #tpu.memory_space<vmem_shared>> -> memref<128x48xf32, #tpu.memory_space<vmem_shared>>
        tpu.enqueue_dma source(%arg11 : memref<128x48xf32, #tpu.memory_space<vmem>>) target(%dma_start3A_438 : memref<128x48xf32, #tpu.memory_space<vmem_shared>>) target_semaphore(%run_scoped3A : memref<!tpu.dma_semaphore, #tpu.memory_space<semaphore_mem>>)
        %dma_wait3A_439 = arith.constant 0 : i32
        %dma_wait3A_440 = tpu.memref_slice %arg14[%add3A_413, %dma_wait3A_439] : memref<10240x48xf32, #tpu.memory_space<vmem_shared>> -> memref<128x48xf32, #tpu.memory_space<vmem_shared>>
        %dma_wait3A_441 = arith.constant 0 : i32
        %dma_wait3A_442 = tpu.memref_slice %arg14[%add3A_413, %dma_wait3A_441] : memref<10240x48xf32, #tpu.memory_space<vmem_shared>> -> memref<128x48xf32, #tpu.memory_space<vmem_shared>>
        tpu.wait_dma2 semaphore(%run_scoped3A : memref<!tpu.dma_semaphore, #tpu.memory_space<semaphore_mem>>) src(%arg11 : memref<128x48xf32, #tpu.memory_space<vmem>>) dst(%dma_wait3A_442 : memref<128x48xf32, #tpu.memory_space<vmem_shared>>)
        tpu.yield
      }) : () -> ()
    }
    %scan3A_283 = arith.constant 5 : i32
    %scan3A_284 = arith.constant 0 : i32
    %scan3A_285 = arith.constant 128 : i32
    %scan3A_286 = arith.addi %scan3A_284, %scan3A_285 : i32
    %scan3A_287 = arith.constant 1 : i32
    scf.for %scan3A_407 = %scan3A_284 to %scan3A_286 step %scan3A_287  : i32 {
      %mul3A_408 = arith.constant 1 : i32
      %mul3A_409 = arith.muli %scan3A_407, %mul3A_408 : i32
      %add3A = arith.constant 0 : i32
      %add3A_410 = arith.addi %add3A, %mul3A_409 : i32
      %broadcast_in_dim3A = arith.constant 0.000000e+00 : f32
      %broadcast_in_dim3A_411 = vector.broadcast %broadcast_in_dim3A : f32 to vector<16xf32>
      %swap3A = arith.index_cast %add3A_410 : i32 to index
      %swap3A_412 = arith.constant 0 : index
      %swap3A_413 = tpu.vector_load %arg11[%swap3A, %swap3A_412] {strides = array<i32>} : memref<128x48xf32, #tpu.memory_space<vmem>>, vector<16xf32>,
      tpu.vector_store %arg11[%swap3A, %swap3A_412], %broadcast_in_dim3A_411 {strides = array<i32>} : memref<128x48xf32, #tpu.memory_space<vmem>>, vector<16xf32>,
      %broadcast_in_dim3A_414 = arith.constant 0.000000e+00 : f32
      %broadcast_in_dim3A_415 = vector.broadcast %broadcast_in_dim3A_414 : f32 to vector<16xf32>
      %swap3A_416 = arith.index_cast %add3A_410 : i32 to index
      %swap3A_417 = arith.constant 16 : index
      %swap3A_418 = tpu.vector_load %arg11[%swap3A_416, %swap3A_417] {strides = array<i32>} : memref<128x48xf32, #tpu.memory_space<vmem>>, vector<16xf32>,
      tpu.vector_store %arg11[%swap3A_416, %swap3A_417], %broadcast_in_dim3A_415 {strides = array<i32>} : memref<128x48xf32, #tpu.memory_space<vmem>>, vector<16xf32>,
      %broadcast_in_dim3A_419 = arith.constant 0.000000e+00 : f32
      %broadcast_in_dim3A_420 = vector.broadcast %broadcast_in_dim3A_419 : f32 to vector<16xf32>
      %swap3A_421 = arith.index_cast %add3A_410 : i32 to index
      %swap3A_422 = arith.constant 32 : index
      %swap3A_423 = tpu.vector_load %arg11[%swap3A_421, %swap3A_422] {strides = array<i32>} : memref<128x48xf32, #tpu.memory_space<vmem>>, vector<16xf32>,
      tpu.vector_store %arg11[%swap3A_421, %swap3A_422], %broadcast_in_dim3A_420 {strides = array<i32>} : memref<128x48xf32, #tpu.memory_space<vmem>>, vector<16xf32>,
    }
    %scan3A_288 = arith.constant 128 : i32
    %scan3A_289 = arith.constant 0 : i32
    %scan3A_290 = arith.constant 5 : i32
    %scan3A_291 = arith.addi %scan3A_289, %scan3A_290 : i32
    %scan3A_292 = arith.constant 1 : i32
    scf.for %scan3A_407 = %scan3A_289 to %scan3A_291 step %scan3A_292  : i32 {
      %mul3A_408 = arith.constant 1 : i32
      %mul3A_409 = arith.muli %scan3A_407, %mul3A_408 : i32
      %add3A = arith.constant 0 : i32
      %add3A_410 = arith.addi %add3A, %mul3A_409 : i32
      %mul3A_411 = arith.constant 128 : i32
      %mul3A_412 = arith.muli %add3A_410, %mul3A_411 : i32
      %add3A_413 = arith.addi %mul3A_0, %mul3A_412 : i32
      "tpu.region"() ({
        %run_scoped3A = tpu.sem_alloc : memref<!tpu.dma_semaphore, #tpu.memory_space<semaphore_mem>>
        %dma_start3A_414 = arith.constant 0 : i32
        %dma_start3A_415 = tpu.memref_slice %arg13[%add3A_413, %dma_start3A_414] : memref<10240x48xf32, #tpu.memory_space<vmem_shared>> -> memref<128x48xf32, #tpu.memory_space<vmem_shared>>
        %dma_start3A_416 = arith.constant 0 : i32
        %dma_start3A_417 = tpu.memref_slice %arg13[%add3A_413, %dma_start3A_416] : memref<10240x48xf32, #tpu.memory_space<vmem_shared>> -> memref<128x48xf32, #tpu.memory_space<vmem_shared>>
        tpu.enqueue_dma source(%arg11 : memref<128x48xf32, #tpu.memory_space<vmem>>) target(%dma_start3A_417 : memref<128x48xf32, #tpu.memory_space<vmem_shared>>) target_semaphore(%run_scoped3A : memref<!tpu.dma_semaphore, #tpu.memory_space<semaphore_mem>>)
        %dma_wait3A_418 = arith.constant 0 : i32
        %dma_wait3A_419 = tpu.memref_slice %arg13[%add3A_413, %dma_wait3A_418] : memref<10240x48xf32, #tpu.memory_space<vmem_shared>> -> memref<128x48xf32, #tpu.memory_space<vmem_shared>>
        %dma_wait3A_420 = arith.constant 0 : i32
        %dma_wait3A_421 = tpu.memref_slice %arg13[%add3A_413, %dma_wait3A_420] : memref<10240x48xf32, #tpu.memory_space<vmem_shared>> -> memref<128x48xf32, #tpu.memory_space<vmem_shared>>
        tpu.wait_dma2 semaphore(%run_scoped3A : memref<!tpu.dma_semaphore, #tpu.memory_space<semaphore_mem>>) src(%arg11 : memref<128x48xf32, #tpu.memory_space<vmem>>) dst(%dma_wait3A_421 : memref<128x48xf32, #tpu.memory_space<vmem_shared>>)
        tpu.yield
      }) : () -> ()
    }
    %scan3A_293 = arith.constant 5 : i32
    %barrier3A_294 = arith.constant 0 : index
    tpu.barrier barrier_id(%barrier3A_294)
    %dma_start3A_295 = arith.constant 0 : i32
    %dma_start3A_296 = arith.constant 0 : i32
    %dma_start3A_297 = tpu.memref_slice %arg8[%dma_start3A_295, %dma_start3A_296] : memref<168x128xi32, #tpu.memory_space<vmem>> -> memref<1x128xi32, #tpu.memory_space<vmem>>
    %dma_start3A_298 = tpu.memref_squeeze %dma_start3A_297 : memref<1x128xi32, #tpu.memory_space<vmem>> -> memref<128xi32, #tpu.memory_space<vmem>>
    %dma_start3A_299 = arith.constant 0 : i32
    %dma_start3A_300 = arith.constant 0 : i32
    %dma_start3A_301 = tpu.memref_slice %arg14[%dma_start3A_299, %dma_start3A_300] : memref<10240x48xf32, #tpu.memory_space<vmem_shared>> -> memref<10240x48xf32, #tpu.memory_space<vmem_shared>>
    tpu.enqueue_indirect_dma source(%dma_start3A_301 : memref<10240x48xf32, #tpu.memory_space<vmem_shared>>) target(%arg11 : memref<128x48xf32, #tpu.memory_space<vmem>>) offsets(%dma_start3A_298 : memref<128xi32, #tpu.memory_space<vmem>>) semaphore(%arg15 : memref<!tpu.dma_semaphore, #tpu.memory_space<semaphore_mem>>)
    %scan3A_302 = arith.constant 0 : i32
    %scan3A_303 = arith.constant 82 : i32
    %scan3A_304 = arith.addi %scan3A_302, %scan3A_303 : i32
    %scan3A_305 = arith.constant 1 : i32
    scf.for %scan3A_407 = %scan3A_302 to %scan3A_304 step %scan3A_305  : i32 {
      %mul3A_408 = arith.constant 1 : i32
      %mul3A_409 = arith.muli %scan3A_407, %mul3A_408 : i32
      %add3A = arith.constant 0 : i32
      %add3A_410 = arith.addi %add3A, %mul3A_409 : i32
      %mul3A_411 = arith.constant 2 : i32
      %mul3A_412 = arith.muli %mul3A_411, %add3A_410 : i32
      %dma_wait3A_413 = arith.constant 0 : i32
      %dma_wait3A_414 = arith.constant 0 : i32
      %dma_wait3A_415 = tpu.memref_slice %arg13[%dma_wait3A_413, %dma_wait3A_414] : memref<10240x48xf32, #tpu.memory_space<vmem_shared>> -> memref<128x48xf32, #tpu.memory_space<vmem_shared>>
      %dma_wait3A_416 = arith.constant 0 : i32
      %dma_wait3A_417 = arith.constant 0 : i32
      %dma_wait3A_418 = tpu.memref_slice %arg13[%dma_wait3A_416, %dma_wait3A_417] : memref<10240x48xf32, #tpu.memory_space<vmem_shared>> -> memref<128x48xf32, #tpu.memory_space<vmem_shared>>
      tpu.wait_dma2 semaphore(%arg15 : memref<!tpu.dma_semaphore, #tpu.memory_space<semaphore_mem>>) src(%dma_wait3A_418 : memref<128x48xf32, #tpu.memory_space<vmem_shared>>) dst(%arg11 : memref<128x48xf32, #tpu.memory_space<vmem>>)
      %dma_start3A_419 = arith.constant 0 : i32
      %dma_start3A_420 = tpu.memref_slice %arg9[%mul3A_412, %dma_start3A_419] : memref<164x128xi32, #tpu.memory_space<vmem>> -> memref<1x128xi32, #tpu.memory_space<vmem>>
      %dma_start3A_421 = tpu.memref_squeeze %dma_start3A_420 : memref<1x128xi32, #tpu.memory_space<vmem>> -> memref<128xi32, #tpu.memory_space<vmem>>
      %dma_start3A_422 = arith.constant 0 : i32
      %dma_start3A_423 = arith.constant 0 : i32
      %dma_start3A_424 = tpu.memref_slice %arg13[%dma_start3A_422, %dma_start3A_423] : memref<10240x48xf32, #tpu.memory_space<vmem_shared>> -> memref<10240x48xf32, #tpu.memory_space<vmem_shared>>
      tpu.enqueue_indirect_dma source(%arg11 : memref<128x48xf32, #tpu.memory_space<vmem>>) target(%dma_start3A_424 : memref<10240x48xf32, #tpu.memory_space<vmem_shared>>) offsets(%dma_start3A_421 : memref<128xi32, #tpu.memory_space<vmem>>) semaphore(%arg17 : memref<!tpu.dma_semaphore, #tpu.memory_space<semaphore_mem>>) {add = true}
      %gt3A = arith.constant 0 : i32
      %gt3A_425 = arith.cmpi sgt, %add3A_410, %gt3A : i32
      %convert_element_type3A = arith.extui %gt3A_425 : i1 to i32
      %cond3A = arith.constant 0 : i32
      %cond3A_426 = arith.cmpi ne, %convert_element_type3A, %cond3A : i32
      scf.if %cond3A_426 {
        %dma_wait3A_463 = arith.constant 0 : i32
        %dma_wait3A_464 = arith.constant 0 : i32
        %dma_wait3A_465 = tpu.memref_slice %arg13[%dma_wait3A_463, %dma_wait3A_464] : memref<10240x48xf32, #tpu.memory_space<vmem_shared>> -> memref<128x48xf32, #tpu.memory_space<vmem_shared>>
        %dma_wait3A_466 = arith.constant 0 : i32
        %dma_wait3A_467 = arith.constant 0 : i32
        %dma_wait3A_468 = tpu.memref_slice %arg13[%dma_wait3A_466, %dma_wait3A_467] : memref<10240x48xf32, #tpu.memory_space<vmem_shared>> -> memref<128x48xf32, #tpu.memory_space<vmem_shared>>
        tpu.wait_dma2 semaphore(%arg18 : memref<!tpu.dma_semaphore, #tpu.memory_space<semaphore_mem>>) src(%arg12 : memref<128x48xf32, #tpu.memory_space<vmem>>) dst(%dma_wait3A_468 : memref<128x48xf32, #tpu.memory_space<vmem_shared>>)
      } else {
      }
      %add3A_427 = arith.constant 1 : i32
      %add3A_428 = arith.addi %mul3A_412, %add3A_427 : i32
      %dma_start3A_429 = arith.constant 0 : i32
      %dma_start3A_430 = tpu.memref_slice %arg8[%add3A_428, %dma_start3A_429] : memref<168x128xi32, #tpu.memory_space<vmem>> -> memref<1x128xi32, #tpu.memory_space<vmem>>
      %dma_start3A_431 = tpu.memref_squeeze %dma_start3A_430 : memref<1x128xi32, #tpu.memory_space<vmem>> -> memref<128xi32, #tpu.memory_space<vmem>>
      %dma_start3A_432 = arith.constant 0 : i32
      %dma_start3A_433 = arith.constant 0 : i32
      %dma_start3A_434 = tpu.memref_slice %arg14[%dma_start3A_432, %dma_start3A_433] : memref<10240x48xf32, #tpu.memory_space<vmem_shared>> -> memref<10240x48xf32, #tpu.memory_space<vmem_shared>>
      tpu.enqueue_indirect_dma source(%dma_start3A_434 : memref<10240x48xf32, #tpu.memory_space<vmem_shared>>) target(%arg12 : memref<128x48xf32, #tpu.memory_space<vmem>>) offsets(%dma_start3A_431 : memref<128xi32, #tpu.memory_space<vmem>>) semaphore(%arg16 : memref<!tpu.dma_semaphore, #tpu.memory_space<semaphore_mem>>)
      %dma_wait3A_435 = arith.constant 0 : i32
      %dma_wait3A_436 = arith.constant 0 : i32
      %dma_wait3A_437 = tpu.memref_slice %arg13[%dma_wait3A_435, %dma_wait3A_436] : memref<10240x48xf32, #tpu.memory_space<vmem_shared>> -> memref<128x48xf32, #tpu.memory_space<vmem_shared>>
      %dma_wait3A_438 = arith.constant 0 : i32
      %dma_wait3A_439 = arith.constant 0 : i32
      %dma_wait3A_440 = tpu.memref_slice %arg13[%dma_wait3A_438, %dma_wait3A_439] : memref<10240x48xf32, #tpu.memory_space<vmem_shared>> -> memref<128x48xf32, #tpu.memory_space<vmem_shared>>
      tpu.wait_dma2 semaphore(%arg16 : memref<!tpu.dma_semaphore, #tpu.memory_space<semaphore_mem>>) src(%dma_wait3A_440 : memref<128x48xf32, #tpu.memory_space<vmem_shared>>) dst(%arg12 : memref<128x48xf32, #tpu.memory_space<vmem>>)
      %add3A_441 = arith.constant 1 : i32
      %add3A_442 = arith.addi %mul3A_412, %add3A_441 : i32
      %dma_start3A_443 = arith.constant 0 : i32
      %dma_start3A_444 = tpu.memref_slice %arg9[%add3A_442, %dma_start3A_443] : memref<164x128xi32, #tpu.memory_space<vmem>> -> memref<1x128xi32, #tpu.memory_space<vmem>>
      %dma_start3A_445 = tpu.memref_squeeze %dma_start3A_444 : memref<1x128xi32, #tpu.memory_space<vmem>> -> memref<128xi32, #tpu.memory_space<vmem>>
      %dma_start3A_446 = arith.constant 0 : i32
      %dma_start3A_447 = arith.constant 0 : i32
      %dma_start3A_448 = tpu.memref_slice %arg13[%dma_start3A_446, %dma_start3A_447] : memref<10240x48xf32, #tpu.memory_space<vmem_shared>> -> memref<10240x48xf32, #tpu.memory_space<vmem_shared>>
      tpu.enqueue_indirect_dma source(%arg12 : memref<128x48xf32, #tpu.memory_space<vmem>>) target(%dma_start3A_448 : memref<10240x48xf32, #tpu.memory_space<vmem_shared>>) offsets(%dma_start3A_445 : memref<128xi32, #tpu.memory_space<vmem>>) semaphore(%arg18 : memref<!tpu.dma_semaphore, #tpu.memory_space<semaphore_mem>>) {add = true}
      %dma_wait3A_449 = arith.constant 0 : i32
      %dma_wait3A_450 = arith.constant 0 : i32
      %dma_wait3A_451 = tpu.memref_slice %arg13[%dma_wait3A_449, %dma_wait3A_450] : memref<10240x48xf32, #tpu.memory_space<vmem_shared>> -> memref<128x48xf32, #tpu.memory_space<vmem_shared>>
      %dma_wait3A_452 = arith.constant 0 : i32
      %dma_wait3A_453 = arith.constant 0 : i32
      %dma_wait3A_454 = tpu.memref_slice %arg13[%dma_wait3A_452, %dma_wait3A_453] : memref<10240x48xf32, #tpu.memory_space<vmem_shared>> -> memref<128x48xf32, #tpu.memory_space<vmem_shared>>
      tpu.wait_dma2 semaphore(%arg17 : memref<!tpu.dma_semaphore, #tpu.memory_space<semaphore_mem>>) src(%arg11 : memref<128x48xf32, #tpu.memory_space<vmem>>) dst(%dma_wait3A_454 : memref<128x48xf32, #tpu.memory_space<vmem_shared>>)
      %add3A_455 = arith.constant 2 : i32
      %add3A_456 = arith.addi %mul3A_412, %add3A_455 : i32
      %dma_start3A_457 = arith.constant 0 : i32
      %dma_start3A_458 = tpu.memref_slice %arg8[%add3A_456, %dma_start3A_457] : memref<168x128xi32, #tpu.memory_space<vmem>> -> memref<1x128xi32, #tpu.memory_space<vmem>>
      %dma_start3A_459 = tpu.memref_squeeze %dma_start3A_458 : memref<1x128xi32, #tpu.memory_space<vmem>> -> memref<128xi32, #tpu.memory_space<vmem>>
      %dma_start3A_460 = arith.constant 0 : i32
      %dma_start3A_461 = arith.constant 0 : i32
      %dma_start3A_462 = tpu.memref_slice %arg14[%dma_start3A_460, %dma_start3A_461] : memref<10240x48xf32, #tpu.memory_space<vmem_shared>> -> memref<10240x48xf32, #tpu.memory_space<vmem_shared>>
      tpu.enqueue_indirect_dma source(%dma_start3A_462 : memref<10240x48xf32, #tpu.memory_space<vmem_shared>>) target(%arg11 : memref<128x48xf32, #tpu.memory_space<vmem>>) offsets(%dma_start3A_459 : memref<128xi32, #tpu.memory_space<vmem>>) semaphore(%arg15 : memref<!tpu.dma_semaphore, #tpu.memory_space<semaphore_mem>>)
    }
    %scan3A_306 = arith.constant 82 : i32
    %dma_wait3A_307 = arith.constant 0 : i32
    %dma_wait3A_308 = arith.constant 0 : i32
    %dma_wait3A_309 = tpu.memref_slice %arg13[%dma_wait3A_307, %dma_wait3A_308] : memref<10240x48xf32, #tpu.memory_space<vmem_shared>> -> memref<128x48xf32, #tpu.memory_space<vmem_shared>>
    %dma_wait3A_310 = arith.constant 0 : i32
    %dma_wait3A_311 = arith.constant 0 : i32
    %dma_wait3A_312 = tpu.memref_slice %arg13[%dma_wait3A_310, %dma_wait3A_311] : memref<10240x48xf32, #tpu.memory_space<vmem_shared>> -> memref<128x48xf32, #tpu.memory_space<vmem_shared>>
    tpu.wait_dma2 semaphore(%arg15 : memref<!tpu.dma_semaphore, #tpu.memory_space<semaphore_mem>>) src(%dma_wait3A_312 : memref<128x48xf32, #tpu.memory_space<vmem_shared>>) dst(%arg11 : memref<128x48xf32, #tpu.memory_space<vmem>>)
    %dma_wait3A_313 = arith.constant 0 : i32
    %dma_wait3A_314 = arith.constant 0 : i32
    %dma_wait3A_315 = tpu.memref_slice %arg13[%dma_wait3A_313, %dma_wait3A_314] : memref<10240x48xf32, #tpu.memory_space<vmem_shared>> -> memref<128x48xf32, #tpu.memory_space<vmem_shared>>
    %dma_wait3A_316 = arith.constant 0 : i32
    %dma_wait3A_317 = arith.constant 0 : i32
    %dma_wait3A_318 = tpu.memref_slice %arg13[%dma_wait3A_316, %dma_wait3A_317] : memref<10240x48xf32, #tpu.memory_space<vmem_shared>> -> memref<128x48xf32, #tpu.memory_space<vmem_shared>>
    tpu.wait_dma2 semaphore(%arg18 : memref<!tpu.dma_semaphore, #tpu.memory_space<semaphore_mem>>) src(%arg12 : memref<128x48xf32, #tpu.memory_space<vmem>>) dst(%dma_wait3A_318 : memref<128x48xf32, #tpu.memory_space<vmem_shared>>)
    %barrier3A_319 = arith.constant 0 : index
    tpu.barrier barrier_id(%barrier3A_319)
    %scan3A_320 = arith.constant 0 : i32
    %scan3A_321 = arith.constant 5 : i32
    %scan3A_322 = arith.addi %scan3A_320, %scan3A_321 : i32
    %scan3A_323 = arith.constant 1 : i32
    scf.for %scan3A_407 = %scan3A_320 to %scan3A_322 step %scan3A_323  : i32 {
      %mul3A_408 = arith.constant 1 : i32
      %mul3A_409 = arith.muli %scan3A_407, %mul3A_408 : i32
      %add3A = arith.constant 0 : i32
      %add3A_410 = arith.addi %add3A, %mul3A_409 : i32
      %mul3A_411 = arith.constant 128 : i32
      %mul3A_412 = arith.muli %add3A_410, %mul3A_411 : i32
      %add3A_413 = arith.addi %mul3A_0, %mul3A_412 : i32
      %dma_start3A_414 = arith.constant 0 : i32
      %dma_start3A_415 = tpu.memref_slice %arg13[%add3A_413, %dma_start3A_414] : memref<10240x48xf32, #tpu.memory_space<vmem_shared>> -> memref<128x48xf32, #tpu.memory_space<vmem_shared>>
      %dma_start3A_416 = arith.constant 0 : i32
      %dma_start3A_417 = tpu.memref_slice %arg13[%add3A_413, %dma_start3A_416] : memref<10240x48xf32, #tpu.memory_space<vmem_shared>> -> memref<128x48xf32, #tpu.memory_space<vmem_shared>>
      tpu.enqueue_dma source(%dma_start3A_417 : memref<128x48xf32, #tpu.memory_space<vmem_shared>>) target(%arg11 : memref<128x48xf32, #tpu.memory_space<vmem>>) target_semaphore(%arg15 : memref<!tpu.dma_semaphore, #tpu.memory_space<semaphore_mem>>)
      %dma_start3A_418 = arith.constant 0 : i32
      %dma_start3A_419 = tpu.memref_slice %arg6[%add3A_413, %dma_start3A_418] : memref<10240x48xf32, #tpu.memory_space<hbm>> -> memref<128x48xf32, #tpu.memory_space<hbm>>
      %dma_start3A_420 = arith.constant 0 : i32
      %dma_start3A_421 = tpu.memref_slice %arg6[%add3A_413, %dma_start3A_420] : memref<10240x48xf32, #tpu.memory_space<hbm>> -> memref<128x48xf32, #tpu.memory_space<hbm>>
      tpu.enqueue_dma source(%dma_start3A_421 : memref<128x48xf32, #tpu.memory_space<hbm>>) target(%arg12 : memref<128x48xf32, #tpu.memory_space<vmem>>) target_semaphore(%arg16 : memref<!tpu.dma_semaphore, #tpu.memory_space<semaphore_mem>>)
      %dma_wait3A_422 = arith.constant 0 : i32
      %dma_wait3A_423 = tpu.memref_slice %arg13[%add3A_413, %dma_wait3A_422] : memref<10240x48xf32, #tpu.memory_space<vmem_shared>> -> memref<128x48xf32, #tpu.memory_space<vmem_shared>>
      %dma_wait3A_424 = arith.constant 0 : i32
      %dma_wait3A_425 = tpu.memref_slice %arg13[%add3A_413, %dma_wait3A_424] : memref<10240x48xf32, #tpu.memory_space<vmem_shared>> -> memref<128x48xf32, #tpu.memory_space<vmem_shared>>
      tpu.wait_dma2 semaphore(%arg15 : memref<!tpu.dma_semaphore, #tpu.memory_space<semaphore_mem>>) src(%dma_wait3A_425 : memref<128x48xf32, #tpu.memory_space<vmem_shared>>) dst(%arg11 : memref<128x48xf32, #tpu.memory_space<vmem>>)
      %dma_wait3A_426 = arith.constant 0 : i32
      %dma_wait3A_427 = tpu.memref_slice %arg6[%add3A_413, %dma_wait3A_426] : memref<10240x48xf32, #tpu.memory_space<hbm>> -> memref<128x48xf32, #tpu.memory_space<hbm>>
      %dma_wait3A_428 = arith.constant 0 : i32
      %dma_wait3A_429 = tpu.memref_slice %arg6[%add3A_413, %dma_wait3A_428] : memref<10240x48xf32, #tpu.memory_space<hbm>> -> memref<128x48xf32, #tpu.memory_space<hbm>>
      tpu.wait_dma2 semaphore(%arg16 : memref<!tpu.dma_semaphore, #tpu.memory_space<semaphore_mem>>) src(%dma_wait3A_429 : memref<128x48xf32, #tpu.memory_space<hbm>>) dst(%arg12 : memref<128x48xf32, #tpu.memory_space<vmem>>)
      %scan3A_430 = arith.constant 0 : i32
      %scan3A_431 = arith.constant 128 : i32
      %scan3A_432 = arith.addi %scan3A_430, %scan3A_431 : i32
      %scan3A_433 = arith.constant 1 : i32
      scf.for %scan3A_435 = %scan3A_430 to %scan3A_432 step %scan3A_433  : i32 {
        %mul3A_436 = arith.constant 1 : i32
        %mul3A_437 = arith.muli %scan3A_435, %mul3A_436 : i32
        %add3A_438 = arith.constant 0 : i32
        %add3A_439 = arith.addi %add3A_438, %mul3A_437 : i32
        %mul3A_440 = arith.constant 128 : i32
        %mul3A_441 = arith.muli %add3A_410, %mul3A_440 : i32
        %add3A_442 = arith.addi %mul3A_441, %add3A_439 : i32
        %broadcast_in_dim3A = vector.broadcast %add3A_442 : i32 to vector<16xi32>
        %gather3A = tpu.vector_load_idx %arg10[%broadcast_in_dim3A] : memref<640xf32, #tpu.memory_space<vmem>>[vector<16xi32>], vector<16xf32>,
        %get3A = arith.index_cast %add3A_439 : i32 to index
        %get3A_443 = arith.constant 0 : index
        %get3A_444 = tpu.vector_load %arg11[%get3A, %get3A_443] {strides = array<i32>} : memref<128x48xf32, #tpu.memory_space<vmem>>, vector<16xf32>,
        %mul3A_445 = arith.mulf %gather3A, %get3A_444 : vector<16xf32>
        %get3A_446 = arith.index_cast %add3A_439 : i32 to index
        %get3A_447 = arith.constant 0 : index
        %get3A_448 = tpu.vector_load %arg12[%get3A_446, %get3A_447] {strides = array<i32>} : memref<128x48xf32, #tpu.memory_space<vmem>>, vector<16xf32>,
        %add3A_449 = arith.addf %mul3A_445, %get3A_448 : vector<16xf32>
        %swap3A = arith.index_cast %add3A_439 : i32 to index
        %swap3A_450 = arith.constant 0 : index
        %swap3A_451 = tpu.vector_load %arg11[%swap3A, %swap3A_450] {strides = array<i32>} : memref<128x48xf32, #tpu.memory_space<vmem>>, vector<16xf32>,
        tpu.vector_store %arg11[%swap3A, %swap3A_450], %add3A_449 {strides = array<i32>} : memref<128x48xf32, #tpu.memory_space<vmem>>, vector<16xf32>,
        %get3A_452 = arith.index_cast %add3A_439 : i32 to index
        %get3A_453 = arith.constant 16 : index
        %get3A_454 = tpu.vector_load %arg11[%get3A_452, %get3A_453] {strides = array<i32>} : memref<128x48xf32, #tpu.memory_space<vmem>>, vector<16xf32>,
        %mul3A_455 = arith.mulf %gather3A, %get3A_454 : vector<16xf32>
        %get3A_456 = arith.index_cast %add3A_439 : i32 to index
        %get3A_457 = arith.constant 16 : index
        %get3A_458 = tpu.vector_load %arg12[%get3A_456, %get3A_457] {strides = array<i32>} : memref<128x48xf32, #tpu.memory_space<vmem>>, vector<16xf32>,
        %add3A_459 = arith.addf %mul3A_455, %get3A_458 : vector<16xf32>
        %swap3A_460 = arith.index_cast %add3A_439 : i32 to index
        %swap3A_461 = arith.constant 16 : index
        %swap3A_462 = tpu.vector_load %arg11[%swap3A_460, %swap3A_461] {strides = array<i32>} : memref<128x48xf32, #tpu.memory_space<vmem>>, vector<16xf32>,
        tpu.vector_store %arg11[%swap3A_460, %swap3A_461], %add3A_459 {strides = array<i32>} : memref<128x48xf32, #tpu.memory_space<vmem>>, vector<16xf32>,
        %get3A_463 = arith.index_cast %add3A_439 : i32 to index
        %get3A_464 = arith.constant 32 : index
        %get3A_465 = tpu.vector_load %arg11[%get3A_463, %get3A_464] {strides = array<i32>} : memref<128x48xf32, #tpu.memory_space<vmem>>, vector<16xf32>,
        %mul3A_466 = arith.mulf %gather3A, %get3A_465 : vector<16xf32>
        %get3A_467 = arith.index_cast %add3A_439 : i32 to index
        %get3A_468 = arith.constant 32 : index
        %get3A_469 = tpu.vector_load %arg12[%get3A_467, %get3A_468] {strides = array<i32>} : memref<128x48xf32, #tpu.memory_space<vmem>>, vector<16xf32>,
        %add3A_470 = arith.addf %mul3A_466, %get3A_469 : vector<16xf32>
        %swap3A_471 = arith.index_cast %add3A_439 : i32 to index
        %swap3A_472 = arith.constant 32 : index
        %swap3A_473 = tpu.vector_load %arg11[%swap3A_471, %swap3A_472] {strides = array<i32>} : memref<128x48xf32, #tpu.memory_space<vmem>>, vector<16xf32>,
        tpu.vector_store %arg11[%swap3A_471, %swap3A_472], %add3A_470 {strides = array<i32>} : memref<128x48xf32, #tpu.memory_space<vmem>>, vector<16xf32>,
      }
      %scan3A_434 = arith.constant 128 : i32
      "tpu.region"() ({
        %run_scoped3A = tpu.sem_alloc : memref<!tpu.dma_semaphore, #tpu.memory_space<semaphore_mem>>
        %dma_start3A_435 = arith.constant 0 : i32
        %dma_start3A_436 = tpu.memref_slice %arg13[%add3A_413, %dma_start3A_435] : memref<10240x48xf32, #tpu.memory_space<vmem_shared>> -> memref<128x48xf32, #tpu.memory_space<vmem_shared>>
        %dma_start3A_437 = arith.constant 0 : i32
        %dma_start3A_438 = tpu.memref_slice %arg13[%add3A_413, %dma_start3A_437] : memref<10240x48xf32, #tpu.memory_space<vmem_shared>> -> memref<128x48xf32, #tpu.memory_space<vmem_shared>>
        tpu.enqueue_dma source(%arg11 : memref<128x48xf32, #tpu.memory_space<vmem>>) target(%dma_start3A_438 : memref<128x48xf32, #tpu.memory_space<vmem_shared>>) target_semaphore(%run_scoped3A : memref<!tpu.dma_semaphore, #tpu.memory_space<semaphore_mem>>)
        %dma_wait3A_439 = arith.constant 0 : i32
        %dma_wait3A_440 = tpu.memref_slice %arg13[%add3A_413, %dma_wait3A_439] : memref<10240x48xf32, #tpu.memory_space<vmem_shared>> -> memref<128x48xf32, #tpu.memory_space<vmem_shared>>
        %dma_wait3A_441 = arith.constant 0 : i32
        %dma_wait3A_442 = tpu.memref_slice %arg13[%add3A_413, %dma_wait3A_441] : memref<10240x48xf32, #tpu.memory_space<vmem_shared>> -> memref<128x48xf32, #tpu.memory_space<vmem_shared>>
        tpu.wait_dma2 semaphore(%run_scoped3A : memref<!tpu.dma_semaphore, #tpu.memory_space<semaphore_mem>>) src(%arg11 : memref<128x48xf32, #tpu.memory_space<vmem>>) dst(%dma_wait3A_442 : memref<128x48xf32, #tpu.memory_space<vmem_shared>>)
        tpu.yield
      }) : () -> ()
    }
    %scan3A_324 = arith.constant 5 : i32
    %scan3A_325 = arith.constant 0 : i32
    %scan3A_326 = arith.constant 128 : i32
    %scan3A_327 = arith.addi %scan3A_325, %scan3A_326 : i32
    %scan3A_328 = arith.constant 1 : i32
    scf.for %scan3A_407 = %scan3A_325 to %scan3A_327 step %scan3A_328  : i32 {
      %mul3A_408 = arith.constant 1 : i32
      %mul3A_409 = arith.muli %scan3A_407, %mul3A_408 : i32
      %add3A = arith.constant 0 : i32
      %add3A_410 = arith.addi %add3A, %mul3A_409 : i32
      %broadcast_in_dim3A = arith.constant 0.000000e+00 : f32
      %broadcast_in_dim3A_411 = vector.broadcast %broadcast_in_dim3A : f32 to vector<16xf32>
      %swap3A = arith.index_cast %add3A_410 : i32 to index
      %swap3A_412 = arith.constant 0 : index
      %swap3A_413 = tpu.vector_load %arg11[%swap3A, %swap3A_412] {strides = array<i32>} : memref<128x48xf32, #tpu.memory_space<vmem>>, vector<16xf32>,
      tpu.vector_store %arg11[%swap3A, %swap3A_412], %broadcast_in_dim3A_411 {strides = array<i32>} : memref<128x48xf32, #tpu.memory_space<vmem>>, vector<16xf32>,
      %broadcast_in_dim3A_414 = arith.constant 0.000000e+00 : f32
      %broadcast_in_dim3A_415 = vector.broadcast %broadcast_in_dim3A_414 : f32 to vector<16xf32>
      %swap3A_416 = arith.index_cast %add3A_410 : i32 to index
      %swap3A_417 = arith.constant 16 : index
      %swap3A_418 = tpu.vector_load %arg11[%swap3A_416, %swap3A_417] {strides = array<i32>} : memref<128x48xf32, #tpu.memory_space<vmem>>, vector<16xf32>,
      tpu.vector_store %arg11[%swap3A_416, %swap3A_417], %broadcast_in_dim3A_415 {strides = array<i32>} : memref<128x48xf32, #tpu.memory_space<vmem>>, vector<16xf32>,
      %broadcast_in_dim3A_419 = arith.constant 0.000000e+00 : f32
      %broadcast_in_dim3A_420 = vector.broadcast %broadcast_in_dim3A_419 : f32 to vector<16xf32>
      %swap3A_421 = arith.index_cast %add3A_410 : i32 to index
      %swap3A_422 = arith.constant 32 : index
      %swap3A_423 = tpu.vector_load %arg11[%swap3A_421, %swap3A_422] {strides = array<i32>} : memref<128x48xf32, #tpu.memory_space<vmem>>, vector<16xf32>,
      tpu.vector_store %arg11[%swap3A_421, %swap3A_422], %broadcast_in_dim3A_420 {strides = array<i32>} : memref<128x48xf32, #tpu.memory_space<vmem>>, vector<16xf32>,
    }
    %scan3A_329 = arith.constant 128 : i32
    %scan3A_330 = arith.constant 0 : i32
    %scan3A_331 = arith.constant 5 : i32
    %scan3A_332 = arith.addi %scan3A_330, %scan3A_331 : i32
    %scan3A_333 = arith.constant 1 : i32
    scf.for %scan3A_407 = %scan3A_330 to %scan3A_332 step %scan3A_333  : i32 {
      %mul3A_408 = arith.constant 1 : i32
      %mul3A_409 = arith.muli %scan3A_407, %mul3A_408 : i32
      %add3A = arith.constant 0 : i32
      %add3A_410 = arith.addi %add3A, %mul3A_409 : i32
      %mul3A_411 = arith.constant 128 : i32
      %mul3A_412 = arith.muli %add3A_410, %mul3A_411 : i32
      %add3A_413 = arith.addi %mul3A_0, %mul3A_412 : i32
      "tpu.region"() ({
        %run_scoped3A = tpu.sem_alloc : memref<!tpu.dma_semaphore, #tpu.memory_space<semaphore_mem>>
        %dma_start3A_414 = arith.constant 0 : i32
        %dma_start3A_415 = tpu.memref_slice %arg14[%add3A_413, %dma_start3A_414] : memref<10240x48xf32, #tpu.memory_space<vmem_shared>> -> memref<128x48xf32, #tpu.memory_space<vmem_shared>>
        %dma_start3A_416 = arith.constant 0 : i32
        %dma_start3A_417 = tpu.memref_slice %arg14[%add3A_413, %dma_start3A_416] : memref<10240x48xf32, #tpu.memory_space<vmem_shared>> -> memref<128x48xf32, #tpu.memory_space<vmem_shared>>
        tpu.enqueue_dma source(%arg11 : memref<128x48xf32, #tpu.memory_space<vmem>>) target(%dma_start3A_417 : memref<128x48xf32, #tpu.memory_space<vmem_shared>>) target_semaphore(%run_scoped3A : memref<!tpu.dma_semaphore, #tpu.memory_space<semaphore_mem>>)
        %dma_wait3A_418 = arith.constant 0 : i32
        %dma_wait3A_419 = tpu.memref_slice %arg14[%add3A_413, %dma_wait3A_418] : memref<10240x48xf32, #tpu.memory_space<vmem_shared>> -> memref<128x48xf32, #tpu.memory_space<vmem_shared>>
        %dma_wait3A_420 = arith.constant 0 : i32
        %dma_wait3A_421 = tpu.memref_slice %arg14[%add3A_413, %dma_wait3A_420] : memref<10240x48xf32, #tpu.memory_space<vmem_shared>> -> memref<128x48xf32, #tpu.memory_space<vmem_shared>>
        tpu.wait_dma2 semaphore(%run_scoped3A : memref<!tpu.dma_semaphore, #tpu.memory_space<semaphore_mem>>) src(%arg11 : memref<128x48xf32, #tpu.memory_space<vmem>>) dst(%dma_wait3A_421 : memref<128x48xf32, #tpu.memory_space<vmem_shared>>)
        tpu.yield
      }) : () -> ()
    }
    %scan3A_334 = arith.constant 5 : i32
    %barrier3A_335 = arith.constant 0 : index
    tpu.barrier barrier_id(%barrier3A_335)
    %dma_start3A_336 = arith.constant 0 : i32
    %dma_start3A_337 = arith.constant 0 : i32
    %dma_start3A_338 = tpu.memref_slice %arg8[%dma_start3A_336, %dma_start3A_337] : memref<168x128xi32, #tpu.memory_space<vmem>> -> memref<1x128xi32, #tpu.memory_space<vmem>>
    %dma_start3A_339 = tpu.memref_squeeze %dma_start3A_338 : memref<1x128xi32, #tpu.memory_space<vmem>> -> memref<128xi32, #tpu.memory_space<vmem>>
    %dma_start3A_340 = arith.constant 0 : i32
    %dma_start3A_341 = arith.constant 0 : i32
    %dma_start3A_342 = tpu.memref_slice %arg13[%dma_start3A_340, %dma_start3A_341] : memref<10240x48xf32, #tpu.memory_space<vmem_shared>> -> memref<10240x48xf32, #tpu.memory_space<vmem_shared>>
    tpu.enqueue_indirect_dma source(%dma_start3A_342 : memref<10240x48xf32, #tpu.memory_space<vmem_shared>>) target(%arg11 : memref<128x48xf32, #tpu.memory_space<vmem>>) offsets(%dma_start3A_339 : memref<128xi32, #tpu.memory_space<vmem>>) semaphore(%arg15 : memref<!tpu.dma_semaphore, #tpu.memory_space<semaphore_mem>>)
    %scan3A_343 = arith.constant 0 : i32
    %scan3A_344 = arith.constant 82 : i32
    %scan3A_345 = arith.addi %scan3A_343, %scan3A_344 : i32
    %scan3A_346 = arith.constant 1 : i32
    scf.for %scan3A_407 = %scan3A_343 to %scan3A_345 step %scan3A_346  : i32 {
      %mul3A_408 = arith.constant 1 : i32
      %mul3A_409 = arith.muli %scan3A_407, %mul3A_408 : i32
      %add3A = arith.constant 0 : i32
      %add3A_410 = arith.addi %add3A, %mul3A_409 : i32
      %mul3A_411 = arith.constant 2 : i32
      %mul3A_412 = arith.muli %mul3A_411, %add3A_410 : i32
      %dma_wait3A_413 = arith.constant 0 : i32
      %dma_wait3A_414 = arith.constant 0 : i32
      %dma_wait3A_415 = tpu.memref_slice %arg13[%dma_wait3A_413, %dma_wait3A_414] : memref<10240x48xf32, #tpu.memory_space<vmem_shared>> -> memref<128x48xf32, #tpu.memory_space<vmem_shared>>
      %dma_wait3A_416 = arith.constant 0 : i32
      %dma_wait3A_417 = arith.constant 0 : i32
      %dma_wait3A_418 = tpu.memref_slice %arg13[%dma_wait3A_416, %dma_wait3A_417] : memref<10240x48xf32, #tpu.memory_space<vmem_shared>> -> memref<128x48xf32, #tpu.memory_space<vmem_shared>>
      tpu.wait_dma2 semaphore(%arg15 : memref<!tpu.dma_semaphore, #tpu.memory_space<semaphore_mem>>) src(%dma_wait3A_418 : memref<128x48xf32, #tpu.memory_space<vmem_shared>>) dst(%arg11 : memref<128x48xf32, #tpu.memory_space<vmem>>)
      %dma_start3A_419 = arith.constant 0 : i32
      %dma_start3A_420 = tpu.memref_slice %arg9[%mul3A_412, %dma_start3A_419] : memref<164x128xi32, #tpu.memory_space<vmem>> -> memref<1x128xi32, #tpu.memory_space<vmem>>
      %dma_start3A_421 = tpu.memref_squeeze %dma_start3A_420 : memref<1x128xi32, #tpu.memory_space<vmem>> -> memref<128xi32, #tpu.memory_space<vmem>>
      %dma_start3A_422 = arith.constant 0 : i32
      %dma_start3A_423 = arith.constant 0 : i32
      %dma_start3A_424 = tpu.memref_slice %arg14[%dma_start3A_422, %dma_start3A_423] : memref<10240x48xf32, #tpu.memory_space<vmem_shared>> -> memref<10240x48xf32, #tpu.memory_space<vmem_shared>>
      tpu.enqueue_indirect_dma source(%arg11 : memref<128x48xf32, #tpu.memory_space<vmem>>) target(%dma_start3A_424 : memref<10240x48xf32, #tpu.memory_space<vmem_shared>>) offsets(%dma_start3A_421 : memref<128xi32, #tpu.memory_space<vmem>>) semaphore(%arg17 : memref<!tpu.dma_semaphore, #tpu.memory_space<semaphore_mem>>) {add = true}
      %gt3A = arith.constant 0 : i32
      %gt3A_425 = arith.cmpi sgt, %add3A_410, %gt3A : i32
      %convert_element_type3A = arith.extui %gt3A_425 : i1 to i32
      %cond3A = arith.constant 0 : i32
      %cond3A_426 = arith.cmpi ne, %convert_element_type3A, %cond3A : i32
      scf.if %cond3A_426 {
        %dma_wait3A_463 = arith.constant 0 : i32
        %dma_wait3A_464 = arith.constant 0 : i32
        %dma_wait3A_465 = tpu.memref_slice %arg13[%dma_wait3A_463, %dma_wait3A_464] : memref<10240x48xf32, #tpu.memory_space<vmem_shared>> -> memref<128x48xf32, #tpu.memory_space<vmem_shared>>
        %dma_wait3A_466 = arith.constant 0 : i32
        %dma_wait3A_467 = arith.constant 0 : i32
        %dma_wait3A_468 = tpu.memref_slice %arg13[%dma_wait3A_466, %dma_wait3A_467] : memref<10240x48xf32, #tpu.memory_space<vmem_shared>> -> memref<128x48xf32, #tpu.memory_space<vmem_shared>>
        tpu.wait_dma2 semaphore(%arg18 : memref<!tpu.dma_semaphore, #tpu.memory_space<semaphore_mem>>) src(%arg12 : memref<128x48xf32, #tpu.memory_space<vmem>>) dst(%dma_wait3A_468 : memref<128x48xf32, #tpu.memory_space<vmem_shared>>)
      } else {
      }
      %add3A_427 = arith.constant 1 : i32
      %add3A_428 = arith.addi %mul3A_412, %add3A_427 : i32
      %dma_start3A_429 = arith.constant 0 : i32
      %dma_start3A_430 = tpu.memref_slice %arg8[%add3A_428, %dma_start3A_429] : memref<168x128xi32, #tpu.memory_space<vmem>> -> memref<1x128xi32, #tpu.memory_space<vmem>>
      %dma_start3A_431 = tpu.memref_squeeze %dma_start3A_430 : memref<1x128xi32, #tpu.memory_space<vmem>> -> memref<128xi32, #tpu.memory_space<vmem>>
      %dma_start3A_432 = arith.constant 0 : i32
      %dma_start3A_433 = arith.constant 0 : i32
      %dma_start3A_434 = tpu.memref_slice %arg13[%dma_start3A_432, %dma_start3A_433] : memref<10240x48xf32, #tpu.memory_space<vmem_shared>> -> memref<10240x48xf32, #tpu.memory_space<vmem_shared>>
      tpu.enqueue_indirect_dma source(%dma_start3A_434 : memref<10240x48xf32, #tpu.memory_space<vmem_shared>>) target(%arg12 : memref<128x48xf32, #tpu.memory_space<vmem>>) offsets(%dma_start3A_431 : memref<128xi32, #tpu.memory_space<vmem>>) semaphore(%arg16 : memref<!tpu.dma_semaphore, #tpu.memory_space<semaphore_mem>>)
      %dma_wait3A_435 = arith.constant 0 : i32
      %dma_wait3A_436 = arith.constant 0 : i32
      %dma_wait3A_437 = tpu.memref_slice %arg13[%dma_wait3A_435, %dma_wait3A_436] : memref<10240x48xf32, #tpu.memory_space<vmem_shared>> -> memref<128x48xf32, #tpu.memory_space<vmem_shared>>
      %dma_wait3A_438 = arith.constant 0 : i32
      %dma_wait3A_439 = arith.constant 0 : i32
      %dma_wait3A_440 = tpu.memref_slice %arg13[%dma_wait3A_438, %dma_wait3A_439] : memref<10240x48xf32, #tpu.memory_space<vmem_shared>> -> memref<128x48xf32, #tpu.memory_space<vmem_shared>>
      tpu.wait_dma2 semaphore(%arg16 : memref<!tpu.dma_semaphore, #tpu.memory_space<semaphore_mem>>) src(%dma_wait3A_440 : memref<128x48xf32, #tpu.memory_space<vmem_shared>>) dst(%arg12 : memref<128x48xf32, #tpu.memory_space<vmem>>)
      %add3A_441 = arith.constant 1 : i32
      %add3A_442 = arith.addi %mul3A_412, %add3A_441 : i32
      %dma_start3A_443 = arith.constant 0 : i32
      %dma_start3A_444 = tpu.memref_slice %arg9[%add3A_442, %dma_start3A_443] : memref<164x128xi32, #tpu.memory_space<vmem>> -> memref<1x128xi32, #tpu.memory_space<vmem>>
      %dma_start3A_445 = tpu.memref_squeeze %dma_start3A_444 : memref<1x128xi32, #tpu.memory_space<vmem>> -> memref<128xi32, #tpu.memory_space<vmem>>
      %dma_start3A_446 = arith.constant 0 : i32
      %dma_start3A_447 = arith.constant 0 : i32
      %dma_start3A_448 = tpu.memref_slice %arg14[%dma_start3A_446, %dma_start3A_447] : memref<10240x48xf32, #tpu.memory_space<vmem_shared>> -> memref<10240x48xf32, #tpu.memory_space<vmem_shared>>
      tpu.enqueue_indirect_dma source(%arg12 : memref<128x48xf32, #tpu.memory_space<vmem>>) target(%dma_start3A_448 : memref<10240x48xf32, #tpu.memory_space<vmem_shared>>) offsets(%dma_start3A_445 : memref<128xi32, #tpu.memory_space<vmem>>) semaphore(%arg18 : memref<!tpu.dma_semaphore, #tpu.memory_space<semaphore_mem>>) {add = true}
      %dma_wait3A_449 = arith.constant 0 : i32
      %dma_wait3A_450 = arith.constant 0 : i32
      %dma_wait3A_451 = tpu.memref_slice %arg13[%dma_wait3A_449, %dma_wait3A_450] : memref<10240x48xf32, #tpu.memory_space<vmem_shared>> -> memref<128x48xf32, #tpu.memory_space<vmem_shared>>
      %dma_wait3A_452 = arith.constant 0 : i32
      %dma_wait3A_453 = arith.constant 0 : i32
      %dma_wait3A_454 = tpu.memref_slice %arg13[%dma_wait3A_452, %dma_wait3A_453] : memref<10240x48xf32, #tpu.memory_space<vmem_shared>> -> memref<128x48xf32, #tpu.memory_space<vmem_shared>>
      tpu.wait_dma2 semaphore(%arg17 : memref<!tpu.dma_semaphore, #tpu.memory_space<semaphore_mem>>) src(%arg11 : memref<128x48xf32, #tpu.memory_space<vmem>>) dst(%dma_wait3A_454 : memref<128x48xf32, #tpu.memory_space<vmem_shared>>)
      %add3A_455 = arith.constant 2 : i32
      %add3A_456 = arith.addi %mul3A_412, %add3A_455 : i32
      %dma_start3A_457 = arith.constant 0 : i32
      %dma_start3A_458 = tpu.memref_slice %arg8[%add3A_456, %dma_start3A_457] : memref<168x128xi32, #tpu.memory_space<vmem>> -> memref<1x128xi32, #tpu.memory_space<vmem>>
      %dma_start3A_459 = tpu.memref_squeeze %dma_start3A_458 : memref<1x128xi32, #tpu.memory_space<vmem>> -> memref<128xi32, #tpu.memory_space<vmem>>
      %dma_start3A_460 = arith.constant 0 : i32
      %dma_start3A_461 = arith.constant 0 : i32
      %dma_start3A_462 = tpu.memref_slice %arg13[%dma_start3A_460, %dma_start3A_461] : memref<10240x48xf32, #tpu.memory_space<vmem_shared>> -> memref<10240x48xf32, #tpu.memory_space<vmem_shared>>
      tpu.enqueue_indirect_dma source(%dma_start3A_462 : memref<10240x48xf32, #tpu.memory_space<vmem_shared>>) target(%arg11 : memref<128x48xf32, #tpu.memory_space<vmem>>) offsets(%dma_start3A_459 : memref<128xi32, #tpu.memory_space<vmem>>) semaphore(%arg15 : memref<!tpu.dma_semaphore, #tpu.memory_space<semaphore_mem>>)
    }
    %scan3A_347 = arith.constant 82 : i32
    %dma_wait3A_348 = arith.constant 0 : i32
    %dma_wait3A_349 = arith.constant 0 : i32
    %dma_wait3A_350 = tpu.memref_slice %arg13[%dma_wait3A_348, %dma_wait3A_349] : memref<10240x48xf32, #tpu.memory_space<vmem_shared>> -> memref<128x48xf32, #tpu.memory_space<vmem_shared>>
    %dma_wait3A_351 = arith.constant 0 : i32
    %dma_wait3A_352 = arith.constant 0 : i32
    %dma_wait3A_353 = tpu.memref_slice %arg13[%dma_wait3A_351, %dma_wait3A_352] : memref<10240x48xf32, #tpu.memory_space<vmem_shared>> -> memref<128x48xf32, #tpu.memory_space<vmem_shared>>
    tpu.wait_dma2 semaphore(%arg15 : memref<!tpu.dma_semaphore, #tpu.memory_space<semaphore_mem>>) src(%dma_wait3A_353 : memref<128x48xf32, #tpu.memory_space<vmem_shared>>) dst(%arg11 : memref<128x48xf32, #tpu.memory_space<vmem>>)
    %dma_wait3A_354 = arith.constant 0 : i32
    %dma_wait3A_355 = arith.constant 0 : i32
    %dma_wait3A_356 = tpu.memref_slice %arg13[%dma_wait3A_354, %dma_wait3A_355] : memref<10240x48xf32, #tpu.memory_space<vmem_shared>> -> memref<128x48xf32, #tpu.memory_space<vmem_shared>>
    %dma_wait3A_357 = arith.constant 0 : i32
    %dma_wait3A_358 = arith.constant 0 : i32
    %dma_wait3A_359 = tpu.memref_slice %arg13[%dma_wait3A_357, %dma_wait3A_358] : memref<10240x48xf32, #tpu.memory_space<vmem_shared>> -> memref<128x48xf32, #tpu.memory_space<vmem_shared>>
    tpu.wait_dma2 semaphore(%arg18 : memref<!tpu.dma_semaphore, #tpu.memory_space<semaphore_mem>>) src(%arg12 : memref<128x48xf32, #tpu.memory_space<vmem>>) dst(%dma_wait3A_359 : memref<128x48xf32, #tpu.memory_space<vmem_shared>>)
    %barrier3A_360 = arith.constant 0 : index
    tpu.barrier barrier_id(%barrier3A_360)
    %scan3A_361 = arith.constant 0 : i32
    %scan3A_362 = arith.constant 5 : i32
    %scan3A_363 = arith.addi %scan3A_361, %scan3A_362 : i32
    %scan3A_364 = arith.constant 1 : i32
    scf.for %scan3A_407 = %scan3A_361 to %scan3A_363 step %scan3A_364  : i32 {
      %mul3A_408 = arith.constant 1 : i32
      %mul3A_409 = arith.muli %scan3A_407, %mul3A_408 : i32
      %add3A = arith.constant 0 : i32
      %add3A_410 = arith.addi %add3A, %mul3A_409 : i32
      %mul3A_411 = arith.constant 128 : i32
      %mul3A_412 = arith.muli %add3A_410, %mul3A_411 : i32
      %add3A_413 = arith.addi %mul3A_0, %mul3A_412 : i32
      %dma_start3A_414 = arith.constant 0 : i32
      %dma_start3A_415 = tpu.memref_slice %arg14[%add3A_413, %dma_start3A_414] : memref<10240x48xf32, #tpu.memory_space<vmem_shared>> -> memref<128x48xf32, #tpu.memory_space<vmem_shared>>
      %dma_start3A_416 = arith.constant 0 : i32
      %dma_start3A_417 = tpu.memref_slice %arg14[%add3A_413, %dma_start3A_416] : memref<10240x48xf32, #tpu.memory_space<vmem_shared>> -> memref<128x48xf32, #tpu.memory_space<vmem_shared>>
      tpu.enqueue_dma source(%dma_start3A_417 : memref<128x48xf32, #tpu.memory_space<vmem_shared>>) target(%arg11 : memref<128x48xf32, #tpu.memory_space<vmem>>) target_semaphore(%arg15 : memref<!tpu.dma_semaphore, #tpu.memory_space<semaphore_mem>>)
      %dma_start3A_418 = arith.constant 0 : i32
      %dma_start3A_419 = tpu.memref_slice %arg6[%add3A_413, %dma_start3A_418] : memref<10240x48xf32, #tpu.memory_space<hbm>> -> memref<128x48xf32, #tpu.memory_space<hbm>>
      %dma_start3A_420 = arith.constant 0 : i32
      %dma_start3A_421 = tpu.memref_slice %arg6[%add3A_413, %dma_start3A_420] : memref<10240x48xf32, #tpu.memory_space<hbm>> -> memref<128x48xf32, #tpu.memory_space<hbm>>
      tpu.enqueue_dma source(%dma_start3A_421 : memref<128x48xf32, #tpu.memory_space<hbm>>) target(%arg12 : memref<128x48xf32, #tpu.memory_space<vmem>>) target_semaphore(%arg16 : memref<!tpu.dma_semaphore, #tpu.memory_space<semaphore_mem>>)
      %dma_wait3A_422 = arith.constant 0 : i32
      %dma_wait3A_423 = tpu.memref_slice %arg14[%add3A_413, %dma_wait3A_422] : memref<10240x48xf32, #tpu.memory_space<vmem_shared>> -> memref<128x48xf32, #tpu.memory_space<vmem_shared>>
      %dma_wait3A_424 = arith.constant 0 : i32
      %dma_wait3A_425 = tpu.memref_slice %arg14[%add3A_413, %dma_wait3A_424] : memref<10240x48xf32, #tpu.memory_space<vmem_shared>> -> memref<128x48xf32, #tpu.memory_space<vmem_shared>>
      tpu.wait_dma2 semaphore(%arg15 : memref<!tpu.dma_semaphore, #tpu.memory_space<semaphore_mem>>) src(%dma_wait3A_425 : memref<128x48xf32, #tpu.memory_space<vmem_shared>>) dst(%arg11 : memref<128x48xf32, #tpu.memory_space<vmem>>)
      %dma_wait3A_426 = arith.constant 0 : i32
      %dma_wait3A_427 = tpu.memref_slice %arg6[%add3A_413, %dma_wait3A_426] : memref<10240x48xf32, #tpu.memory_space<hbm>> -> memref<128x48xf32, #tpu.memory_space<hbm>>
      %dma_wait3A_428 = arith.constant 0 : i32
      %dma_wait3A_429 = tpu.memref_slice %arg6[%add3A_413, %dma_wait3A_428] : memref<10240x48xf32, #tpu.memory_space<hbm>> -> memref<128x48xf32, #tpu.memory_space<hbm>>
      tpu.wait_dma2 semaphore(%arg16 : memref<!tpu.dma_semaphore, #tpu.memory_space<semaphore_mem>>) src(%dma_wait3A_429 : memref<128x48xf32, #tpu.memory_space<hbm>>) dst(%arg12 : memref<128x48xf32, #tpu.memory_space<vmem>>)
      %scan3A_430 = arith.constant 0 : i32
      %scan3A_431 = arith.constant 128 : i32
      %scan3A_432 = arith.addi %scan3A_430, %scan3A_431 : i32
      %scan3A_433 = arith.constant 1 : i32
      scf.for %scan3A_435 = %scan3A_430 to %scan3A_432 step %scan3A_433  : i32 {
        %mul3A_436 = arith.constant 1 : i32
        %mul3A_437 = arith.muli %scan3A_435, %mul3A_436 : i32
        %add3A_438 = arith.constant 0 : i32
        %add3A_439 = arith.addi %add3A_438, %mul3A_437 : i32
        %mul3A_440 = arith.constant 128 : i32
        %mul3A_441 = arith.muli %add3A_410, %mul3A_440 : i32
        %add3A_442 = arith.addi %mul3A_441, %add3A_439 : i32
        %broadcast_in_dim3A = vector.broadcast %add3A_442 : i32 to vector<16xi32>
        %gather3A = tpu.vector_load_idx %arg10[%broadcast_in_dim3A] : memref<640xf32, #tpu.memory_space<vmem>>[vector<16xi32>], vector<16xf32>,
        %get3A = arith.index_cast %add3A_439 : i32 to index
        %get3A_443 = arith.constant 0 : index
        %get3A_444 = tpu.vector_load %arg11[%get3A, %get3A_443] {strides = array<i32>} : memref<128x48xf32, #tpu.memory_space<vmem>>, vector<16xf32>,
        %mul3A_445 = arith.mulf %gather3A, %get3A_444 : vector<16xf32>
        %get3A_446 = arith.index_cast %add3A_439 : i32 to index
        %get3A_447 = arith.constant 0 : index
        %get3A_448 = tpu.vector_load %arg12[%get3A_446, %get3A_447] {strides = array<i32>} : memref<128x48xf32, #tpu.memory_space<vmem>>, vector<16xf32>,
        %add3A_449 = arith.addf %mul3A_445, %get3A_448 : vector<16xf32>
        %swap3A = arith.index_cast %add3A_439 : i32 to index
        %swap3A_450 = arith.constant 0 : index
        %swap3A_451 = tpu.vector_load %arg11[%swap3A, %swap3A_450] {strides = array<i32>} : memref<128x48xf32, #tpu.memory_space<vmem>>, vector<16xf32>,
        tpu.vector_store %arg11[%swap3A, %swap3A_450], %add3A_449 {strides = array<i32>} : memref<128x48xf32, #tpu.memory_space<vmem>>, vector<16xf32>,
        %get3A_452 = arith.index_cast %add3A_439 : i32 to index
        %get3A_453 = arith.constant 16 : index
        %get3A_454 = tpu.vector_load %arg11[%get3A_452, %get3A_453] {strides = array<i32>} : memref<128x48xf32, #tpu.memory_space<vmem>>, vector<16xf32>,
        %mul3A_455 = arith.mulf %gather3A, %get3A_454 : vector<16xf32>
        %get3A_456 = arith.index_cast %add3A_439 : i32 to index
        %get3A_457 = arith.constant 16 : index
        %get3A_458 = tpu.vector_load %arg12[%get3A_456, %get3A_457] {strides = array<i32>} : memref<128x48xf32, #tpu.memory_space<vmem>>, vector<16xf32>,
        %add3A_459 = arith.addf %mul3A_455, %get3A_458 : vector<16xf32>
        %swap3A_460 = arith.index_cast %add3A_439 : i32 to index
        %swap3A_461 = arith.constant 16 : index
        %swap3A_462 = tpu.vector_load %arg11[%swap3A_460, %swap3A_461] {strides = array<i32>} : memref<128x48xf32, #tpu.memory_space<vmem>>, vector<16xf32>,
        tpu.vector_store %arg11[%swap3A_460, %swap3A_461], %add3A_459 {strides = array<i32>} : memref<128x48xf32, #tpu.memory_space<vmem>>, vector<16xf32>,
        %get3A_463 = arith.index_cast %add3A_439 : i32 to index
        %get3A_464 = arith.constant 32 : index
        %get3A_465 = tpu.vector_load %arg11[%get3A_463, %get3A_464] {strides = array<i32>} : memref<128x48xf32, #tpu.memory_space<vmem>>, vector<16xf32>,
        %mul3A_466 = arith.mulf %gather3A, %get3A_465 : vector<16xf32>
        %get3A_467 = arith.index_cast %add3A_439 : i32 to index
        %get3A_468 = arith.constant 32 : index
        %get3A_469 = tpu.vector_load %arg12[%get3A_467, %get3A_468] {strides = array<i32>} : memref<128x48xf32, #tpu.memory_space<vmem>>, vector<16xf32>,
        %add3A_470 = arith.addf %mul3A_466, %get3A_469 : vector<16xf32>
        %swap3A_471 = arith.index_cast %add3A_439 : i32 to index
        %swap3A_472 = arith.constant 32 : index
        %swap3A_473 = tpu.vector_load %arg11[%swap3A_471, %swap3A_472] {strides = array<i32>} : memref<128x48xf32, #tpu.memory_space<vmem>>, vector<16xf32>,
        tpu.vector_store %arg11[%swap3A_471, %swap3A_472], %add3A_470 {strides = array<i32>} : memref<128x48xf32, #tpu.memory_space<vmem>>, vector<16xf32>,
      }
      %scan3A_434 = arith.constant 128 : i32
      "tpu.region"() ({
        %run_scoped3A = tpu.sem_alloc : memref<!tpu.dma_semaphore, #tpu.memory_space<semaphore_mem>>
        %dma_start3A_435 = arith.constant 0 : i32
        %dma_start3A_436 = tpu.memref_slice %arg14[%add3A_413, %dma_start3A_435] : memref<10240x48xf32, #tpu.memory_space<vmem_shared>> -> memref<128x48xf32, #tpu.memory_space<vmem_shared>>
        %dma_start3A_437 = arith.constant 0 : i32
        %dma_start3A_438 = tpu.memref_slice %arg14[%add3A_413, %dma_start3A_437] : memref<10240x48xf32, #tpu.memory_space<vmem_shared>> -> memref<128x48xf32, #tpu.memory_space<vmem_shared>>
        tpu.enqueue_dma source(%arg11 : memref<128x48xf32, #tpu.memory_space<vmem>>) target(%dma_start3A_438 : memref<128x48xf32, #tpu.memory_space<vmem_shared>>) target_semaphore(%run_scoped3A : memref<!tpu.dma_semaphore, #tpu.memory_space<semaphore_mem>>)
        %dma_wait3A_439 = arith.constant 0 : i32
        %dma_wait3A_440 = tpu.memref_slice %arg14[%add3A_413, %dma_wait3A_439] : memref<10240x48xf32, #tpu.memory_space<vmem_shared>> -> memref<128x48xf32, #tpu.memory_space<vmem_shared>>
        %dma_wait3A_441 = arith.constant 0 : i32
        %dma_wait3A_442 = tpu.memref_slice %arg14[%add3A_413, %dma_wait3A_441] : memref<10240x48xf32, #tpu.memory_space<vmem_shared>> -> memref<128x48xf32, #tpu.memory_space<vmem_shared>>
        tpu.wait_dma2 semaphore(%run_scoped3A : memref<!tpu.dma_semaphore, #tpu.memory_space<semaphore_mem>>) src(%arg11 : memref<128x48xf32, #tpu.memory_space<vmem>>) dst(%dma_wait3A_442 : memref<128x48xf32, #tpu.memory_space<vmem_shared>>)
        tpu.yield
      }) : () -> ()
    }
    %scan3A_365 = arith.constant 5 : i32
    %scan3A_366 = arith.constant 0 : i32
    %scan3A_367 = arith.constant 128 : i32
    %scan3A_368 = arith.addi %scan3A_366, %scan3A_367 : i32
    %scan3A_369 = arith.constant 1 : i32
    scf.for %scan3A_407 = %scan3A_366 to %scan3A_368 step %scan3A_369  : i32 {
      %mul3A_408 = arith.constant 1 : i32
      %mul3A_409 = arith.muli %scan3A_407, %mul3A_408 : i32
      %add3A = arith.constant 0 : i32
      %add3A_410 = arith.addi %add3A, %mul3A_409 : i32
      %broadcast_in_dim3A = arith.constant 0.000000e+00 : f32
      %broadcast_in_dim3A_411 = vector.broadcast %broadcast_in_dim3A : f32 to vector<16xf32>
      %swap3A = arith.index_cast %add3A_410 : i32 to index
      %swap3A_412 = arith.constant 0 : index
      %swap3A_413 = tpu.vector_load %arg11[%swap3A, %swap3A_412] {strides = array<i32>} : memref<128x48xf32, #tpu.memory_space<vmem>>, vector<16xf32>,
      tpu.vector_store %arg11[%swap3A, %swap3A_412], %broadcast_in_dim3A_411 {strides = array<i32>} : memref<128x48xf32, #tpu.memory_space<vmem>>, vector<16xf32>,
      %broadcast_in_dim3A_414 = arith.constant 0.000000e+00 : f32
      %broadcast_in_dim3A_415 = vector.broadcast %broadcast_in_dim3A_414 : f32 to vector<16xf32>
      %swap3A_416 = arith.index_cast %add3A_410 : i32 to index
      %swap3A_417 = arith.constant 16 : index
      %swap3A_418 = tpu.vector_load %arg11[%swap3A_416, %swap3A_417] {strides = array<i32>} : memref<128x48xf32, #tpu.memory_space<vmem>>, vector<16xf32>,
      tpu.vector_store %arg11[%swap3A_416, %swap3A_417], %broadcast_in_dim3A_415 {strides = array<i32>} : memref<128x48xf32, #tpu.memory_space<vmem>>, vector<16xf32>,
      %broadcast_in_dim3A_419 = arith.constant 0.000000e+00 : f32
      %broadcast_in_dim3A_420 = vector.broadcast %broadcast_in_dim3A_419 : f32 to vector<16xf32>
      %swap3A_421 = arith.index_cast %add3A_410 : i32 to index
      %swap3A_422 = arith.constant 32 : index
      %swap3A_423 = tpu.vector_load %arg11[%swap3A_421, %swap3A_422] {strides = array<i32>} : memref<128x48xf32, #tpu.memory_space<vmem>>, vector<16xf32>,
      tpu.vector_store %arg11[%swap3A_421, %swap3A_422], %broadcast_in_dim3A_420 {strides = array<i32>} : memref<128x48xf32, #tpu.memory_space<vmem>>, vector<16xf32>,
    }
    %scan3A_370 = arith.constant 128 : i32
    %scan3A_371 = arith.constant 0 : i32
    %scan3A_372 = arith.constant 5 : i32
    %scan3A_373 = arith.addi %scan3A_371, %scan3A_372 : i32
    %scan3A_374 = arith.constant 1 : i32
    scf.for %scan3A_407 = %scan3A_371 to %scan3A_373 step %scan3A_374  : i32 {
      %mul3A_408 = arith.constant 1 : i32
      %mul3A_409 = arith.muli %scan3A_407, %mul3A_408 : i32
      %add3A = arith.constant 0 : i32
      %add3A_410 = arith.addi %add3A, %mul3A_409 : i32
      %mul3A_411 = arith.constant 128 : i32
      %mul3A_412 = arith.muli %add3A_410, %mul3A_411 : i32
      %add3A_413 = arith.addi %mul3A_0, %mul3A_412 : i32
      "tpu.region"() ({
        %run_scoped3A = tpu.sem_alloc : memref<!tpu.dma_semaphore, #tpu.memory_space<semaphore_mem>>
        %dma_start3A_414 = arith.constant 0 : i32
        %dma_start3A_415 = tpu.memref_slice %arg13[%add3A_413, %dma_start3A_414] : memref<10240x48xf32, #tpu.memory_space<vmem_shared>> -> memref<128x48xf32, #tpu.memory_space<vmem_shared>>
        %dma_start3A_416 = arith.constant 0 : i32
        %dma_start3A_417 = tpu.memref_slice %arg13[%add3A_413, %dma_start3A_416] : memref<10240x48xf32, #tpu.memory_space<vmem_shared>> -> memref<128x48xf32, #tpu.memory_space<vmem_shared>>
        tpu.enqueue_dma source(%arg11 : memref<128x48xf32, #tpu.memory_space<vmem>>) target(%dma_start3A_417 : memref<128x48xf32, #tpu.memory_space<vmem_shared>>) target_semaphore(%run_scoped3A : memref<!tpu.dma_semaphore, #tpu.memory_space<semaphore_mem>>)
        %dma_wait3A_418 = arith.constant 0 : i32
        %dma_wait3A_419 = tpu.memref_slice %arg13[%add3A_413, %dma_wait3A_418] : memref<10240x48xf32, #tpu.memory_space<vmem_shared>> -> memref<128x48xf32, #tpu.memory_space<vmem_shared>>
        %dma_wait3A_420 = arith.constant 0 : i32
        %dma_wait3A_421 = tpu.memref_slice %arg13[%add3A_413, %dma_wait3A_420] : memref<10240x48xf32, #tpu.memory_space<vmem_shared>> -> memref<128x48xf32, #tpu.memory_space<vmem_shared>>
        tpu.wait_dma2 semaphore(%run_scoped3A : memref<!tpu.dma_semaphore, #tpu.memory_space<semaphore_mem>>) src(%arg11 : memref<128x48xf32, #tpu.memory_space<vmem>>) dst(%dma_wait3A_421 : memref<128x48xf32, #tpu.memory_space<vmem_shared>>)
        tpu.yield
      }) : () -> ()
    }
    %scan3A_375 = arith.constant 5 : i32
    %barrier3A_376 = arith.constant 0 : index
    tpu.barrier barrier_id(%barrier3A_376)
    %dma_start3A_377 = arith.constant 0 : i32
    %dma_start3A_378 = arith.constant 0 : i32
    %dma_start3A_379 = tpu.memref_slice %arg8[%dma_start3A_377, %dma_start3A_378] : memref<168x128xi32, #tpu.memory_space<vmem>> -> memref<1x128xi32, #tpu.memory_space<vmem>>
    %dma_start3A_380 = tpu.memref_squeeze %dma_start3A_379 : memref<1x128xi32, #tpu.memory_space<vmem>> -> memref<128xi32, #tpu.memory_space<vmem>>
    %dma_start3A_381 = arith.constant 0 : i32
    %dma_start3A_382 = arith.constant 0 : i32
    %dma_start3A_383 = tpu.memref_slice %arg14[%dma_start3A_381, %dma_start3A_382] : memref<10240x48xf32, #tpu.memory_space<vmem_shared>> -> memref<10240x48xf32, #tpu.memory_space<vmem_shared>>
    tpu.enqueue_indirect_dma source(%dma_start3A_383 : memref<10240x48xf32, #tpu.memory_space<vmem_shared>>) target(%arg11 : memref<128x48xf32, #tpu.memory_space<vmem>>) offsets(%dma_start3A_380 : memref<128xi32, #tpu.memory_space<vmem>>) semaphore(%arg15 : memref<!tpu.dma_semaphore, #tpu.memory_space<semaphore_mem>>)
    %scan3A_384 = arith.constant 0 : i32
    %scan3A_385 = arith.constant 82 : i32
    %scan3A_386 = arith.addi %scan3A_384, %scan3A_385 : i32
    %scan3A_387 = arith.constant 1 : i32
    scf.for %scan3A_407 = %scan3A_384 to %scan3A_386 step %scan3A_387  : i32 {
      %mul3A_408 = arith.constant 1 : i32
      %mul3A_409 = arith.muli %scan3A_407, %mul3A_408 : i32
      %add3A = arith.constant 0 : i32
      %add3A_410 = arith.addi %add3A, %mul3A_409 : i32
      %mul3A_411 = arith.constant 2 : i32
      %mul3A_412 = arith.muli %mul3A_411, %add3A_410 : i32
      %dma_wait3A_413 = arith.constant 0 : i32
      %dma_wait3A_414 = arith.constant 0 : i32
      %dma_wait3A_415 = tpu.memref_slice %arg13[%dma_wait3A_413, %dma_wait3A_414] : memref<10240x48xf32, #tpu.memory_space<vmem_shared>> -> memref<128x48xf32, #tpu.memory_space<vmem_shared>>
      %dma_wait3A_416 = arith.constant 0 : i32
      %dma_wait3A_417 = arith.constant 0 : i32
      %dma_wait3A_418 = tpu.memref_slice %arg13[%dma_wait3A_416, %dma_wait3A_417] : memref<10240x48xf32, #tpu.memory_space<vmem_shared>> -> memref<128x48xf32, #tpu.memory_space<vmem_shared>>
      tpu.wait_dma2 semaphore(%arg15 : memref<!tpu.dma_semaphore, #tpu.memory_space<semaphore_mem>>) src(%dma_wait3A_418 : memref<128x48xf32, #tpu.memory_space<vmem_shared>>) dst(%arg11 : memref<128x48xf32, #tpu.memory_space<vmem>>)
      %dma_start3A_419 = arith.constant 0 : i32
      %dma_start3A_420 = tpu.memref_slice %arg9[%mul3A_412, %dma_start3A_419] : memref<164x128xi32, #tpu.memory_space<vmem>> -> memref<1x128xi32, #tpu.memory_space<vmem>>
      %dma_start3A_421 = tpu.memref_squeeze %dma_start3A_420 : memref<1x128xi32, #tpu.memory_space<vmem>> -> memref<128xi32, #tpu.memory_space<vmem>>
      %dma_start3A_422 = arith.constant 0 : i32
      %dma_start3A_423 = arith.constant 0 : i32
      %dma_start3A_424 = tpu.memref_slice %arg13[%dma_start3A_422, %dma_start3A_423] : memref<10240x48xf32, #tpu.memory_space<vmem_shared>> -> memref<10240x48xf32, #tpu.memory_space<vmem_shared>>
      tpu.enqueue_indirect_dma source(%arg11 : memref<128x48xf32, #tpu.memory_space<vmem>>) target(%dma_start3A_424 : memref<10240x48xf32, #tpu.memory_space<vmem_shared>>) offsets(%dma_start3A_421 : memref<128xi32, #tpu.memory_space<vmem>>) semaphore(%arg17 : memref<!tpu.dma_semaphore, #tpu.memory_space<semaphore_mem>>) {add = true}
      %gt3A = arith.constant 0 : i32
      %gt3A_425 = arith.cmpi sgt, %add3A_410, %gt3A : i32
      %convert_element_type3A = arith.extui %gt3A_425 : i1 to i32
      %cond3A = arith.constant 0 : i32
      %cond3A_426 = arith.cmpi ne, %convert_element_type3A, %cond3A : i32
      scf.if %cond3A_426 {
        %dma_wait3A_463 = arith.constant 0 : i32
        %dma_wait3A_464 = arith.constant 0 : i32
        %dma_wait3A_465 = tpu.memref_slice %arg13[%dma_wait3A_463, %dma_wait3A_464] : memref<10240x48xf32, #tpu.memory_space<vmem_shared>> -> memref<128x48xf32, #tpu.memory_space<vmem_shared>>
        %dma_wait3A_466 = arith.constant 0 : i32
        %dma_wait3A_467 = arith.constant 0 : i32
        %dma_wait3A_468 = tpu.memref_slice %arg13[%dma_wait3A_466, %dma_wait3A_467] : memref<10240x48xf32, #tpu.memory_space<vmem_shared>> -> memref<128x48xf32, #tpu.memory_space<vmem_shared>>
        tpu.wait_dma2 semaphore(%arg18 : memref<!tpu.dma_semaphore, #tpu.memory_space<semaphore_mem>>) src(%arg12 : memref<128x48xf32, #tpu.memory_space<vmem>>) dst(%dma_wait3A_468 : memref<128x48xf32, #tpu.memory_space<vmem_shared>>)
      } else {
      }
      %add3A_427 = arith.constant 1 : i32
      %add3A_428 = arith.addi %mul3A_412, %add3A_427 : i32
      %dma_start3A_429 = arith.constant 0 : i32
      %dma_start3A_430 = tpu.memref_slice %arg8[%add3A_428, %dma_start3A_429] : memref<168x128xi32, #tpu.memory_space<vmem>> -> memref<1x128xi32, #tpu.memory_space<vmem>>
      %dma_start3A_431 = tpu.memref_squeeze %dma_start3A_430 : memref<1x128xi32, #tpu.memory_space<vmem>> -> memref<128xi32, #tpu.memory_space<vmem>>
      %dma_start3A_432 = arith.constant 0 : i32
      %dma_start3A_433 = arith.constant 0 : i32
      %dma_start3A_434 = tpu.memref_slice %arg14[%dma_start3A_432, %dma_start3A_433] : memref<10240x48xf32, #tpu.memory_space<vmem_shared>> -> memref<10240x48xf32, #tpu.memory_space<vmem_shared>>
      tpu.enqueue_indirect_dma source(%dma_start3A_434 : memref<10240x48xf32, #tpu.memory_space<vmem_shared>>) target(%arg12 : memref<128x48xf32, #tpu.memory_space<vmem>>) offsets(%dma_start3A_431 : memref<128xi32, #tpu.memory_space<vmem>>) semaphore(%arg16 : memref<!tpu.dma_semaphore, #tpu.memory_space<semaphore_mem>>)
      %dma_wait3A_435 = arith.constant 0 : i32
      %dma_wait3A_436 = arith.constant 0 : i32
      %dma_wait3A_437 = tpu.memref_slice %arg13[%dma_wait3A_435, %dma_wait3A_436] : memref<10240x48xf32, #tpu.memory_space<vmem_shared>> -> memref<128x48xf32, #tpu.memory_space<vmem_shared>>
      %dma_wait3A_438 = arith.constant 0 : i32
      %dma_wait3A_439 = arith.constant 0 : i32
      %dma_wait3A_440 = tpu.memref_slice %arg13[%dma_wait3A_438, %dma_wait3A_439] : memref<10240x48xf32, #tpu.memory_space<vmem_shared>> -> memref<128x48xf32, #tpu.memory_space<vmem_shared>>
      tpu.wait_dma2 semaphore(%arg16 : memref<!tpu.dma_semaphore, #tpu.memory_space<semaphore_mem>>) src(%dma_wait3A_440 : memref<128x48xf32, #tpu.memory_space<vmem_shared>>) dst(%arg12 : memref<128x48xf32, #tpu.memory_space<vmem>>)
      %add3A_441 = arith.constant 1 : i32
      %add3A_442 = arith.addi %mul3A_412, %add3A_441 : i32
      %dma_start3A_443 = arith.constant 0 : i32
      %dma_start3A_444 = tpu.memref_slice %arg9[%add3A_442, %dma_start3A_443] : memref<164x128xi32, #tpu.memory_space<vmem>> -> memref<1x128xi32, #tpu.memory_space<vmem>>
      %dma_start3A_445 = tpu.memref_squeeze %dma_start3A_444 : memref<1x128xi32, #tpu.memory_space<vmem>> -> memref<128xi32, #tpu.memory_space<vmem>>
      %dma_start3A_446 = arith.constant 0 : i32
      %dma_start3A_447 = arith.constant 0 : i32
      %dma_start3A_448 = tpu.memref_slice %arg13[%dma_start3A_446, %dma_start3A_447] : memref<10240x48xf32, #tpu.memory_space<vmem_shared>> -> memref<10240x48xf32, #tpu.memory_space<vmem_shared>>
      tpu.enqueue_indirect_dma source(%arg12 : memref<128x48xf32, #tpu.memory_space<vmem>>) target(%dma_start3A_448 : memref<10240x48xf32, #tpu.memory_space<vmem_shared>>) offsets(%dma_start3A_445 : memref<128xi32, #tpu.memory_space<vmem>>) semaphore(%arg18 : memref<!tpu.dma_semaphore, #tpu.memory_space<semaphore_mem>>) {add = true}
      %dma_wait3A_449 = arith.constant 0 : i32
      %dma_wait3A_450 = arith.constant 0 : i32
      %dma_wait3A_451 = tpu.memref_slice %arg13[%dma_wait3A_449, %dma_wait3A_450] : memref<10240x48xf32, #tpu.memory_space<vmem_shared>> -> memref<128x48xf32, #tpu.memory_space<vmem_shared>>
      %dma_wait3A_452 = arith.constant 0 : i32
      %dma_wait3A_453 = arith.constant 0 : i32
      %dma_wait3A_454 = tpu.memref_slice %arg13[%dma_wait3A_452, %dma_wait3A_453] : memref<10240x48xf32, #tpu.memory_space<vmem_shared>> -> memref<128x48xf32, #tpu.memory_space<vmem_shared>>
      tpu.wait_dma2 semaphore(%arg17 : memref<!tpu.dma_semaphore, #tpu.memory_space<semaphore_mem>>) src(%arg11 : memref<128x48xf32, #tpu.memory_space<vmem>>) dst(%dma_wait3A_454 : memref<128x48xf32, #tpu.memory_space<vmem_shared>>)
      %add3A_455 = arith.constant 2 : i32
      %add3A_456 = arith.addi %mul3A_412, %add3A_455 : i32
      %dma_start3A_457 = arith.constant 0 : i32
      %dma_start3A_458 = tpu.memref_slice %arg8[%add3A_456, %dma_start3A_457] : memref<168x128xi32, #tpu.memory_space<vmem>> -> memref<1x128xi32, #tpu.memory_space<vmem>>
      %dma_start3A_459 = tpu.memref_squeeze %dma_start3A_458 : memref<1x128xi32, #tpu.memory_space<vmem>> -> memref<128xi32, #tpu.memory_space<vmem>>
      %dma_start3A_460 = arith.constant 0 : i32
      %dma_start3A_461 = arith.constant 0 : i32
      %dma_start3A_462 = tpu.memref_slice %arg14[%dma_start3A_460, %dma_start3A_461] : memref<10240x48xf32, #tpu.memory_space<vmem_shared>> -> memref<10240x48xf32, #tpu.memory_space<vmem_shared>>
      tpu.enqueue_indirect_dma source(%dma_start3A_462 : memref<10240x48xf32, #tpu.memory_space<vmem_shared>>) target(%arg11 : memref<128x48xf32, #tpu.memory_space<vmem>>) offsets(%dma_start3A_459 : memref<128xi32, #tpu.memory_space<vmem>>) semaphore(%arg15 : memref<!tpu.dma_semaphore, #tpu.memory_space<semaphore_mem>>)
    }
    %scan3A_388 = arith.constant 82 : i32
    %dma_wait3A_389 = arith.constant 0 : i32
    %dma_wait3A_390 = arith.constant 0 : i32
    %dma_wait3A_391 = tpu.memref_slice %arg13[%dma_wait3A_389, %dma_wait3A_390] : memref<10240x48xf32, #tpu.memory_space<vmem_shared>> -> memref<128x48xf32, #tpu.memory_space<vmem_shared>>
    %dma_wait3A_392 = arith.constant 0 : i32
    %dma_wait3A_393 = arith.constant 0 : i32
    %dma_wait3A_394 = tpu.memref_slice %arg13[%dma_wait3A_392, %dma_wait3A_393] : memref<10240x48xf32, #tpu.memory_space<vmem_shared>> -> memref<128x48xf32, #tpu.memory_space<vmem_shared>>
    tpu.wait_dma2 semaphore(%arg15 : memref<!tpu.dma_semaphore, #tpu.memory_space<semaphore_mem>>) src(%dma_wait3A_394 : memref<128x48xf32, #tpu.memory_space<vmem_shared>>) dst(%arg11 : memref<128x48xf32, #tpu.memory_space<vmem>>)
    %dma_wait3A_395 = arith.constant 0 : i32
    %dma_wait3A_396 = arith.constant 0 : i32
    %dma_wait3A_397 = tpu.memref_slice %arg13[%dma_wait3A_395, %dma_wait3A_396] : memref<10240x48xf32, #tpu.memory_space<vmem_shared>> -> memref<128x48xf32, #tpu.memory_space<vmem_shared>>
    %dma_wait3A_398 = arith.constant 0 : i32
    %dma_wait3A_399 = arith.constant 0 : i32
    %dma_wait3A_400 = tpu.memref_slice %arg13[%dma_wait3A_398, %dma_wait3A_399] : memref<10240x48xf32, #tpu.memory_space<vmem_shared>> -> memref<128x48xf32, #tpu.memory_space<vmem_shared>>
    tpu.wait_dma2 semaphore(%arg18 : memref<!tpu.dma_semaphore, #tpu.memory_space<semaphore_mem>>) src(%arg12 : memref<128x48xf32, #tpu.memory_space<vmem>>) dst(%dma_wait3A_400 : memref<128x48xf32, #tpu.memory_space<vmem_shared>>)
    %barrier3A_401 = arith.constant 0 : index
    tpu.barrier barrier_id(%barrier3A_401)
    %scan3A_402 = arith.constant 0 : i32
    %scan3A_403 = arith.constant 5 : i32
    %scan3A_404 = arith.addi %scan3A_402, %scan3A_403 : i32
    %scan3A_405 = arith.constant 1 : i32
    scf.for %scan3A_407 = %scan3A_402 to %scan3A_404 step %scan3A_405  : i32 {
      %mul3A_408 = arith.constant 1 : i32
      %mul3A_409 = arith.muli %scan3A_407, %mul3A_408 : i32
      %add3A = arith.constant 0 : i32
      %add3A_410 = arith.addi %add3A, %mul3A_409 : i32
      %mul3A_411 = arith.constant 128 : i32
      %mul3A_412 = arith.muli %add3A_410, %mul3A_411 : i32
      %add3A_413 = arith.addi %mul3A_0, %mul3A_412 : i32
      %dma_start3A_414 = arith.constant 0 : i32
      %dma_start3A_415 = tpu.memref_slice %arg13[%add3A_413, %dma_start3A_414] : memref<10240x48xf32, #tpu.memory_space<vmem_shared>> -> memref<128x48xf32, #tpu.memory_space<vmem_shared>>
      %dma_start3A_416 = arith.constant 0 : i32
      %dma_start3A_417 = tpu.memref_slice %arg13[%add3A_413, %dma_start3A_416] : memref<10240x48xf32, #tpu.memory_space<vmem_shared>> -> memref<128x48xf32, #tpu.memory_space<vmem_shared>>
      tpu.enqueue_dma source(%dma_start3A_417 : memref<128x48xf32, #tpu.memory_space<vmem_shared>>) target(%arg11 : memref<128x48xf32, #tpu.memory_space<vmem>>) target_semaphore(%arg15 : memref<!tpu.dma_semaphore, #tpu.memory_space<semaphore_mem>>)
      %dma_start3A_418 = arith.constant 0 : i32
      %dma_start3A_419 = tpu.memref_slice %arg6[%add3A_413, %dma_start3A_418] : memref<10240x48xf32, #tpu.memory_space<hbm>> -> memref<128x48xf32, #tpu.memory_space<hbm>>
      %dma_start3A_420 = arith.constant 0 : i32
      %dma_start3A_421 = tpu.memref_slice %arg6[%add3A_413, %dma_start3A_420] : memref<10240x48xf32, #tpu.memory_space<hbm>> -> memref<128x48xf32, #tpu.memory_space<hbm>>
      tpu.enqueue_dma source(%dma_start3A_421 : memref<128x48xf32, #tpu.memory_space<hbm>>) target(%arg12 : memref<128x48xf32, #tpu.memory_space<vmem>>) target_semaphore(%arg16 : memref<!tpu.dma_semaphore, #tpu.memory_space<semaphore_mem>>)
      %dma_wait3A_422 = arith.constant 0 : i32
      %dma_wait3A_423 = tpu.memref_slice %arg13[%add3A_413, %dma_wait3A_422] : memref<10240x48xf32, #tpu.memory_space<vmem_shared>> -> memref<128x48xf32, #tpu.memory_space<vmem_shared>>
      %dma_wait3A_424 = arith.constant 0 : i32
      %dma_wait3A_425 = tpu.memref_slice %arg13[%add3A_413, %dma_wait3A_424] : memref<10240x48xf32, #tpu.memory_space<vmem_shared>> -> memref<128x48xf32, #tpu.memory_space<vmem_shared>>
      tpu.wait_dma2 semaphore(%arg15 : memref<!tpu.dma_semaphore, #tpu.memory_space<semaphore_mem>>) src(%dma_wait3A_425 : memref<128x48xf32, #tpu.memory_space<vmem_shared>>) dst(%arg11 : memref<128x48xf32, #tpu.memory_space<vmem>>)
      %dma_wait3A_426 = arith.constant 0 : i32
      %dma_wait3A_427 = tpu.memref_slice %arg6[%add3A_413, %dma_wait3A_426] : memref<10240x48xf32, #tpu.memory_space<hbm>> -> memref<128x48xf32, #tpu.memory_space<hbm>>
      %dma_wait3A_428 = arith.constant 0 : i32
      %dma_wait3A_429 = tpu.memref_slice %arg6[%add3A_413, %dma_wait3A_428] : memref<10240x48xf32, #tpu.memory_space<hbm>> -> memref<128x48xf32, #tpu.memory_space<hbm>>
      tpu.wait_dma2 semaphore(%arg16 : memref<!tpu.dma_semaphore, #tpu.memory_space<semaphore_mem>>) src(%dma_wait3A_429 : memref<128x48xf32, #tpu.memory_space<hbm>>) dst(%arg12 : memref<128x48xf32, #tpu.memory_space<vmem>>)
      %scan3A_430 = arith.constant 0 : i32
      %scan3A_431 = arith.constant 128 : i32
      %scan3A_432 = arith.addi %scan3A_430, %scan3A_431 : i32
      %scan3A_433 = arith.constant 1 : i32
      scf.for %scan3A_435 = %scan3A_430 to %scan3A_432 step %scan3A_433  : i32 {
        %mul3A_436 = arith.constant 1 : i32
        %mul3A_437 = arith.muli %scan3A_435, %mul3A_436 : i32
        %add3A_438 = arith.constant 0 : i32
        %add3A_439 = arith.addi %add3A_438, %mul3A_437 : i32
        %mul3A_440 = arith.constant 128 : i32
        %mul3A_441 = arith.muli %add3A_410, %mul3A_440 : i32
        %add3A_442 = arith.addi %mul3A_441, %add3A_439 : i32
        %broadcast_in_dim3A = vector.broadcast %add3A_442 : i32 to vector<16xi32>
        %gather3A = tpu.vector_load_idx %arg10[%broadcast_in_dim3A] : memref<640xf32, #tpu.memory_space<vmem>>[vector<16xi32>], vector<16xf32>,
        %get3A = arith.index_cast %add3A_439 : i32 to index
        %get3A_443 = arith.constant 0 : index
        %get3A_444 = tpu.vector_load %arg11[%get3A, %get3A_443] {strides = array<i32>} : memref<128x48xf32, #tpu.memory_space<vmem>>, vector<16xf32>,
        %mul3A_445 = arith.mulf %gather3A, %get3A_444 : vector<16xf32>
        %get3A_446 = arith.index_cast %add3A_439 : i32 to index
        %get3A_447 = arith.constant 0 : index
        %get3A_448 = tpu.vector_load %arg12[%get3A_446, %get3A_447] {strides = array<i32>} : memref<128x48xf32, #tpu.memory_space<vmem>>, vector<16xf32>,
        %add3A_449 = arith.addf %mul3A_445, %get3A_448 : vector<16xf32>
        %swap3A = arith.index_cast %add3A_439 : i32 to index
        %swap3A_450 = arith.constant 0 : index
        %swap3A_451 = tpu.vector_load %arg11[%swap3A, %swap3A_450] {strides = array<i32>} : memref<128x48xf32, #tpu.memory_space<vmem>>, vector<16xf32>,
        tpu.vector_store %arg11[%swap3A, %swap3A_450], %add3A_449 {strides = array<i32>} : memref<128x48xf32, #tpu.memory_space<vmem>>, vector<16xf32>,
        %get3A_452 = arith.index_cast %add3A_439 : i32 to index
        %get3A_453 = arith.constant 16 : index
        %get3A_454 = tpu.vector_load %arg11[%get3A_452, %get3A_453] {strides = array<i32>} : memref<128x48xf32, #tpu.memory_space<vmem>>, vector<16xf32>,
        %mul3A_455 = arith.mulf %gather3A, %get3A_454 : vector<16xf32>
        %get3A_456 = arith.index_cast %add3A_439 : i32 to index
        %get3A_457 = arith.constant 16 : index
        %get3A_458 = tpu.vector_load %arg12[%get3A_456, %get3A_457] {strides = array<i32>} : memref<128x48xf32, #tpu.memory_space<vmem>>, vector<16xf32>,
        %add3A_459 = arith.addf %mul3A_455, %get3A_458 : vector<16xf32>
        %swap3A_460 = arith.index_cast %add3A_439 : i32 to index
        %swap3A_461 = arith.constant 16 : index
        %swap3A_462 = tpu.vector_load %arg11[%swap3A_460, %swap3A_461] {strides = array<i32>} : memref<128x48xf32, #tpu.memory_space<vmem>>, vector<16xf32>,
        tpu.vector_store %arg11[%swap3A_460, %swap3A_461], %add3A_459 {strides = array<i32>} : memref<128x48xf32, #tpu.memory_space<vmem>>, vector<16xf32>,
        %get3A_463 = arith.index_cast %add3A_439 : i32 to index
        %get3A_464 = arith.constant 32 : index
        %get3A_465 = tpu.vector_load %arg11[%get3A_463, %get3A_464] {strides = array<i32>} : memref<128x48xf32, #tpu.memory_space<vmem>>, vector<16xf32>,
        %mul3A_466 = arith.mulf %gather3A, %get3A_465 : vector<16xf32>
        %get3A_467 = arith.index_cast %add3A_439 : i32 to index
        %get3A_468 = arith.constant 32 : index
        %get3A_469 = tpu.vector_load %arg12[%get3A_467, %get3A_468] {strides = array<i32>} : memref<128x48xf32, #tpu.memory_space<vmem>>, vector<16xf32>,
        %add3A_470 = arith.addf %mul3A_466, %get3A_469 : vector<16xf32>
        %swap3A_471 = arith.index_cast %add3A_439 : i32 to index
        %swap3A_472 = arith.constant 32 : index
        %swap3A_473 = tpu.vector_load %arg11[%swap3A_471, %swap3A_472] {strides = array<i32>} : memref<128x48xf32, #tpu.memory_space<vmem>>, vector<16xf32>,
        tpu.vector_store %arg11[%swap3A_471, %swap3A_472], %add3A_470 {strides = array<i32>} : memref<128x48xf32, #tpu.memory_space<vmem>>, vector<16xf32>,
      }
      %scan3A_434 = arith.constant 128 : i32
      "tpu.region"() ({
        %run_scoped3A = tpu.sem_alloc : memref<!tpu.dma_semaphore, #tpu.memory_space<semaphore_mem>>
        %dma_start3A_435 = arith.constant 0 : i32
        %dma_start3A_436 = tpu.memref_slice %arg13[%add3A_413, %dma_start3A_435] : memref<10240x48xf32, #tpu.memory_space<vmem_shared>> -> memref<128x48xf32, #tpu.memory_space<vmem_shared>>
        %dma_start3A_437 = arith.constant 0 : i32
        %dma_start3A_438 = tpu.memref_slice %arg13[%add3A_413, %dma_start3A_437] : memref<10240x48xf32, #tpu.memory_space<vmem_shared>> -> memref<128x48xf32, #tpu.memory_space<vmem_shared>>
        tpu.enqueue_dma source(%arg11 : memref<128x48xf32, #tpu.memory_space<vmem>>) target(%dma_start3A_438 : memref<128x48xf32, #tpu.memory_space<vmem_shared>>) target_semaphore(%run_scoped3A : memref<!tpu.dma_semaphore, #tpu.memory_space<semaphore_mem>>)
        %dma_wait3A_439 = arith.constant 0 : i32
        %dma_wait3A_440 = tpu.memref_slice %arg13[%add3A_413, %dma_wait3A_439] : memref<10240x48xf32, #tpu.memory_space<vmem_shared>> -> memref<128x48xf32, #tpu.memory_space<vmem_shared>>
        %dma_wait3A_441 = arith.constant 0 : i32
        %dma_wait3A_442 = tpu.memref_slice %arg13[%add3A_413, %dma_wait3A_441] : memref<10240x48xf32, #tpu.memory_space<vmem_shared>> -> memref<128x48xf32, #tpu.memory_space<vmem_shared>>
        tpu.wait_dma2 semaphore(%run_scoped3A : memref<!tpu.dma_semaphore, #tpu.memory_space<semaphore_mem>>) src(%arg11 : memref<128x48xf32, #tpu.memory_space<vmem>>) dst(%dma_wait3A_442 : memref<128x48xf32, #tpu.memory_space<vmem_shared>>)
        tpu.yield
      }) : () -> ()
    }
    %scan3A_406 = arith.constant 5 : i32
    "tpu.region"() ({
      %run_scoped3A = tpu.sem_alloc : memref<!tpu.dma_semaphore, #tpu.memory_space<semaphore_mem>>
      %dma_start3A_407 = arith.constant 0 : i32
      %dma_start3A_408 = tpu.memref_slice %arg7[%mul3A_0, %dma_start3A_407] : memref<10240x48xf32, #tpu.memory_space<hbm>> -> memref<640x48xf32, #tpu.memory_space<hbm>>
      %dma_start3A_409 = arith.constant 0 : i32
      %dma_start3A_410 = tpu.memref_slice %arg13[%mul3A_0, %dma_start3A_409] : memref<10240x48xf32, #tpu.memory_space<vmem_shared>> -> memref<640x48xf32, #tpu.memory_space<vmem_shared>>
      tpu.enqueue_dma source(%dma_start3A_410 : memref<640x48xf32, #tpu.memory_space<vmem_shared>>) target(%dma_start3A_408 : memref<640x48xf32, #tpu.memory_space<hbm>>) target_semaphore(%run_scoped3A : memref<!tpu.dma_semaphore, #tpu.memory_space<semaphore_mem>>)
      %dma_wait3A_411 = arith.constant 0 : i32
      %dma_wait3A_412 = tpu.memref_slice %arg7[%mul3A_0, %dma_wait3A_411] : memref<10240x48xf32, #tpu.memory_space<hbm>> -> memref<640x48xf32, #tpu.memory_space<hbm>>
      %dma_wait3A_413 = arith.constant 0 : i32
      %dma_wait3A_414 = tpu.memref_slice %arg13[%mul3A_0, %dma_wait3A_413] : memref<10240x48xf32, #tpu.memory_space<vmem_shared>> -> memref<640x48xf32, #tpu.memory_space<vmem_shared>>
      tpu.wait_dma2 semaphore(%run_scoped3A : memref<!tpu.dma_semaphore, #tpu.memory_space<semaphore_mem>>) src(%dma_wait3A_414 : memref<640x48xf32, #tpu.memory_space<vmem_shared>>) dst(%dma_wait3A_412 : memref<640x48xf32, #tpu.memory_space<hbm>>)
      tpu.yield
    }) : () -> ()
    return
  }
}

module attributes {stable_mosaic.version = 14 : i64} {
  func.func @_mlp_body(%arg0: i32, %arg1: memref<1024x128xf32, #tpu.memory_space<vmem>>, %arg2: memref<128x64xf32, #tpu.memory_space<vmem>>, %arg3: memref<1x64xf32, #tpu.memory_space<vmem>>, %arg4: memref<64x40xf32, #tpu.memory_space<vmem>>, %arg5: memref<1x40xf32, #tpu.memory_space<vmem>>, %arg6: memref<1024x16xf32, #tpu.memory_space<vmem>>, %arg7: memref<1024x48xf32, #tpu.memory_space<vmem>>, %arg8: memref<1024x1xf32, #tpu.memory_space<vmem>>, %arg9: memref<1024x48xf32, #tpu.memory_space<vmem>>) attributes {dimension_semantics = [#tpu.dimension_semantics<arbitrary>], iteration_bounds = array<i64: 10>, scalar_prefetch = 0 : i64, scratch_operands = 0 : i64, tpu.core_type = #tpu.core_type<tc>, window_params = [{transform_indices = @transform_0, window_bounds = array<i64: 1024, 128>}, {pipeline_mode = #tpu.pipeline_mode<synchronous>, transform_indices = @transform_1, window_bounds = array<i64: 128, 64>}, {pipeline_mode = #tpu.pipeline_mode<synchronous>, transform_indices = @transform_2, window_bounds = array<i64: 1, 64>}, {pipeline_mode = #tpu.pipeline_mode<synchronous>, transform_indices = @transform_3, window_bounds = array<i64: 64, 40>}, {pipeline_mode = #tpu.pipeline_mode<synchronous>, transform_indices = @transform_4, window_bounds = array<i64: 1, 40>}, {transform_indices = @transform_5, window_bounds = array<i64: 1024, 16>}, {transform_indices = @transform_6, window_bounds = array<i64: 1024, 48>}, {transform_indices = @transform_7, window_bounds = array<i64: 1024, 1>}, {transform_indices = @transform_8, window_bounds = array<i64: 1024, 48>}]} {
    %get3A = arith.constant 0 : index
    %get3A_0 = arith.constant 0 : index
    %get3A_1 = vector.load %arg1[%get3A, %get3A_0] : memref<1024x128xf32, #tpu.memory_space<vmem>>, vector<1024x128xf32>
    %get3A_2 = arith.constant 0 : index
    %get3A_3 = arith.constant 0 : index
    %get3A_4 = vector.load %arg2[%get3A_2, %get3A_3] : memref<128x64xf32, #tpu.memory_space<vmem>>, vector<128x64xf32>
    %dot_general3A = arith.constant dense<0.000000e+00> : vector<1024x64xf32>
    %dot_general3A_5 = tpu.matmul %get3A_1, %get3A_4, %dot_general3A {dimension_numbers = #tpu.dot_dimension_numbers<[1], [0], [0], [1], [0, 0, 1, 1], [], []>, transpose_lhs_hint = false} : vector<1024x128xf32>, vector<128x64xf32>, vector<1024x64xf32> -> vector<1024x64xf32>
    %get3A_6 = arith.constant 0 : index
    %get3A_7 = arith.constant 0 : index
    %get3A_8 = vector.load %arg3[%get3A_6, %get3A_7] : memref<1x64xf32, #tpu.memory_space<vmem>>, vector<1x64xf32>
    %add3A = vector.broadcast %get3A_8 : vector<1x64xf32> to vector<1024x64xf32>
    %add3A_9 = arith.addf %dot_general3A_5, %add3A : vector<1024x64xf32>
    %max3A = arith.constant 0.000000e+00 : f32
    %max3A_10 = vector.broadcast %max3A : f32 to vector<1024x64xf32>
    %max3A_11 = arith.maximumf %add3A_9, %max3A_10 : vector<1024x64xf32>
    %get3A_12 = arith.constant 0 : index
    %get3A_13 = arith.constant 0 : index
    %get3A_14 = vector.load %arg4[%get3A_12, %get3A_13] : memref<64x40xf32, #tpu.memory_space<vmem>>, vector<64x40xf32>
    %dot_general3A_15 = arith.constant dense<0.000000e+00> : vector<1024x40xf32>
    %dot_general3A_16 = tpu.matmul %max3A_11, %get3A_14, %dot_general3A_15 {dimension_numbers = #tpu.dot_dimension_numbers<[1], [0], [0], [1], [0, 0, 1, 1], [], []>, transpose_lhs_hint = false} : vector<1024x64xf32>, vector<64x40xf32>, vector<1024x40xf32> -> vector<1024x40xf32>
    %get3A_17 = arith.constant 0 : index
    %get3A_18 = arith.constant 0 : index
    %get3A_19 = vector.load %arg5[%get3A_17, %get3A_18] : memref<1x40xf32, #tpu.memory_space<vmem>>, vector<1x40xf32>
    %add3A_20 = vector.broadcast %get3A_19 : vector<1x40xf32> to vector<1024x40xf32>
    %add3A_21 = arith.addf %dot_general3A_16, %add3A_20 : vector<1024x40xf32>
    %broadcast_in_dim3A = arith.constant 0.000000e+00 : f32
    %broadcast_in_dim3A_22 = vector.broadcast %broadcast_in_dim3A : f32 to vector<1024x8xf32>
    %concatenate3A = tpu.concatenate %add3A_21, %broadcast_in_dim3A_22 in 1 : vector<1024x40xf32>, vector<1024x8xf32> -> vector<1024x48xf32>
    %mul3A = arith.constant 1024 : i32
    %mul3A_23 = arith.muli %arg0, %mul3A : i32
    %iota3A = tpu.iota {dimensions = array<i32: 0>} : vector<1024x1xi32>
    %add3A_24 = vector.broadcast %mul3A_23 : i32 to vector<1024x1xi32>
    %add3A_25 = arith.addi %add3A_24, %iota3A : vector<1024x1xi32>
    %get3A_26 = arith.constant 0 : index
    %get3A_27 = arith.constant 0 : index
    %get3A_28 = vector.load %arg6[%get3A_26, %get3A_27] : memref<1024x16xf32, #tpu.memory_space<vmem>>, vector<1024x1xf32>
    %add3A_29 = arith.constant 1.000000e+00 : f32
    %add3A_30 = vector.broadcast %add3A_29 : f32 to vector<1024x1xf32>
    %add3A_31 = arith.addf %get3A_28, %add3A_30 : vector<1024x1xf32>
    %lt3A = arith.constant 10000 : i32
    %lt3A_32 = vector.broadcast %lt3A : i32 to vector<1024x1xi32>
    %lt3A_33 = arith.cmpi slt, %add3A_25, %lt3A_32 : vector<1024x1xi32>
    %rsqrt3A = math.rsqrt %add3A_31 : vector<1024x1xf32>
    %jit3A = arith.constant 0.000000e+00 : f32
    %broadcast_in_dim3A_34 = vector.broadcast %jit3A : f32 to vector<1024x1xf32>
    %select_n3A = arith.select %lt3A_33, %rsqrt3A, %broadcast_in_dim3A_34 : vector<1024x1xi1>, vector<1024x1xf32>
    %mul3A_35 = vector.broadcast %select_n3A : vector<1024x1xf32> to vector<1024x48xf32>
    %mul3A_36 = arith.mulf %mul3A_35, %concatenate3A : vector<1024x48xf32>
    %swap3A = arith.constant 0 : index
    %swap3A_37 = arith.constant 0 : index
    %swap3A_38 = vector.load %arg7[%swap3A, %swap3A_37] : memref<1024x48xf32, #tpu.memory_space<vmem>>, vector<1024x48xf32>
    tpu.vector_store %arg7[%swap3A, %swap3A_37], %mul3A_36 {strides = array<i32>} : memref<1024x48xf32, #tpu.memory_space<vmem>>, vector<1024x48xf32>,
    %mul3A_39 = arith.constant 0.899999976 : f32
    %mul3A_40 = vector.broadcast %mul3A_39 : f32 to vector<1024x1xf32>
    %mul3A_41 = arith.mulf %mul3A_40, %select_n3A : vector<1024x1xf32>
    %mul3A_42 = arith.mulf %mul3A_41, %select_n3A : vector<1024x1xf32>
    %swap3A_43 = arith.constant 0 : index
    %swap3A_44 = arith.constant 0 : index
    %swap3A_45 = vector.load %arg8[%swap3A_43, %swap3A_44] : memref<1024x1xf32, #tpu.memory_space<vmem>>, vector<1024x1xf32>
    tpu.vector_store %arg8[%swap3A_43, %swap3A_44], %mul3A_42 {strides = array<i32>} : memref<1024x1xf32, #tpu.memory_space<vmem>>, vector<1024x1xf32>,
    %mul3A_46 = arith.constant 1.000000e-01 : f32
    %mul3A_47 = vector.broadcast %mul3A_46 : f32 to vector<1024x48xf32>
    %mul3A_48 = arith.mulf %mul3A_47, %mul3A_36 : vector<1024x48xf32>
    %swap3A_49 = arith.constant 0 : index
    %swap3A_50 = arith.constant 0 : index
    %swap3A_51 = vector.load %arg9[%swap3A_49, %swap3A_50] : memref<1024x48xf32, #tpu.memory_space<vmem>>, vector<1024x48xf32>
    tpu.vector_store %arg9[%swap3A_49, %swap3A_50], %mul3A_48 {strides = array<i32>} : memref<1024x48xf32, #tpu.memory_space<vmem>>, vector<1024x48xf32>,
    return
  }
  func.func @transform_0(%arg0: i32) -> (i32, i32) {
    %c0_i32 = arith.constant 0 : i32
    %c0_i32_0 = arith.constant 0 : i32
    return %arg0, %c0_i32 : i32, i32
  }
  func.func @transform_1(%arg0: i32) -> (i32, i32) {
    %c0_i32 = arith.constant 0 : i32
    %c0_i32_0 = arith.constant 0 : i32
    %c0_i32_1 = arith.constant 0 : i32
    return %c0_i32, %c0_i32_0 : i32, i32
  }
  func.func @transform_2(%arg0: i32) -> (i32, i32) {
    %c0_i32 = arith.constant 0 : i32
    %c0_i32_0 = arith.constant 0 : i32
    %c0_i32_1 = arith.constant 0 : i32
    return %c0_i32, %c0_i32_0 : i32, i32
  }
  func.func @transform_3(%arg0: i32) -> (i32, i32) {
    %c0_i32 = arith.constant 0 : i32
    %c0_i32_0 = arith.constant 0 : i32
    %c0_i32_1 = arith.constant 0 : i32
    return %c0_i32, %c0_i32_0 : i32, i32
  }
  func.func @transform_4(%arg0: i32) -> (i32, i32) {
    %c0_i32 = arith.constant 0 : i32
    %c0_i32_0 = arith.constant 0 : i32
    %c0_i32_1 = arith.constant 0 : i32
    return %c0_i32, %c0_i32_0 : i32, i32
  }
  func.func @transform_5(%arg0: i32) -> (i32, i32) {
    %c0_i32 = arith.constant 0 : i32
    %c0_i32_0 = arith.constant 0 : i32
    return %arg0, %c0_i32 : i32, i32
  }
  func.func @transform_6(%arg0: i32) -> (i32, i32) {
    %c0_i32 = arith.constant 0 : i32
    %c0_i32_0 = arith.constant 0 : i32
    return %arg0, %c0_i32 : i32, i32
  }
  func.func @transform_7(%arg0: i32) -> (i32, i32) {
    %c0_i32 = arith.constant 0 : i32
    %c0_i32_0 = arith.constant 0 : i32
    return %arg0, %c0_i32 : i32, i32
  }
  func.func @transform_8(%arg0: i32) -> (i32, i32) {
    %c0_i32 = arith.constant 0 : i32
    %c0_i32_0 = arith.constant 0 : i32
    return %arg0, %c0_i32 : i32, i32
  }
}

module attributes {stable_mosaic.version = 14 : i64} {
  func.func @_lsm_body(%arg0: i32, %arg1: memref<1024x48xf32, #tpu.memory_space<vmem>>, %arg2: memref<1024x16xf32, #tpu.memory_space<vmem>>, %arg3: memref<1024x40xf32, #tpu.memory_space<vmem>>) attributes {dimension_semantics = [#tpu.dimension_semantics<arbitrary>], iteration_bounds = array<i64: 10>, scalar_prefetch = 0 : i64, scratch_operands = 0 : i64, tpu.core_type = #tpu.core_type<tc>, window_params = [{transform_indices = @transform_0, window_bounds = array<i64: 1024, 48>}, {transform_indices = @transform_1, window_bounds = array<i64: 1024, 16>}, {transform_indices = @transform_2, window_bounds = array<i64: 1024, 40>}]} {
    %get3A = arith.constant 0 : index
    %get3A_0 = arith.constant 0 : index
    %get3A_1 = vector.load %arg2[%get3A, %get3A_0] : memref<1024x16xf32, #tpu.memory_space<vmem>>, vector<1024x1xf32>
    %add3A = arith.constant 1.000000e+00 : f32
    %add3A_2 = vector.broadcast %add3A : f32 to vector<1024x1xf32>
    %add3A_3 = arith.addf %get3A_1, %add3A_2 : vector<1024x1xf32>
    %sqrt3A = math.sqrt %add3A_3 : vector<1024x1xf32>
    %get3A_4 = arith.constant 0 : index
    %get3A_5 = arith.constant 0 : index
    %get3A_6 = vector.load %arg1[%get3A_4, %get3A_5] : memref<1024x48xf32, #tpu.memory_space<vmem>>, vector<1024x40xf32>
    %mul3A = vector.broadcast %sqrt3A : vector<1024x1xf32> to vector<1024x40xf32>
    %mul3A_7 = arith.mulf %get3A_6, %mul3A : vector<1024x40xf32>
    %reduce_max3A = arith.constant dense<0xFF800000> : vector<1024xf32>
    %reduce_max3A_8 = vector.multi_reduction <maximumf>, %mul3A_7, %reduce_max3A [1] : vector<1024x40xf32> to vector<1024xf32>
    %broadcast_in_dim3A = vector.shape_cast %reduce_max3A_8 : vector<1024xf32> to vector<1024x1xf32>
    %sub3A = vector.broadcast %broadcast_in_dim3A : vector<1024x1xf32> to vector<1024x40xf32>
    %sub3A_9 = arith.subf %mul3A_7, %sub3A : vector<1024x40xf32>
    %exp3A = math.exp %sub3A_9 : vector<1024x40xf32>
    %reduce_sum3A = arith.constant dense<0.000000e+00> : vector<1024xf32>
    %reduce_sum3A_10 = vector.multi_reduction <add>, %exp3A, %reduce_sum3A [1] : vector<1024x40xf32> to vector<1024xf32>
    %broadcast_in_dim3A_11 = vector.shape_cast %reduce_sum3A_10 : vector<1024xf32> to vector<1024x1xf32>
    %log3A = math.log %broadcast_in_dim3A_11 : vector<1024x1xf32>
    %sub3A_12 = vector.broadcast %broadcast_in_dim3A : vector<1024x1xf32> to vector<1024x40xf32>
    %sub3A_13 = arith.subf %mul3A_7, %sub3A_12 : vector<1024x40xf32>
    %sub3A_14 = vector.broadcast %log3A : vector<1024x1xf32> to vector<1024x40xf32>
    %sub3A_15 = arith.subf %sub3A_13, %sub3A_14 : vector<1024x40xf32>
    %swap3A = arith.constant 0 : index
    %swap3A_16 = arith.constant 0 : index
    %swap3A_17 = vector.load %arg3[%swap3A, %swap3A_16] : memref<1024x40xf32, #tpu.memory_space<vmem>>, vector<1024x40xf32>
    tpu.vector_store %arg3[%swap3A, %swap3A_16], %sub3A_15 {strides = array<i32>} : memref<1024x40xf32, #tpu.memory_space<vmem>>, vector<1024x40xf32>,
    return
  }
  func.func @transform_0(%arg0: i32) -> (i32, i32) {
    %c0_i32 = arith.constant 0 : i32
    %c0_i32_0 = arith.constant 0 : i32
    return %arg0, %c0_i32 : i32, i32
  }
  func.func @transform_1(%arg0: i32) -> (i32, i32) {
    %c0_i32 = arith.constant 0 : i32
    %c0_i32_0 = arith.constant 0 : i32
    return %arg0, %c0_i32 : i32, i32
  }
  func.func @transform_2(%arg0: i32) -> (i32, i32) {
    %c0_i32 = arith.constant 0 : i32
    %c0_i32_0 = arith.constant 0 : i32
    return %arg0, %c0_i32 : i32, i32
  }
}

</mosaic_0001>

<sc_bundles>
// kernel: kernel.6.cloned.1.call-start
scs
__scs_entry_jumppad:
0x0: {  	(pc) =	sbr.rel $0x88, $3  }
0x1: {  	(tag) =	ssettag $0x0;
	lr =	simm.s32 $0x1  }
0x2: {  	[smem:$0x3F9B] =	sst lr;
	_ =	strace $0xD0000000  }
0x3: {  	_ = 	snop  }
0x4: {  	_ = 	snop  }
0x5: {  	_ = 	snop  }
0x6: {  	_ = 	snop  }
0x7: {  	_ = 	snop  }
__scs_overlays_trampoline_lowered:
0x8: {  	[smem:$0x3FAA] =	sst s0  }
0x9: {  	[smem:$0x3FAB] =	sst s1  }
0xa: {  	[smem:$0x3FAC] =	sst s2  }
0xb: {  	[smem:$0x3FAD] =	sst s3  }
0xc: {  	[smem:$0x3FAE] =	sst s4  }
0xd: {  	[smem:$0x3FAF] =	sst s5  }
0xe: {  	[smem:$0x3FB0] =	sst s6  }
0xf: {  	[smem:$0x3FB1] =	sst s7  }
0x10: {  	[smem:$0x3FB2] =	sst s8  }
0x11: {  	[smem:$0x3FB3] =	sst s9;
	s0 =	simm.s32 @!p0 $0x0  }
0x12: {  	s1 =	sld [smem:$0x3F99];
	s0 =	simm.s32 @p0 $0x1  }
0x13: {  	[smem:$0x3FB4] =	sst s0;
	s0 =	simm.s32 @!p1 $0x0  }
0x14: {  	s2 =	sld [smem:$0x3F98];
	s0 =	simm.s32 @p1 $0x1  }
0x15: {  	[smem:$0x3FB5] =	sst s0;
	s0 =	simm.s32 @!p2 $0x0  }
0x16: {  	s3 =	sld [smem:$0x3FDB];
	s0 =	simm.s32 @p2 $0x1  }
0x17: {  	s4 =	simm.s32 $0x1BF5;
	[smem:$0x3FB7] =	sst s0  }
0x18: {  	s0 =	sld [smem:$0x3F9A];
	_ =	swait.ge [sflag:s4], $0x0  }
0x19: {  	s7 =	sld [smem:$0x3F9B]  }
0x1a: {  	s8 =	sadd.s32 $0xFFFFE003, lr  }
0x1b: {  	s9 =	sadd.s32 $0xFFFFFEF7, lr;
	s5 =	simm.s32 $0xFFFFFFFF;
	p2 =	slt.u32 s8, $0xFFFFF086  }
0x1c: {  	p1 =	slt.u32 s9, $0xF7A;
	s5 =	simm.s32 @!p2 $0x0  }
0x1d: {  	s5 =	simm.s32 @p1 $0x1;
	p0 =	seq.s32 s7, s2  }
0x1e: {  	s7 =	smul.u32 @!p0 $0xF7A, s2;
	p2 =	seq.s32 @!p0 s5, $0x0  }
0x1f: {  	s9 =	smul.u32 $0xF7A, s1;
	s8 =	simm.s32 @!p0 $0x1BF5;
	p2 =	por !p2, p0  }
0x20: {  	[sflag:s8] =	ssyncset.s32 @!p0 $0xFFFFF086;
	s6 =	sadd.s32 @!p0 s3, s7;
	s7 =	simm.s32 @!p0 $0x108  }
0x21: {  	s3 =	sadd.s32 s3, s9;
	s6 =	sadd.s32 @!p0 $0x88, s6;
	s7 =	simm.s32 @p2 $0x1082  }
0x22: {  	[simem:s7], [sflag:s8] =	dma.local @!p0 [hbm:s6], $0xF7A  }
0x23: {  	s9 =	sor.u32 $0xD0000000, s2;
	s6 =	simm.s32 $0x108;
	_ =	swait.ge @!p0 [sflag:s8], $0x0  }
0x24: {  	s3 =	sadd.s32 $0x88, s3;
	s6 =	simm.s32 @!p1 $0x1082;
	[sflag:s4] =	ssyncset.s32 $0xFFFFF086  }
0x25: {  	[simem:s6], [sflag:s4] =	dma.local [hbm:s3], $0xF7A  }
0x26: {  	[smem:$0x3F9B] =	sst s1;
	(tag) =	ssettag s2;
	_ =	strace s9  }
0x27: {  	s1 =	sld [smem:$0x3FAB]  }
0x28: {  	s2 =	sld [smem:$0x3FAC]  }
0x29: {  	s4 =	sld [smem:$0x3FAE]  }
0x2a: {  	p0 =	seq.s32 s5, $0x0;
	s5 =	sld [smem:$0x3FAF]  }
0x2b: {  	s6 =	sld [smem:$0x3FB0]  }
0x2c: {  	s7 =	sld [smem:$0x3FB1]  }
0x2d: {  	s3 =	simm.s32 $0x108;
	s8 =	sld [smem:$0x3FB2]  }
0x2e: {  	s3 =	simm.s32 @!p0 $0x1082;
	s9 =	sld [smem:$0x3FB3]  }
0x2f: {  	lr =	sadd.s32 s0, s3;
	s0 =	sld [smem:$0x3FAA]  }
0x30: {  	s3 =	sld [smem:$0x3FAD]  }
0x31: {  	[smem:$0x3FB6] =	sst s10  }
0x32: {  	s10 =	sld [smem:$0x3FB4];
	_ =	sdelay $0x3  }
0x33: {  	p0 =	seq.s32 s10, $0x1;
	s10 =	sld [smem:$0x3FB6];
	_ =	sdelay $0x3  }
0x34: {  	[smem:$0x3FB6] =	sst s10  }
0x35: {  	s10 =	sld [smem:$0x3FB5];
	_ =	sdelay $0x3  }
0x36: {  	p1 =	seq.s32 s10, $0x1;
	s10 =	sld [smem:$0x3FB6];
	_ =	sdelay $0x3  }
0x37: {  	[smem:$0x3FB6] =	sst s10  }
0x38: {  	s10 =	sld [smem:$0x3FB7]  }
0x39: {  	_ = 	snop;
	(pc) =	sbr.ind lr, $3  }
0x3a: {  	_ = 	snop  }
0x3b: {  	_ = 	snop  }
0x3c: {  	p2 =	seq.s32 s10, $0x1;
	s10 =	sld [smem:$0x3FB6]  }
0x3d: {  	_ =	shalt  }
0x3e: {  	_ =	shalt  }
0x3f: {  	_ =	shalt  }
0x40: {  	_ =	shalt  }
0x41: {  	_ =	shalt  }
0x42: {  	_ =	shalt  }
0x43: {  	_ =	shalt  }
0x44: {  	_ =	shalt  }
0x45: {  	_ =	shalt  }
0x46: {  	_ =	shalt  }
0x47: {  	_ =	shalt  }
0x48: {  	_ =	shalt  }
0x49: {  	_ =	shalt  }
0x4a: {  	_ =	shalt  }
0x4b: {  	_ =	shalt  }
0x4c: {  	_ =	shalt  }
0x4d: {  	_ =	shalt  }
0x4e: {  	_ =	shalt  }
0x4f: {  	_ =	shalt  }
0x50: {  	_ =	shalt  }
0x51: {  	_ =	shalt  }
0x52: {  	_ =	shalt  }
0x53: {  	_ =	shalt  }
0x54: {  	_ =	shalt  }
0x55: {  	_ =	shalt  }
0x56: {  	_ =	shalt  }
0x57: {  	_ =	shalt  }
0x58: {  	_ =	shalt  }
0x59: {  	_ =	shalt  }
0x5a: {  	_ =	shalt  }
0x5b: {  	_ =	shalt  }
0x5c: {  	_ =	shalt  }
0x5d: {  	_ =	shalt  }
0x5e: {  	_ =	shalt  }
0x5f: {  	_ =	shalt  }
0x60: {  	_ =	shalt  }
0x61: {  	_ =	shalt  }
0x62: {  	_ =	shalt  }
0x63: {  	_ =	shalt  }
0x64: {  	_ =	shalt  }
0x65: {  	_ =	shalt  }
0x66: {  	_ =	shalt  }
0x67: {  	_ =	shalt  }
0x68: {  	_ =	shalt  }
0x69: {  	_ =	shalt  }
0x6a: {  	_ =	shalt  }
0x6b: {  	_ =	shalt  }
0x6c: {  	_ =	shalt  }
0x6d: {  	_ =	shalt  }
0x6e: {  	_ =	shalt  }
0x6f: {  	_ =	shalt  }
0x70: {  	_ =	shalt  }
0x71: {  	_ =	shalt  }
0x72: {  	_ =	shalt  }
0x73: {  	_ =	shalt  }
0x74: {  	_ =	shalt  }
0x75: {  	_ =	shalt  }
0x76: {  	_ =	shalt  }
0x77: {  	_ =	shalt  }
0x78: {  	_ =	shalt  }
0x79: {  	_ =	shalt  }
0x7a: {  	_ =	shalt  }
0x7b: {  	_ =	shalt  }
0x7c: {  	_ =	shalt  }
0x7d: {  	_ =	shalt  }
0x7e: {  	_ =	shalt  }
0x7f: {  	_ =	shalt  }
0x80: {  	_ =	shalt  }
0x81: {  	_ =	shalt  }
0x82: {  	_ =	shalt  }
0x83: {  	_ =	shalt  }
0x84: {  	_ =	shalt  }
0x85: {  	_ =	shalt  }
0x86: {  	_ =	shalt  }
0x87: {  	_ =	shalt  }
.Lfunc_end0:
.L_simem_size_0:
called_computation_lowered:
.L_overlay_start_0:
0x88: {  	s0 =	sld [smem:$0x3FD9]  }
0x89: {  	s1 =	sld [smem:$0x3FFE];
	_ =	sdelay $0x3  }
0x8a: {  	s0 =	sadd.s32 s1, s0  }
0x8b: {  	[smem:$0x3FC2] =	sst s0  }
0x8c: {  	_ = 	snop  }
0x8d: {  	(tm) =	ssettm $0x1  }
0x8e: {  	s15 =	sld [smem:$0x3FFB];
	_ =	sdelay $0x3  }
0x8f: {  	_ =	strace s15  }
0x90: {  	s0 =	sld [smem:$0x3FFC];
	_ =	sdelay $0x3  }
0x91: {  	_ =	strace s0  }
0x92: {  	s0 =	sld [smem:$0x3FFD];
	_ =	sdelay $0x3  }
0x93: {  	_ =	strace s0  }
0x94: {  	_ =	strace $0x8FFFFFFF  }
0x95: {  	s16 =	sld [smem:$0x3FDB];
	_ =	sdelay $0x1  }
0x96: {  	s17 =	simm.s32 $_scs_section_size  }
0x97: {  	s2 =	simm.s32 $_size__tile_overlayer_lowered;
	s3 =	simm.s32 $_tile_overlayer_lowered  }
0x98: {  	s20 =	simm.s32 $0x1BFF;
	s19 =	sshll.u32 s3, $0x1;
	s0 =	sadd.s32 s17, s16  }
0x99: {  	s4 =	simm.s32 $0x0;
	s18 =	sshll.u32 s2, $0x1;
	s2 =	sadd.s32 s19, s0  }
0x9a: {  	[timem:s4], [sflag:s20] =	dma.local [hbm:s2], s18  }
0x9b: {  	_ =	swait.ge [sflag:s20], s18  }
0x9c: {  	s1 =	ssub.s32 $0x0, s18;
	[sflag:s20] =	ssyncset.done $0x0  }
0x9d: {  	[sflag:s20] =	ssyncadd.s32 s1;
	_ =	sdelay $0x1  }
0x9e: {  	s21 =	simm.s32 $0x1B8B  }
0x9f: {  	_ =	swait.ge [sflag:s21], $0x1  }
0xa0: {  	[sflag:s21] =	ssyncset.done $0x0  }
0xa1: {  	s23 =	simm.s32 $0x1B8E;
	s22 =	sld [smem:$0x3FFE];
	[sflag:s21] =	ssyncadd.s32 $0xFFFFFFFF  }
0xa2: {  	s24 =	simm.s32 $execute0_lowered;
	[smem:$0x3FD2] =	sst s23  }
0xa3: {  	s2 =	sshll.u32 s24, $0x1;
	_ =	strace $0x80000046;
	[dreg:$0x1] =	wrdreg $0xFFFFFFFF  }
0xa4: {  	s25 =	simm.s32 $_size_execute0_lowered;
	s0 =	sadd.s32 s0, s2;
	[dreg:$0x0] =	wrdreg $0x0  }
0xa5: {  	s2 =	sshll.u32 s25, $0x1;
	[dreg:$0x2] =	wrdreg s0  }
0xa6: {  	[dreg:$0x3] =	wrdreg s2  }
0xa7: {  	[dreg:$0x4] =	wrdreg $0xC0  }
0xa8: {  	_ =	task [dreg:s4], $0x5FFFF  }
0xa9: {  	[dreg:$0x1] =	wrdreg $0xFFFFFFFF  }
0xaa: {  	[dreg:$0x0] =	wrdreg $0x60  }
0xab: {  	[dreg:$0x2] =	wrdreg s22  }
0xac: {  	[dreg:$0x3] =	wrdreg $0x57800  }
0xad: {  	[dreg:$0x4] =	wrdreg $0x9  }
0xae: {  	_ =	task.clear_ibuf [dreg:s4], $0x5FFFF;
	_ =	strace $0x90000046  }
0xaf: {  	s26 =	simm.s32 $0x9;
	_ =	strace $0x80000048  }
0xb0: {  	_ =	swait.ge [sflag:s26], $0x1  }
0xb1: {  	[sflag:s26] =	ssyncadd.s32 $0xFFFFFFFF  }
0xb2: {  	_ =	strace $0x90000048  }
0xb3: {  	_ =	sfence  }
0xb4: {  	s28 =	sld [smem:$0x0];
	_ =	sdelay $0x1  }
0xb5: {  	s29 =	srdreg.scid  }
0xb6: {  	s30 =	sshll.u32 s29, $0xD;
	s31 =	sshrl.u32 s29, $0x2  }
0xb7: {  	s1 =	sand.u32 $0x1, s29;
	s2 =	sand.u32 $0x4000, s30;
	s0 =	sadd.s32 s31, s28  }
0xb8: {  	s1 =	sor.u32 s2, s1;
	s0 =	sshll.u32 s0, $0x11  }
0xb9: {  	s0 =	sor.u32 s0, s1  }
0xba: {  	s0 =	sadd.s32 $0x8F2B, s0  }
0xbb: {  	[sflag:s0] =	ssyncadd.remote.s32 $0x1  }
0xbc: {  	_ =	sfence.sel $0xFFFF  }
0xbd: {  	[dreg:$0x0] =	wrdreg $0xFFFFFFFF;
	(pc) =	sbr.abs _section_cstart, $3  }
0xbe: {  	[dreg:$0x1] =	wrdreg $0xFFFFFFFF  }
0xbf: {  	_ =	task.clear_ibuf [dreg:s4], $0x2FFFF;
	_ =	strace $0x9FFFFFFF  }
0xc0: {  	(tm) =	ssettm $0x7FFFFFFF  }
0xc1: {  	_ =	shalt  }
tec
execute0_lowered:
.L_overlay_start_1:
0x0: {  	(tag) =	ssettag $0x1  }
0x1: {  	s3 =	rddreg [dreg:$0x0];
	s0 =	stileid.u32  }
0x2: {  	s2 =	rddreg [dreg:$0x1];
	s4 =	smul.u32 $0x9F0, s0  }
0x3: {  	s1 =	rddreg [dreg:$0x2];
	s5 =	simm.s32 $0x0  }
0x4: {  	[smem:$0x7FF] =	sst s5;
	s4 =	sadd.s32 s4, s3  }
0x5: {  	s31 =	simm.s32 $0x1;
	_ =	strace $0x80000047;
	s4 =	sadd.s32 $0x1600, s4  }
0x6: {  	[tilespmem:s5], [sflag:$0x1] =	stream.linear.gather [hbm4b:s4+s5], $0x4F80, $0x38;
	[tilespmem:$0x7F80] =	vst v63  }
0x7: {  	_ =	swait.ge [sflag:s31], $0x4F80  }
0x8: {  	s3 =	sadd.s32 $0xB600, s3;
	[sflag:s31] =	ssyncset.done $0x0  }
0x9: {  	v0 =	vimm.f32 $0.0e+00;
	s4 =	simm.s32 $0x40;
	s5 =	simm.s32 $0x0;
	[sflag:s31] =	ssyncadd.s32 $0xFFFFB080  }
.LBB2_1:
0xa: {  	p0 =	sne.s32 s4, $0x1FC0;
	[tilespmem:s5+$0x4F80] =	vst v0;
	s5 =	smov.u32 s4;
	s4 =	sadd.s32 $0x40, s4  }
.Ltmp0:
0xb: {  	(pc) =	sbr.rel @p0 .LBB2_1-.Ltmp0, $2  }
0xc: {  	_ =	sdelay $0x2  }
0xd: {  	s5 =	sshra.s32 s5, $0x2  }
0xe: {  	s4 =	smul.u32 $0xA000, s0;
	_ =	sdelay $0x1  }
0xf: {  	s4 =	sshrl.u32 s4, $0x2  }
0x10: {  	[tilespmem:s5+$0x4F80] =	vst v0;
	s29 =	simm.s32 $0x4F80;
	s6 =	simm.s32 $0x1;
	s4 =	sadd.s32 s4, s2  }
0x11: {  	[spmem:s4] =	stream.linear.scatter [tilespmem:s29], [sflag:$0x1], $0x800, $0x38;
	[tilespmem:$0x7F80] =	vst v63  }
0x12: {  	_ =	swait.ge [sflag:s6], $0x800  }
0x13: {  	[sflag:s6] =	ssyncset.done $0x0  }
0x14: {  	s7 =	sadd.s32 $0x800, s4;
	[sflag:s6] =	ssyncadd.s32 $0xFFFFF800  }
0x15: {  	[spmem:s7] =	stream.linear.scatter [tilespmem:s29], [sflag:$0x1], $0x800, $0x38;
	[tilespmem:$0x7F80] =	vst v63  }
0x16: {  	_ =	swait.ge [sflag:s6], $0x800  }
0x17: {  	[sflag:s6] =	ssyncset.done $0x0  }
0x18: {  	s30 =	sadd.s32 $0x1000, s4;
	[sflag:s6] =	ssyncadd.s32 $0xFFFFF800  }
0x19: {  	[spmem:s30] =	stream.linear.scatter [tilespmem:s29], [sflag:$0x1], $0x800, $0x38;
	[tilespmem:$0x7F80] =	vst v63  }
0x1a: {  	_ =	swait.ge [sflag:s6], $0x800  }
0x1b: {  	[sflag:s6] =	ssyncset.done $0x0  }
0x1c: {  	s31 =	sadd.s32 $0x1800, s4;
	[sflag:s6] =	ssyncadd.s32 $0xFFFFF800  }
0x1d: {  	[spmem:s31] =	stream.linear.scatter [tilespmem:s29], [sflag:$0x1], $0x800, $0x38;
	[tilespmem:$0x7F80] =	vst v63  }
0x1e: {  	_ =	swait.ge [sflag:s6], $0x800  }
0x1f: {  	[sflag:s6] =	ssyncset.done $0x0  }
0x20: {  	s4 =	sadd.s32 $0x2000, s4;
	[sflag:s6] =	ssyncadd.s32 $0xFFFFF800  }
0x21: {  	[spmem:s4] =	stream.linear.scatter [tilespmem:s29], [sflag:$0x1], $0x800, $0x38;
	[tilespmem:$0x7F80] =	vst v63  }
0x22: {  	_ =	swait.ge [sflag:s6], $0x800  }
0x23: {  	[sflag:s6] =	ssyncset.done $0x0  }
0x24: {  	v0 =	vimm.f32 $1.000000000e+00;
	s5 =	simm.s32 $0x0;
	s4 =	simm.s32 $0x40;
	[sflag:s6] =	ssyncadd.s32 $0xFFFFF800  }
.LBB2_3:
0x25: {  	p0 =	sne.s32 s4, $0x1FC0;
	[tilespmem:s5+$0x4F80] =	vst v0;
	s5 =	smov.u32 s4;
	s4 =	sadd.s32 $0x40, s4  }
.Ltmp1:
0x26: {  	(pc) =	sbr.rel @p0 .LBB2_3-.Ltmp1, $2  }
0x27: {  	_ =	sdelay $0x2  }
0x28: {  	s5 =	sshra.s32 s5, $0x2  }
0x29: {  	[tilespmem:s5+$0x4F80] =	vst v0;
	s5 =	simm.s32 $0x80;
	s6 =	simm.s32 $0x4F80  }
0x2a: {  	s4 =	simm.s32 $0x1;
	s7 =	simm.s32 $0x0;
	[bflag:$0x0] =	sbarrier.arrive $0xFFFF  }
0x2b: {  	[spmem:s2] =	stream.indirect.scatter.add.f32 [tilespmem:s6], [sflag:$0x1], $0x10, s7, s5, $0xb8;
	[tilespmem:$0x7F80] =	vst v63  }
0x2c: {  	_ =	swait.ge [sflag:s4], $0x800  }
0x2d: {  	s7 =	simm.s32 $0x200;
	[sflag:s4] =	ssyncset.done $0x0  }
.LBB2_5:
0x2e: {  	s8 =	sshra.s32 s7, $0x2;
	[sflag:s4] =	ssyncadd.s32 $0xFFFFF800;
	p0 =	sne.s32 s7, $0x13C00  }
0x2f: {  	[spmem:s2] =	stream.indirect.scatter.add.f32 [tilespmem:s6], [sflag:$0x1], $0x10, s8, s5, $0xb8;
	[tilespmem:$0x7F80] =	vst v63  }
.Ltmp2:
0x30: {  	_ = 	snop;
	(pc) =	sbr.rel @p0 .LBB2_5-.Ltmp2, $4  }
0x31: {  	_ = 	snop  }
0x32: {  	s7 =	sadd.s32 $0x200, s7  }
0x33: {  	_ =	swait.ge [sflag:s4], $0x800  }
0x34: {  	[sflag:s4] =	ssyncset.done $0x0  }
0x35: {  	s5 =	smul.u32 $0x2800, s0  }
0x36: {  	[sflag:s4] =	ssyncadd.s32 $0xFFFFF800;
	s30 =	sshll.u32 s0, $0x6;
	s31 =	simm.s32 $0x1  }
0x37: {  	[bflag:$0x0] =	sbarrier.arrive $0xFFFF;
	s29 =	sshrl.u32 s5, $0x3;
	s2 =	sadd.s32 s5, s2  }
0x38: {  	s4 =	sor.u32 $0x1C01, s30;
	s3 =	sadd.s32 s3, s29;
	s2 =	sshrl.u32 s2, $0x3  }
0x39: {  	[hbm:s3], [sflag:s4] =	dma.local [spmem:s2], $0x500  }
0x3a: {  	_ =	swait.ge [sflag:s31], $0x500  }
0x3b: {  	[sflag:s31] =	ssyncset.done $0x0  }
0x3c: {  	[sflag:s31] =	ssyncadd.s32 $0xFFFFFB00  }
0x3d: {  	_ =	sfence.sel $0x180000  }
0x3e: {  	[bflag:$0x0] =	sbarrier.arrive $0xFFFF  }
0x3f: {  	p0 =	sne.s32 s0, $0x0;
	_ =	strace $0x90000047  }
0x40: {  	s0 =	sadd.s32 @!p0 $0x100000, s1;
	[bflag:$0x2] =	sbarrier.arrive $0xFFFF  }
0x41: {  	[sflag:s0] =	ssyncadd.tile.s32 @!p0 $0x1;
	_ =	shalt  }
.Lfunc_end2:
_tile_overlayer_lowered:
.L_overlay_start_2:
0x42: {  	(tag) =	ssettag $0x2  }
0x43: {  	s0 =	rddreg [dreg:$0x0];
	s2 =	stileid.u32  }
0x44: {  	s1 =	rddreg [dreg:$0x1];
	p0 =	sne.s32 s2, $0x0  }
0x45: {  	s3 =	rddreg [dreg:$0x2];
	[bflag:$0x3] =	sbarrier.arrive $0xFFFF;
	s2 =	simm.s32 @!p0 $0x1C01  }
0x46: {  	[timem:s3], [sflag:s2] =	dma.local @!p0 [hbm:s0], s1  }
0x47: {  	s0 =	simm.s32 @!p0 $0x1  }
0x48: {  	_ =	swait.ge @!p0 [sflag:s0], s1  }
0x49: {  	s1 =	ssub.s32 @!p0 $0x0, s1;
	[sflag:s0] =	ssyncset.done @!p0 $0x0  }
0x4a: {  	[sflag:s0] =	ssyncadd.s32 @!p0 s1  }
0x4b: {  	[bflag:$0x3] =	sbarrier.arrive $0xFFFF  }
0x4c: {  	_ =	shalt  }

// kernel: kernel.9.cloned.1.call-start
scs
__scs_entry_jumppad:
0x0: {  	(pc) =	sbr.rel $0x88, $3  }
0x1: {  	(tag) =	ssettag $0x0;
	lr =	simm.s32 $0x1  }
0x2: {  	[smem:$0x3F9B] =	sst lr;
	_ =	strace $0xD0000000  }
0x3: {  	_ = 	snop  }
0x4: {  	_ = 	snop  }
0x5: {  	_ = 	snop  }
0x6: {  	_ = 	snop  }
0x7: {  	_ = 	snop  }
__scs_overlays_trampoline_lowered:
0x8: {  	[smem:$0x3FAA] =	sst s0  }
0x9: {  	[smem:$0x3FAB] =	sst s1  }
0xa: {  	[smem:$0x3FAC] =	sst s2  }
0xb: {  	[smem:$0x3FAD] =	sst s3  }
0xc: {  	[smem:$0x3FAE] =	sst s4  }
0xd: {  	[smem:$0x3FAF] =	sst s5  }
0xe: {  	[smem:$0x3FB0] =	sst s6  }
0xf: {  	[smem:$0x3FB1] =	sst s7  }
0x10: {  	[smem:$0x3FB2] =	sst s8  }
0x11: {  	[smem:$0x3FB3] =	sst s9;
	s0 =	simm.s32 @!p0 $0x0  }
0x12: {  	s1 =	sld [smem:$0x3F99];
	s0 =	simm.s32 @p0 $0x1  }
0x13: {  	[smem:$0x3FB4] =	sst s0;
	s0 =	simm.s32 @!p1 $0x0  }
0x14: {  	s2 =	sld [smem:$0x3F98];
	s0 =	simm.s32 @p1 $0x1  }
0x15: {  	[smem:$0x3FB5] =	sst s0;
	s0 =	simm.s32 @!p2 $0x0  }
0x16: {  	s3 =	sld [smem:$0x3FDB];
	s0 =	simm.s32 @p2 $0x1  }
0x17: {  	s4 =	simm.s32 $0x1BF5;
	[smem:$0x3FB7] =	sst s0  }
0x18: {  	s0 =	sld [smem:$0x3F9A];
	_ =	swait.ge [sflag:s4], $0x0  }
0x19: {  	s7 =	sld [smem:$0x3F9B]  }
0x1a: {  	s8 =	sadd.s32 $0xFFFFE003, lr  }
0x1b: {  	s9 =	sadd.s32 $0xFFFFFEF7, lr;
	s5 =	simm.s32 $0xFFFFFFFF;
	p2 =	slt.u32 s8, $0xFFFFF086  }
0x1c: {  	p1 =	slt.u32 s9, $0xF7A;
	s5 =	simm.s32 @!p2 $0x0  }
0x1d: {  	s5 =	simm.s32 @p1 $0x1;
	p0 =	seq.s32 s7, s2  }
0x1e: {  	s7 =	smul.u32 @!p0 $0xF7A, s2;
	p2 =	seq.s32 @!p0 s5, $0x0  }
0x1f: {  	s9 =	smul.u32 $0xF7A, s1;
	s8 =	simm.s32 @!p0 $0x1BF5;
	p2 =	por !p2, p0  }
0x20: {  	[sflag:s8] =	ssyncset.s32 @!p0 $0xFFFFF086;
	s6 =	sadd.s32 @!p0 s3, s7;
	s7 =	simm.s32 @!p0 $0x108  }
0x21: {  	s3 =	sadd.s32 s3, s9;
	s6 =	sadd.s32 @!p0 $0x88, s6;
	s7 =	simm.s32 @p2 $0x1082  }
0x22: {  	[simem:s7], [sflag:s8] =	dma.local @!p0 [hbm:s6], $0xF7A  }
0x23: {  	s9 =	sor.u32 $0xD0000000, s2;
	s6 =	simm.s32 $0x108;
	_ =	swait.ge @!p0 [sflag:s8], $0x0  }
0x24: {  	s3 =	sadd.s32 $0x88, s3;
	s6 =	simm.s32 @!p1 $0x1082;
	[sflag:s4] =	ssyncset.s32 $0xFFFFF086  }
0x25: {  	[simem:s6], [sflag:s4] =	dma.local [hbm:s3], $0xF7A  }
0x26: {  	[smem:$0x3F9B] =	sst s1;
	(tag) =	ssettag s2;
	_ =	strace s9  }
0x27: {  	s1 =	sld [smem:$0x3FAB]  }
0x28: {  	s2 =	sld [smem:$0x3FAC]  }
0x29: {  	s4 =	sld [smem:$0x3FAE]  }
0x2a: {  	p0 =	seq.s32 s5, $0x0;
	s5 =	sld [smem:$0x3FAF]  }
0x2b: {  	s6 =	sld [smem:$0x3FB0]  }
0x2c: {  	s7 =	sld [smem:$0x3FB1]  }
0x2d: {  	s3 =	simm.s32 $0x108;
	s8 =	sld [smem:$0x3FB2]  }
0x2e: {  	s3 =	simm.s32 @!p0 $0x1082;
	s9 =	sld [smem:$0x3FB3]  }
0x2f: {  	lr =	sadd.s32 s0, s3;
	s0 =	sld [smem:$0x3FAA]  }
0x30: {  	s3 =	sld [smem:$0x3FAD]  }
0x31: {  	[smem:$0x3FB6] =	sst s10  }
0x32: {  	s10 =	sld [smem:$0x3FB4];
	_ =	sdelay $0x3  }
0x33: {  	p0 =	seq.s32 s10, $0x1;
	s10 =	sld [smem:$0x3FB6];
	_ =	sdelay $0x3  }
0x34: {  	[smem:$0x3FB6] =	sst s10  }
0x35: {  	s10 =	sld [smem:$0x3FB5];
	_ =	sdelay $0x3  }
0x36: {  	p1 =	seq.s32 s10, $0x1;
	s10 =	sld [smem:$0x3FB6];
	_ =	sdelay $0x3  }
0x37: {  	[smem:$0x3FB6] =	sst s10  }
0x38: {  	s10 =	sld [smem:$0x3FB7]  }
0x39: {  	_ = 	snop;
	(pc) =	sbr.ind lr, $3  }
0x3a: {  	_ = 	snop  }
0x3b: {  	_ = 	snop  }
0x3c: {  	p2 =	seq.s32 s10, $0x1;
	s10 =	sld [smem:$0x3FB6]  }
0x3d: {  	_ =	shalt  }
0x3e: {  	_ =	shalt  }
0x3f: {  	_ =	shalt  }
0x40: {  	_ =	shalt  }
0x41: {  	_ =	shalt  }
0x42: {  	_ =	shalt  }
0x43: {  	_ =	shalt  }
0x44: {  	_ =	shalt  }
0x45: {  	_ =	shalt  }
0x46: {  	_ =	shalt  }
0x47: {  	_ =	shalt  }
0x48: {  	_ =	shalt  }
0x49: {  	_ =	shalt  }
0x4a: {  	_ =	shalt  }
0x4b: {  	_ =	shalt  }
0x4c: {  	_ =	shalt  }
0x4d: {  	_ =	shalt  }
0x4e: {  	_ =	shalt  }
0x4f: {  	_ =	shalt  }
0x50: {  	_ =	shalt  }
0x51: {  	_ =	shalt  }
0x52: {  	_ =	shalt  }
0x53: {  	_ =	shalt  }
0x54: {  	_ =	shalt  }
0x55: {  	_ =	shalt  }
0x56: {  	_ =	shalt  }
0x57: {  	_ =	shalt  }
0x58: {  	_ =	shalt  }
0x59: {  	_ =	shalt  }
0x5a: {  	_ =	shalt  }
0x5b: {  	_ =	shalt  }
0x5c: {  	_ =	shalt  }
0x5d: {  	_ =	shalt  }
0x5e: {  	_ =	shalt  }
0x5f: {  	_ =	shalt  }
0x60: {  	_ =	shalt  }
0x61: {  	_ =	shalt  }
0x62: {  	_ =	shalt  }
0x63: {  	_ =	shalt  }
0x64: {  	_ =	shalt  }
0x65: {  	_ =	shalt  }
0x66: {  	_ =	shalt  }
0x67: {  	_ =	shalt  }
0x68: {  	_ =	shalt  }
0x69: {  	_ =	shalt  }
0x6a: {  	_ =	shalt  }
0x6b: {  	_ =	shalt  }
0x6c: {  	_ =	shalt  }
0x6d: {  	_ =	shalt  }
0x6e: {  	_ =	shalt  }
0x6f: {  	_ =	shalt  }
0x70: {  	_ =	shalt  }
0x71: {  	_ =	shalt  }
0x72: {  	_ =	shalt  }
0x73: {  	_ =	shalt  }
0x74: {  	_ =	shalt  }
0x75: {  	_ =	shalt  }
0x76: {  	_ =	shalt  }
0x77: {  	_ =	shalt  }
0x78: {  	_ =	shalt  }
0x79: {  	_ =	shalt  }
0x7a: {  	_ =	shalt  }
0x7b: {  	_ =	shalt  }
0x7c: {  	_ =	shalt  }
0x7d: {  	_ =	shalt  }
0x7e: {  	_ =	shalt  }
0x7f: {  	_ =	shalt  }
0x80: {  	_ =	shalt  }
0x81: {  	_ =	shalt  }
0x82: {  	_ =	shalt  }
0x83: {  	_ =	shalt  }
0x84: {  	_ =	shalt  }
0x85: {  	_ =	shalt  }
0x86: {  	_ =	shalt  }
0x87: {  	_ =	shalt  }
.Lfunc_end0:
.L_simem_size_0:
called_computation.1_lowered:
.L_overlay_start_0:
0x88: {  	s0 =	sld [smem:$0x3FD9]  }
0x89: {  	s1 =	sld [smem:$0x3FFE];
	_ =	sdelay $0x3  }
0x8a: {  	s0 =	sadd.s32 s1, s0  }
0x8b: {  	[smem:$0x3FC2] =	sst s0  }
0x8c: {  	_ = 	snop  }
0x8d: {  	s0 =	sld [smem:$0x3FD0];
	(tm) =	ssettm $0x1  }
0x8e: {  	s16 =	sld [smem:$0x3FFB];
	_ =	sdelay $0x3  }
0x8f: {  	_ =	strace s16  }
0x90: {  	s1 =	sld [smem:$0x3FFC];
	_ =	sdelay $0x3  }
0x91: {  	_ =	strace s1  }
0x92: {  	s1 =	sld [smem:$0x3FFD];
	_ =	sdelay $0x3  }
0x93: {  	_ =	strace s1  }
0x94: {  	_ =	strace $0x8FFFFFFF  }
0x95: {  	s17 =	sld [smem:$0x3FDB];
	_ =	sdelay $0x1  }
0x96: {  	s2 =	simm.s32 $_scs_section_size  }
0x97: {  	s3 =	simm.s32 $_size__tile_overlayer_lowered;
	s4 =	simm.s32 $_tile_overlayer_lowered  }
0x98: {  	s20 =	simm.s32 $0x1BFF;
	s19 =	sshll.u32 s4, $0x1;
	s1 =	sadd.s32 s2, s17  }
0x99: {  	s5 =	simm.s32 $0x0;
	s18 =	sshll.u32 s3, $0x1;
	s3 =	sadd.s32 s19, s1  }
0x9a: {  	[timem:s5], [sflag:s20] =	dma.local [hbm:s3], s18  }
0x9b: {  	_ =	swait.ge [sflag:s20], s18  }
0x9c: {  	s2 =	ssub.s32 $0x0, s18;
	[sflag:s20] =	ssyncset.done $0x0  }
0x9d: {  	[sflag:s20] =	ssyncadd.s32 s2;
	_ =	sdelay $0x1  }
0x9e: {  	s21 =	simm.s32 $0x1B8B  }
0x9f: {  	_ =	swait.ge [sflag:s21], $0x1  }
0xa0: {  	[sflag:s21] =	ssyncset.done $0x0  }
0xa1: {  	s23 =	simm.s32 $0x1B8E;
	s22 =	sld [smem:$0x3FFE];
	[sflag:s21] =	ssyncadd.s32 $0xFFFFFFFF  }
0xa2: {  	s24 =	simm.s32 $execute0_lowered;
	[smem:$0x3FD2] =	sst s23  }
0xa3: {  	s3 =	sshll.u32 s24, $0x1;
	_ =	strace $0x80000049;
	[dreg:$0x1] =	wrdreg $0xFFFFFFFF  }
0xa4: {  	s25 =	simm.s32 $_size_execute0_lowered;
	s1 =	sadd.s32 s1, s3;
	[dreg:$0x0] =	wrdreg $0x0  }
0xa5: {  	s3 =	sshll.u32 s25, $0x1;
	[dreg:$0x2] =	wrdreg s1  }
0xa6: {  	[dreg:$0x3] =	wrdreg s3  }
0xa7: {  	[dreg:$0x4] =	wrdreg $0xC0  }
0xa8: {  	_ =	task [dreg:s5], $0x5FFFF  }
0xa9: {  	[dreg:$0x1] =	wrdreg $0xFFFFFFFF  }
0xaa: {  	[dreg:$0x0] =	wrdreg $0x60  }
0xab: {  	[dreg:$0x2] =	wrdreg s0  }
0xac: {  	[dreg:$0x3] =	wrdreg s22  }
0xad: {  	[dreg:$0x4] =	wrdreg $0xD8800  }
0xae: {  	[dreg:$0x5] =	wrdreg $0x150800  }
0xaf: {  	[dreg:$0x6] =	wrdreg $0x9  }
0xb0: {  	_ =	task.clear_ibuf [dreg:s5], $0x7FFFF;
	_ =	strace $0x90000049  }
0xb1: {  	s26 =	simm.s32 $0x9;
	_ =	strace $0x8000004B  }
0xb2: {  	_ =	swait.ge [sflag:s26], $0x1  }
0xb3: {  	[sflag:s26] =	ssyncadd.s32 $0xFFFFFFFF  }
0xb4: {  	_ =	strace $0x9000004B  }
0xb5: {  	_ =	sfence  }
0xb6: {  	s28 =	sld [smem:$0x0];
	_ =	sdelay $0x1  }
0xb7: {  	s29 =	srdreg.scid  }
0xb8: {  	s30 =	sshll.u32 s29, $0xD;
	s31 =	sshrl.u32 s29, $0x2  }
0xb9: {  	s2 =	sand.u32 $0x4000, s30;
	s1 =	sand.u32 $0x1, s29;
	s0 =	sadd.s32 s31, s28  }
0xba: {  	s1 =	sor.u32 s2, s1;
	s0 =	sshll.u32 s0, $0x11  }
0xbb: {  	s0 =	sor.u32 s0, s1  }
0xbc: {  	s0 =	sadd.s32 $0x8F2B, s0  }
0xbd: {  	[sflag:s0] =	ssyncadd.remote.s32 $0x1  }
0xbe: {  	_ =	sfence.sel $0xFFFF  }
0xbf: {  	[dreg:$0x0] =	wrdreg $0xFFFFFFFF;
	(pc) =	sbr.abs _section_cstart, $3  }
0xc0: {  	[dreg:$0x1] =	wrdreg $0xFFFFFFFF  }
0xc1: {  	_ =	task.clear_ibuf [dreg:s5], $0x2FFFF;
	_ =	strace $0x9FFFFFFF  }
0xc2: {  	(tm) =	ssettm $0x7FFFFFFF  }
0xc3: {  	_ =	shalt  }
tec
execute0_lowered:
.L_overlay_start_1:
0x0: {  	(tag) =	ssettag $0x1  }
0x1: {  	s0 =	rddreg [dreg:$0x0]  }
0x2: {  	s4 =	rddreg [dreg:$0x1]  }
0x3: {  	s2 =	rddreg [dreg:$0x2];
	s1 =	stileid.u32  }
0x4: {  	s9 =	rddreg [dreg:$0x3];
	s5 =	simm.s32 $0x0;
	s3 =	smul.u32 $0xA80, s1  }
0x5: {  	s7 =	simm.s32 $0x5;
	[smem:$0x7FF] =	sst s5  }
0x6: {  	s25 =	smul.u32 $0xA40, s1;
	_ =	strace $0x8000004A;
	s0 =	sadd.s32 s0, s3  }
0x7: {  	[tilespmem:s5], [sflag:$0x5] =	stream.linear.gather [hbm4b:s0+s5], $0x5400, $0x38;
	[tilespmem:$0x1C880] =	vst v63  }
0x8: {  	s8 =	simm.s32 $0x5400;
	s28 =	simm.s32 $0xA600;
	_ =	swait.ge [sflag:s7], $0x5400  }
0x9: {  	s6 =	smul.u32 $0x7800, s1;
	s0 =	sadd.s32 s25, s4;
	[sflag:s7] =	ssyncset.done $0x0  }
0xa: {  	s3 =	smul.u32 $0x280, s1;
	s0 =	sadd.s32 $0x10600, s0;
	[sflag:s7] =	ssyncadd.s32 $0xFFFFAC00  }
0xb: {  	[tilespmem:s8], [sflag:$0x5] =	stream.linear.gather [hbm4b:s0+s5], $0x5200, $0x38;
	[tilespmem:$0x1C880] =	vst v63  }
0xc: {  	s30 =	sshll.u32 s1, $0x6;
	s26 =	sshrl.u32 s3, $0x3;
	_ =	swait.ge [sflag:s7], $0x5200  }
0xd: {  	s10 =	sshrl.u32 s6, $0x3;
	s0 =	sadd.s32 s26, s4;
	[sflag:s7] =	ssyncset.done $0x0  }
0xe: {  	s0 =	sadd.s32 $0x51A00, s0;
	[dreg:$0x5] =	wrdreg s10;
	[sflag:s7] =	ssyncadd.s32 $0xFFFFAE00  }
0xf: {  	[tilespmem:s28], [sflag:$0x5] =	stream.linear.gather [hbm4b:s0+s5], $0x280, $0x38;
	[tilespmem:$0x1C880] =	vst v63  }
0x10: {  	s6 =	sadd.s32 s6, s2;
	s29 =	sadd.s32 s10, s4;
	_ =	swait.ge [sflag:s7], $0x280  }
0x11: {  	s6 =	sshrl.u32 s6, $0x3;
	s5 =	sor.u32 $0x1C05, s30;
	[sflag:s7] =	ssyncset.done $0x0  }
0x12: {  	s0 =	sadd.s32 $0x42A00, s29;
	[dreg:$0x6] =	wrdreg s5;
	[sflag:s7] =	ssyncadd.s32 $0xFFFFFD80  }
0x13: {  	[spmem:s6], [sflag:s5] =	dma.local [hbm:s0], $0xF00  }
0x14: {  	s31 =	sadd.s32 $0x52000, s4;
	_ =	swait.ge [sflag:s7], $0xF00  }
0x15: {  	s8 =	sadd.s32 $0x1600, s4;
	s4 =	simm.s32 $0xC0;
	[sflag:s7] =	ssyncset.done $0x0  }
0x16: {  	v0 =	vimm.f32 $0.0e+00;
	s0 =	simm.s32 $0x0;
	[dreg:$0x7] =	wrdreg s31;
	[sflag:s7] =	ssyncadd.s32 $0xFFFFF100  }
.LBB2_1:
0x17: {  	p0 =	sne.s32 s4, $0x5F40;
	[tilespmem:s0+$0xA8A0] =	vst v0;
	s7 =	smov.u32 s4;
	s4 =	sadd.s32 $0xC0, s4  }
.Ltmp0:
0x18: {  	[tilespmem:s0+$0xA880] =	vst v0;
	(pc) =	sbr.rel @p0 .LBB2_1-.Ltmp0, $2  }
0x19: {  	[tilespmem:s0+$0xA890] =	vst v0;
	_ =	sdelay $0x2  }
0x1a: {  	s0 =	sshra.s32 s7, $0x2  }
0x1b: {  	s4 =	smul.u32 $0x1E000, s1  }
0x1c: {  	[tilespmem:s0+$0xA8A0] =	vst v0  }
0x1d: {  	[tilespmem:s0+$0xA880] =	vst v0;
	s15 =	sshrl.u32 s4, $0x2  }
0x1e: {  	[tilespmem:s0+$0xA890] =	vst v0;
	s20 =	simm.s32 $0xA880;
	s5 =	simm.s32 $0x5;
	s10 =	sadd.s32 s15, s9  }
0x1f: {  	[spmem:s10] =	stream.linear.scatter [tilespmem:s20], [sflag:$0x5], $0x1800, $0x38;
	[tilespmem:$0x1C880] =	vst v63  }
0x20: {  	s7 =	sadd.s32 $0x6000, s4;
	_ =	swait.ge [sflag:s5], $0x1800  }
0x21: {  	s16 =	sshrl.u32 s7, $0x2;
	[sflag:s5] =	ssyncset.done $0x0  }
0x22: {  	s11 =	sadd.s32 s16, s9;
	[sflag:s5] =	ssyncadd.s32 $0xFFFFE800  }
0x23: {  	[spmem:s11] =	stream.linear.scatter [tilespmem:s20], [sflag:$0x5], $0x1800, $0x38;
	[tilespmem:$0x1C880] =	vst v63  }
0x24: {  	s21 =	sadd.s32 $0xC000, s4;
	_ =	swait.ge [sflag:s5], $0x1800  }
0x25: {  	s17 =	sshrl.u32 s21, $0x2;
	[sflag:s5] =	ssyncset.done $0x0  }
0x26: {  	s12 =	sadd.s32 s17, s9;
	[sflag:s5] =	ssyncadd.s32 $0xFFFFE800  }
0x27: {  	[spmem:s12] =	stream.linear.scatter [tilespmem:s20], [sflag:$0x5], $0x1800, $0x38;
	[tilespmem:$0x1C880] =	vst v63  }
0x28: {  	s22 =	sadd.s32 $0x12000, s4;
	_ =	swait.ge [sflag:s5], $0x1800  }
0x29: {  	s18 =	sshrl.u32 s22, $0x2;
	[sflag:s5] =	ssyncset.done $0x0  }
0x2a: {  	s13 =	sadd.s32 s18, s9;
	[sflag:s5] =	ssyncadd.s32 $0xFFFFE800  }
0x2b: {  	[spmem:s13] =	stream.linear.scatter [tilespmem:s20], [sflag:$0x5], $0x1800, $0x38;
	[tilespmem:$0x1C880] =	vst v63  }
0x2c: {  	s4 =	sadd.s32 $0x18000, s4;
	_ =	swait.ge [sflag:s5], $0x1800  }
0x2d: {  	s19 =	sshrl.u32 s4, $0x2;
	[sflag:s5] =	ssyncset.done $0x0  }
0x2e: {  	s14 =	sadd.s32 s19, s9;
	[sflag:s5] =	ssyncadd.s32 $0xFFFFE800  }
0x2f: {  	[spmem:s14] =	stream.linear.scatter [tilespmem:s20], [sflag:$0x5], $0x1800, $0x38;
	[tilespmem:$0x1C880] =	vst v63  }
0x30: {  	_ =	swait.ge [sflag:s5], $0x1800  }
0x31: {  	[sflag:s5] =	ssyncset.done $0x0  }
0x32: {  	s23 =	simm.s32 $0x0;
	[sflag:s5] =	ssyncadd.s32 $0xFFFFE800  }
0x33: {  	s21 =	simm.s32 $0x80;
	s22 =	simm.s32 $0x1;
	[bflag:$0x0] =	sbarrier.arrive $0xFFFF  }
0x34: {  	[tilespmem:s20], [sflag:$0x1] =	stream.indirect.gather [spmem:s2], $0x30, s23, s21, $0xb8;
	[tilespmem:$0x1C880] =	vst v63  }
0x35: {  	_ =	swait.ge [sflag:s22], $0x1800  }
0x36: {  	[sflag:s22] =	ssyncset.done $0x0  }
0x37: {  	s24 =	simm.s32 $0x5400;
	[sflag:s22] =	ssyncadd.s32 $0xFFFFE800  }
0x38: {  	[spmem:s9] =	stream.indirect.scatter.add.f32 [tilespmem:s20], [sflag:$0x3], $0x30, s24, s21, $0xb8;
	[tilespmem:$0x1C880] =	vst v63  }
0x39: {  	s23 =	simm.s32 $0xC080;
	s24 =	simm.s32 $0x2  }
0x3a: {  	[tilespmem:s23], [sflag:$0x2] =	stream.indirect.gather [spmem:s2], $0x30, s21, s21, $0xb8;
	[tilespmem:$0x1C880] =	vst v63  }
0x3b: {  	_ =	swait.ge [sflag:s24], $0x1800  }
0x3c: {  	[sflag:s24] =	ssyncset.done $0x0  }
0x3d: {  	s25 =	simm.s32 $0x5480;
	[sflag:s24] =	ssyncadd.s32 $0xFFFFE800  }
0x3e: {  	[spmem:s9] =	stream.indirect.scatter.add.f32 [tilespmem:s23], [sflag:$0x4], $0x30, s25, s21, $0xb8;
	[tilespmem:$0x1C880] =	vst v63  }
0x3f: {  	s25 =	simm.s32 $0x3  }
0x40: {  	_ =	swait.ge [sflag:s25], $0x1800  }
0x41: {  	[sflag:s25] =	ssyncset.done $0x0  }
0x42: {  	s26 =	simm.s32 $0x100;
	[sflag:s25] =	ssyncadd.s32 $0xFFFFE800  }
0x43: {  	[tilespmem:s20], [sflag:$0x1] =	stream.indirect.gather [spmem:s2], $0x30, s26, s21, $0xb8;
	[tilespmem:$0x1C880] =	vst v63  }
0x44: {  	_ =	swait.ge [sflag:s22], $0x1800  }
0x45: {  	[sflag:s22] =	ssyncset.done $0x0  }
0x46: {  	s29 =	simm.s32 $0x5500;
	s26 =	simm.s32 $0x4;
	[sflag:s22] =	ssyncadd.s32 $0xFFFFE800  }
0x47: {  	[spmem:s9] =	stream.indirect.scatter.add.f32 [tilespmem:s20], [sflag:$0x3], $0x30, s29, s21, $0xb8;
	[tilespmem:$0x1C880] =	vst v63  }
0x48: {  	_ =	swait.ge [sflag:s26], $0x1800  }
0x49: {  	[sflag:s26] =	ssyncset.done $0x0  }
0x4a: {  	s30 =	simm.s32 $0x180;
	[sflag:s26] =	ssyncadd.s32 $0xFFFFE800  }
0x4b: {  	[tilespmem:s23], [sflag:$0x2] =	stream.indirect.gather [spmem:s2], $0x30, s30, s21, $0xb8;
	[tilespmem:$0x1C880] =	vst v63  }
0x4c: {  	_ =	swait.ge [sflag:s24], $0x1800  }
0x4d: {  	[sflag:s24] =	ssyncset.done $0x0  }
0x4e: {  	s31 =	simm.s32 $0x5580;
	[sflag:s24] =	ssyncadd.s32 $0xFFFFE800  }
0x4f: {  	[spmem:s9] =	stream.indirect.scatter.add.f32 [tilespmem:s23], [sflag:$0x4], $0x30, s31, s21, $0xb8;
	[tilespmem:$0x1C880] =	vst v63  }
0x50: {  	_ =	swait.ge [sflag:s25], $0x1800  }
0x51: {  	[sflag:s25] =	ssyncset.done $0x0  }
0x52: {  	s28 =	simm.s32 $0xFFFEC000;
	s0 =	simm.s32 $0x200;
	[sflag:s25] =	ssyncadd.s32 $0xFFFFE800  }
.LBB2_3:
0x53: {  	[tilespmem:s20], [sflag:$0x1] =	stream.indirect.gather [spmem:s2], $0x30, s0, s21, $0xb8;
	[tilespmem:$0x1C880] =	vst v63  }
0x54: {  	s0 =	smov.u32 s28  }
0x55: {  	p0 =	sne.s32 s28, $0xFFFFFC00;
	s28 =	sadd.s32 $0x400, s28;
	_ =	swait.ge [sflag:s22], $0x1800  }
0x56: {  	s0 =	sshra.s32 s0, $0x2;
	[sflag:s22] =	ssyncset.done $0x0  }
0x57: {  	s4 =	sadd.s32 $0xA600, s0;
	[sflag:s22] =	ssyncadd.s32 $0xFFFFE800  }
0x58: {  	[spmem:s9] =	stream.indirect.scatter.add.f32 [tilespmem:s20], [sflag:$0x3], $0x30, s4, s21, $0xb8;
	[tilespmem:$0x1C880] =	vst v63  }
0x59: {  	_ =	swait.ge [sflag:s26], $0x1800  }
0x5a: {  	[sflag:s26] =	ssyncset.done $0x0  }
0x5b: {  	s4 =	sadd.s32 $0x5280, s0;
	[sflag:s26] =	ssyncadd.s32 $0xFFFFE800  }
0x5c: {  	[tilespmem:s23], [sflag:$0x2] =	stream.indirect.gather [spmem:s2], $0x30, s4, s21, $0xb8;
	[tilespmem:$0x1C880] =	vst v63  }
0x5d: {  	_ =	swait.ge [sflag:s24], $0x1800  }
0x5e: {  	[sflag:s24] =	ssyncset.done $0x0  }
.Ltmp1:
0x5f: {  	s4 =	sadd.s32 $0xA680, s0;
	[sflag:s24] =	ssyncadd.s32 $0xFFFFE800;
	(pc) =	sbr.rel @p0 .LBB2_3-.Ltmp1, $4  }
0x60: {  	[spmem:s9] =	stream.indirect.scatter.add.f32 [tilespmem:s23], [sflag:$0x4], $0x30, s4, s21, $0xb8;
	[tilespmem:$0x1C880] =	vst v63  }
0x61: {  	_ =	swait.ge [sflag:s25], $0x1800  }
0x62: {  	[sflag:s25] =	ssyncset.done $0x0  }
0x63: {  	s0 =	sadd.s32 $0x5300, s0;
	[sflag:s25] =	ssyncadd.s32 $0xFFFFE800  }
0x64: {  	[tilespmem:s20], [sflag:$0x1] =	stream.indirect.gather [spmem:s2], $0x30, s0, s21, $0xb8;
	[tilespmem:$0x1C880] =	vst v63  }
0x65: {  	s20 =	simm.s32 $0x1  }
0x66: {  	_ =	swait.ge [sflag:s20], $0x1800  }
0x67: {  	[sflag:s20] =	ssyncset.done $0x0  }
0x68: {  	s31 =	simm.s32 $0x4;
	[sflag:s20] =	ssyncadd.s32 $0xFFFFE800  }
0x69: {  	s21 =	simm.s32 $0x0;
	s22 =	simm.s32 $0xA880;
	_ =	swait.ge [sflag:s31], $0x1800  }
0x6a: {  	s23 =	simm.s32 $0xC080;
	s24 =	simm.s32 $0x2;
	[sflag:s31] =	ssyncset.done $0x0  }
0x6b: {  	s25 =	simm.s32 $0xA600;
	s26 =	simm.s32 $0x5;
	[sflag:s31] =	ssyncadd.s32 $0xFFFFE800  }
0x6c: {  	s28 =	simm.s32 $0x0;
	s29 =	simm.s32 $0x0;
	[bflag:$0x0] =	sbarrier.arrive $0xFFFF  }
.LBB2_5:
0x6d: {  	s0 =	sshll.u32 s29, $0x7  }
0x6e: {  	s0 =	sadd.s32 s3, s0  }
0x6f: {  	s0 =	smul.u32 $0x30, s0;
	_ =	sdelay $0x1  }
0x70: {  	s30 =	sadd.s32 s0, s9;
	s0 =	sshrl.u32 s0, $0x3  }
0x71: {  	[tilespmem:s22], [sflag:$0x1] =	stream.linear.gather [spmem:s30], $0x1800, $0x38;
	[tilespmem:$0x1C880] =	vst v63  }
0x72: {  	s0 =	sadd.s32 s8, s0  }
0x73: {  	[tilespmem:s23], [sflag:$0x2] =	stream.linear.gather [hbm4b:s0+s21], $0x1800, $0x38;
	[tilespmem:$0x1C880] =	vst v63  }
0x74: {  	_ =	swait.ge [sflag:s20], $0x1800  }
0x75: {  	[sflag:s20] =	ssyncset.done $0x0  }
0x76: {  	v0 =	vmov s28;
	[sflag:s20] =	ssyncadd.s32 $0xFFFFE800  }
0x77: {  	_ =	swait.ge [sflag:s24], $0x1800  }
0x78: {  	[sflag:s24] =	ssyncset.done $0x0  }
0x79: {  	s31 =	simm.s32 $0x0;
	[sflag:s24] =	ssyncadd.s32 $0xFFFFE800  }
0x7a: {  	v1 =	vld [tilespmem:s31+$0xA890]  }
0x7b: {  	v0 =	vld.idx.msk [tilespmem:v0+s25+$0x0], $0xffff  }
0x7c: {  	v3 =	vld [tilespmem:s31+$0xC080]  }
0x7d: {  	v2 =	vld [tilespmem:s31+$0xA880]  }
0x7e: {  	v4 =	vld [tilespmem:s31+$0xA8A0]  }
0x7f: {  	v5 =	vld [tilespmem:s31+$0xC090]  }
0x80: {  	v7 =	vmul.f32 v1, v0;
	v1 =	vld [tilespmem:s31+$0xC0A0];
	_ =	sdelay $0x1  }
0x81: {  	v6 =	vmul.f32 v2, v0  }
0x82: {  	s0 =	sadd.s32 $0x1, s28;
	v2 =	vmul.f32 v4, v0  }
0x83: {  	s7 =	simm.s32 $0xC0;
	s4 =	simm.s32 $0x180;
	v0 =	vmov s0;
	v4 =	vadd.f32 v3, v6;
	v3 =	vadd.f32 v5, v7  }
.LBB2_6:
0x84: {  	p0 =	sne.s32 s4, $0x5F40;
	v1 =	vadd.f32 v1, v2  }
0x85: {  	s5 =	sshra.s32 s7, $0x2;
	s7 =	smov.u32 s4;
	[tilespmem:s31+$0xA880] =	vst v4  }
0x86: {  	v4 =	vld [tilespmem:s5+$0xC080];
	[tilespmem:s31+$0xA890] =	vst v3  }
0x87: {  	v2 =	vld [tilespmem:s5+$0xA890];
	[tilespmem:s31+$0xA8A0] =	vst v1;
	s31 =	smov.u32 s5  }
0x88: {  	v0 =	vld.idx.msk [tilespmem:v0+s25+$0x0], $0xffff  }
0x89: {  	v3 =	vld [tilespmem:s31+$0xA880]  }
0x8a: {  	v5 =	vld [tilespmem:s31+$0xA8A0]  }
0x8b: {  	v6 =	vld [tilespmem:s31+$0xC090]  }
.Ltmp2:
0x8c: {  	v1 =	vld [tilespmem:s31+$0xC0A0];
	(pc) =	sbr.rel @p0 .LBB2_6-.Ltmp2, $4  }
0x8d: {  	_ = 	snop  }
0x8e: {  	v7 =	vmul.f32 v2, v0;
	v3 =	vmul.f32 v3, v0  }
0x8f: {  	s0 =	sadd.s32 $0x1, s0;
	v2 =	vmul.f32 v5, v0  }
0x90: {  	s4 =	sadd.s32 $0xC0, s4;
	v0 =	vmov s0;
	v4 =	vadd.f32 v4, v3;
	v3 =	vadd.f32 v6, v7  }
0x91: {  	_ = 	snop  }
0x92: {  	s0 =	sshra.s32 s7, $0x2;
	v1 =	vadd.f32 v1, v2;
	[tilespmem:s31+$0xA880] =	vst v4  }
0x93: {  	v4 =	vld [tilespmem:s0+$0xC080];
	[tilespmem:s31+$0xA890] =	vst v3  }
0x94: {  	v63 =	vld [tilespmem:s0+$0xA890];
	[tilespmem:s31+$0xA8A0] =	vst v1  }
0x95: {  	v0 =	vld.idx.msk [tilespmem:v0+s25+$0x0], $0xffff  }
0x96: {  	v1 =	vld [tilespmem:s0+$0xA880];
	_ =	sdelay $0x1  }
0x97: {  	v3 =	vld [tilespmem:s0+$0xA8A0]  }
0x98: {  	v5 =	vld [tilespmem:s0+$0xC090]  }
0x99: {  	v6 =	vld [tilespmem:s0+$0xC0A0]  }
0x9a: {  	v1 =	vmul.f32 v1, v0  }
0x9b: {  	v2 =	vmul.f32 v63, v0  }
0x9c: {  	v0 =	vmul.f32 v3, v0;
	v1 =	vadd.f32 v4, v1  }
0x9d: {  	v2 =	vadd.f32 v5, v2  }
0x9e: {  	s29 =	sadd.s32 $0x1, s29;
	v0 =	vadd.f32 v6, v0;
	[tilespmem:s0+$0xA880] =	vst v1  }
0x9f: {  	p0 =	sne.s32 s29, $0x5;
	[tilespmem:s0+$0xA890] =	vst v2  }
.Ltmp3:
0xa0: {  	[tilespmem:s0+$0xA8A0] =	vst v0;
	(pc) =	sbr.rel @p0 .LBB2_5-.Ltmp3, $4  }
0xa1: {  	[spmem:s30] =	stream.linear.scatter [tilespmem:s22], [sflag:$0x5], $0x1800, $0x38;
	[tilespmem:$0x1C880] =	vst v63  }
0xa2: {  	_ =	swait.ge [sflag:s26], $0x1800  }
0xa3: {  	[sflag:s26] =	ssyncset.done $0x0  }
0xa4: {  	s28 =	sadd.s32 $0x80, s28;
	[sflag:s26] =	ssyncadd.s32 $0xFFFFE800  }
0xa5: {  	v0 =	vimm.f32 $0.0e+00;
	s0 =	simm.s32 $0xC0;
	s4 =	simm.s32 $0x0  }
.LBB2_9:
0xa6: {  	p0 =	sne.s32 s0, $0x5F40;
	[tilespmem:s4+$0xA8A0] =	vst v0;
	s5 =	smov.u32 s0;
	s0 =	sadd.s32 $0xC0, s0  }
.Ltmp4:
0xa7: {  	[tilespmem:s4+$0xA880] =	vst v0;
	(pc) =	sbr.rel @p0 .LBB2_9-.Ltmp4, $2  }
0xa8: {  	[tilespmem:s4+$0xA890] =	vst v0;
	_ =	sdelay $0x2  }
0xa9: {  	s4 =	sshra.s32 s5, $0x2  }
0xaa: {  	[tilespmem:s4+$0xA8A0] =	vst v0  }
0xab: {  	[tilespmem:s4+$0xA880] =	vst v0  }
0xac: {  	[tilespmem:s4+$0xA890] =	vst v0;
	s15 =	sadd.s32 s15, s2;
	s20 =	simm.s32 $0xA880;
	s0 =	simm.s32 $0x5  }
0xad: {  	[spmem:s15] =	stream.linear.scatter [tilespmem:s20], [sflag:$0x5], $0x1800, $0x38;
	[tilespmem:$0x1C880] =	vst v63  }
0xae: {  	_ =	swait.ge [sflag:s0], $0x1800  }
0xaf: {  	[sflag:s0] =	ssyncset.done $0x0  }
0xb0: {  	s16 =	sadd.s32 s16, s2;
	[sflag:s0] =	ssyncadd.s32 $0xFFFFE800  }
0xb1: {  	[spmem:s16] =	stream.linear.scatter [tilespmem:s20], [sflag:$0x5], $0x1800, $0x38;
	[tilespmem:$0x1C880] =	vst v63  }
0xb2: {  	_ =	swait.ge [sflag:s0], $0x1800  }
0xb3: {  	[sflag:s0] =	ssyncset.done $0x0  }
0xb4: {  	s17 =	sadd.s32 s17, s2;
	[sflag:s0] =	ssyncadd.s32 $0xFFFFE800  }
0xb5: {  	[spmem:s17] =	stream.linear.scatter [tilespmem:s20], [sflag:$0x5], $0x1800, $0x38;
	[tilespmem:$0x1C880] =	vst v63  }
0xb6: {  	_ =	swait.ge [sflag:s0], $0x1800  }
0xb7: {  	[sflag:s0] =	ssyncset.done $0x0  }
0xb8: {  	s18 =	sadd.s32 s18, s2;
	[sflag:s0] =	ssyncadd.s32 $0xFFFFE800  }
0xb9: {  	[spmem:s18] =	stream.linear.scatter [tilespmem:s20], [sflag:$0x5], $0x1800, $0x38;
	[tilespmem:$0x1C880] =	vst v63  }
0xba: {  	_ =	swait.ge [sflag:s0], $0x1800  }
0xbb: {  	[sflag:s0] =	ssyncset.done $0x0  }
0xbc: {  	s19 =	sadd.s32 s19, s2;
	[sflag:s0] =	ssyncadd.s32 $0xFFFFE800  }
0xbd: {  	[spmem:s19] =	stream.linear.scatter [tilespmem:s20], [sflag:$0x5], $0x1800, $0x38;
	[tilespmem:$0x1C880] =	vst v63  }
0xbe: {  	_ =	swait.ge [sflag:s0], $0x1800  }
0xbf: {  	[sflag:s0] =	ssyncset.done $0x0  }
0xc0: {  	s21 =	simm.s32 $0x80;
	[sflag:s0] =	ssyncadd.s32 $0xFFFFE800  }
0xc1: {  	s24 =	simm.s32 $0x0;
	s22 =	simm.s32 $0x1;
	[bflag:$0x0] =	sbarrier.arrive $0xFFFF  }
0xc2: {  	[tilespmem:s20], [sflag:$0x1] =	stream.indirect.gather [spmem:s9], $0x30, s24, s21, $0xb8;
	[tilespmem:$0x1C880] =	vst v63  }
0xc3: {  	_ =	swait.ge [sflag:s22], $0x1800  }
0xc4: {  	[sflag:s22] =	ssyncset.done $0x0  }
0xc5: {  	s25 =	simm.s32 $0x5400;
	[sflag:s22] =	ssyncadd.s32 $0xFFFFE800  }
0xc6: {  	[spmem:s2] =	stream.indirect.scatter.add.f32 [tilespmem:s20], [sflag:$0x3], $0x30, s25, s21, $0xb8;
	[tilespmem:$0x1C880] =	vst v63  }
0xc7: {  	s23 =	simm.s32 $0xC080;
	s24 =	simm.s32 $0x2  }
0xc8: {  	[tilespmem:s23], [sflag:$0x2] =	stream.indirect.gather [spmem:s9], $0x30, s21, s21, $0xb8;
	[tilespmem:$0x1C880] =	vst v63  }
0xc9: {  	_ =	swait.ge [sflag:s24], $0x1800  }
0xca: {  	[sflag:s24] =	ssyncset.done $0x0  }
0xcb: {  	s26 =	simm.s32 $0x5480;
	s25 =	simm.s32 $0x3;
	[sflag:s24] =	ssyncadd.s32 $0xFFFFE800  }
0xcc: {  	[spmem:s2] =	stream.indirect.scatter.add.f32 [tilespmem:s23], [sflag:$0x4], $0x30, s26, s21, $0xb8;
	[tilespmem:$0x1C880] =	vst v63  }
0xcd: {  	_ =	swait.ge [sflag:s25], $0x1800  }
0xce: {  	[sflag:s25] =	ssyncset.done $0x0  }
0xcf: {  	s28 =	simm.s32 $0x100;
	[sflag:s25] =	ssyncadd.s32 $0xFFFFE800  }
0xd0: {  	[tilespmem:s20], [sflag:$0x1] =	stream.indirect.gather [spmem:s9], $0x30, s28, s21, $0xb8;
	[tilespmem:$0x1C880] =	vst v63  }
0xd1: {  	_ =	swait.ge [sflag:s22], $0x1800  }
0xd2: {  	[sflag:s22] =	ssyncset.done $0x0  }
0xd3: {  	s29 =	simm.s32 $0x5500;
	s26 =	simm.s32 $0x4;
	[sflag:s22] =	ssyncadd.s32 $0xFFFFE800  }
0xd4: {  	[spmem:s2] =	stream.indirect.scatter.add.f32 [tilespmem:s20], [sflag:$0x3], $0x30, s29, s21, $0xb8;
	[tilespmem:$0x1C880] =	vst v63  }
0xd5: {  	_ =	swait.ge [sflag:s26], $0x1800  }
0xd6: {  	[sflag:s26] =	ssyncset.done $0x0  }
0xd7: {  	s30 =	simm.s32 $0x180;
	[sflag:s26] =	ssyncadd.s32 $0xFFFFE800  }
0xd8: {  	[tilespmem:s23], [sflag:$0x2] =	stream.indirect.gather [spmem:s9], $0x30, s30, s21, $0xb8;
	[tilespmem:$0x1C880] =	vst v63  }
0xd9: {  	_ =	swait.ge [sflag:s24], $0x1800  }
0xda: {  	[sflag:s24] =	ssyncset.done $0x0  }
0xdb: {  	s31 =	simm.s32 $0x5580;
	[sflag:s24] =	ssyncadd.s32 $0xFFFFE800  }
0xdc: {  	[spmem:s2] =	stream.indirect.scatter.add.f32 [tilespmem:s23], [sflag:$0x4], $0x30, s31, s21, $0xb8;
	[tilespmem:$0x1C880] =	vst v63  }
0xdd: {  	_ =	swait.ge [sflag:s25], $0x1800  }
0xde: {  	[sflag:s25] =	ssyncset.done $0x0  }
0xdf: {  	s4 =	simm.s32 $0x200;
	s0 =	simm.s32 $0xFFFEC000;
	[sflag:s25] =	ssyncadd.s32 $0xFFFFE800  }
.LBB2_11:
0xe0: {  	[tilespmem:s20], [sflag:$0x1] =	stream.indirect.gather [spmem:s9], $0x30, s4, s21, $0xb8;
	[tilespmem:$0x1C880] =	vst v63  }
0xe1: {  	s4 =	smov.u32 s0  }
0xe2: {  	p0 =	sne.s32 s0, $0xFFFFFC00;
	s0 =	sadd.s32 $0x400, s0;
	_ =	swait.ge [sflag:s22], $0x1800  }
0xe3: {  	s4 =	sshra.s32 s4, $0x2;
	[sflag:s22] =	ssyncset.done $0x0  }
0xe4: {  	s5 =	sadd.s32 $0xA600, s4;
	[sflag:s22] =	ssyncadd.s32 $0xFFFFE800  }
0xe5: {  	[spmem:s2] =	stream.indirect.scatter.add.f32 [tilespmem:s20], [sflag:$0x3], $0x30, s5, s21, $0xb8;
	[tilespmem:$0x1C880] =	vst v63  }
0xe6: {  	_ =	swait.ge [sflag:s26], $0x1800  }
0xe7: {  	[sflag:s26] =	ssyncset.done $0x0  }
0xe8: {  	s5 =	sadd.s32 $0x5280, s4;
	[sflag:s26] =	ssyncadd.s32 $0xFFFFE800  }
0xe9: {  	[tilespmem:s23], [sflag:$0x2] =	stream.indirect.gather [spmem:s9], $0x30, s5, s21, $0xb8;
	[tilespmem:$0x1C880] =	vst v63  }
0xea: {  	_ =	swait.ge [sflag:s24], $0x1800  }
0xeb: {  	[sflag:s24] =	ssyncset.done $0x0  }
.Ltmp5:
0xec: {  	s5 =	sadd.s32 $0xA680, s4;
	[sflag:s24] =	ssyncadd.s32 $0xFFFFE800;
	(pc) =	sbr.rel @p0 .LBB2_11-.Ltmp5, $4  }
0xed: {  	[spmem:s2] =	stream.indirect.scatter.add.f32 [tilespmem:s23], [sflag:$0x4], $0x30, s5, s21, $0xb8;
	[tilespmem:$0x1C880] =	vst v63  }
0xee: {  	_ =	swait.ge [sflag:s25], $0x1800  }
0xef: {  	[sflag:s25] =	ssyncset.done $0x0  }
0xf0: {  	s4 =	sadd.s32 $0x5300, s4;
	[sflag:s25] =	ssyncadd.s32 $0xFFFFE800  }
0xf1: {  	[tilespmem:s20], [sflag:$0x1] =	stream.indirect.gather [spmem:s9], $0x30, s4, s21, $0xb8;
	[tilespmem:$0x1C880] =	vst v63  }
0xf2: {  	s20 =	simm.s32 $0x1  }
0xf3: {  	_ =	swait.ge [sflag:s20], $0x1800  }
0xf4: {  	[sflag:s20] =	ssyncset.done $0x0  }
0xf5: {  	s0 =	simm.s32 $0x4;
	[sflag:s20] =	ssyncadd.s32 $0xFFFFE800  }
0xf6: {  	s21 =	simm.s32 $0x0;
	s22 =	simm.s32 $0xA880;
	_ =	swait.ge [sflag:s0], $0x1800  }
0xf7: {  	s23 =	simm.s32 $0xC080;
	s24 =	simm.s32 $0x2;
	[sflag:s0] =	ssyncset.done $0x0  }
0xf8: {  	s25 =	simm.s32 $0xA600;
	s26 =	simm.s32 $0x5;
	[sflag:s0] =	ssyncadd.s32 $0xFFFFE800  }
0xf9: {  	s28 =	simm.s32 $0x0;
	s29 =	simm.s32 $0x0;
	[bflag:$0x0] =	sbarrier.arrive $0xFFFF  }
.LBB2_13:
0xfa: {  	s0 =	sshll.u32 s29, $0x7  }
0xfb: {  	s0 =	sadd.s32 s3, s0  }
0xfc: {  	s0 =	smul.u32 $0x30, s0;
	_ =	sdelay $0x1  }
0xfd: {  	s30 =	sadd.s32 s0, s2;
	s0 =	sshrl.u32 s0, $0x3  }
0xfe: {  	[tilespmem:s22], [sflag:$0x1] =	stream.linear.gather [spmem:s30], $0x1800, $0x38;
	[tilespmem:$0x1C880] =	vst v63  }
0xff: {  	s0 =	sadd.s32 s8, s0  }
0x100: {  	[tilespmem:s23], [sflag:$0x2] =	stream.linear.gather [hbm4b:s0+s21], $0x1800, $0x38;
	[tilespmem:$0x1C880] =	vst v63  }
0x101: {  	_ =	swait.ge [sflag:s20], $0x1800  }
0x102: {  	[sflag:s20] =	ssyncset.done $0x0  }
0x103: {  	v0 =	vmov s28;
	[sflag:s20] =	ssyncadd.s32 $0xFFFFE800  }
0x104: {  	_ =	swait.ge [sflag:s24], $0x1800  }
0x105: {  	[sflag:s24] =	ssyncset.done $0x0  }
0x106: {  	s31 =	simm.s32 $0x0;
	[sflag:s24] =	ssyncadd.s32 $0xFFFFE800  }
0x107: {  	v1 =	vld [tilespmem:s31+$0xA890]  }
0x108: {  	v0 =	vld.idx.msk [tilespmem:v0+s25+$0x0], $0xffff  }
0x109: {  	v3 =	vld [tilespmem:s31+$0xC080]  }
0x10a: {  	v2 =	vld [tilespmem:s31+$0xA880]  }
0x10b: {  	v4 =	vld [tilespmem:s31+$0xA8A0]  }
0x10c: {  	v5 =	vld [tilespmem:s31+$0xC090]  }
0x10d: {  	v7 =	vmul.f32 v1, v0;
	v1 =	vld [tilespmem:s31+$0xC0A0];
	_ =	sdelay $0x1  }
0x10e: {  	v6 =	vmul.f32 v2, v0  }
0x10f: {  	s0 =	sadd.s32 $0x1, s28;
	v2 =	vmul.f32 v4, v0  }
0x110: {  	s7 =	simm.s32 $0xC0;
	s4 =	simm.s32 $0x180;
	v0 =	vmov s0;
	v4 =	vadd.f32 v3, v6;
	v3 =	vadd.f32 v5, v7  }
.LBB2_14:
0x111: {  	p0 =	sne.s32 s4, $0x5F40;
	v1 =	vadd.f32 v1, v2  }
0x112: {  	s5 =	sshra.s32 s7, $0x2;
	s7 =	smov.u32 s4;
	[tilespmem:s31+$0xA880] =	vst v4  }
0x113: {  	v4 =	vld [tilespmem:s5+$0xC080];
	[tilespmem:s31+$0xA890] =	vst v3  }
0x114: {  	v2 =	vld [tilespmem:s5+$0xA890];
	[tilespmem:s31+$0xA8A0] =	vst v1;
	s31 =	smov.u32 s5  }
0x115: {  	v0 =	vld.idx.msk [tilespmem:v0+s25+$0x0], $0xffff  }
0x116: {  	v3 =	vld [tilespmem:s31+$0xA880]  }
0x117: {  	v5 =	vld [tilespmem:s31+$0xA8A0]  }
0x118: {  	v6 =	vld [tilespmem:s31+$0xC090]  }
.Ltmp6:
0x119: {  	v1 =	vld [tilespmem:s31+$0xC0A0];
	(pc) =	sbr.rel @p0 .LBB2_14-.Ltmp6, $4  }
0x11a: {  	_ = 	snop  }
0x11b: {  	v7 =	vmul.f32 v2, v0;
	v3 =	vmul.f32 v3, v0  }
0x11c: {  	s0 =	sadd.s32 $0x1, s0;
	v2 =	vmul.f32 v5, v0  }
0x11d: {  	s4 =	sadd.s32 $0xC0, s4;
	v0 =	vmov s0;
	v4 =	vadd.f32 v4, v3;
	v3 =	vadd.f32 v6, v7  }
0x11e: {  	_ = 	snop  }
0x11f: {  	s0 =	sshra.s32 s7, $0x2;
	v1 =	vadd.f32 v1, v2;
	[tilespmem:s31+$0xA880] =	vst v4  }
0x120: {  	v4 =	vld [tilespmem:s0+$0xC080];
	[tilespmem:s31+$0xA890] =	vst v3  }
0x121: {  	v63 =	vld [tilespmem:s0+$0xA890];
	[tilespmem:s31+$0xA8A0] =	vst v1  }
0x122: {  	v0 =	vld.idx.msk [tilespmem:v0+s25+$0x0], $0xffff  }
0x123: {  	v1 =	vld [tilespmem:s0+$0xA880];
	_ =	sdelay $0x1  }
0x124: {  	v3 =	vld [tilespmem:s0+$0xA8A0]  }
0x125: {  	v5 =	vld [tilespmem:s0+$0xC090]  }
0x126: {  	v6 =	vld [tilespmem:s0+$0xC0A0]  }
0x127: {  	v1 =	vmul.f32 v1, v0  }
0x128: {  	v2 =	vmul.f32 v63, v0  }
0x129: {  	v0 =	vmul.f32 v3, v0;
	v1 =	vadd.f32 v4, v1  }
0x12a: {  	v2 =	vadd.f32 v5, v2  }
0x12b: {  	s29 =	sadd.s32 $0x1, s29;
	v0 =	vadd.f32 v6, v0;
	[tilespmem:s0+$0xA880] =	vst v1  }
0x12c: {  	p0 =	sne.s32 s29, $0x5;
	[tilespmem:s0+$0xA890] =	vst v2  }
.Ltmp7:
0x12d: {  	[tilespmem:s0+$0xA8A0] =	vst v0;
	(pc) =	sbr.rel @p0 .LBB2_13-.Ltmp7, $4  }
0x12e: {  	[spmem:s30] =	stream.linear.scatter [tilespmem:s22], [sflag:$0x5], $0x1800, $0x38;
	[tilespmem:$0x1C880] =	vst v63  }
0x12f: {  	_ =	swait.ge [sflag:s26], $0x1800  }
0x130: {  	[sflag:s26] =	ssyncset.done $0x0  }
0x131: {  	s28 =	sadd.s32 $0x80, s28;
	[sflag:s26] =	ssyncadd.s32 $0xFFFFE800  }
0x132: {  	v0 =	vimm.f32 $0.0e+00;
	s0 =	simm.s32 $0xC0;
	s4 =	simm.s32 $0x0  }
.LBB2_17:
0x133: {  	p0 =	sne.s32 s0, $0x5F40;
	[tilespmem:s4+$0xA8A0] =	vst v0;
	s5 =	smov.u32 s0;
	s0 =	sadd.s32 $0xC0, s0  }
.Ltmp8:
0x134: {  	[tilespmem:s4+$0xA880] =	vst v0;
	(pc) =	sbr.rel @p0 .LBB2_17-.Ltmp8, $2  }
0x135: {  	[tilespmem:s4+$0xA890] =	vst v0;
	_ =	sdelay $0x2  }
0x136: {  	s4 =	sshra.s32 s5, $0x2  }
0x137: {  	[tilespmem:s4+$0xA8A0] =	vst v0  }
0x138: {  	[tilespmem:s4+$0xA880] =	vst v0  }
0x139: {  	[tilespmem:s4+$0xA890] =	vst v0;
	s20 =	simm.s32 $0xA880;
	s0 =	simm.s32 $0x5  }
0x13a: {  	[spmem:s10] =	stream.linear.scatter [tilespmem:s20], [sflag:$0x5], $0x1800, $0x38;
	[tilespmem:$0x1C880] =	vst v63  }
0x13b: {  	_ =	swait.ge [sflag:s0], $0x1800  }
0x13c: {  	[sflag:s0] =	ssyncset.done $0x0  }
0x13d: {  	[sflag:s0] =	ssyncadd.s32 $0xFFFFE800  }
0x13e: {  	[spmem:s11] =	stream.linear.scatter [tilespmem:s20], [sflag:$0x5], $0x1800, $0x38;
	[tilespmem:$0x1C880] =	vst v63  }
0x13f: {  	_ =	swait.ge [sflag:s0], $0x1800  }
0x140: {  	[sflag:s0] =	ssyncset.done $0x0  }
0x141: {  	[sflag:s0] =	ssyncadd.s32 $0xFFFFE800  }
0x142: {  	[spmem:s12] =	stream.linear.scatter [tilespmem:s20], [sflag:$0x5], $0x1800, $0x38;
	[tilespmem:$0x1C880] =	vst v63  }
0x143: {  	_ =	swait.ge [sflag:s0], $0x1800  }
0x144: {  	[sflag:s0] =	ssyncset.done $0x0  }
0x145: {  	[sflag:s0] =	ssyncadd.s32 $0xFFFFE800  }
0x146: {  	[spmem:s13] =	stream.linear.scatter [tilespmem:s20], [sflag:$0x5], $0x1800, $0x38;
	[tilespmem:$0x1C880] =	vst v63  }
0x147: {  	_ =	swait.ge [sflag:s0], $0x1800  }
0x148: {  	[sflag:s0] =	ssyncset.done $0x0  }
0x149: {  	[sflag:s0] =	ssyncadd.s32 $0xFFFFE800  }
0x14a: {  	[spmem:s14] =	stream.linear.scatter [tilespmem:s20], [sflag:$0x5], $0x1800, $0x38;
	[tilespmem:$0x1C880] =	vst v63  }
0x14b: {  	_ =	swait.ge [sflag:s0], $0x1800  }
0x14c: {  	[sflag:s0] =	ssyncset.done $0x0  }
0x14d: {  	s21 =	simm.s32 $0x80;
	[sflag:s0] =	ssyncadd.s32 $0xFFFFE800  }
0x14e: {  	s24 =	simm.s32 $0x0;
	s22 =	simm.s32 $0x1;
	[bflag:$0x0] =	sbarrier.arrive $0xFFFF  }
0x14f: {  	[tilespmem:s20], [sflag:$0x1] =	stream.indirect.gather [spmem:s2], $0x30, s24, s21, $0xb8;
	[tilespmem:$0x1C880] =	vst v63  }
0x150: {  	_ =	swait.ge [sflag:s22], $0x1800  }
0x151: {  	[sflag:s22] =	ssyncset.done $0x0  }
0x152: {  	s25 =	simm.s32 $0x5400;
	[sflag:s22] =	ssyncadd.s32 $0xFFFFE800  }
0x153: {  	[spmem:s9] =	stream.indirect.scatter.add.f32 [tilespmem:s20], [sflag:$0x3], $0x30, s25, s21, $0xb8;
	[tilespmem:$0x1C880] =	vst v63  }
0x154: {  	s23 =	simm.s32 $0xC080;
	s24 =	simm.s32 $0x2  }
0x155: {  	[tilespmem:s23], [sflag:$0x2] =	stream.indirect.gather [spmem:s2], $0x30, s21, s21, $0xb8;
	[tilespmem:$0x1C880] =	vst v63  }
0x156: {  	_ =	swait.ge [sflag:s24], $0x1800  }
0x157: {  	[sflag:s24] =	ssyncset.done $0x0  }
0x158: {  	s26 =	simm.s32 $0x5480;
	s25 =	simm.s32 $0x3;
	[sflag:s24] =	ssyncadd.s32 $0xFFFFE800  }
0x159: {  	[spmem:s9] =	stream.indirect.scatter.add.f32 [tilespmem:s23], [sflag:$0x4], $0x30, s26, s21, $0xb8;
	[tilespmem:$0x1C880] =	vst v63  }
0x15a: {  	_ =	swait.ge [sflag:s25], $0x1800  }
0x15b: {  	[sflag:s25] =	ssyncset.done $0x0  }
0x15c: {  	s28 =	simm.s32 $0x100;
	[sflag:s25] =	ssyncadd.s32 $0xFFFFE800  }
0x15d: {  	[tilespmem:s20], [sflag:$0x1] =	stream.indirect.gather [spmem:s2], $0x30, s28, s21, $0xb8;
	[tilespmem:$0x1C880] =	vst v63  }
0x15e: {  	_ =	swait.ge [sflag:s22], $0x1800  }
0x15f: {  	[sflag:s22] =	ssyncset.done $0x0  }
0x160: {  	s29 =	simm.s32 $0x5500;
	s26 =	simm.s32 $0x4;
	[sflag:s22] =	ssyncadd.s32 $0xFFFFE800  }
0x161: {  	[spmem:s9] =	stream.indirect.scatter.add.f32 [tilespmem:s20], [sflag:$0x3], $0x30, s29, s21, $0xb8;
	[tilespmem:$0x1C880] =	vst v63  }
0x162: {  	_ =	swait.ge [sflag:s26], $0x1800  }
0x163: {  	[sflag:s26] =	ssyncset.done $0x0  }
0x164: {  	s30 =	simm.s32 $0x180;
	[sflag:s26] =	ssyncadd.s32 $0xFFFFE800  }
0x165: {  	[tilespmem:s23], [sflag:$0x2] =	stream.indirect.gather [spmem:s2], $0x30, s30, s21, $0xb8;
	[tilespmem:$0x1C880] =	vst v63  }
0x166: {  	_ =	swait.ge [sflag:s24], $0x1800  }
0x167: {  	[sflag:s24] =	ssyncset.done $0x0  }
0x168: {  	s31 =	simm.s32 $0x5580;
	[sflag:s24] =	ssyncadd.s32 $0xFFFFE800  }
0x169: {  	[spmem:s9] =	stream.indirect.scatter.add.f32 [tilespmem:s23], [sflag:$0x4], $0x30, s31, s21, $0xb8;
	[tilespmem:$0x1C880] =	vst v63  }
0x16a: {  	_ =	swait.ge [sflag:s25], $0x1800  }
0x16b: {  	[sflag:s25] =	ssyncset.done $0x0  }
0x16c: {  	s4 =	simm.s32 $0x200;
	s0 =	simm.s32 $0xFFFEC000;
	[sflag:s25] =	ssyncadd.s32 $0xFFFFE800  }
.LBB2_19:
0x16d: {  	[tilespmem:s20], [sflag:$0x1] =	stream.indirect.gather [spmem:s2], $0x30, s4, s21, $0xb8;
	[tilespmem:$0x1C880] =	vst v63  }
0x16e: {  	s4 =	smov.u32 s0  }
0x16f: {  	p0 =	sne.s32 s0, $0xFFFFFC00;
	s0 =	sadd.s32 $0x400, s0;
	_ =	swait.ge [sflag:s22], $0x1800  }
0x170: {  	s4 =	sshra.s32 s4, $0x2;
	[sflag:s22] =	ssyncset.done $0x0  }
0x171: {  	s5 =	sadd.s32 $0xA600, s4;
	[sflag:s22] =	ssyncadd.s32 $0xFFFFE800  }
0x172: {  	[spmem:s9] =	stream.indirect.scatter.add.f32 [tilespmem:s20], [sflag:$0x3], $0x30, s5, s21, $0xb8;
	[tilespmem:$0x1C880] =	vst v63  }
0x173: {  	_ =	swait.ge [sflag:s26], $0x1800  }
0x174: {  	[sflag:s26] =	ssyncset.done $0x0  }
0x175: {  	s5 =	sadd.s32 $0x5280, s4;
	[sflag:s26] =	ssyncadd.s32 $0xFFFFE800  }
0x176: {  	[tilespmem:s23], [sflag:$0x2] =	stream.indirect.gather [spmem:s2], $0x30, s5, s21, $0xb8;
	[tilespmem:$0x1C880] =	vst v63  }
0x177: {  	_ =	swait.ge [sflag:s24], $0x1800  }
0x178: {  	[sflag:s24] =	ssyncset.done $0x0  }
.Ltmp9:
0x179: {  	s5 =	sadd.s32 $0xA680, s4;
	[sflag:s24] =	ssyncadd.s32 $0xFFFFE800;
	(pc) =	sbr.rel @p0 .LBB2_19-.Ltmp9, $4  }
0x17a: {  	[spmem:s9] =	stream.indirect.scatter.add.f32 [tilespmem:s23], [sflag:$0x4], $0x30, s5, s21, $0xb8;
	[tilespmem:$0x1C880] =	vst v63  }
0x17b: {  	_ =	swait.ge [sflag:s25], $0x1800  }
0x17c: {  	[sflag:s25] =	ssyncset.done $0x0  }
0x17d: {  	s4 =	sadd.s32 $0x5300, s4;
	[sflag:s25] =	ssyncadd.s32 $0xFFFFE800  }
0x17e: {  	[tilespmem:s20], [sflag:$0x1] =	stream.indirect.gather [spmem:s2], $0x30, s4, s21, $0xb8;
	[tilespmem:$0x1C880] =	vst v63  }
0x17f: {  	s20 =	simm.s32 $0x1  }
0x180: {  	_ =	swait.ge [sflag:s20], $0x1800  }
0x181: {  	[sflag:s20] =	ssyncset.done $0x0  }
0x182: {  	s0 =	simm.s32 $0x4;
	[sflag:s20] =	ssyncadd.s32 $0xFFFFE800  }
0x183: {  	s21 =	simm.s32 $0x0;
	s22 =	simm.s32 $0xA880;
	_ =	swait.ge [sflag:s0], $0x1800  }
0x184: {  	s23 =	simm.s32 $0xC080;
	s24 =	simm.s32 $0x2;
	[sflag:s0] =	ssyncset.done $0x0  }
0x185: {  	s25 =	simm.s32 $0xA600;
	s26 =	simm.s32 $0x5;
	[sflag:s0] =	ssyncadd.s32 $0xFFFFE800  }
0x186: {  	s28 =	simm.s32 $0x0;
	s29 =	simm.s32 $0x0;
	[bflag:$0x0] =	sbarrier.arrive $0xFFFF  }
.LBB2_21:
0x187: {  	s0 =	sshll.u32 s29, $0x7  }
0x188: {  	s0 =	sadd.s32 s3, s0  }
0x189: {  	s0 =	smul.u32 $0x30, s0;
	_ =	sdelay $0x1  }
0x18a: {  	s30 =	sadd.s32 s0, s9;
	s0 =	sshrl.u32 s0, $0x3  }
0x18b: {  	[tilespmem:s22], [sflag:$0x1] =	stream.linear.gather [spmem:s30], $0x1800, $0x38;
	[tilespmem:$0x1C880] =	vst v63  }
0x18c: {  	s0 =	sadd.s32 s8, s0  }
0x18d: {  	[tilespmem:s23], [sflag:$0x2] =	stream.linear.gather [hbm4b:s0+s21], $0x1800, $0x38;
	[tilespmem:$0x1C880] =	vst v63  }
0x18e: {  	_ =	swait.ge [sflag:s20], $0x1800  }
0x18f: {  	[sflag:s20] =	ssyncset.done $0x0  }
0x190: {  	v0 =	vmov s28;
	[sflag:s20] =	ssyncadd.s32 $0xFFFFE800  }
0x191: {  	_ =	swait.ge [sflag:s24], $0x1800  }
0x192: {  	[sflag:s24] =	ssyncset.done $0x0  }
0x193: {  	s31 =	simm.s32 $0x0;
	[sflag:s24] =	ssyncadd.s32 $0xFFFFE800  }
0x194: {  	v1 =	vld [tilespmem:s31+$0xA890]  }
0x195: {  	v0 =	vld.idx.msk [tilespmem:v0+s25+$0x0], $0xffff  }
0x196: {  	v3 =	vld [tilespmem:s31+$0xC080]  }
0x197: {  	v2 =	vld [tilespmem:s31+$0xA880]  }
0x198: {  	v4 =	vld [tilespmem:s31+$0xA8A0]  }
0x199: {  	v5 =	vld [tilespmem:s31+$0xC090]  }
0x19a: {  	v7 =	vmul.f32 v1, v0;
	v1 =	vld [tilespmem:s31+$0xC0A0];
	_ =	sdelay $0x1  }
0x19b: {  	v6 =	vmul.f32 v2, v0  }
0x19c: {  	s0 =	sadd.s32 $0x1, s28;
	v2 =	vmul.f32 v4, v0  }
0x19d: {  	s7 =	simm.s32 $0xC0;
	s4 =	simm.s32 $0x180;
	v0 =	vmov s0;
	v4 =	vadd.f32 v3, v6;
	v3 =	vadd.f32 v5, v7  }
.LBB2_22:
0x19e: {  	p0 =	sne.s32 s4, $0x5F40;
	v1 =	vadd.f32 v1, v2  }
0x19f: {  	s5 =	sshra.s32 s7, $0x2;
	s7 =	smov.u32 s4;
	[tilespmem:s31+$0xA880] =	vst v4  }
0x1a0: {  	v4 =	vld [tilespmem:s5+$0xC080];
	[tilespmem:s31+$0xA890] =	vst v3  }
0x1a1: {  	v2 =	vld [tilespmem:s5+$0xA890];
	[tilespmem:s31+$0xA8A0] =	vst v1;
	s31 =	smov.u32 s5  }
0x1a2: {  	v0 =	vld.idx.msk [tilespmem:v0+s25+$0x0], $0xffff  }
0x1a3: {  	v3 =	vld [tilespmem:s31+$0xA880]  }
0x1a4: {  	v5 =	vld [tilespmem:s31+$0xA8A0]  }
0x1a5: {  	v6 =	vld [tilespmem:s31+$0xC090]  }
.Ltmp10:
0x1a6: {  	v1 =	vld [tilespmem:s31+$0xC0A0];
	(pc) =	sbr.rel @p0 .LBB2_22-.Ltmp10, $4  }
0x1a7: {  	_ = 	snop  }
0x1a8: {  	v7 =	vmul.f32 v2, v0;
	v3 =	vmul.f32 v3, v0  }
0x1a9: {  	s0 =	sadd.s32 $0x1, s0;
	v2 =	vmul.f32 v5, v0  }
0x1aa: {  	s4 =	sadd.s32 $0xC0, s4;
	v0 =	vmov s0;
	v4 =	vadd.f32 v4, v3;
	v3 =	vadd.f32 v6, v7  }
0x1ab: {  	_ = 	snop  }
0x1ac: {  	s0 =	sshra.s32 s7, $0x2;
	v1 =	vadd.f32 v1, v2;
	[tilespmem:s31+$0xA880] =	vst v4  }
0x1ad: {  	v4 =	vld [tilespmem:s0+$0xC080];
	[tilespmem:s31+$0xA890] =	vst v3  }
0x1ae: {  	v63 =	vld [tilespmem:s0+$0xA890];
	[tilespmem:s31+$0xA8A0] =	vst v1  }
0x1af: {  	v0 =	vld.idx.msk [tilespmem:v0+s25+$0x0], $0xffff  }
0x1b0: {  	v1 =	vld [tilespmem:s0+$0xA880];
	_ =	sdelay $0x1  }
0x1b1: {  	v3 =	vld [tilespmem:s0+$0xA8A0]  }
0x1b2: {  	v5 =	vld [tilespmem:s0+$0xC090]  }
0x1b3: {  	v6 =	vld [tilespmem:s0+$0xC0A0]  }
0x1b4: {  	v1 =	vmul.f32 v1, v0  }
0x1b5: {  	v2 =	vmul.f32 v63, v0  }
0x1b6: {  	v0 =	vmul.f32 v3, v0;
	v1 =	vadd.f32 v4, v1  }
0x1b7: {  	v2 =	vadd.f32 v5, v2  }
0x1b8: {  	s29 =	sadd.s32 $0x1, s29;
	v0 =	vadd.f32 v6, v0;
	[tilespmem:s0+$0xA880] =	vst v1  }
0x1b9: {  	p0 =	sne.s32 s29, $0x5;
	[tilespmem:s0+$0xA890] =	vst v2  }
.Ltmp11:
0x1ba: {  	[tilespmem:s0+$0xA8A0] =	vst v0;
	(pc) =	sbr.rel @p0 .LBB2_21-.Ltmp11, $4  }
0x1bb: {  	[spmem:s30] =	stream.linear.scatter [tilespmem:s22], [sflag:$0x5], $0x1800, $0x38;
	[tilespmem:$0x1C880] =	vst v63  }
0x1bc: {  	_ =	swait.ge [sflag:s26], $0x1800  }
0x1bd: {  	[sflag:s26] =	ssyncset.done $0x0  }
0x1be: {  	s28 =	sadd.s32 $0x80, s28;
	[sflag:s26] =	ssyncadd.s32 $0xFFFFE800  }
0x1bf: {  	v0 =	vimm.f32 $0.0e+00;
	s0 =	simm.s32 $0xC0;
	s4 =	simm.s32 $0x0  }
.LBB2_25:
0x1c0: {  	p0 =	sne.s32 s0, $0x5F40;
	[tilespmem:s4+$0xA8A0] =	vst v0;
	s5 =	smov.u32 s0;
	s0 =	sadd.s32 $0xC0, s0  }
.Ltmp12:
0x1c1: {  	[tilespmem:s4+$0xA880] =	vst v0;
	(pc) =	sbr.rel @p0 .LBB2_25-.Ltmp12, $2  }
0x1c2: {  	[tilespmem:s4+$0xA890] =	vst v0;
	_ =	sdelay $0x2  }
0x1c3: {  	s4 =	sshra.s32 s5, $0x2  }
0x1c4: {  	[tilespmem:s4+$0xA8A0] =	vst v0  }
0x1c5: {  	[tilespmem:s4+$0xA880] =	vst v0  }
0x1c6: {  	[tilespmem:s4+$0xA890] =	vst v0;
	s20 =	simm.s32 $0xA880;
	s0 =	simm.s32 $0x5  }
0x1c7: {  	[spmem:s15] =	stream.linear.scatter [tilespmem:s20], [sflag:$0x5], $0x1800, $0x38;
	[tilespmem:$0x1C880] =	vst v63  }
0x1c8: {  	_ =	swait.ge [sflag:s0], $0x1800  }
0x1c9: {  	[sflag:s0] =	ssyncset.done $0x0  }
0x1ca: {  	[sflag:s0] =	ssyncadd.s32 $0xFFFFE800  }
0x1cb: {  	[spmem:s16] =	stream.linear.scatter [tilespmem:s20], [sflag:$0x5], $0x1800, $0x38;
	[tilespmem:$0x1C880] =	vst v63  }
0x1cc: {  	_ =	swait.ge [sflag:s0], $0x1800  }
0x1cd: {  	[sflag:s0] =	ssyncset.done $0x0  }
0x1ce: {  	[sflag:s0] =	ssyncadd.s32 $0xFFFFE800  }
0x1cf: {  	[spmem:s17] =	stream.linear.scatter [tilespmem:s20], [sflag:$0x5], $0x1800, $0x38;
	[tilespmem:$0x1C880] =	vst v63  }
0x1d0: {  	_ =	swait.ge [sflag:s0], $0x1800  }
0x1d1: {  	[sflag:s0] =	ssyncset.done $0x0  }
0x1d2: {  	[sflag:s0] =	ssyncadd.s32 $0xFFFFE800  }
0x1d3: {  	[spmem:s18] =	stream.linear.scatter [tilespmem:s20], [sflag:$0x5], $0x1800, $0x38;
	[tilespmem:$0x1C880] =	vst v63  }
0x1d4: {  	_ =	swait.ge [sflag:s0], $0x1800  }
0x1d5: {  	[sflag:s0] =	ssyncset.done $0x0  }
0x1d6: {  	[sflag:s0] =	ssyncadd.s32 $0xFFFFE800  }
0x1d7: {  	[spmem:s19] =	stream.linear.scatter [tilespmem:s20], [sflag:$0x5], $0x1800, $0x38;
	[tilespmem:$0x1C880] =	vst v63  }
0x1d8: {  	_ =	swait.ge [sflag:s0], $0x1800  }
0x1d9: {  	[sflag:s0] =	ssyncset.done $0x0  }
0x1da: {  	s21 =	simm.s32 $0x80;
	[sflag:s0] =	ssyncadd.s32 $0xFFFFE800  }
0x1db: {  	s24 =	simm.s32 $0x0;
	s22 =	simm.s32 $0x1;
	[bflag:$0x0] =	sbarrier.arrive $0xFFFF  }
0x1dc: {  	[tilespmem:s20], [sflag:$0x1] =	stream.indirect.gather [spmem:s9], $0x30, s24, s21, $0xb8;
	[tilespmem:$0x1C880] =	vst v63  }
0x1dd: {  	_ =	swait.ge [sflag:s22], $0x1800  }
0x1de: {  	[sflag:s22] =	ssyncset.done $0x0  }
0x1df: {  	s25 =	simm.s32 $0x5400;
	[sflag:s22] =	ssyncadd.s32 $0xFFFFE800  }
0x1e0: {  	[spmem:s2] =	stream.indirect.scatter.add.f32 [tilespmem:s20], [sflag:$0x3], $0x30, s25, s21, $0xb8;
	[tilespmem:$0x1C880] =	vst v63  }
0x1e1: {  	s23 =	simm.s32 $0xC080;
	s24 =	simm.s32 $0x2  }
0x1e2: {  	[tilespmem:s23], [sflag:$0x2] =	stream.indirect.gather [spmem:s9], $0x30, s21, s21, $0xb8;
	[tilespmem:$0x1C880] =	vst v63  }
0x1e3: {  	_ =	swait.ge [sflag:s24], $0x1800  }
0x1e4: {  	[sflag:s24] =	ssyncset.done $0x0  }
0x1e5: {  	s26 =	simm.s32 $0x5480;
	s25 =	simm.s32 $0x3;
	[sflag:s24] =	ssyncadd.s32 $0xFFFFE800  }
0x1e6: {  	[spmem:s2] =	stream.indirect.scatter.add.f32 [tilespmem:s23], [sflag:$0x4], $0x30, s26, s21, $0xb8;
	[tilespmem:$0x1C880] =	vst v63  }
0x1e7: {  	_ =	swait.ge [sflag:s25], $0x1800  }
0x1e8: {  	[sflag:s25] =	ssyncset.done $0x0  }
0x1e9: {  	s28 =	simm.s32 $0x100;
	[sflag:s25] =	ssyncadd.s32 $0xFFFFE800  }
0x1ea: {  	[tilespmem:s20], [sflag:$0x1] =	stream.indirect.gather [spmem:s9], $0x30, s28, s21, $0xb8;
	[tilespmem:$0x1C880] =	vst v63  }
0x1eb: {  	_ =	swait.ge [sflag:s22], $0x1800  }
0x1ec: {  	[sflag:s22] =	ssyncset.done $0x0  }
0x1ed: {  	s29 =	simm.s32 $0x5500;
	s26 =	simm.s32 $0x4;
	[sflag:s22] =	ssyncadd.s32 $0xFFFFE800  }
0x1ee: {  	[spmem:s2] =	stream.indirect.scatter.add.f32 [tilespmem:s20], [sflag:$0x3], $0x30, s29, s21, $0xb8;
	[tilespmem:$0x1C880] =	vst v63  }
0x1ef: {  	_ =	swait.ge [sflag:s26], $0x1800  }
0x1f0: {  	[sflag:s26] =	ssyncset.done $0x0  }
0x1f1: {  	s30 =	simm.s32 $0x180;
	[sflag:s26] =	ssyncadd.s32 $0xFFFFE800  }
0x1f2: {  	[tilespmem:s23], [sflag:$0x2] =	stream.indirect.gather [spmem:s9], $0x30, s30, s21, $0xb8;
	[tilespmem:$0x1C880] =	vst v63  }
0x1f3: {  	_ =	swait.ge [sflag:s24], $0x1800  }
0x1f4: {  	[sflag:s24] =	ssyncset.done $0x0  }
0x1f5: {  	s31 =	simm.s32 $0x5580;
	[sflag:s24] =	ssyncadd.s32 $0xFFFFE800  }
0x1f6: {  	[spmem:s2] =	stream.indirect.scatter.add.f32 [tilespmem:s23], [sflag:$0x4], $0x30, s31, s21, $0xb8;
	[tilespmem:$0x1C880] =	vst v63  }
0x1f7: {  	_ =	swait.ge [sflag:s25], $0x1800  }
0x1f8: {  	[sflag:s25] =	ssyncset.done $0x0  }
0x1f9: {  	s4 =	simm.s32 $0x200;
	s0 =	simm.s32 $0xFFFEC000;
	[sflag:s25] =	ssyncadd.s32 $0xFFFFE800  }
.LBB2_27:
0x1fa: {  	[tilespmem:s20], [sflag:$0x1] =	stream.indirect.gather [spmem:s9], $0x30, s4, s21, $0xb8;
	[tilespmem:$0x1C880] =	vst v63  }
0x1fb: {  	s4 =	smov.u32 s0  }
0x1fc: {  	p0 =	sne.s32 s0, $0xFFFFFC00;
	s0 =	sadd.s32 $0x400, s0;
	_ =	swait.ge [sflag:s22], $0x1800  }
0x1fd: {  	s4 =	sshra.s32 s4, $0x2;
	[sflag:s22] =	ssyncset.done $0x0  }
0x1fe: {  	s5 =	sadd.s32 $0xA600, s4;
	[sflag:s22] =	ssyncadd.s32 $0xFFFFE800  }
0x1ff: {  	[spmem:s2] =	stream.indirect.scatter.add.f32 [tilespmem:s20], [sflag:$0x3], $0x30, s5, s21, $0xb8;
	[tilespmem:$0x1C880] =	vst v63  }
0x200: {  	_ =	swait.ge [sflag:s26], $0x1800  }
0x201: {  	[sflag:s26] =	ssyncset.done $0x0  }
0x202: {  	s5 =	sadd.s32 $0x5280, s4;
	[sflag:s26] =	ssyncadd.s32 $0xFFFFE800  }
0x203: {  	[tilespmem:s23], [sflag:$0x2] =	stream.indirect.gather [spmem:s9], $0x30, s5, s21, $0xb8;
	[tilespmem:$0x1C880] =	vst v63  }
0x204: {  	_ =	swait.ge [sflag:s24], $0x1800  }
0x205: {  	[sflag:s24] =	ssyncset.done $0x0  }
.Ltmp13:
0x206: {  	s5 =	sadd.s32 $0xA680, s4;
	[sflag:s24] =	ssyncadd.s32 $0xFFFFE800;
	(pc) =	sbr.rel @p0 .LBB2_27-.Ltmp13, $4  }
0x207: {  	[spmem:s2] =	stream.indirect.scatter.add.f32 [tilespmem:s23], [sflag:$0x4], $0x30, s5, s21, $0xb8;
	[tilespmem:$0x1C880] =	vst v63  }
0x208: {  	_ =	swait.ge [sflag:s25], $0x1800  }
0x209: {  	[sflag:s25] =	ssyncset.done $0x0  }
0x20a: {  	s4 =	sadd.s32 $0x5300, s4;
	[sflag:s25] =	ssyncadd.s32 $0xFFFFE800  }
0x20b: {  	[tilespmem:s20], [sflag:$0x1] =	stream.indirect.gather [spmem:s9], $0x30, s4, s21, $0xb8;
	[tilespmem:$0x1C880] =	vst v63  }
0x20c: {  	s20 =	simm.s32 $0x1  }
0x20d: {  	_ =	swait.ge [sflag:s20], $0x1800  }
0x20e: {  	[sflag:s20] =	ssyncset.done $0x0  }
0x20f: {  	s0 =	simm.s32 $0x4;
	[sflag:s20] =	ssyncadd.s32 $0xFFFFE800  }
0x210: {  	s21 =	simm.s32 $0x0;
	s22 =	simm.s32 $0xA880;
	_ =	swait.ge [sflag:s0], $0x1800  }
0x211: {  	s23 =	simm.s32 $0xC080;
	s24 =	simm.s32 $0x2;
	[sflag:s0] =	ssyncset.done $0x0  }
0x212: {  	s25 =	simm.s32 $0xA600;
	s26 =	simm.s32 $0x5;
	[sflag:s0] =	ssyncadd.s32 $0xFFFFE800  }
0x213: {  	s28 =	simm.s32 $0x0;
	s29 =	simm.s32 $0x0;
	[bflag:$0x0] =	sbarrier.arrive $0xFFFF  }
.LBB2_29:
0x214: {  	s0 =	sshll.u32 s29, $0x7  }
0x215: {  	s0 =	sadd.s32 s3, s0  }
0x216: {  	s0 =	smul.u32 $0x30, s0;
	_ =	sdelay $0x1  }
0x217: {  	s30 =	sadd.s32 s0, s2;
	s0 =	sshrl.u32 s0, $0x3  }
0x218: {  	[tilespmem:s22], [sflag:$0x1] =	stream.linear.gather [spmem:s30], $0x1800, $0x38;
	[tilespmem:$0x1C880] =	vst v63  }
0x219: {  	s0 =	sadd.s32 s8, s0  }
0x21a: {  	[tilespmem:s23], [sflag:$0x2] =	stream.linear.gather [hbm4b:s0+s21], $0x1800, $0x38;
	[tilespmem:$0x1C880] =	vst v63  }
0x21b: {  	_ =	swait.ge [sflag:s20], $0x1800  }
0x21c: {  	[sflag:s20] =	ssyncset.done $0x0  }
0x21d: {  	v0 =	vmov s28;
	[sflag:s20] =	ssyncadd.s32 $0xFFFFE800  }
0x21e: {  	_ =	swait.ge [sflag:s24], $0x1800  }
0x21f: {  	[sflag:s24] =	ssyncset.done $0x0  }
0x220: {  	s31 =	simm.s32 $0x0;
	[sflag:s24] =	ssyncadd.s32 $0xFFFFE800  }
0x221: {  	v1 =	vld [tilespmem:s31+$0xA890]  }
0x222: {  	v0 =	vld.idx.msk [tilespmem:v0+s25+$0x0], $0xffff  }
0x223: {  	v3 =	vld [tilespmem:s31+$0xC080]  }
0x224: {  	v2 =	vld [tilespmem:s31+$0xA880]  }
0x225: {  	v4 =	vld [tilespmem:s31+$0xA8A0]  }
0x226: {  	v5 =	vld [tilespmem:s31+$0xC090]  }
0x227: {  	v7 =	vmul.f32 v1, v0;
	v1 =	vld [tilespmem:s31+$0xC0A0];
	_ =	sdelay $0x1  }
0x228: {  	v6 =	vmul.f32 v2, v0  }
0x229: {  	s0 =	sadd.s32 $0x1, s28;
	v2 =	vmul.f32 v4, v0  }
0x22a: {  	s7 =	simm.s32 $0xC0;
	s4 =	simm.s32 $0x180;
	v0 =	vmov s0;
	v4 =	vadd.f32 v3, v6;
	v3 =	vadd.f32 v5, v7  }
.LBB2_30:
0x22b: {  	p0 =	sne.s32 s4, $0x5F40;
	v1 =	vadd.f32 v1, v2  }
0x22c: {  	s5 =	sshra.s32 s7, $0x2;
	s7 =	smov.u32 s4;
	[tilespmem:s31+$0xA880] =	vst v4  }
0x22d: {  	v4 =	vld [tilespmem:s5+$0xC080];
	[tilespmem:s31+$0xA890] =	vst v3  }
0x22e: {  	v2 =	vld [tilespmem:s5+$0xA890];
	[tilespmem:s31+$0xA8A0] =	vst v1;
	s31 =	smov.u32 s5  }
0x22f: {  	v0 =	vld.idx.msk [tilespmem:v0+s25+$0x0], $0xffff  }
0x230: {  	v3 =	vld [tilespmem:s31+$0xA880]  }
0x231: {  	v5 =	vld [tilespmem:s31+$0xA8A0]  }
0x232: {  	v6 =	vld [tilespmem:s31+$0xC090]  }
.Ltmp14:
0x233: {  	v1 =	vld [tilespmem:s31+$0xC0A0];
	(pc) =	sbr.rel @p0 .LBB2_30-.Ltmp14, $4  }
0x234: {  	_ = 	snop  }
0x235: {  	v7 =	vmul.f32 v2, v0;
	v3 =	vmul.f32 v3, v0  }
0x236: {  	s0 =	sadd.s32 $0x1, s0;
	v2 =	vmul.f32 v5, v0  }
0x237: {  	s4 =	sadd.s32 $0xC0, s4;
	v0 =	vmov s0;
	v4 =	vadd.f32 v4, v3;
	v3 =	vadd.f32 v6, v7  }
0x238: {  	_ = 	snop  }
0x239: {  	s0 =	sshra.s32 s7, $0x2;
	v1 =	vadd.f32 v1, v2;
	[tilespmem:s31+$0xA880] =	vst v4  }
0x23a: {  	v4 =	vld [tilespmem:s0+$0xC080];
	[tilespmem:s31+$0xA890] =	vst v3  }
0x23b: {  	v63 =	vld [tilespmem:s0+$0xA890];
	[tilespmem:s31+$0xA8A0] =	vst v1  }
0x23c: {  	v0 =	vld.idx.msk [tilespmem:v0+s25+$0x0], $0xffff  }
0x23d: {  	v1 =	vld [tilespmem:s0+$0xA880];
	_ =	sdelay $0x1  }
0x23e: {  	v3 =	vld [tilespmem:s0+$0xA8A0]  }
0x23f: {  	v5 =	vld [tilespmem:s0+$0xC090]  }
0x240: {  	v6 =	vld [tilespmem:s0+$0xC0A0]  }
0x241: {  	v1 =	vmul.f32 v1, v0  }
0x242: {  	v2 =	vmul.f32 v63, v0  }
0x243: {  	v0 =	vmul.f32 v3, v0;
	v1 =	vadd.f32 v4, v1  }
0x244: {  	v2 =	vadd.f32 v5, v2  }
0x245: {  	s29 =	sadd.s32 $0x1, s29;
	v0 =	vadd.f32 v6, v0;
	[tilespmem:s0+$0xA880] =	vst v1  }
0x246: {  	p0 =	sne.s32 s29, $0x5;
	[tilespmem:s0+$0xA890] =	vst v2  }
.Ltmp15:
0x247: {  	[tilespmem:s0+$0xA8A0] =	vst v0;
	(pc) =	sbr.rel @p0 .LBB2_29-.Ltmp15, $4  }
0x248: {  	[spmem:s30] =	stream.linear.scatter [tilespmem:s22], [sflag:$0x5], $0x1800, $0x38;
	[tilespmem:$0x1C880] =	vst v63  }
0x249: {  	_ =	swait.ge [sflag:s26], $0x1800  }
0x24a: {  	[sflag:s26] =	ssyncset.done $0x0  }
0x24b: {  	s28 =	sadd.s32 $0x80, s28;
	[sflag:s26] =	ssyncadd.s32 $0xFFFFE800  }
0x24c: {  	v0 =	vimm.f32 $0.0e+00;
	s0 =	simm.s32 $0xC0;
	s4 =	simm.s32 $0x0  }
.LBB2_33:
0x24d: {  	p0 =	sne.s32 s0, $0x5F40;
	[tilespmem:s4+$0xA8A0] =	vst v0;
	s5 =	smov.u32 s0;
	s0 =	sadd.s32 $0xC0, s0  }
.Ltmp16:
0x24e: {  	[tilespmem:s4+$0xA880] =	vst v0;
	(pc) =	sbr.rel @p0 .LBB2_33-.Ltmp16, $2  }
0x24f: {  	[tilespmem:s4+$0xA890] =	vst v0;
	_ =	sdelay $0x2  }
0x250: {  	s4 =	sshra.s32 s5, $0x2  }
0x251: {  	[tilespmem:s4+$0xA8A0] =	vst v0  }
0x252: {  	[tilespmem:s4+$0xA880] =	vst v0  }
0x253: {  	[tilespmem:s4+$0xA890] =	vst v0;
	s20 =	simm.s32 $0xA880;
	s0 =	simm.s32 $0x5  }
0x254: {  	[spmem:s10] =	stream.linear.scatter [tilespmem:s20], [sflag:$0x5], $0x1800, $0x38;
	[tilespmem:$0x1C880] =	vst v63  }
0x255: {  	_ =	swait.ge [sflag:s0], $0x1800  }
0x256: {  	[sflag:s0] =	ssyncset.done $0x0  }
0x257: {  	[sflag:s0] =	ssyncadd.s32 $0xFFFFE800  }
0x258: {  	[spmem:s11] =	stream.linear.scatter [tilespmem:s20], [sflag:$0x5], $0x1800, $0x38;
	[tilespmem:$0x1C880] =	vst v63  }
0x259: {  	_ =	swait.ge [sflag:s0], $0x1800  }
0x25a: {  	[sflag:s0] =	ssyncset.done $0x0  }
0x25b: {  	[sflag:s0] =	ssyncadd.s32 $0xFFFFE800  }
0x25c: {  	[spmem:s12] =	stream.linear.scatter [tilespmem:s20], [sflag:$0x5], $0x1800, $0x38;
	[tilespmem:$0x1C880] =	vst v63  }
0x25d: {  	_ =	swait.ge [sflag:s0], $0x1800  }
0x25e: {  	[sflag:s0] =	ssyncset.done $0x0  }
0x25f: {  	[sflag:s0] =	ssyncadd.s32 $0xFFFFE800  }
0x260: {  	[spmem:s13] =	stream.linear.scatter [tilespmem:s20], [sflag:$0x5], $0x1800, $0x38;
	[tilespmem:$0x1C880] =	vst v63  }
0x261: {  	_ =	swait.ge [sflag:s0], $0x1800  }
0x262: {  	[sflag:s0] =	ssyncset.done $0x0  }
0x263: {  	[sflag:s0] =	ssyncadd.s32 $0xFFFFE800  }
0x264: {  	[spmem:s14] =	stream.linear.scatter [tilespmem:s20], [sflag:$0x5], $0x1800, $0x38;
	[tilespmem:$0x1C880] =	vst v63  }
0x265: {  	_ =	swait.ge [sflag:s0], $0x1800  }
0x266: {  	[sflag:s0] =	ssyncset.done $0x0  }
0x267: {  	s21 =	simm.s32 $0x80;
	[sflag:s0] =	ssyncadd.s32 $0xFFFFE800  }
0x268: {  	s24 =	simm.s32 $0x0;
	s22 =	simm.s32 $0x1;
	[bflag:$0x0] =	sbarrier.arrive $0xFFFF  }
0x269: {  	[tilespmem:s20], [sflag:$0x1] =	stream.indirect.gather [spmem:s2], $0x30, s24, s21, $0xb8;
	[tilespmem:$0x1C880] =	vst v63  }
0x26a: {  	_ =	swait.ge [sflag:s22], $0x1800  }
0x26b: {  	[sflag:s22] =	ssyncset.done $0x0  }
0x26c: {  	s25 =	simm.s32 $0x5400;
	[sflag:s22] =	ssyncadd.s32 $0xFFFFE800  }
0x26d: {  	[spmem:s9] =	stream.indirect.scatter.add.f32 [tilespmem:s20], [sflag:$0x3], $0x30, s25, s21, $0xb8;
	[tilespmem:$0x1C880] =	vst v63  }
0x26e: {  	s23 =	simm.s32 $0xC080;
	s24 =	simm.s32 $0x2  }
0x26f: {  	[tilespmem:s23], [sflag:$0x2] =	stream.indirect.gather [spmem:s2], $0x30, s21, s21, $0xb8;
	[tilespmem:$0x1C880] =	vst v63  }
0x270: {  	_ =	swait.ge [sflag:s24], $0x1800  }
0x271: {  	[sflag:s24] =	ssyncset.done $0x0  }
0x272: {  	s26 =	simm.s32 $0x5480;
	s25 =	simm.s32 $0x3;
	[sflag:s24] =	ssyncadd.s32 $0xFFFFE800  }
0x273: {  	[spmem:s9] =	stream.indirect.scatter.add.f32 [tilespmem:s23], [sflag:$0x4], $0x30, s26, s21, $0xb8;
	[tilespmem:$0x1C880] =	vst v63  }
0x274: {  	_ =	swait.ge [sflag:s25], $0x1800  }
0x275: {  	[sflag:s25] =	ssyncset.done $0x0  }
0x276: {  	s28 =	simm.s32 $0x100;
	[sflag:s25] =	ssyncadd.s32 $0xFFFFE800  }
0x277: {  	[tilespmem:s20], [sflag:$0x1] =	stream.indirect.gather [spmem:s2], $0x30, s28, s21, $0xb8;
	[tilespmem:$0x1C880] =	vst v63  }
0x278: {  	_ =	swait.ge [sflag:s22], $0x1800  }
0x279: {  	[sflag:s22] =	ssyncset.done $0x0  }
0x27a: {  	s29 =	simm.s32 $0x5500;
	s26 =	simm.s32 $0x4;
	[sflag:s22] =	ssyncadd.s32 $0xFFFFE800  }
0x27b: {  	[spmem:s9] =	stream.indirect.scatter.add.f32 [tilespmem:s20], [sflag:$0x3], $0x30, s29, s21, $0xb8;
	[tilespmem:$0x1C880] =	vst v63  }
0x27c: {  	_ =	swait.ge [sflag:s26], $0x1800  }
0x27d: {  	[sflag:s26] =	ssyncset.done $0x0  }
0x27e: {  	s30 =	simm.s32 $0x180;
	[sflag:s26] =	ssyncadd.s32 $0xFFFFE800  }
0x27f: {  	[tilespmem:s23], [sflag:$0x2] =	stream.indirect.gather [spmem:s2], $0x30, s30, s21, $0xb8;
	[tilespmem:$0x1C880] =	vst v63  }
0x280: {  	_ =	swait.ge [sflag:s24], $0x1800  }
0x281: {  	[sflag:s24] =	ssyncset.done $0x0  }
0x282: {  	s31 =	simm.s32 $0x5580;
	[sflag:s24] =	ssyncadd.s32 $0xFFFFE800  }
0x283: {  	[spmem:s9] =	stream.indirect.scatter.add.f32 [tilespmem:s23], [sflag:$0x4], $0x30, s31, s21, $0xb8;
	[tilespmem:$0x1C880] =	vst v63  }
0x284: {  	_ =	swait.ge [sflag:s25], $0x1800  }
0x285: {  	[sflag:s25] =	ssyncset.done $0x0  }
0x286: {  	s4 =	simm.s32 $0x200;
	s0 =	simm.s32 $0xFFFEC000;
	[sflag:s25] =	ssyncadd.s32 $0xFFFFE800  }
.LBB2_35:
0x287: {  	[tilespmem:s20], [sflag:$0x1] =	stream.indirect.gather [spmem:s2], $0x30, s4, s21, $0xb8;
	[tilespmem:$0x1C880] =	vst v63  }
0x288: {  	s4 =	smov.u32 s0  }
0x289: {  	p0 =	sne.s32 s0, $0xFFFFFC00;
	s0 =	sadd.s32 $0x400, s0;
	_ =	swait.ge [sflag:s22], $0x1800  }
0x28a: {  	s4 =	sshra.s32 s4, $0x2;
	[sflag:s22] =	ssyncset.done $0x0  }
0x28b: {  	s5 =	sadd.s32 $0xA600, s4;
	[sflag:s22] =	ssyncadd.s32 $0xFFFFE800  }
0x28c: {  	[spmem:s9] =	stream.indirect.scatter.add.f32 [tilespmem:s20], [sflag:$0x3], $0x30, s5, s21, $0xb8;
	[tilespmem:$0x1C880] =	vst v63  }
0x28d: {  	_ =	swait.ge [sflag:s26], $0x1800  }
0x28e: {  	[sflag:s26] =	ssyncset.done $0x0  }
0x28f: {  	s5 =	sadd.s32 $0x5280, s4;
	[sflag:s26] =	ssyncadd.s32 $0xFFFFE800  }
0x290: {  	[tilespmem:s23], [sflag:$0x2] =	stream.indirect.gather [spmem:s2], $0x30, s5, s21, $0xb8;
	[tilespmem:$0x1C880] =	vst v63  }
0x291: {  	_ =	swait.ge [sflag:s24], $0x1800  }
0x292: {  	[sflag:s24] =	ssyncset.done $0x0  }
.Ltmp17:
0x293: {  	s5 =	sadd.s32 $0xA680, s4;
	[sflag:s24] =	ssyncadd.s32 $0xFFFFE800;
	(pc) =	sbr.rel @p0 .LBB2_35-.Ltmp17, $4  }
0x294: {  	[spmem:s9] =	stream.indirect.scatter.add.f32 [tilespmem:s23], [sflag:$0x4], $0x30, s5, s21, $0xb8;
	[tilespmem:$0x1C880] =	vst v63  }
0x295: {  	_ =	swait.ge [sflag:s25], $0x1800  }
0x296: {  	[sflag:s25] =	ssyncset.done $0x0  }
0x297: {  	s4 =	sadd.s32 $0x5300, s4;
	[sflag:s25] =	ssyncadd.s32 $0xFFFFE800  }
0x298: {  	[tilespmem:s20], [sflag:$0x1] =	stream.indirect.gather [spmem:s2], $0x30, s4, s21, $0xb8;
	[tilespmem:$0x1C880] =	vst v63  }
0x299: {  	s20 =	simm.s32 $0x1  }
0x29a: {  	_ =	swait.ge [sflag:s20], $0x1800  }
0x29b: {  	[sflag:s20] =	ssyncset.done $0x0  }
0x29c: {  	s0 =	simm.s32 $0x4;
	[sflag:s20] =	ssyncadd.s32 $0xFFFFE800  }
0x29d: {  	s21 =	simm.s32 $0x0;
	s22 =	simm.s32 $0xA880;
	_ =	swait.ge [sflag:s0], $0x1800  }
0x29e: {  	s23 =	simm.s32 $0xC080;
	s24 =	simm.s32 $0x2;
	[sflag:s0] =	ssyncset.done $0x0  }
0x29f: {  	s25 =	simm.s32 $0xA600;
	s26 =	simm.s32 $0x5;
	[sflag:s0] =	ssyncadd.s32 $0xFFFFE800  }
0x2a0: {  	s28 =	simm.s32 $0x0;
	s29 =	simm.s32 $0x0;
	[bflag:$0x0] =	sbarrier.arrive $0xFFFF  }
.LBB2_37:
0x2a1: {  	s0 =	sshll.u32 s29, $0x7  }
0x2a2: {  	s0 =	sadd.s32 s3, s0  }
0x2a3: {  	s0 =	smul.u32 $0x30, s0;
	_ =	sdelay $0x1  }
0x2a4: {  	s30 =	sadd.s32 s0, s9;
	s0 =	sshrl.u32 s0, $0x3  }
0x2a5: {  	[tilespmem:s22], [sflag:$0x1] =	stream.linear.gather [spmem:s30], $0x1800, $0x38;
	[tilespmem:$0x1C880] =	vst v63  }
0x2a6: {  	s0 =	sadd.s32 s8, s0  }
0x2a7: {  	[tilespmem:s23], [sflag:$0x2] =	stream.linear.gather [hbm4b:s0+s21], $0x1800, $0x38;
	[tilespmem:$0x1C880] =	vst v63  }
0x2a8: {  	_ =	swait.ge [sflag:s20], $0x1800  }
0x2a9: {  	[sflag:s20] =	ssyncset.done $0x0  }
0x2aa: {  	v0 =	vmov s28;
	[sflag:s20] =	ssyncadd.s32 $0xFFFFE800  }
0x2ab: {  	_ =	swait.ge [sflag:s24], $0x1800  }
0x2ac: {  	[sflag:s24] =	ssyncset.done $0x0  }
0x2ad: {  	s31 =	simm.s32 $0x0;
	[sflag:s24] =	ssyncadd.s32 $0xFFFFE800  }
0x2ae: {  	v1 =	vld [tilespmem:s31+$0xA890]  }
0x2af: {  	v0 =	vld.idx.msk [tilespmem:v0+s25+$0x0], $0xffff  }
0x2b0: {  	v3 =	vld [tilespmem:s31+$0xC080]  }
0x2b1: {  	v2 =	vld [tilespmem:s31+$0xA880]  }
0x2b2: {  	v4 =	vld [tilespmem:s31+$0xA8A0]  }
0x2b3: {  	v5 =	vld [tilespmem:s31+$0xC090]  }
0x2b4: {  	v7 =	vmul.f32 v1, v0;
	v1 =	vld [tilespmem:s31+$0xC0A0];
	_ =	sdelay $0x1  }
0x2b5: {  	v6 =	vmul.f32 v2, v0  }
0x2b6: {  	s0 =	sadd.s32 $0x1, s28;
	v2 =	vmul.f32 v4, v0  }
0x2b7: {  	s7 =	simm.s32 $0xC0;
	s4 =	simm.s32 $0x180;
	v0 =	vmov s0;
	v4 =	vadd.f32 v3, v6;
	v3 =	vadd.f32 v5, v7  }
.LBB2_38:
0x2b8: {  	p0 =	sne.s32 s4, $0x5F40;
	v1 =	vadd.f32 v1, v2  }
0x2b9: {  	s5 =	sshra.s32 s7, $0x2;
	s7 =	smov.u32 s4;
	[tilespmem:s31+$0xA880] =	vst v4  }
0x2ba: {  	v4 =	vld [tilespmem:s5+$0xC080];
	[tilespmem:s31+$0xA890] =	vst v3  }
0x2bb: {  	v2 =	vld [tilespmem:s5+$0xA890];
	[tilespmem:s31+$0xA8A0] =	vst v1;
	s31 =	smov.u32 s5  }
0x2bc: {  	v0 =	vld.idx.msk [tilespmem:v0+s25+$0x0], $0xffff  }
0x2bd: {  	v3 =	vld [tilespmem:s31+$0xA880]  }
0x2be: {  	v5 =	vld [tilespmem:s31+$0xA8A0]  }
0x2bf: {  	v6 =	vld [tilespmem:s31+$0xC090]  }
.Ltmp18:
0x2c0: {  	v1 =	vld [tilespmem:s31+$0xC0A0];
	(pc) =	sbr.rel @p0 .LBB2_38-.Ltmp18, $4  }
0x2c1: {  	_ = 	snop  }
0x2c2: {  	v7 =	vmul.f32 v2, v0;
	v3 =	vmul.f32 v3, v0  }
0x2c3: {  	s0 =	sadd.s32 $0x1, s0;
	v2 =	vmul.f32 v5, v0  }
0x2c4: {  	s4 =	sadd.s32 $0xC0, s4;
	v0 =	vmov s0;
	v4 =	vadd.f32 v4, v3;
	v3 =	vadd.f32 v6, v7  }
0x2c5: {  	_ = 	snop  }
0x2c6: {  	s0 =	sshra.s32 s7, $0x2;
	v1 =	vadd.f32 v1, v2;
	[tilespmem:s31+$0xA880] =	vst v4  }
0x2c7: {  	v4 =	vld [tilespmem:s0+$0xC080];
	[tilespmem:s31+$0xA890] =	vst v3  }
0x2c8: {  	v63 =	vld [tilespmem:s0+$0xA890];
	[tilespmem:s31+$0xA8A0] =	vst v1  }
0x2c9: {  	v0 =	vld.idx.msk [tilespmem:v0+s25+$0x0], $0xffff  }
0x2ca: {  	v1 =	vld [tilespmem:s0+$0xA880];
	_ =	sdelay $0x1  }
0x2cb: {  	v3 =	vld [tilespmem:s0+$0xA8A0]  }
0x2cc: {  	v5 =	vld [tilespmem:s0+$0xC090]  }
0x2cd: {  	v6 =	vld [tilespmem:s0+$0xC0A0]  }
0x2ce: {  	v1 =	vmul.f32 v1, v0  }
0x2cf: {  	v2 =	vmul.f32 v63, v0  }
0x2d0: {  	v0 =	vmul.f32 v3, v0;
	v1 =	vadd.f32 v4, v1  }
0x2d1: {  	v2 =	vadd.f32 v5, v2  }
0x2d2: {  	s29 =	sadd.s32 $0x1, s29;
	v0 =	vadd.f32 v6, v0;
	[tilespmem:s0+$0xA880] =	vst v1  }
0x2d3: {  	p0 =	sne.s32 s29, $0x5;
	[tilespmem:s0+$0xA890] =	vst v2  }
.Ltmp19:
0x2d4: {  	[tilespmem:s0+$0xA8A0] =	vst v0;
	(pc) =	sbr.rel @p0 .LBB2_37-.Ltmp19, $4  }
0x2d5: {  	[spmem:s30] =	stream.linear.scatter [tilespmem:s22], [sflag:$0x5], $0x1800, $0x38;
	[tilespmem:$0x1C880] =	vst v63  }
0x2d6: {  	_ =	swait.ge [sflag:s26], $0x1800  }
0x2d7: {  	[sflag:s26] =	ssyncset.done $0x0  }
0x2d8: {  	s28 =	sadd.s32 $0x80, s28;
	[sflag:s26] =	ssyncadd.s32 $0xFFFFE800  }
0x2d9: {  	v0 =	vimm.f32 $0.0e+00;
	s0 =	simm.s32 $0xC0;
	s4 =	simm.s32 $0x0  }
.LBB2_41:
0x2da: {  	p0 =	sne.s32 s0, $0x5F40;
	[tilespmem:s4+$0xA8A0] =	vst v0;
	s5 =	smov.u32 s0;
	s0 =	sadd.s32 $0xC0, s0  }
.Ltmp20:
0x2db: {  	[tilespmem:s4+$0xA880] =	vst v0;
	(pc) =	sbr.rel @p0 .LBB2_41-.Ltmp20, $2  }
0x2dc: {  	[tilespmem:s4+$0xA890] =	vst v0;
	_ =	sdelay $0x2  }
0x2dd: {  	s4 =	sshra.s32 s5, $0x2  }
0x2de: {  	[tilespmem:s4+$0xA8A0] =	vst v0  }
0x2df: {  	[tilespmem:s4+$0xA880] =	vst v0  }
0x2e0: {  	[tilespmem:s4+$0xA890] =	vst v0;
	s20 =	simm.s32 $0xA880;
	s0 =	simm.s32 $0x5  }
0x2e1: {  	[spmem:s15] =	stream.linear.scatter [tilespmem:s20], [sflag:$0x5], $0x1800, $0x38;
	[tilespmem:$0x1C880] =	vst v63  }
0x2e2: {  	_ =	swait.ge [sflag:s0], $0x1800  }
0x2e3: {  	[sflag:s0] =	ssyncset.done $0x0  }
0x2e4: {  	[sflag:s0] =	ssyncadd.s32 $0xFFFFE800  }
0x2e5: {  	[spmem:s16] =	stream.linear.scatter [tilespmem:s20], [sflag:$0x5], $0x1800, $0x38;
	[tilespmem:$0x1C880] =	vst v63  }
0x2e6: {  	_ =	swait.ge [sflag:s0], $0x1800  }
0x2e7: {  	[sflag:s0] =	ssyncset.done $0x0  }
0x2e8: {  	[sflag:s0] =	ssyncadd.s32 $0xFFFFE800  }
0x2e9: {  	[spmem:s17] =	stream.linear.scatter [tilespmem:s20], [sflag:$0x5], $0x1800, $0x38;
	[tilespmem:$0x1C880] =	vst v63  }
0x2ea: {  	_ =	swait.ge [sflag:s0], $0x1800  }
0x2eb: {  	[sflag:s0] =	ssyncset.done $0x0  }
0x2ec: {  	[sflag:s0] =	ssyncadd.s32 $0xFFFFE800  }
0x2ed: {  	[spmem:s18] =	stream.linear.scatter [tilespmem:s20], [sflag:$0x5], $0x1800, $0x38;
	[tilespmem:$0x1C880] =	vst v63  }
0x2ee: {  	_ =	swait.ge [sflag:s0], $0x1800  }
0x2ef: {  	[sflag:s0] =	ssyncset.done $0x0  }
0x2f0: {  	[sflag:s0] =	ssyncadd.s32 $0xFFFFE800  }
0x2f1: {  	[spmem:s19] =	stream.linear.scatter [tilespmem:s20], [sflag:$0x5], $0x1800, $0x38;
	[tilespmem:$0x1C880] =	vst v63  }
0x2f2: {  	_ =	swait.ge [sflag:s0], $0x1800  }
0x2f3: {  	[sflag:s0] =	ssyncset.done $0x0  }
0x2f4: {  	s21 =	simm.s32 $0x80;
	[sflag:s0] =	ssyncadd.s32 $0xFFFFE800  }
0x2f5: {  	s24 =	simm.s32 $0x0;
	s22 =	simm.s32 $0x1;
	[bflag:$0x0] =	sbarrier.arrive $0xFFFF  }
0x2f6: {  	[tilespmem:s20], [sflag:$0x1] =	stream.indirect.gather [spmem:s9], $0x30, s24, s21, $0xb8;
	[tilespmem:$0x1C880] =	vst v63  }
0x2f7: {  	_ =	swait.ge [sflag:s22], $0x1800  }
0x2f8: {  	[sflag:s22] =	ssyncset.done $0x0  }
0x2f9: {  	s25 =	simm.s32 $0x5400;
	[sflag:s22] =	ssyncadd.s32 $0xFFFFE800  }
0x2fa: {  	[spmem:s2] =	stream.indirect.scatter.add.f32 [tilespmem:s20], [sflag:$0x3], $0x30, s25, s21, $0xb8;
	[tilespmem:$0x1C880] =	vst v63  }
0x2fb: {  	s23 =	simm.s32 $0xC080;
	s24 =	simm.s32 $0x2  }
0x2fc: {  	[tilespmem:s23], [sflag:$0x2] =	stream.indirect.gather [spmem:s9], $0x30, s21, s21, $0xb8;
	[tilespmem:$0x1C880] =	vst v63  }
0x2fd: {  	_ =	swait.ge [sflag:s24], $0x1800  }
0x2fe: {  	[sflag:s24] =	ssyncset.done $0x0  }
0x2ff: {  	s26 =	simm.s32 $0x5480;
	s25 =	simm.s32 $0x3;
	[sflag:s24] =	ssyncadd.s32 $0xFFFFE800  }
0x300: {  	[spmem:s2] =	stream.indirect.scatter.add.f32 [tilespmem:s23], [sflag:$0x4], $0x30, s26, s21, $0xb8;
	[tilespmem:$0x1C880] =	vst v63  }
0x301: {  	_ =	swait.ge [sflag:s25], $0x1800  }
0x302: {  	[sflag:s25] =	ssyncset.done $0x0  }
0x303: {  	s28 =	simm.s32 $0x100;
	[sflag:s25] =	ssyncadd.s32 $0xFFFFE800  }
0x304: {  	[tilespmem:s20], [sflag:$0x1] =	stream.indirect.gather [spmem:s9], $0x30, s28, s21, $0xb8;
	[tilespmem:$0x1C880] =	vst v63  }
0x305: {  	_ =	swait.ge [sflag:s22], $0x1800  }
0x306: {  	[sflag:s22] =	ssyncset.done $0x0  }
0x307: {  	s29 =	simm.s32 $0x5500;
	s26 =	simm.s32 $0x4;
	[sflag:s22] =	ssyncadd.s32 $0xFFFFE800  }
0x308: {  	[spmem:s2] =	stream.indirect.scatter.add.f32 [tilespmem:s20], [sflag:$0x3], $0x30, s29, s21, $0xb8;
	[tilespmem:$0x1C880] =	vst v63  }
0x309: {  	_ =	swait.ge [sflag:s26], $0x1800  }
0x30a: {  	[sflag:s26] =	ssyncset.done $0x0  }
0x30b: {  	s30 =	simm.s32 $0x180;
	[sflag:s26] =	ssyncadd.s32 $0xFFFFE800  }
0x30c: {  	[tilespmem:s23], [sflag:$0x2] =	stream.indirect.gather [spmem:s9], $0x30, s30, s21, $0xb8;
	[tilespmem:$0x1C880] =	vst v63  }
0x30d: {  	_ =	swait.ge [sflag:s24], $0x1800  }
0x30e: {  	[sflag:s24] =	ssyncset.done $0x0  }
0x30f: {  	s31 =	simm.s32 $0x5580;
	[sflag:s24] =	ssyncadd.s32 $0xFFFFE800  }
0x310: {  	[spmem:s2] =	stream.indirect.scatter.add.f32 [tilespmem:s23], [sflag:$0x4], $0x30, s31, s21, $0xb8;
	[tilespmem:$0x1C880] =	vst v63  }
0x311: {  	_ =	swait.ge [sflag:s25], $0x1800  }
0x312: {  	[sflag:s25] =	ssyncset.done $0x0  }
0x313: {  	s4 =	simm.s32 $0x200;
	s0 =	simm.s32 $0xFFFEC000;
	[sflag:s25] =	ssyncadd.s32 $0xFFFFE800  }
.LBB2_43:
0x314: {  	[tilespmem:s20], [sflag:$0x1] =	stream.indirect.gather [spmem:s9], $0x30, s4, s21, $0xb8;
	[tilespmem:$0x1C880] =	vst v63  }
0x315: {  	s4 =	smov.u32 s0  }
0x316: {  	p0 =	sne.s32 s0, $0xFFFFFC00;
	s0 =	sadd.s32 $0x400, s0;
	_ =	swait.ge [sflag:s22], $0x1800  }
0x317: {  	s4 =	sshra.s32 s4, $0x2;
	[sflag:s22] =	ssyncset.done $0x0  }
0x318: {  	s5 =	sadd.s32 $0xA600, s4;
	[sflag:s22] =	ssyncadd.s32 $0xFFFFE800  }
0x319: {  	[spmem:s2] =	stream.indirect.scatter.add.f32 [tilespmem:s20], [sflag:$0x3], $0x30, s5, s21, $0xb8;
	[tilespmem:$0x1C880] =	vst v63  }
0x31a: {  	_ =	swait.ge [sflag:s26], $0x1800  }
0x31b: {  	[sflag:s26] =	ssyncset.done $0x0  }
0x31c: {  	s5 =	sadd.s32 $0x5280, s4;
	[sflag:s26] =	ssyncadd.s32 $0xFFFFE800  }
0x31d: {  	[tilespmem:s23], [sflag:$0x2] =	stream.indirect.gather [spmem:s9], $0x30, s5, s21, $0xb8;
	[tilespmem:$0x1C880] =	vst v63  }
0x31e: {  	_ =	swait.ge [sflag:s24], $0x1800  }
0x31f: {  	[sflag:s24] =	ssyncset.done $0x0  }
.Ltmp21:
0x320: {  	s5 =	sadd.s32 $0xA680, s4;
	[sflag:s24] =	ssyncadd.s32 $0xFFFFE800;
	(pc) =	sbr.rel @p0 .LBB2_43-.Ltmp21, $4  }
0x321: {  	[spmem:s2] =	stream.indirect.scatter.add.f32 [tilespmem:s23], [sflag:$0x4], $0x30, s5, s21, $0xb8;
	[tilespmem:$0x1C880] =	vst v63  }
0x322: {  	_ =	swait.ge [sflag:s25], $0x1800  }
0x323: {  	[sflag:s25] =	ssyncset.done $0x0  }
0x324: {  	s4 =	sadd.s32 $0x5300, s4;
	[sflag:s25] =	ssyncadd.s32 $0xFFFFE800  }
0x325: {  	[tilespmem:s20], [sflag:$0x1] =	stream.indirect.gather [spmem:s9], $0x30, s4, s21, $0xb8;
	[tilespmem:$0x1C880] =	vst v63  }
0x326: {  	s20 =	simm.s32 $0x1  }
0x327: {  	_ =	swait.ge [sflag:s20], $0x1800  }
0x328: {  	[sflag:s20] =	ssyncset.done $0x0  }
0x329: {  	s0 =	simm.s32 $0x4;
	[sflag:s20] =	ssyncadd.s32 $0xFFFFE800  }
0x32a: {  	s21 =	simm.s32 $0x0;
	s22 =	simm.s32 $0xA880;
	_ =	swait.ge [sflag:s0], $0x1800  }
0x32b: {  	s23 =	simm.s32 $0xC080;
	s24 =	simm.s32 $0x2;
	[sflag:s0] =	ssyncset.done $0x0  }
0x32c: {  	s25 =	simm.s32 $0xA600;
	s26 =	simm.s32 $0x5;
	[sflag:s0] =	ssyncadd.s32 $0xFFFFE800  }
0x32d: {  	s28 =	simm.s32 $0x0;
	s29 =	simm.s32 $0x0;
	[bflag:$0x0] =	sbarrier.arrive $0xFFFF  }
.LBB2_45:
0x32e: {  	s0 =	sshll.u32 s29, $0x7  }
0x32f: {  	s0 =	sadd.s32 s3, s0  }
0x330: {  	s0 =	smul.u32 $0x30, s0;
	_ =	sdelay $0x1  }
0x331: {  	s30 =	sadd.s32 s0, s2;
	s0 =	sshrl.u32 s0, $0x3  }
0x332: {  	[tilespmem:s22], [sflag:$0x1] =	stream.linear.gather [spmem:s30], $0x1800, $0x38;
	[tilespmem:$0x1C880] =	vst v63  }
0x333: {  	s0 =	sadd.s32 s8, s0  }
0x334: {  	[tilespmem:s23], [sflag:$0x2] =	stream.linear.gather [hbm4b:s0+s21], $0x1800, $0x38;
	[tilespmem:$0x1C880] =	vst v63  }
0x335: {  	_ =	swait.ge [sflag:s20], $0x1800  }
0x336: {  	[sflag:s20] =	ssyncset.done $0x0  }
0x337: {  	v0 =	vmov s28;
	[sflag:s20] =	ssyncadd.s32 $0xFFFFE800  }
0x338: {  	_ =	swait.ge [sflag:s24], $0x1800  }
0x339: {  	[sflag:s24] =	ssyncset.done $0x0  }
0x33a: {  	s31 =	simm.s32 $0x0;
	[sflag:s24] =	ssyncadd.s32 $0xFFFFE800  }
0x33b: {  	v1 =	vld [tilespmem:s31+$0xA890]  }
0x33c: {  	v0 =	vld.idx.msk [tilespmem:v0+s25+$0x0], $0xffff  }
0x33d: {  	v3 =	vld [tilespmem:s31+$0xC080]  }
0x33e: {  	v2 =	vld [tilespmem:s31+$0xA880]  }
0x33f: {  	v4 =	vld [tilespmem:s31+$0xA8A0]  }
0x340: {  	v5 =	vld [tilespmem:s31+$0xC090]  }
0x341: {  	v7 =	vmul.f32 v1, v0;
	v1 =	vld [tilespmem:s31+$0xC0A0];
	_ =	sdelay $0x1  }
0x342: {  	v6 =	vmul.f32 v2, v0  }
0x343: {  	s0 =	sadd.s32 $0x1, s28;
	v2 =	vmul.f32 v4, v0  }
0x344: {  	s7 =	simm.s32 $0xC0;
	s4 =	simm.s32 $0x180;
	v0 =	vmov s0;
	v4 =	vadd.f32 v3, v6;
	v3 =	vadd.f32 v5, v7  }
.LBB2_46:
0x345: {  	p0 =	sne.s32 s4, $0x5F40;
	v1 =	vadd.f32 v1, v2  }
0x346: {  	s5 =	sshra.s32 s7, $0x2;
	s7 =	smov.u32 s4;
	[tilespmem:s31+$0xA880] =	vst v4  }
0x347: {  	v4 =	vld [tilespmem:s5+$0xC080];
	[tilespmem:s31+$0xA890] =	vst v3  }
0x348: {  	v2 =	vld [tilespmem:s5+$0xA890];
	[tilespmem:s31+$0xA8A0] =	vst v1;
	s31 =	smov.u32 s5  }
0x349: {  	v0 =	vld.idx.msk [tilespmem:v0+s25+$0x0], $0xffff  }
0x34a: {  	v3 =	vld [tilespmem:s31+$0xA880]  }
0x34b: {  	v5 =	vld [tilespmem:s31+$0xA8A0]  }
0x34c: {  	v6 =	vld [tilespmem:s31+$0xC090]  }
.Ltmp22:
0x34d: {  	v1 =	vld [tilespmem:s31+$0xC0A0];
	(pc) =	sbr.rel @p0 .LBB2_46-.Ltmp22, $4  }
0x34e: {  	_ = 	snop  }
0x34f: {  	v7 =	vmul.f32 v2, v0;
	v3 =	vmul.f32 v3, v0  }
0x350: {  	s0 =	sadd.s32 $0x1, s0;
	v2 =	vmul.f32 v5, v0  }
0x351: {  	s4 =	sadd.s32 $0xC0, s4;
	v0 =	vmov s0;
	v4 =	vadd.f32 v4, v3;
	v3 =	vadd.f32 v6, v7  }
0x352: {  	_ = 	snop  }
0x353: {  	s0 =	sshra.s32 s7, $0x2;
	v1 =	vadd.f32 v1, v2;
	[tilespmem:s31+$0xA880] =	vst v4  }
0x354: {  	v4 =	vld [tilespmem:s0+$0xC080];
	[tilespmem:s31+$0xA890] =	vst v3  }
0x355: {  	v63 =	vld [tilespmem:s0+$0xA890];
	[tilespmem:s31+$0xA8A0] =	vst v1  }
0x356: {  	v0 =	vld.idx.msk [tilespmem:v0+s25+$0x0], $0xffff  }
0x357: {  	v1 =	vld [tilespmem:s0+$0xA880];
	_ =	sdelay $0x1  }
0x358: {  	v3 =	vld [tilespmem:s0+$0xA8A0]  }
0x359: {  	v5 =	vld [tilespmem:s0+$0xC090]  }
0x35a: {  	v6 =	vld [tilespmem:s0+$0xC0A0]  }
0x35b: {  	v1 =	vmul.f32 v1, v0  }
0x35c: {  	v2 =	vmul.f32 v63, v0  }
0x35d: {  	v0 =	vmul.f32 v3, v0;
	v1 =	vadd.f32 v4, v1  }
0x35e: {  	v2 =	vadd.f32 v5, v2  }
0x35f: {  	s29 =	sadd.s32 $0x1, s29;
	v0 =	vadd.f32 v6, v0;
	[tilespmem:s0+$0xA880] =	vst v1  }
0x360: {  	p0 =	sne.s32 s29, $0x5;
	[tilespmem:s0+$0xA890] =	vst v2  }
.Ltmp23:
0x361: {  	[tilespmem:s0+$0xA8A0] =	vst v0;
	(pc) =	sbr.rel @p0 .LBB2_45-.Ltmp23, $4  }
0x362: {  	[spmem:s30] =	stream.linear.scatter [tilespmem:s22], [sflag:$0x5], $0x1800, $0x38;
	[tilespmem:$0x1C880] =	vst v63  }
0x363: {  	_ =	swait.ge [sflag:s26], $0x1800  }
0x364: {  	[sflag:s26] =	ssyncset.done $0x0  }
0x365: {  	s28 =	sadd.s32 $0x80, s28;
	[sflag:s26] =	ssyncadd.s32 $0xFFFFE800  }
0x366: {  	v0 =	vimm.f32 $0.0e+00;
	s0 =	simm.s32 $0xC0;
	s4 =	simm.s32 $0x0  }
.LBB2_49:
0x367: {  	p0 =	sne.s32 s0, $0x5F40;
	[tilespmem:s4+$0xA8A0] =	vst v0;
	s5 =	smov.u32 s0;
	s0 =	sadd.s32 $0xC0, s0  }
.Ltmp24:
0x368: {  	[tilespmem:s4+$0xA880] =	vst v0;
	(pc) =	sbr.rel @p0 .LBB2_49-.Ltmp24, $2  }
0x369: {  	[tilespmem:s4+$0xA890] =	vst v0;
	_ =	sdelay $0x2  }
0x36a: {  	s4 =	sshra.s32 s5, $0x2  }
0x36b: {  	[tilespmem:s4+$0xA8A0] =	vst v0  }
0x36c: {  	[tilespmem:s4+$0xA880] =	vst v0  }
0x36d: {  	[tilespmem:s4+$0xA890] =	vst v0;
	s20 =	simm.s32 $0xA880;
	s0 =	simm.s32 $0x5  }
0x36e: {  	[spmem:s10] =	stream.linear.scatter [tilespmem:s20], [sflag:$0x5], $0x1800, $0x38;
	[tilespmem:$0x1C880] =	vst v63  }
0x36f: {  	_ =	swait.ge [sflag:s0], $0x1800  }
0x370: {  	[sflag:s0] =	ssyncset.done $0x0  }
0x371: {  	[sflag:s0] =	ssyncadd.s32 $0xFFFFE800  }
0x372: {  	[spmem:s11] =	stream.linear.scatter [tilespmem:s20], [sflag:$0x5], $0x1800, $0x38;
	[tilespmem:$0x1C880] =	vst v63  }
0x373: {  	_ =	swait.ge [sflag:s0], $0x1800  }
0x374: {  	[sflag:s0] =	ssyncset.done $0x0  }
0x375: {  	[sflag:s0] =	ssyncadd.s32 $0xFFFFE800  }
0x376: {  	[spmem:s12] =	stream.linear.scatter [tilespmem:s20], [sflag:$0x5], $0x1800, $0x38;
	[tilespmem:$0x1C880] =	vst v63  }
0x377: {  	_ =	swait.ge [sflag:s0], $0x1800  }
0x378: {  	[sflag:s0] =	ssyncset.done $0x0  }
0x379: {  	[sflag:s0] =	ssyncadd.s32 $0xFFFFE800  }
0x37a: {  	[spmem:s13] =	stream.linear.scatter [tilespmem:s20], [sflag:$0x5], $0x1800, $0x38;
	[tilespmem:$0x1C880] =	vst v63  }
0x37b: {  	_ =	swait.ge [sflag:s0], $0x1800  }
0x37c: {  	[sflag:s0] =	ssyncset.done $0x0  }
0x37d: {  	[sflag:s0] =	ssyncadd.s32 $0xFFFFE800  }
0x37e: {  	[spmem:s14] =	stream.linear.scatter [tilespmem:s20], [sflag:$0x5], $0x1800, $0x38;
	[tilespmem:$0x1C880] =	vst v63  }
0x37f: {  	_ =	swait.ge [sflag:s0], $0x1800  }
0x380: {  	[sflag:s0] =	ssyncset.done $0x0  }
0x381: {  	s21 =	simm.s32 $0x80;
	[sflag:s0] =	ssyncadd.s32 $0xFFFFE800  }
0x382: {  	s24 =	simm.s32 $0x0;
	s22 =	simm.s32 $0x1;
	[bflag:$0x0] =	sbarrier.arrive $0xFFFF  }
0x383: {  	[tilespmem:s20], [sflag:$0x1] =	stream.indirect.gather [spmem:s2], $0x30, s24, s21, $0xb8;
	[tilespmem:$0x1C880] =	vst v63  }
0x384: {  	_ =	swait.ge [sflag:s22], $0x1800  }
0x385: {  	[sflag:s22] =	ssyncset.done $0x0  }
0x386: {  	s25 =	simm.s32 $0x5400;
	[sflag:s22] =	ssyncadd.s32 $0xFFFFE800  }
0x387: {  	[spmem:s9] =	stream.indirect.scatter.add.f32 [tilespmem:s20], [sflag:$0x3], $0x30, s25, s21, $0xb8;
	[tilespmem:$0x1C880] =	vst v63  }
0x388: {  	s23 =	simm.s32 $0xC080;
	s24 =	simm.s32 $0x2  }
0x389: {  	[tilespmem:s23], [sflag:$0x2] =	stream.indirect.gather [spmem:s2], $0x30, s21, s21, $0xb8;
	[tilespmem:$0x1C880] =	vst v63  }
0x38a: {  	_ =	swait.ge [sflag:s24], $0x1800  }
0x38b: {  	[sflag:s24] =	ssyncset.done $0x0  }
0x38c: {  	s26 =	simm.s32 $0x5480;
	s25 =	simm.s32 $0x3;
	[sflag:s24] =	ssyncadd.s32 $0xFFFFE800  }
0x38d: {  	[spmem:s9] =	stream.indirect.scatter.add.f32 [tilespmem:s23], [sflag:$0x4], $0x30, s26, s21, $0xb8;
	[tilespmem:$0x1C880] =	vst v63  }
0x38e: {  	_ =	swait.ge [sflag:s25], $0x1800  }
0x38f: {  	[sflag:s25] =	ssyncset.done $0x0  }
0x390: {  	s28 =	simm.s32 $0x100;
	[sflag:s25] =	ssyncadd.s32 $0xFFFFE800  }
0x391: {  	[tilespmem:s20], [sflag:$0x1] =	stream.indirect.gather [spmem:s2], $0x30, s28, s21, $0xb8;
	[tilespmem:$0x1C880] =	vst v63  }
0x392: {  	_ =	swait.ge [sflag:s22], $0x1800  }
0x393: {  	[sflag:s22] =	ssyncset.done $0x0  }
0x394: {  	s29 =	simm.s32 $0x5500;
	s26 =	simm.s32 $0x4;
	[sflag:s22] =	ssyncadd.s32 $0xFFFFE800  }
0x395: {  	[spmem:s9] =	stream.indirect.scatter.add.f32 [tilespmem:s20], [sflag:$0x3], $0x30, s29, s21, $0xb8;
	[tilespmem:$0x1C880] =	vst v63  }
0x396: {  	_ =	swait.ge [sflag:s26], $0x1800  }
0x397: {  	[sflag:s26] =	ssyncset.done $0x0  }
0x398: {  	s30 =	simm.s32 $0x180;
	[sflag:s26] =	ssyncadd.s32 $0xFFFFE800  }
0x399: {  	[tilespmem:s23], [sflag:$0x2] =	stream.indirect.gather [spmem:s2], $0x30, s30, s21, $0xb8;
	[tilespmem:$0x1C880] =	vst v63  }
0x39a: {  	_ =	swait.ge [sflag:s24], $0x1800  }
0x39b: {  	[sflag:s24] =	ssyncset.done $0x0  }
0x39c: {  	s31 =	simm.s32 $0x5580;
	[sflag:s24] =	ssyncadd.s32 $0xFFFFE800  }
0x39d: {  	[spmem:s9] =	stream.indirect.scatter.add.f32 [tilespmem:s23], [sflag:$0x4], $0x30, s31, s21, $0xb8;
	[tilespmem:$0x1C880] =	vst v63  }
0x39e: {  	_ =	swait.ge [sflag:s25], $0x1800  }
0x39f: {  	[sflag:s25] =	ssyncset.done $0x0  }
0x3a0: {  	s4 =	simm.s32 $0x200;
	s0 =	simm.s32 $0xFFFEC000;
	[sflag:s25] =	ssyncadd.s32 $0xFFFFE800  }
.LBB2_51:
0x3a1: {  	[tilespmem:s20], [sflag:$0x1] =	stream.indirect.gather [spmem:s2], $0x30, s4, s21, $0xb8;
	[tilespmem:$0x1C880] =	vst v63  }
0x3a2: {  	s4 =	smov.u32 s0  }
0x3a3: {  	p0 =	sne.s32 s0, $0xFFFFFC00;
	s0 =	sadd.s32 $0x400, s0;
	_ =	swait.ge [sflag:s22], $0x1800  }
0x3a4: {  	s4 =	sshra.s32 s4, $0x2;
	[sflag:s22] =	ssyncset.done $0x0  }
0x3a5: {  	s5 =	sadd.s32 $0xA600, s4;
	[sflag:s22] =	ssyncadd.s32 $0xFFFFE800  }
0x3a6: {  	[spmem:s9] =	stream.indirect.scatter.add.f32 [tilespmem:s20], [sflag:$0x3], $0x30, s5, s21, $0xb8;
	[tilespmem:$0x1C880] =	vst v63  }
0x3a7: {  	_ =	swait.ge [sflag:s26], $0x1800  }
0x3a8: {  	[sflag:s26] =	ssyncset.done $0x0  }
0x3a9: {  	s5 =	sadd.s32 $0x5280, s4;
	[sflag:s26] =	ssyncadd.s32 $0xFFFFE800  }
0x3aa: {  	[tilespmem:s23], [sflag:$0x2] =	stream.indirect.gather [spmem:s2], $0x30, s5, s21, $0xb8;
	[tilespmem:$0x1C880] =	vst v63  }
0x3ab: {  	_ =	swait.ge [sflag:s24], $0x1800  }
0x3ac: {  	[sflag:s24] =	ssyncset.done $0x0  }
.Ltmp25:
0x3ad: {  	s5 =	sadd.s32 $0xA680, s4;
	[sflag:s24] =	ssyncadd.s32 $0xFFFFE800;
	(pc) =	sbr.rel @p0 .LBB2_51-.Ltmp25, $4  }
0x3ae: {  	[spmem:s9] =	stream.indirect.scatter.add.f32 [tilespmem:s23], [sflag:$0x4], $0x30, s5, s21, $0xb8;
	[tilespmem:$0x1C880] =	vst v63  }
0x3af: {  	_ =	swait.ge [sflag:s25], $0x1800  }
0x3b0: {  	[sflag:s25] =	ssyncset.done $0x0  }
0x3b1: {  	s4 =	sadd.s32 $0x5300, s4;
	[sflag:s25] =	ssyncadd.s32 $0xFFFFE800  }
0x3b2: {  	[tilespmem:s20], [sflag:$0x1] =	stream.indirect.gather [spmem:s2], $0x30, s4, s21, $0xb8;
	[tilespmem:$0x1C880] =	vst v63  }
0x3b3: {  	s20 =	simm.s32 $0x1  }
0x3b4: {  	_ =	swait.ge [sflag:s20], $0x1800  }
0x3b5: {  	[sflag:s20] =	ssyncset.done $0x0  }
0x3b6: {  	s0 =	simm.s32 $0x4;
	[sflag:s20] =	ssyncadd.s32 $0xFFFFE800  }
0x3b7: {  	s21 =	simm.s32 $0x0;
	s22 =	simm.s32 $0xA880;
	_ =	swait.ge [sflag:s0], $0x1800  }
0x3b8: {  	s23 =	simm.s32 $0xC080;
	s24 =	simm.s32 $0x2;
	[sflag:s0] =	ssyncset.done $0x0  }
0x3b9: {  	s25 =	simm.s32 $0xA600;
	s26 =	simm.s32 $0x5;
	[sflag:s0] =	ssyncadd.s32 $0xFFFFE800  }
0x3ba: {  	s28 =	simm.s32 $0x0;
	s29 =	simm.s32 $0x0;
	[bflag:$0x0] =	sbarrier.arrive $0xFFFF  }
.LBB2_53:
0x3bb: {  	s0 =	sshll.u32 s29, $0x7  }
0x3bc: {  	s0 =	sadd.s32 s3, s0  }
0x3bd: {  	s0 =	smul.u32 $0x30, s0;
	_ =	sdelay $0x1  }
0x3be: {  	s30 =	sadd.s32 s0, s9;
	s0 =	sshrl.u32 s0, $0x3  }
0x3bf: {  	[tilespmem:s22], [sflag:$0x1] =	stream.linear.gather [spmem:s30], $0x1800, $0x38;
	[tilespmem:$0x1C880] =	vst v63  }
0x3c0: {  	s0 =	sadd.s32 s8, s0  }
0x3c1: {  	[tilespmem:s23], [sflag:$0x2] =	stream.linear.gather [hbm4b:s0+s21], $0x1800, $0x38;
	[tilespmem:$0x1C880] =	vst v63  }
0x3c2: {  	_ =	swait.ge [sflag:s20], $0x1800  }
0x3c3: {  	[sflag:s20] =	ssyncset.done $0x0  }
0x3c4: {  	v0 =	vmov s28;
	[sflag:s20] =	ssyncadd.s32 $0xFFFFE800  }
0x3c5: {  	_ =	swait.ge [sflag:s24], $0x1800  }
0x3c6: {  	[sflag:s24] =	ssyncset.done $0x0  }
0x3c7: {  	s31 =	simm.s32 $0x0;
	[sflag:s24] =	ssyncadd.s32 $0xFFFFE800  }
0x3c8: {  	v1 =	vld [tilespmem:s31+$0xA890]  }
0x3c9: {  	v0 =	vld.idx.msk [tilespmem:v0+s25+$0x0], $0xffff  }
0x3ca: {  	v3 =	vld [tilespmem:s31+$0xC080]  }
0x3cb: {  	v2 =	vld [tilespmem:s31+$0xA880]  }
0x3cc: {  	v4 =	vld [tilespmem:s31+$0xA8A0]  }
0x3cd: {  	v5 =	vld [tilespmem:s31+$0xC090]  }
0x3ce: {  	v7 =	vmul.f32 v1, v0;
	v1 =	vld [tilespmem:s31+$0xC0A0];
	_ =	sdelay $0x1  }
0x3cf: {  	v6 =	vmul.f32 v2, v0  }
0x3d0: {  	s0 =	sadd.s32 $0x1, s28;
	v2 =	vmul.f32 v4, v0  }
0x3d1: {  	s7 =	simm.s32 $0xC0;
	s4 =	simm.s32 $0x180;
	v0 =	vmov s0;
	v4 =	vadd.f32 v3, v6;
	v3 =	vadd.f32 v5, v7  }
.LBB2_54:
0x3d2: {  	p0 =	sne.s32 s4, $0x5F40;
	v1 =	vadd.f32 v1, v2  }
0x3d3: {  	s5 =	sshra.s32 s7, $0x2;
	s7 =	smov.u32 s4;
	[tilespmem:s31+$0xA880] =	vst v4  }
0x3d4: {  	v4 =	vld [tilespmem:s5+$0xC080];
	[tilespmem:s31+$0xA890] =	vst v3  }
0x3d5: {  	v2 =	vld [tilespmem:s5+$0xA890];
	[tilespmem:s31+$0xA8A0] =	vst v1;
	s31 =	smov.u32 s5  }
0x3d6: {  	v0 =	vld.idx.msk [tilespmem:v0+s25+$0x0], $0xffff  }
0x3d7: {  	v3 =	vld [tilespmem:s31+$0xA880]  }
0x3d8: {  	v5 =	vld [tilespmem:s31+$0xA8A0]  }
0x3d9: {  	v6 =	vld [tilespmem:s31+$0xC090]  }
.Ltmp26:
0x3da: {  	v1 =	vld [tilespmem:s31+$0xC0A0];
	(pc) =	sbr.rel @p0 .LBB2_54-.Ltmp26, $4  }
0x3db: {  	_ = 	snop  }
0x3dc: {  	v7 =	vmul.f32 v2, v0;
	v3 =	vmul.f32 v3, v0  }
0x3dd: {  	s0 =	sadd.s32 $0x1, s0;
	v2 =	vmul.f32 v5, v0  }
0x3de: {  	s4 =	sadd.s32 $0xC0, s4;
	v0 =	vmov s0;
	v4 =	vadd.f32 v4, v3;
	v3 =	vadd.f32 v6, v7  }
0x3df: {  	_ = 	snop  }
0x3e0: {  	s0 =	sshra.s32 s7, $0x2;
	v1 =	vadd.f32 v1, v2;
	[tilespmem:s31+$0xA880] =	vst v4  }
0x3e1: {  	v4 =	vld [tilespmem:s0+$0xC080];
	[tilespmem:s31+$0xA890] =	vst v3  }
0x3e2: {  	v63 =	vld [tilespmem:s0+$0xA890];
	[tilespmem:s31+$0xA8A0] =	vst v1  }
0x3e3: {  	v0 =	vld.idx.msk [tilespmem:v0+s25+$0x0], $0xffff  }
0x3e4: {  	v1 =	vld [tilespmem:s0+$0xA880];
	_ =	sdelay $0x1  }
0x3e5: {  	v3 =	vld [tilespmem:s0+$0xA8A0]  }
0x3e6: {  	v5 =	vld [tilespmem:s0+$0xC090]  }
0x3e7: {  	v6 =	vld [tilespmem:s0+$0xC0A0]  }
0x3e8: {  	v1 =	vmul.f32 v1, v0  }
0x3e9: {  	v2 =	vmul.f32 v63, v0  }
0x3ea: {  	v0 =	vmul.f32 v3, v0;
	v1 =	vadd.f32 v4, v1  }
0x3eb: {  	v2 =	vadd.f32 v5, v2  }
0x3ec: {  	s29 =	sadd.s32 $0x1, s29;
	v0 =	vadd.f32 v6, v0;
	[tilespmem:s0+$0xA880] =	vst v1  }
0x3ed: {  	p0 =	sne.s32 s29, $0x5;
	[tilespmem:s0+$0xA890] =	vst v2  }
.Ltmp27:
0x3ee: {  	[tilespmem:s0+$0xA8A0] =	vst v0;
	(pc) =	sbr.rel @p0 .LBB2_53-.Ltmp27, $4  }
0x3ef: {  	[spmem:s30] =	stream.linear.scatter [tilespmem:s22], [sflag:$0x5], $0x1800, $0x38;
	[tilespmem:$0x1C880] =	vst v63  }
0x3f0: {  	_ =	swait.ge [sflag:s26], $0x1800  }
0x3f1: {  	[sflag:s26] =	ssyncset.done $0x0  }
0x3f2: {  	s28 =	sadd.s32 $0x80, s28;
	[sflag:s26] =	ssyncadd.s32 $0xFFFFE800  }
0x3f3: {  	v0 =	vimm.f32 $0.0e+00;
	s0 =	simm.s32 $0xC0;
	s4 =	simm.s32 $0x0  }
.LBB2_57:
0x3f4: {  	p0 =	sne.s32 s0, $0x5F40;
	[tilespmem:s4+$0xA8A0] =	vst v0;
	s5 =	smov.u32 s0;
	s0 =	sadd.s32 $0xC0, s0  }
.Ltmp28:
0x3f5: {  	[tilespmem:s4+$0xA880] =	vst v0;
	(pc) =	sbr.rel @p0 .LBB2_57-.Ltmp28, $2  }
0x3f6: {  	[tilespmem:s4+$0xA890] =	vst v0;
	_ =	sdelay $0x2  }
0x3f7: {  	s4 =	sshra.s32 s5, $0x2  }
0x3f8: {  	[tilespmem:s4+$0xA8A0] =	vst v0  }
0x3f9: {  	[tilespmem:s4+$0xA880] =	vst v0  }
0x3fa: {  	[tilespmem:s4+$0xA890] =	vst v0;
	s20 =	simm.s32 $0xA880;
	s0 =	simm.s32 $0x5  }
0x3fb: {  	[spmem:s15] =	stream.linear.scatter [tilespmem:s20], [sflag:$0x5], $0x1800, $0x38;
	[tilespmem:$0x1C880] =	vst v63  }
0x3fc: {  	_ =	swait.ge [sflag:s0], $0x1800  }
0x3fd: {  	[sflag:s0] =	ssyncset.done $0x0  }
0x3fe: {  	[sflag:s0] =	ssyncadd.s32 $0xFFFFE800  }
0x3ff: {  	[spmem:s16] =	stream.linear.scatter [tilespmem:s20], [sflag:$0x5], $0x1800, $0x38;
	[tilespmem:$0x1C880] =	vst v63  }
0x400: {  	_ =	swait.ge [sflag:s0], $0x1800  }
0x401: {  	[sflag:s0] =	ssyncset.done $0x0  }
0x402: {  	[sflag:s0] =	ssyncadd.s32 $0xFFFFE800  }
0x403: {  	[spmem:s17] =	stream.linear.scatter [tilespmem:s20], [sflag:$0x5], $0x1800, $0x38;
	[tilespmem:$0x1C880] =	vst v63  }
0x404: {  	_ =	swait.ge [sflag:s0], $0x1800  }
0x405: {  	[sflag:s0] =	ssyncset.done $0x0  }
0x406: {  	[sflag:s0] =	ssyncadd.s32 $0xFFFFE800  }
0x407: {  	[spmem:s18] =	stream.linear.scatter [tilespmem:s20], [sflag:$0x5], $0x1800, $0x38;
	[tilespmem:$0x1C880] =	vst v63  }
0x408: {  	_ =	swait.ge [sflag:s0], $0x1800  }
0x409: {  	[sflag:s0] =	ssyncset.done $0x0  }
0x40a: {  	[sflag:s0] =	ssyncadd.s32 $0xFFFFE800  }
0x40b: {  	[spmem:s19] =	stream.linear.scatter [tilespmem:s20], [sflag:$0x5], $0x1800, $0x38;
	[tilespmem:$0x1C880] =	vst v63  }
0x40c: {  	_ =	swait.ge [sflag:s0], $0x1800  }
0x40d: {  	[sflag:s0] =	ssyncset.done $0x0  }
0x40e: {  	s21 =	simm.s32 $0x80;
	[sflag:s0] =	ssyncadd.s32 $0xFFFFE800  }
0x40f: {  	s24 =	simm.s32 $0x0;
	s22 =	simm.s32 $0x1;
	[bflag:$0x0] =	sbarrier.arrive $0xFFFF  }
0x410: {  	[tilespmem:s20], [sflag:$0x1] =	stream.indirect.gather [spmem:s9], $0x30, s24, s21, $0xb8;
	[tilespmem:$0x1C880] =	vst v63  }
0x411: {  	_ =	swait.ge [sflag:s22], $0x1800  }
0x412: {  	[sflag:s22] =	ssyncset.done $0x0  }
0x413: {  	s25 =	simm.s32 $0x5400;
	[sflag:s22] =	ssyncadd.s32 $0xFFFFE800  }
0x414: {  	[spmem:s2] =	stream.indirect.scatter.add.f32 [tilespmem:s20], [sflag:$0x3], $0x30, s25, s21, $0xb8;
	[tilespmem:$0x1C880] =	vst v63  }
0x415: {  	s23 =	simm.s32 $0xC080;
	s24 =	simm.s32 $0x2  }
0x416: {  	[tilespmem:s23], [sflag:$0x2] =	stream.indirect.gather [spmem:s9], $0x30, s21, s21, $0xb8;
	[tilespmem:$0x1C880] =	vst v63  }
0x417: {  	_ =	swait.ge [sflag:s24], $0x1800  }
0x418: {  	[sflag:s24] =	ssyncset.done $0x0  }
0x419: {  	s26 =	simm.s32 $0x5480;
	s25 =	simm.s32 $0x3;
	[sflag:s24] =	ssyncadd.s32 $0xFFFFE800  }
0x41a: {  	[spmem:s2] =	stream.indirect.scatter.add.f32 [tilespmem:s23], [sflag:$0x4], $0x30, s26, s21, $0xb8;
	[tilespmem:$0x1C880] =	vst v63  }
0x41b: {  	_ =	swait.ge [sflag:s25], $0x1800  }
0x41c: {  	[sflag:s25] =	ssyncset.done $0x0  }
0x41d: {  	s28 =	simm.s32 $0x100;
	[sflag:s25] =	ssyncadd.s32 $0xFFFFE800  }
0x41e: {  	[tilespmem:s20], [sflag:$0x1] =	stream.indirect.gather [spmem:s9], $0x30, s28, s21, $0xb8;
	[tilespmem:$0x1C880] =	vst v63  }
0x41f: {  	_ =	swait.ge [sflag:s22], $0x1800  }
0x420: {  	[sflag:s22] =	ssyncset.done $0x0  }
0x421: {  	s29 =	simm.s32 $0x5500;
	s26 =	simm.s32 $0x4;
	[sflag:s22] =	ssyncadd.s32 $0xFFFFE800  }
0x422: {  	[spmem:s2] =	stream.indirect.scatter.add.f32 [tilespmem:s20], [sflag:$0x3], $0x30, s29, s21, $0xb8;
	[tilespmem:$0x1C880] =	vst v63  }
0x423: {  	_ =	swait.ge [sflag:s26], $0x1800  }
0x424: {  	[sflag:s26] =	ssyncset.done $0x0  }
0x425: {  	s30 =	simm.s32 $0x180;
	[sflag:s26] =	ssyncadd.s32 $0xFFFFE800  }
0x426: {  	[tilespmem:s23], [sflag:$0x2] =	stream.indirect.gather [spmem:s9], $0x30, s30, s21, $0xb8;
	[tilespmem:$0x1C880] =	vst v63  }
0x427: {  	_ =	swait.ge [sflag:s24], $0x1800  }
0x428: {  	[sflag:s24] =	ssyncset.done $0x0  }
0x429: {  	s31 =	simm.s32 $0x5580;
	[sflag:s24] =	ssyncadd.s32 $0xFFFFE800  }
0x42a: {  	[spmem:s2] =	stream.indirect.scatter.add.f32 [tilespmem:s23], [sflag:$0x4], $0x30, s31, s21, $0xb8;
	[tilespmem:$0x1C880] =	vst v63  }
0x42b: {  	_ =	swait.ge [sflag:s25], $0x1800  }
0x42c: {  	[sflag:s25] =	ssyncset.done $0x0  }
0x42d: {  	s4 =	simm.s32 $0x200;
	s0 =	simm.s32 $0xFFFEC000;
	[sflag:s25] =	ssyncadd.s32 $0xFFFFE800  }
.LBB2_59:
0x42e: {  	[tilespmem:s20], [sflag:$0x1] =	stream.indirect.gather [spmem:s9], $0x30, s4, s21, $0xb8;
	[tilespmem:$0x1C880] =	vst v63  }
0x42f: {  	s4 =	smov.u32 s0  }
0x430: {  	p0 =	sne.s32 s0, $0xFFFFFC00;
	s0 =	sadd.s32 $0x400, s0;
	_ =	swait.ge [sflag:s22], $0x1800  }
0x431: {  	s4 =	sshra.s32 s4, $0x2;
	[sflag:s22] =	ssyncset.done $0x0  }
0x432: {  	s5 =	sadd.s32 $0xA600, s4;
	[sflag:s22] =	ssyncadd.s32 $0xFFFFE800  }
0x433: {  	[spmem:s2] =	stream.indirect.scatter.add.f32 [tilespmem:s20], [sflag:$0x3], $0x30, s5, s21, $0xb8;
	[tilespmem:$0x1C880] =	vst v63  }
0x434: {  	_ =	swait.ge [sflag:s26], $0x1800  }
0x435: {  	[sflag:s26] =	ssyncset.done $0x0  }
0x436: {  	s5 =	sadd.s32 $0x5280, s4;
	[sflag:s26] =	ssyncadd.s32 $0xFFFFE800  }
0x437: {  	[tilespmem:s23], [sflag:$0x2] =	stream.indirect.gather [spmem:s9], $0x30, s5, s21, $0xb8;
	[tilespmem:$0x1C880] =	vst v63  }
0x438: {  	_ =	swait.ge [sflag:s24], $0x1800  }
0x439: {  	[sflag:s24] =	ssyncset.done $0x0  }
.Ltmp29:
0x43a: {  	s5 =	sadd.s32 $0xA680, s4;
	[sflag:s24] =	ssyncadd.s32 $0xFFFFE800;
	(pc) =	sbr.rel @p0 .LBB2_59-.Ltmp29, $4  }
0x43b: {  	[spmem:s2] =	stream.indirect.scatter.add.f32 [tilespmem:s23], [sflag:$0x4], $0x30, s5, s21, $0xb8;
	[tilespmem:$0x1C880] =	vst v63  }
0x43c: {  	_ =	swait.ge [sflag:s25], $0x1800  }
0x43d: {  	[sflag:s25] =	ssyncset.done $0x0  }
0x43e: {  	s4 =	sadd.s32 $0x5300, s4;
	[sflag:s25] =	ssyncadd.s32 $0xFFFFE800  }
0x43f: {  	[tilespmem:s20], [sflag:$0x1] =	stream.indirect.gather [spmem:s9], $0x30, s4, s21, $0xb8;
	[tilespmem:$0x1C880] =	vst v63  }
0x440: {  	s20 =	simm.s32 $0x1  }
0x441: {  	_ =	swait.ge [sflag:s20], $0x1800  }
0x442: {  	[sflag:s20] =	ssyncset.done $0x0  }
0x443: {  	s0 =	simm.s32 $0x4;
	[sflag:s20] =	ssyncadd.s32 $0xFFFFE800  }
0x444: {  	s21 =	simm.s32 $0x0;
	s22 =	simm.s32 $0xA880;
	_ =	swait.ge [sflag:s0], $0x1800  }
0x445: {  	s23 =	simm.s32 $0xC080;
	s24 =	simm.s32 $0x2;
	[sflag:s0] =	ssyncset.done $0x0  }
0x446: {  	s25 =	simm.s32 $0xA600;
	s26 =	simm.s32 $0x5;
	[sflag:s0] =	ssyncadd.s32 $0xFFFFE800  }
0x447: {  	s28 =	simm.s32 $0x0;
	s29 =	simm.s32 $0x0;
	[bflag:$0x0] =	sbarrier.arrive $0xFFFF  }
.LBB2_61:
0x448: {  	s0 =	sshll.u32 s29, $0x7  }
0x449: {  	s0 =	sadd.s32 s3, s0  }
0x44a: {  	s0 =	smul.u32 $0x30, s0;
	_ =	sdelay $0x1  }
0x44b: {  	s30 =	sadd.s32 s0, s2;
	s0 =	sshrl.u32 s0, $0x3  }
0x44c: {  	[tilespmem:s22], [sflag:$0x1] =	stream.linear.gather [spmem:s30], $0x1800, $0x38;
	[tilespmem:$0x1C880] =	vst v63  }
0x44d: {  	s0 =	sadd.s32 s8, s0  }
0x44e: {  	[tilespmem:s23], [sflag:$0x2] =	stream.linear.gather [hbm4b:s0+s21], $0x1800, $0x38;
	[tilespmem:$0x1C880] =	vst v63  }
0x44f: {  	_ =	swait.ge [sflag:s20], $0x1800  }
0x450: {  	[sflag:s20] =	ssyncset.done $0x0  }
0x451: {  	v0 =	vmov s28;
	[sflag:s20] =	ssyncadd.s32 $0xFFFFE800  }
0x452: {  	_ =	swait.ge [sflag:s24], $0x1800  }
0x453: {  	[sflag:s24] =	ssyncset.done $0x0  }
0x454: {  	s31 =	simm.s32 $0x0;
	[sflag:s24] =	ssyncadd.s32 $0xFFFFE800  }
0x455: {  	v1 =	vld [tilespmem:s31+$0xA890]  }
0x456: {  	v0 =	vld.idx.msk [tilespmem:v0+s25+$0x0], $0xffff  }
0x457: {  	v3 =	vld [tilespmem:s31+$0xC080]  }
0x458: {  	v2 =	vld [tilespmem:s31+$0xA880]  }
0x459: {  	v4 =	vld [tilespmem:s31+$0xA8A0]  }
0x45a: {  	v5 =	vld [tilespmem:s31+$0xC090]  }
0x45b: {  	v7 =	vmul.f32 v1, v0;
	v1 =	vld [tilespmem:s31+$0xC0A0];
	_ =	sdelay $0x1  }
0x45c: {  	v6 =	vmul.f32 v2, v0  }
0x45d: {  	s0 =	sadd.s32 $0x1, s28;
	v2 =	vmul.f32 v4, v0  }
0x45e: {  	s7 =	simm.s32 $0xC0;
	s4 =	simm.s32 $0x180;
	v0 =	vmov s0;
	v4 =	vadd.f32 v3, v6;
	v3 =	vadd.f32 v5, v7  }
.LBB2_62:
0x45f: {  	p0 =	sne.s32 s4, $0x5F40;
	v1 =	vadd.f32 v1, v2  }
0x460: {  	s5 =	sshra.s32 s7, $0x2;
	s7 =	smov.u32 s4;
	[tilespmem:s31+$0xA880] =	vst v4  }
0x461: {  	v4 =	vld [tilespmem:s5+$0xC080];
	[tilespmem:s31+$0xA890] =	vst v3  }
0x462: {  	v2 =	vld [tilespmem:s5+$0xA890];
	[tilespmem:s31+$0xA8A0] =	vst v1;
	s31 =	smov.u32 s5  }
0x463: {  	v0 =	vld.idx.msk [tilespmem:v0+s25+$0x0], $0xffff  }
0x464: {  	v3 =	vld [tilespmem:s31+$0xA880]  }
0x465: {  	v5 =	vld [tilespmem:s31+$0xA8A0]  }
0x466: {  	v6 =	vld [tilespmem:s31+$0xC090]  }
.Ltmp30:
0x467: {  	v1 =	vld [tilespmem:s31+$0xC0A0];
	(pc) =	sbr.rel @p0 .LBB2_62-.Ltmp30, $4  }
0x468: {  	_ = 	snop  }
0x469: {  	v7 =	vmul.f32 v2, v0;
	v3 =	vmul.f32 v3, v0  }
0x46a: {  	s0 =	sadd.s32 $0x1, s0;
	v2 =	vmul.f32 v5, v0  }
0x46b: {  	s4 =	sadd.s32 $0xC0, s4;
	v0 =	vmov s0;
	v4 =	vadd.f32 v4, v3;
	v3 =	vadd.f32 v6, v7  }
0x46c: {  	_ = 	snop  }
0x46d: {  	s0 =	sshra.s32 s7, $0x2;
	v1 =	vadd.f32 v1, v2;
	[tilespmem:s31+$0xA880] =	vst v4  }
0x46e: {  	v4 =	vld [tilespmem:s0+$0xC080];
	[tilespmem:s31+$0xA890] =	vst v3  }
0x46f: {  	v63 =	vld [tilespmem:s0+$0xA890];
	[tilespmem:s31+$0xA8A0] =	vst v1  }
0x470: {  	v0 =	vld.idx.msk [tilespmem:v0+s25+$0x0], $0xffff  }
0x471: {  	v1 =	vld [tilespmem:s0+$0xA880];
	_ =	sdelay $0x1  }
0x472: {  	v3 =	vld [tilespmem:s0+$0xA8A0]  }
0x473: {  	v5 =	vld [tilespmem:s0+$0xC090]  }
0x474: {  	v6 =	vld [tilespmem:s0+$0xC0A0]  }
0x475: {  	v1 =	vmul.f32 v1, v0  }
0x476: {  	v2 =	vmul.f32 v63, v0  }
0x477: {  	v0 =	vmul.f32 v3, v0;
	v1 =	vadd.f32 v4, v1  }
0x478: {  	v2 =	vadd.f32 v5, v2  }
0x479: {  	s29 =	sadd.s32 $0x1, s29;
	v0 =	vadd.f32 v6, v0;
	[tilespmem:s0+$0xA880] =	vst v1  }
0x47a: {  	p0 =	sne.s32 s29, $0x5;
	[tilespmem:s0+$0xA890] =	vst v2  }
.Ltmp31:
0x47b: {  	[tilespmem:s0+$0xA8A0] =	vst v0;
	(pc) =	sbr.rel @p0 .LBB2_61-.Ltmp31, $4  }
0x47c: {  	[spmem:s30] =	stream.linear.scatter [tilespmem:s22], [sflag:$0x5], $0x1800, $0x38;
	[tilespmem:$0x1C880] =	vst v63  }
0x47d: {  	_ =	swait.ge [sflag:s26], $0x1800  }
0x47e: {  	[sflag:s26] =	ssyncset.done $0x0  }
0x47f: {  	s28 =	sadd.s32 $0x80, s28;
	[sflag:s26] =	ssyncadd.s32 $0xFFFFE800  }
0x480: {  	v0 =	vimm.f32 $0.0e+00;
	s0 =	simm.s32 $0xC0;
	s4 =	simm.s32 $0x0  }
.LBB2_65:
0x481: {  	p0 =	sne.s32 s0, $0x5F40;
	[tilespmem:s4+$0xA8A0] =	vst v0;
	s5 =	smov.u32 s0;
	s0 =	sadd.s32 $0xC0, s0  }
.Ltmp32:
0x482: {  	[tilespmem:s4+$0xA880] =	vst v0;
	(pc) =	sbr.rel @p0 .LBB2_65-.Ltmp32, $2  }
0x483: {  	[tilespmem:s4+$0xA890] =	vst v0;
	_ =	sdelay $0x2  }
0x484: {  	s4 =	sshra.s32 s5, $0x2  }
0x485: {  	[tilespmem:s4+$0xA8A0] =	vst v0  }
0x486: {  	[tilespmem:s4+$0xA880] =	vst v0  }
0x487: {  	[tilespmem:s4+$0xA890] =	vst v0;
	s20 =	simm.s32 $0xA880;
	s0 =	simm.s32 $0x5  }
0x488: {  	[spmem:s10] =	stream.linear.scatter [tilespmem:s20], [sflag:$0x5], $0x1800, $0x38;
	[tilespmem:$0x1C880] =	vst v63  }
0x489: {  	_ =	swait.ge [sflag:s0], $0x1800  }
0x48a: {  	[sflag:s0] =	ssyncset.done $0x0  }
0x48b: {  	[sflag:s0] =	ssyncadd.s32 $0xFFFFE800  }
0x48c: {  	[spmem:s11] =	stream.linear.scatter [tilespmem:s20], [sflag:$0x5], $0x1800, $0x38;
	[tilespmem:$0x1C880] =	vst v63  }
0x48d: {  	_ =	swait.ge [sflag:s0], $0x1800  }
0x48e: {  	[sflag:s0] =	ssyncset.done $0x0  }
0x48f: {  	[sflag:s0] =	ssyncadd.s32 $0xFFFFE800  }
0x490: {  	[spmem:s12] =	stream.linear.scatter [tilespmem:s20], [sflag:$0x5], $0x1800, $0x38;
	[tilespmem:$0x1C880] =	vst v63  }
0x491: {  	_ =	swait.ge [sflag:s0], $0x1800  }
0x492: {  	[sflag:s0] =	ssyncset.done $0x0  }
0x493: {  	[sflag:s0] =	ssyncadd.s32 $0xFFFFE800  }
0x494: {  	[spmem:s13] =	stream.linear.scatter [tilespmem:s20], [sflag:$0x5], $0x1800, $0x38;
	[tilespmem:$0x1C880] =	vst v63  }
0x495: {  	_ =	swait.ge [sflag:s0], $0x1800  }
0x496: {  	[sflag:s0] =	ssyncset.done $0x0  }
0x497: {  	[sflag:s0] =	ssyncadd.s32 $0xFFFFE800  }
0x498: {  	[spmem:s14] =	stream.linear.scatter [tilespmem:s20], [sflag:$0x5], $0x1800, $0x38;
	[tilespmem:$0x1C880] =	vst v63  }
0x499: {  	_ =	swait.ge [sflag:s0], $0x1800  }
0x49a: {  	[sflag:s0] =	ssyncset.done $0x0  }
0x49b: {  	s24 =	simm.s32 $0x0;
	[sflag:s0] =	ssyncadd.s32 $0xFFFFE800  }
0x49c: {  	s10 =	simm.s32 $0x80;
	s11 =	simm.s32 $0x1;
	[bflag:$0x0] =	sbarrier.arrive $0xFFFF  }
0x49d: {  	[tilespmem:s20], [sflag:$0x1] =	stream.indirect.gather [spmem:s2], $0x30, s24, s10, $0xb8;
	[tilespmem:$0x1C880] =	vst v63  }
0x49e: {  	_ =	swait.ge [sflag:s11], $0x1800  }
0x49f: {  	[sflag:s11] =	ssyncset.done $0x0  }
0x4a0: {  	s25 =	simm.s32 $0x5400;
	[sflag:s11] =	ssyncadd.s32 $0xFFFFE800  }
0x4a1: {  	[spmem:s9] =	stream.indirect.scatter.add.f32 [tilespmem:s20], [sflag:$0x3], $0x30, s25, s10, $0xb8;
	[tilespmem:$0x1C880] =	vst v63  }
0x4a2: {  	s12 =	simm.s32 $0xC080;
	s13 =	simm.s32 $0x2  }
0x4a3: {  	[tilespmem:s12], [sflag:$0x2] =	stream.indirect.gather [spmem:s2], $0x30, s10, s10, $0xb8;
	[tilespmem:$0x1C880] =	vst v63  }
0x4a4: {  	_ =	swait.ge [sflag:s13], $0x1800  }
0x4a5: {  	[sflag:s13] =	ssyncset.done $0x0  }
0x4a6: {  	s26 =	simm.s32 $0x5480;
	s14 =	simm.s32 $0x3;
	[sflag:s13] =	ssyncadd.s32 $0xFFFFE800  }
0x4a7: {  	[spmem:s9] =	stream.indirect.scatter.add.f32 [tilespmem:s12], [sflag:$0x4], $0x30, s26, s10, $0xb8;
	[tilespmem:$0x1C880] =	vst v63  }
0x4a8: {  	_ =	swait.ge [sflag:s14], $0x1800  }
0x4a9: {  	[sflag:s14] =	ssyncset.done $0x0  }
0x4aa: {  	s28 =	simm.s32 $0x100;
	[sflag:s14] =	ssyncadd.s32 $0xFFFFE800  }
0x4ab: {  	[tilespmem:s20], [sflag:$0x1] =	stream.indirect.gather [spmem:s2], $0x30, s28, s10, $0xb8;
	[tilespmem:$0x1C880] =	vst v63  }
0x4ac: {  	_ =	swait.ge [sflag:s11], $0x1800  }
0x4ad: {  	[sflag:s11] =	ssyncset.done $0x0  }
0x4ae: {  	s21 =	simm.s32 $0x4;
	s29 =	simm.s32 $0x5500;
	[sflag:s11] =	ssyncadd.s32 $0xFFFFE800  }
0x4af: {  	[spmem:s9] =	stream.indirect.scatter.add.f32 [tilespmem:s20], [sflag:$0x3], $0x30, s29, s10, $0xb8;
	[tilespmem:$0x1C880] =	vst v63  }
0x4b0: {  	_ =	swait.ge [sflag:s21], $0x1800  }
0x4b1: {  	[sflag:s21] =	ssyncset.done $0x0  }
0x4b2: {  	s30 =	simm.s32 $0x180;
	[sflag:s21] =	ssyncadd.s32 $0xFFFFE800  }
0x4b3: {  	[tilespmem:s12], [sflag:$0x2] =	stream.indirect.gather [spmem:s2], $0x30, s30, s10, $0xb8;
	[tilespmem:$0x1C880] =	vst v63  }
0x4b4: {  	_ =	swait.ge [sflag:s13], $0x1800  }
0x4b5: {  	[sflag:s13] =	ssyncset.done $0x0  }
0x4b6: {  	s31 =	simm.s32 $0x5580;
	[sflag:s13] =	ssyncadd.s32 $0xFFFFE800  }
0x4b7: {  	[spmem:s9] =	stream.indirect.scatter.add.f32 [tilespmem:s12], [sflag:$0x4], $0x30, s31, s10, $0xb8;
	[tilespmem:$0x1C880] =	vst v63  }
0x4b8: {  	_ =	swait.ge [sflag:s14], $0x1800  }
0x4b9: {  	[sflag:s14] =	ssyncset.done $0x0  }
0x4ba: {  	s4 =	simm.s32 $0x200;
	s0 =	simm.s32 $0xFFFEC000;
	[sflag:s14] =	ssyncadd.s32 $0xFFFFE800  }
.LBB2_67:
0x4bb: {  	[tilespmem:s20], [sflag:$0x1] =	stream.indirect.gather [spmem:s2], $0x30, s4, s10, $0xb8;
	[tilespmem:$0x1C880] =	vst v63  }
0x4bc: {  	s4 =	smov.u32 s0  }
0x4bd: {  	p0 =	sne.s32 s0, $0xFFFFFC00;
	s0 =	sadd.s32 $0x400, s0;
	_ =	swait.ge [sflag:s11], $0x1800  }
0x4be: {  	s4 =	sshra.s32 s4, $0x2;
	[sflag:s11] =	ssyncset.done $0x0  }
0x4bf: {  	s5 =	sadd.s32 $0xA600, s4;
	[sflag:s11] =	ssyncadd.s32 $0xFFFFE800  }
0x4c0: {  	[spmem:s9] =	stream.indirect.scatter.add.f32 [tilespmem:s20], [sflag:$0x3], $0x30, s5, s10, $0xb8;
	[tilespmem:$0x1C880] =	vst v63  }
0x4c1: {  	_ =	swait.ge [sflag:s21], $0x1800  }
0x4c2: {  	[sflag:s21] =	ssyncset.done $0x0  }
0x4c3: {  	s5 =	sadd.s32 $0x5280, s4;
	[sflag:s21] =	ssyncadd.s32 $0xFFFFE800  }
0x4c4: {  	[tilespmem:s12], [sflag:$0x2] =	stream.indirect.gather [spmem:s2], $0x30, s5, s10, $0xb8;
	[tilespmem:$0x1C880] =	vst v63  }
0x4c5: {  	_ =	swait.ge [sflag:s13], $0x1800  }
0x4c6: {  	[sflag:s13] =	ssyncset.done $0x0  }
.Ltmp33:
0x4c7: {  	s5 =	sadd.s32 $0xA680, s4;
	[sflag:s13] =	ssyncadd.s32 $0xFFFFE800;
	(pc) =	sbr.rel @p0 .LBB2_67-.Ltmp33, $4  }
0x4c8: {  	[spmem:s9] =	stream.indirect.scatter.add.f32 [tilespmem:s12], [sflag:$0x4], $0x30, s5, s10, $0xb8;
	[tilespmem:$0x1C880] =	vst v63  }
0x4c9: {  	_ =	swait.ge [sflag:s14], $0x1800  }
0x4ca: {  	[sflag:s14] =	ssyncset.done $0x0  }
0x4cb: {  	s4 =	sadd.s32 $0x5300, s4;
	[sflag:s14] =	ssyncadd.s32 $0xFFFFE800  }
0x4cc: {  	[tilespmem:s20], [sflag:$0x1] =	stream.indirect.gather [spmem:s2], $0x30, s4, s10, $0xb8;
	[tilespmem:$0x1C880] =	vst v63  }
0x4cd: {  	s10 =	simm.s32 $0x1  }
0x4ce: {  	_ =	swait.ge [sflag:s10], $0x1800  }
0x4cf: {  	[sflag:s10] =	ssyncset.done $0x0  }
0x4d0: {  	s0 =	simm.s32 $0x4;
	[sflag:s10] =	ssyncadd.s32 $0xFFFFE800  }
0x4d1: {  	s11 =	simm.s32 $0x0;
	s12 =	simm.s32 $0xA880;
	_ =	swait.ge [sflag:s0], $0x1800  }
0x4d2: {  	s13 =	simm.s32 $0xC080;
	s14 =	simm.s32 $0x2;
	[sflag:s0] =	ssyncset.done $0x0  }
0x4d3: {  	s20 =	simm.s32 $0xA600;
	s21 =	simm.s32 $0x5;
	[sflag:s0] =	ssyncadd.s32 $0xFFFFE800  }
0x4d4: {  	s22 =	simm.s32 $0x0;
	s23 =	simm.s32 $0x0;
	[bflag:$0x0] =	sbarrier.arrive $0xFFFF  }
.LBB2_69:
0x4d5: {  	s0 =	sshll.u32 s23, $0x7  }
0x4d6: {  	s0 =	sadd.s32 s3, s0  }
0x4d7: {  	s0 =	smul.u32 $0x30, s0;
	_ =	sdelay $0x1  }
0x4d8: {  	s24 =	sadd.s32 s0, s9;
	s0 =	sshrl.u32 s0, $0x3  }
0x4d9: {  	[tilespmem:s12], [sflag:$0x1] =	stream.linear.gather [spmem:s24], $0x1800, $0x38;
	[tilespmem:$0x1C880] =	vst v63  }
0x4da: {  	s0 =	sadd.s32 s8, s0  }
0x4db: {  	[tilespmem:s13], [sflag:$0x2] =	stream.linear.gather [hbm4b:s0+s11], $0x1800, $0x38;
	[tilespmem:$0x1C880] =	vst v63  }
0x4dc: {  	_ =	swait.ge [sflag:s10], $0x1800  }
0x4dd: {  	[sflag:s10] =	ssyncset.done $0x0  }
0x4de: {  	v0 =	vmov s22;
	[sflag:s10] =	ssyncadd.s32 $0xFFFFE800  }
0x4df: {  	_ =	swait.ge [sflag:s14], $0x1800  }
0x4e0: {  	[sflag:s14] =	ssyncset.done $0x0  }
0x4e1: {  	s25 =	simm.s32 $0x0;
	[sflag:s14] =	ssyncadd.s32 $0xFFFFE800  }
0x4e2: {  	v1 =	vld [tilespmem:s25+$0xA890]  }
0x4e3: {  	v0 =	vld.idx.msk [tilespmem:v0+s20+$0x0], $0xffff  }
0x4e4: {  	v3 =	vld [tilespmem:s25+$0xC080]  }
0x4e5: {  	v2 =	vld [tilespmem:s25+$0xA880]  }
0x4e6: {  	v4 =	vld [tilespmem:s25+$0xA8A0]  }
0x4e7: {  	v5 =	vld [tilespmem:s25+$0xC090]  }
0x4e8: {  	v7 =	vmul.f32 v1, v0;
	v1 =	vld [tilespmem:s25+$0xC0A0];
	_ =	sdelay $0x1  }
0x4e9: {  	v6 =	vmul.f32 v2, v0  }
0x4ea: {  	s0 =	sadd.s32 $0x1, s22;
	v2 =	vmul.f32 v4, v0  }
0x4eb: {  	s7 =	simm.s32 $0xC0;
	s4 =	simm.s32 $0x180;
	v0 =	vmov s0;
	v4 =	vadd.f32 v3, v6;
	v3 =	vadd.f32 v5, v7  }
.LBB2_70:
0x4ec: {  	p0 =	sne.s32 s4, $0x5F40;
	v1 =	vadd.f32 v1, v2  }
0x4ed: {  	s5 =	sshra.s32 s7, $0x2;
	s7 =	smov.u32 s4;
	[tilespmem:s25+$0xA880] =	vst v4  }
0x4ee: {  	v4 =	vld [tilespmem:s5+$0xC080];
	[tilespmem:s25+$0xA890] =	vst v3  }
0x4ef: {  	v2 =	vld [tilespmem:s5+$0xA890];
	[tilespmem:s25+$0xA8A0] =	vst v1;
	s25 =	smov.u32 s5  }
0x4f0: {  	v0 =	vld.idx.msk [tilespmem:v0+s20+$0x0], $0xffff  }
0x4f1: {  	v3 =	vld [tilespmem:s25+$0xA880]  }
0x4f2: {  	v5 =	vld [tilespmem:s25+$0xA8A0]  }
0x4f3: {  	v6 =	vld [tilespmem:s25+$0xC090]  }
.Ltmp34:
0x4f4: {  	v1 =	vld [tilespmem:s25+$0xC0A0];
	(pc) =	sbr.rel @p0 .LBB2_70-.Ltmp34, $4  }
0x4f5: {  	_ = 	snop  }
0x4f6: {  	v7 =	vmul.f32 v2, v0;
	v3 =	vmul.f32 v3, v0  }
0x4f7: {  	s0 =	sadd.s32 $0x1, s0;
	v2 =	vmul.f32 v5, v0  }
0x4f8: {  	s4 =	sadd.s32 $0xC0, s4;
	v0 =	vmov s0;
	v4 =	vadd.f32 v4, v3;
	v3 =	vadd.f32 v6, v7  }
0x4f9: {  	_ = 	snop  }
0x4fa: {  	s0 =	sshra.s32 s7, $0x2;
	v1 =	vadd.f32 v1, v2;
	[tilespmem:s25+$0xA880] =	vst v4  }
0x4fb: {  	v4 =	vld [tilespmem:s0+$0xC080];
	[tilespmem:s25+$0xA890] =	vst v3  }
0x4fc: {  	v63 =	vld [tilespmem:s0+$0xA890];
	[tilespmem:s25+$0xA8A0] =	vst v1  }
0x4fd: {  	v0 =	vld.idx.msk [tilespmem:v0+s20+$0x0], $0xffff  }
0x4fe: {  	v1 =	vld [tilespmem:s0+$0xA880];
	_ =	sdelay $0x1  }
0x4ff: {  	v3 =	vld [tilespmem:s0+$0xA8A0]  }
0x500: {  	v5 =	vld [tilespmem:s0+$0xC090]  }
0x501: {  	v6 =	vld [tilespmem:s0+$0xC0A0]  }
0x502: {  	v1 =	vmul.f32 v1, v0  }
0x503: {  	v2 =	vmul.f32 v63, v0  }
0x504: {  	v0 =	vmul.f32 v3, v0;
	v1 =	vadd.f32 v4, v1  }
0x505: {  	v2 =	vadd.f32 v5, v2  }
0x506: {  	s23 =	sadd.s32 $0x1, s23;
	v0 =	vadd.f32 v6, v0;
	[tilespmem:s0+$0xA880] =	vst v1  }
0x507: {  	p0 =	sne.s32 s23, $0x5;
	[tilespmem:s0+$0xA890] =	vst v2  }
.Ltmp35:
0x508: {  	[tilespmem:s0+$0xA8A0] =	vst v0;
	(pc) =	sbr.rel @p0 .LBB2_69-.Ltmp35, $4  }
0x509: {  	[spmem:s24] =	stream.linear.scatter [tilespmem:s12], [sflag:$0x5], $0x1800, $0x38;
	[tilespmem:$0x1C880] =	vst v63  }
0x50a: {  	_ =	swait.ge [sflag:s21], $0x1800  }
0x50b: {  	[sflag:s21] =	ssyncset.done $0x0  }
0x50c: {  	s22 =	sadd.s32 $0x80, s22;
	[sflag:s21] =	ssyncadd.s32 $0xFFFFE800  }
0x50d: {  	v0 =	vimm.f32 $0.0e+00;
	s0 =	simm.s32 $0xC0;
	s4 =	simm.s32 $0x0  }
.LBB2_73:
0x50e: {  	p0 =	sne.s32 s0, $0x5F40;
	[tilespmem:s4+$0xA8A0] =	vst v0;
	s5 =	smov.u32 s0;
	s0 =	sadd.s32 $0xC0, s0  }
.Ltmp36:
0x50f: {  	[tilespmem:s4+$0xA880] =	vst v0;
	(pc) =	sbr.rel @p0 .LBB2_73-.Ltmp36, $2  }
0x510: {  	[tilespmem:s4+$0xA890] =	vst v0;
	_ =	sdelay $0x2  }
0x511: {  	s4 =	sshra.s32 s5, $0x2  }
0x512: {  	[tilespmem:s4+$0xA8A0] =	vst v0  }
0x513: {  	[tilespmem:s4+$0xA880] =	vst v0  }
0x514: {  	[tilespmem:s4+$0xA890] =	vst v0;
	s10 =	simm.s32 $0xA880;
	s0 =	simm.s32 $0x5  }
0x515: {  	[spmem:s15] =	stream.linear.scatter [tilespmem:s10], [sflag:$0x5], $0x1800, $0x38;
	[tilespmem:$0x1C880] =	vst v63  }
0x516: {  	_ =	swait.ge [sflag:s0], $0x1800  }
0x517: {  	[sflag:s0] =	ssyncset.done $0x0  }
0x518: {  	[sflag:s0] =	ssyncadd.s32 $0xFFFFE800  }
0x519: {  	[spmem:s16] =	stream.linear.scatter [tilespmem:s10], [sflag:$0x5], $0x1800, $0x38;
	[tilespmem:$0x1C880] =	vst v63  }
0x51a: {  	_ =	swait.ge [sflag:s0], $0x1800  }
0x51b: {  	[sflag:s0] =	ssyncset.done $0x0  }
0x51c: {  	[sflag:s0] =	ssyncadd.s32 $0xFFFFE800  }
0x51d: {  	[spmem:s17] =	stream.linear.scatter [tilespmem:s10], [sflag:$0x5], $0x1800, $0x38;
	[tilespmem:$0x1C880] =	vst v63  }
0x51e: {  	_ =	swait.ge [sflag:s0], $0x1800  }
0x51f: {  	[sflag:s0] =	ssyncset.done $0x0  }
0x520: {  	[sflag:s0] =	ssyncadd.s32 $0xFFFFE800  }
0x521: {  	[spmem:s18] =	stream.linear.scatter [tilespmem:s10], [sflag:$0x5], $0x1800, $0x38;
	[tilespmem:$0x1C880] =	vst v63  }
0x522: {  	_ =	swait.ge [sflag:s0], $0x1800  }
0x523: {  	[sflag:s0] =	ssyncset.done $0x0  }
0x524: {  	[sflag:s0] =	ssyncadd.s32 $0xFFFFE800  }
0x525: {  	[spmem:s19] =	stream.linear.scatter [tilespmem:s10], [sflag:$0x5], $0x1800, $0x38;
	[tilespmem:$0x1C880] =	vst v63  }
0x526: {  	_ =	swait.ge [sflag:s0], $0x1800  }
0x527: {  	[sflag:s0] =	ssyncset.done $0x0  }
0x528: {  	s11 =	simm.s32 $0x80;
	[sflag:s0] =	ssyncadd.s32 $0xFFFFE800  }
0x529: {  	s24 =	simm.s32 $0x0;
	s12 =	simm.s32 $0x1;
	[bflag:$0x0] =	sbarrier.arrive $0xFFFF  }
0x52a: {  	[tilespmem:s10], [sflag:$0x1] =	stream.indirect.gather [spmem:s9], $0x30, s24, s11, $0xb8;
	[tilespmem:$0x1C880] =	vst v63  }
0x52b: {  	_ =	swait.ge [sflag:s12], $0x1800  }
0x52c: {  	[sflag:s12] =	ssyncset.done $0x0  }
0x52d: {  	s25 =	simm.s32 $0x5400;
	[sflag:s12] =	ssyncadd.s32 $0xFFFFE800  }
0x52e: {  	[spmem:s2] =	stream.indirect.scatter.add.f32 [tilespmem:s10], [sflag:$0x3], $0x30, s25, s11, $0xb8;
	[tilespmem:$0x1C880] =	vst v63  }
0x52f: {  	s13 =	simm.s32 $0xC080;
	s14 =	simm.s32 $0x2  }
0x530: {  	[tilespmem:s13], [sflag:$0x2] =	stream.indirect.gather [spmem:s9], $0x30, s11, s11, $0xb8;
	[tilespmem:$0x1C880] =	vst v63  }
0x531: {  	_ =	swait.ge [sflag:s14], $0x1800  }
0x532: {  	[sflag:s14] =	ssyncset.done $0x0  }
0x533: {  	s26 =	simm.s32 $0x5480;
	s15 =	simm.s32 $0x3;
	[sflag:s14] =	ssyncadd.s32 $0xFFFFE800  }
0x534: {  	[spmem:s2] =	stream.indirect.scatter.add.f32 [tilespmem:s13], [sflag:$0x4], $0x30, s26, s11, $0xb8;
	[tilespmem:$0x1C880] =	vst v63  }
0x535: {  	_ =	swait.ge [sflag:s15], $0x1800  }
0x536: {  	[sflag:s15] =	ssyncset.done $0x0  }
0x537: {  	s28 =	simm.s32 $0x100;
	[sflag:s15] =	ssyncadd.s32 $0xFFFFE800  }
0x538: {  	[tilespmem:s10], [sflag:$0x1] =	stream.indirect.gather [spmem:s9], $0x30, s28, s11, $0xb8;
	[tilespmem:$0x1C880] =	vst v63  }
0x539: {  	_ =	swait.ge [sflag:s12], $0x1800  }
0x53a: {  	[sflag:s12] =	ssyncset.done $0x0  }
0x53b: {  	s29 =	simm.s32 $0x5500;
	s16 =	simm.s32 $0x4;
	[sflag:s12] =	ssyncadd.s32 $0xFFFFE800  }
0x53c: {  	[spmem:s2] =	stream.indirect.scatter.add.f32 [tilespmem:s10], [sflag:$0x3], $0x30, s29, s11, $0xb8;
	[tilespmem:$0x1C880] =	vst v63  }
0x53d: {  	_ =	swait.ge [sflag:s16], $0x1800  }
0x53e: {  	[sflag:s16] =	ssyncset.done $0x0  }
0x53f: {  	s30 =	simm.s32 $0x180;
	[sflag:s16] =	ssyncadd.s32 $0xFFFFE800  }
0x540: {  	[tilespmem:s13], [sflag:$0x2] =	stream.indirect.gather [spmem:s9], $0x30, s30, s11, $0xb8;
	[tilespmem:$0x1C880] =	vst v63  }
0x541: {  	_ =	swait.ge [sflag:s14], $0x1800  }
0x542: {  	[sflag:s14] =	ssyncset.done $0x0  }
0x543: {  	s31 =	simm.s32 $0x5580;
	[sflag:s14] =	ssyncadd.s32 $0xFFFFE800  }
0x544: {  	[spmem:s2] =	stream.indirect.scatter.add.f32 [tilespmem:s13], [sflag:$0x4], $0x30, s31, s11, $0xb8;
	[tilespmem:$0x1C880] =	vst v63  }
0x545: {  	_ =	swait.ge [sflag:s15], $0x1800  }
0x546: {  	[sflag:s15] =	ssyncset.done $0x0  }
0x547: {  	s4 =	simm.s32 $0x200;
	s0 =	simm.s32 $0xFFFEC000;
	[sflag:s15] =	ssyncadd.s32 $0xFFFFE800  }
.LBB2_75:
0x548: {  	[tilespmem:s10], [sflag:$0x1] =	stream.indirect.gather [spmem:s9], $0x30, s4, s11, $0xb8;
	[tilespmem:$0x1C880] =	vst v63  }
0x549: {  	s4 =	smov.u32 s0  }
0x54a: {  	p0 =	sne.s32 s0, $0xFFFFFC00;
	s0 =	sadd.s32 $0x400, s0;
	_ =	swait.ge [sflag:s12], $0x1800  }
0x54b: {  	s4 =	sshra.s32 s4, $0x2;
	[sflag:s12] =	ssyncset.done $0x0  }
0x54c: {  	s5 =	sadd.s32 $0xA600, s4;
	[sflag:s12] =	ssyncadd.s32 $0xFFFFE800  }
0x54d: {  	[spmem:s2] =	stream.indirect.scatter.add.f32 [tilespmem:s10], [sflag:$0x3], $0x30, s5, s11, $0xb8;
	[tilespmem:$0x1C880] =	vst v63  }
0x54e: {  	_ =	swait.ge [sflag:s16], $0x1800  }
0x54f: {  	[sflag:s16] =	ssyncset.done $0x0  }
0x550: {  	s5 =	sadd.s32 $0x5280, s4;
	[sflag:s16] =	ssyncadd.s32 $0xFFFFE800  }
0x551: {  	[tilespmem:s13], [sflag:$0x2] =	stream.indirect.gather [spmem:s9], $0x30, s5, s11, $0xb8;
	[tilespmem:$0x1C880] =	vst v63  }
0x552: {  	_ =	swait.ge [sflag:s14], $0x1800  }
0x553: {  	[sflag:s14] =	ssyncset.done $0x0  }
.Ltmp37:
0x554: {  	s5 =	sadd.s32 $0xA680, s4;
	[sflag:s14] =	ssyncadd.s32 $0xFFFFE800;
	(pc) =	sbr.rel @p0 .LBB2_75-.Ltmp37, $4  }
0x555: {  	[spmem:s2] =	stream.indirect.scatter.add.f32 [tilespmem:s13], [sflag:$0x4], $0x30, s5, s11, $0xb8;
	[tilespmem:$0x1C880] =	vst v63  }
0x556: {  	_ =	swait.ge [sflag:s15], $0x1800  }
0x557: {  	[sflag:s15] =	ssyncset.done $0x0  }
0x558: {  	s4 =	sadd.s32 $0x5300, s4;
	[sflag:s15] =	ssyncadd.s32 $0xFFFFE800  }
0x559: {  	[tilespmem:s10], [sflag:$0x1] =	stream.indirect.gather [spmem:s9], $0x30, s4, s11, $0xb8;
	[tilespmem:$0x1C880] =	vst v63  }
0x55a: {  	s9 =	simm.s32 $0x1  }
0x55b: {  	_ =	swait.ge [sflag:s9], $0x1800  }
0x55c: {  	[sflag:s9] =	ssyncset.done $0x0  }
0x55d: {  	s0 =	simm.s32 $0x4;
	[sflag:s9] =	ssyncadd.s32 $0xFFFFE800  }
0x55e: {  	s10 =	simm.s32 $0x0;
	s11 =	simm.s32 $0xA880;
	_ =	swait.ge [sflag:s0], $0x1800  }
0x55f: {  	s12 =	simm.s32 $0xC080;
	s13 =	simm.s32 $0x2;
	[sflag:s0] =	ssyncset.done $0x0  }
0x560: {  	s14 =	simm.s32 $0xA600;
	s15 =	simm.s32 $0x5;
	[sflag:s0] =	ssyncadd.s32 $0xFFFFE800  }
0x561: {  	s16 =	simm.s32 $0x0;
	s17 =	simm.s32 $0x0;
	[bflag:$0x0] =	sbarrier.arrive $0xFFFF  }
.LBB2_77:
0x562: {  	s0 =	sshll.u32 s17, $0x7  }
0x563: {  	s0 =	sadd.s32 s3, s0  }
0x564: {  	s0 =	smul.u32 $0x30, s0;
	_ =	sdelay $0x1  }
0x565: {  	s18 =	sadd.s32 s0, s2;
	s0 =	sshrl.u32 s0, $0x3  }
0x566: {  	[tilespmem:s11], [sflag:$0x1] =	stream.linear.gather [spmem:s18], $0x1800, $0x38;
	[tilespmem:$0x1C880] =	vst v63  }
0x567: {  	s0 =	sadd.s32 s8, s0  }
0x568: {  	[tilespmem:s12], [sflag:$0x2] =	stream.linear.gather [hbm4b:s0+s10], $0x1800, $0x38;
	[tilespmem:$0x1C880] =	vst v63  }
0x569: {  	_ =	swait.ge [sflag:s9], $0x1800  }
0x56a: {  	[sflag:s9] =	ssyncset.done $0x0  }
0x56b: {  	v0 =	vmov s16;
	[sflag:s9] =	ssyncadd.s32 $0xFFFFE800  }
0x56c: {  	_ =	swait.ge [sflag:s13], $0x1800  }
0x56d: {  	[sflag:s13] =	ssyncset.done $0x0  }
0x56e: {  	s19 =	simm.s32 $0x0;
	[sflag:s13] =	ssyncadd.s32 $0xFFFFE800  }
0x56f: {  	v1 =	vld [tilespmem:s19+$0xA890]  }
0x570: {  	v0 =	vld.idx.msk [tilespmem:v0+s14+$0x0], $0xffff  }
0x571: {  	v3 =	vld [tilespmem:s19+$0xC080]  }
0x572: {  	v2 =	vld [tilespmem:s19+$0xA880]  }
0x573: {  	v4 =	vld [tilespmem:s19+$0xA8A0]  }
0x574: {  	v5 =	vld [tilespmem:s19+$0xC090]  }
0x575: {  	v7 =	vmul.f32 v1, v0;
	v1 =	vld [tilespmem:s19+$0xC0A0];
	_ =	sdelay $0x1  }
0x576: {  	v6 =	vmul.f32 v2, v0  }
0x577: {  	s0 =	sadd.s32 $0x1, s16;
	v2 =	vmul.f32 v4, v0  }
0x578: {  	s7 =	simm.s32 $0xC0;
	s4 =	simm.s32 $0x180;
	v0 =	vmov s0;
	v4 =	vadd.f32 v3, v6;
	v3 =	vadd.f32 v5, v7  }
.LBB2_78:
0x579: {  	p0 =	sne.s32 s4, $0x5F40;
	v1 =	vadd.f32 v1, v2  }
0x57a: {  	s5 =	sshra.s32 s7, $0x2;
	s7 =	smov.u32 s4;
	[tilespmem:s19+$0xA880] =	vst v4  }
0x57b: {  	v4 =	vld [tilespmem:s5+$0xC080];
	[tilespmem:s19+$0xA890] =	vst v3  }
0x57c: {  	v2 =	vld [tilespmem:s5+$0xA890];
	[tilespmem:s19+$0xA8A0] =	vst v1;
	s19 =	smov.u32 s5  }
0x57d: {  	v0 =	vld.idx.msk [tilespmem:v0+s14+$0x0], $0xffff  }
0x57e: {  	v3 =	vld [tilespmem:s19+$0xA880]  }
0x57f: {  	v5 =	vld [tilespmem:s19+$0xA8A0]  }
0x580: {  	v6 =	vld [tilespmem:s19+$0xC090]  }
.Ltmp38:
0x581: {  	v1 =	vld [tilespmem:s19+$0xC0A0];
	(pc) =	sbr.rel @p0 .LBB2_78-.Ltmp38, $4  }
0x582: {  	_ = 	snop  }
0x583: {  	v7 =	vmul.f32 v2, v0;
	v3 =	vmul.f32 v3, v0  }
0x584: {  	s0 =	sadd.s32 $0x1, s0;
	v2 =	vmul.f32 v5, v0  }
0x585: {  	s4 =	sadd.s32 $0xC0, s4;
	v0 =	vmov s0;
	v4 =	vadd.f32 v4, v3;
	v3 =	vadd.f32 v6, v7  }
0x586: {  	_ = 	snop  }
0x587: {  	s0 =	sshra.s32 s7, $0x2;
	v1 =	vadd.f32 v1, v2;
	[tilespmem:s19+$0xA880] =	vst v4  }
0x588: {  	v4 =	vld [tilespmem:s0+$0xC080];
	[tilespmem:s19+$0xA890] =	vst v3  }
0x589: {  	v63 =	vld [tilespmem:s0+$0xA890];
	[tilespmem:s19+$0xA8A0] =	vst v1  }
0x58a: {  	v0 =	vld.idx.msk [tilespmem:v0+s14+$0x0], $0xffff  }
0x58b: {  	v1 =	vld [tilespmem:s0+$0xA880];
	_ =	sdelay $0x1  }
0x58c: {  	v3 =	vld [tilespmem:s0+$0xA8A0]  }
0x58d: {  	v5 =	vld [tilespmem:s0+$0xC090]  }
0x58e: {  	v6 =	vld [tilespmem:s0+$0xC0A0]  }
0x58f: {  	v1 =	vmul.f32 v1, v0  }
0x590: {  	v2 =	vmul.f32 v63, v0  }
0x591: {  	v0 =	vmul.f32 v3, v0;
	v1 =	vadd.f32 v4, v1  }
0x592: {  	v2 =	vadd.f32 v5, v2  }
0x593: {  	s17 =	sadd.s32 $0x1, s17;
	v0 =	vadd.f32 v6, v0;
	[tilespmem:s0+$0xA880] =	vst v1  }
0x594: {  	p0 =	sne.s32 s17, $0x5;
	[tilespmem:s0+$0xA890] =	vst v2  }
.Ltmp39:
0x595: {  	[tilespmem:s0+$0xA8A0] =	vst v0;
	(pc) =	sbr.rel @p0 .LBB2_77-.Ltmp39, $4  }
0x596: {  	[spmem:s18] =	stream.linear.scatter [tilespmem:s11], [sflag:$0x5], $0x1800, $0x38;
	[tilespmem:$0x1C880] =	vst v63  }
0x597: {  	_ =	swait.ge [sflag:s15], $0x1800  }
0x598: {  	[sflag:s15] =	ssyncset.done $0x0  }
0x599: {  	s16 =	sadd.s32 $0x80, s16;
	[sflag:s15] =	ssyncadd.s32 $0xFFFFE800  }
0x59a: {  	s0 =	rddreg [dreg:$0x5]  }
0x59b: {  	s2 =	rddreg [dreg:$0x7]  }
0x59c: {  	s30 =	rddreg [dreg:$0x6];
	s31 =	simm.s32 $0x5;
	s0 =	sadd.s32 s2, s0  }
0x59d: {  	[hbm:s0], [sflag:s30] =	dma.local [spmem:s6], $0xF00  }
0x59e: {  	_ =	swait.ge [sflag:s31], $0xF00  }
0x59f: {  	[sflag:s31] =	ssyncset.done $0x0  }
0x5a0: {  	[sflag:s31] =	ssyncadd.s32 $0xFFFFF100  }
0x5a1: {  	_ =	sfence.sel $0x180000  }
0x5a2: {  	[bflag:$0x0] =	sbarrier.arrive $0xFFFF  }
0x5a3: {  	_ =	strace $0x9000004A  }
0x5a4: {  	[bflag:$0x2] =	sbarrier.arrive $0xFFFF  }
0x5a5: {  	p0 =	sne.s32 s1, $0x0;
	s0 =	rddreg [dreg:$0x4]  }
0x5a6: {  	s0 =	sadd.s32 @!p0 $0x100000, s0  }
0x5a7: {  	[sflag:s0] =	ssyncadd.tile.s32 @!p0 $0x1;
	_ =	shalt  }
.Lfunc_end2:
_tile_overlayer_lowered:
.L_overlay_start_2:
0x5a8: {  	(tag) =	ssettag $0x2  }
0x5a9: {  	s0 =	rddreg [dreg:$0x0];
	s2 =	stileid.u32  }
0x5aa: {  	s1 =	rddreg [dreg:$0x1];
	p0 =	sne.s32 s2, $0x0  }
0x5ab: {  	s3 =	rddreg [dreg:$0x2];
	[bflag:$0x3] =	sbarrier.arrive $0xFFFF;
	s2 =	simm.s32 @!p0 $0x1C05  }
0x5ac: {  	[timem:s3], [sflag:s2] =	dma.local @!p0 [hbm:s0], s1  }
0x5ad: {  	s0 =	simm.s32 @!p0 $0x5  }
0x5ae: {  	_ =	swait.ge @!p0 [sflag:s0], s1  }
0x5af: {  	s1 =	ssub.s32 @!p0 $0x0, s1;
	[sflag:s0] =	ssyncset.done @!p0 $0x0  }
0x5b0: {  	[sflag:s0] =	ssyncadd.s32 @!p0 s1  }
0x5b1: {  	[bflag:$0x3] =	sbarrier.arrive $0xFFFF  }
0x5b2: {  	_ =	shalt  }

</sc_bundles>
